<compile_context>
chip_gen: v7x
topology: tpu7x:2x2x1
jax: 0.10.2.dev20260603
libtpu: 0.0.44.dev20260713+nightly
codegen_flags: <defaults>
</compile_context>

<pallas_src>
import functools
import math

import jax
import jax.numpy as jnp
from jax import lax
from jax.experimental import pallas as pl
from jax.experimental.pallas import tpu as pltpu
from jax.experimental.pallas import tpu_sc as plsc

N = 10000
EMB = 128
E = 320000
NGRAPH = 4
LAYERS = 2
STEPS = 5
NOISE_SCALE = 0.1
NOISE_MIN = 0.0001
NOISE_MAX = 0.02
CF_WEIGHT = 1.0
WEIGHT_DECAY = 0.0001
GCL_WEIGHT = 0.1
GCL_TEMP = 0.2
D_EMB = 10
B = 4096

NC = 2
NS = 16
CH = 128
NBUF = 8
NBUF_P = 2
CHUNKS = 160
EPT = CHUNKS * CH
EPAD = NS * EPT
NP = 10240
RPT = NP // NS

RB = 1000
NB = N // RB



_sc_mesh = plsc.VectorSubcoreMesh(core_axis_name="c", subcore_axis_name="s")


@functools.partial(
    pl.kernel,
    out_type=jax.ShapeDtypeStruct((NGRAPH * NP,), jnp.float32),
    mesh=_sc_mesh,
    scratch_types=[
        pltpu.VMEM_SHARED((NP,), jnp.float32),
        pltpu.VMEM_SHARED((NP,), jnp.float32),
        pltpu.VMEM((CH,), jnp.float32),
        *[pltpu.VMEM((CH,), jnp.int32) for _ in range(NBUF)],
        *[pltpu.SemaphoreType.DMA for _ in range(2 * NBUF)],
    ],
)
def _sc_degree(dsts, zeros1, deg_out, acc0, acc1, ones_v, *rest):
    idx = rest[:NBUF]
    sem_i = rest[NBUF:2 * NBUF]
    sem_c = rest[2 * NBUF:]
    cid = lax.axis_index("c")
    sid = lax.axis_index("s")
    accs = [acc0, acc1]
    for j in range(CH // 16):
        ones_v[pl.ds(j * 16, 16)] = jnp.ones((16,), jnp.float32)
    for gl in range(2):
        pltpu.sync_copy(zeros1.at[pl.ds(sid * RPT, RPT)],
                        accs[gl].at[pl.ds(sid * RPT, RPT)])
    plsc.subcore_barrier()
    for gl in range(2):
        g = cid * 2 + gl
        ebase = g * EPAD + sid * EPT
        nbody = CHUNKS // NBUF

        def fire_i(b, it, ebase=ebase):
            off = pl.multiple_of(ebase + (it * NBUF + b) * CH, CH)
            return pltpu.async_copy(dsts.at[pl.ds(off, CH)], idx[b], sem_i[b])

        for b in range(NBUF):
            fire_i(b, 0)

        def body(it, _, gl=gl, nbody=nbody):
            for b in range(NBUF):
                pltpu.make_async_copy(dsts.at[pl.ds(0, CH)],
                                      idx[b], sem_i[b]).wait()
                pltpu.async_copy(ones_v, accs[gl].at[idx[b]], sem_c[b],
                                 add=True)
            for b in range(NBUF):
                pltpu.make_async_copy(zeros1.at[pl.ds(0, CH)],
                                      ones_v, sem_c[b]).wait()

                @pl.when(it < nbody - 1)
                def _(b=b, it=it):
                    fire_i(b, it + 1)

            return 0

        lax.fori_loop(0, nbody, body, 0)
    plsc.subcore_barrier()
    for gl in range(2):
        g = cid * 2 + gl
        off = pl.multiple_of(g * NP + sid * RPT, 8)
        pltpu.sync_copy(accs[gl].at[pl.ds(sid * RPT, RPT)],
                        deg_out.at[pl.ds(off, RPT)])


@functools.partial(
    pl.kernel,
    out_type=jax.ShapeDtypeStruct((NGRAPH * NP, EMB), jnp.float32),
    mesh=_sc_mesh,
    scratch_types=[
        pltpu.VMEM_SHARED((NP, EMB), jnp.float32),
        pltpu.VMEM((8, CH), jnp.int32),
        pltpu.VMEM((8, CH), jnp.int32),
        *[pltpu.VMEM((CH, EMB), jnp.float32) for _ in range(2)],
        *[pltpu.SemaphoreType.DMA for _ in range(6)],
    ],
)
def _sc_propagate(idxcat, table, zeros2, out, acc, bx, by, r0, r1,
                  smx, smy, sg0, sg1, ss0, ss1):
    cid = lax.axis_index("c")
    sid = lax.axis_index("s")
    rows = [r0, r1]
    sem_g = [sg0, sg1]
    sem_s = [ss0, ss1]
    nbody = CHUNKS // 8

    def fire_idx(buf, sem, g, body_ix, half):
        base = (g * NS + sid) * (2 * CHUNKS)
        off = base + body_ix * 16 + half * 8
        return pltpu.async_copy(idxcat.at[pl.ds(off, 8)], buf, sem)

    def fire_g(ib, j, b):
        return pltpu.async_copy(table.at[ib.at[2 * j]], rows[b], sem_g[b])

    def fire_s(ib, j, b):
        return pltpu.async_copy(rows[b], acc.at[ib.at[2 * j + 1]],
                                sem_s[b], add=True)

    def wait(sem, ref):
        if ref is bx or ref is by:
            dummy = idxcat.at[pl.ds(0, 8)]
        else:
            dummy = table.at[pl.ds(0, CH)]
        pltpu.make_async_copy(dummy, ref, sem).wait()

    for gl in range(2):
        g = cid * 2 + gl
        pltpu.sync_copy(zeros2.at[pl.ds(sid * RPT, RPT)],
                        acc.at[pl.ds(sid * RPT, RPT)])
        plsc.subcore_barrier()

        fire_idx(bx, smx, g, 0, 0).wait()
        fire_idx(by, smy, g, 0, 1)
        fire_g(bx, 0, 0)
        fire_g(bx, 1, 1)

        def body(k, _, g=g):
            last = k == nbody - 1
            wait(sem_g[0], rows[0]); fire_s(bx, 0, 0)
            wait(sem_g[1], rows[1]); fire_s(bx, 1, 1)
            wait(sem_s[0], rows[0]); fire_g(bx, 2, 0)
            wait(sem_s[1], rows[1]); fire_g(bx, 3, 1)
            wait(smy, by)
            wait(sem_g[0], rows[0]); fire_s(bx, 2, 0)
            wait(sem_g[1], rows[1]); fire_s(bx, 3, 1)
            wait(sem_s[0], rows[0]); fire_g(by, 0, 0)
            wait(sem_s[1], rows[1]); fire_g(by, 1, 1)

            @pl.when(jnp.logical_not(last))
            def _():
                fire_idx(bx, smx, g, k + 1, 0)

            wait(sem_g[0], rows[0]); fire_s(by, 0, 0)
            wait(sem_g[1], rows[1]); fire_s(by, 1, 1)
            wait(sem_s[0], rows[0]); fire_g(by, 2, 0)
            wait(sem_s[1], rows[1]); fire_g(by, 3, 1)
            wait(sem_g[0], rows[0]); fire_s(by, 2, 0)
            wait(sem_g[1], rows[1]); fire_s(by, 3, 1)
            wait(sem_s[0], rows[0])

            @pl.when(jnp.logical_not(last))
            def _():
                wait(smx, bx)
                fire_g(bx, 0, 0)

            wait(sem_s[1], rows[1])

            @pl.when(jnp.logical_not(last))
            def _():
                fire_g(bx, 1, 1)
                fire_idx(by, smy, g, k + 1, 1)

            return 0

        lax.fori_loop(0, nbody, body, 0)
        plsc.subcore_barrier()
        off = g * NP + sid * RPT
        pltpu.sync_copy(acc.at[pl.ds(sid * RPT, RPT)],
                        out.at[pl.ds(off, RPT)])
        plsc.subcore_barrier()


NIDX = 6 * B
GPW = NIDX // (NC * NS)
GCH = GPW // CH


@functools.partial(
    pl.kernel,
    out_type=jax.ShapeDtypeStruct((NIDX, EMB), jnp.float32),
    mesh=_sc_mesh,
    scratch_types=[
        *[pltpu.VMEM((CH,), jnp.int32) for _ in range(2)],
        *[pltpu.VMEM((CH, EMB), jnp.float32) for _ in range(2)],
        *[pltpu.SemaphoreType.DMA for _ in range(4)],
    ],
)
def _sc_gather_rows(idx_all, tables, out, i0, i1, r0, r1, si0, si1, sg0, sg1):
    cid = lax.axis_index("c")
    sid = lax.axis_index("s")
    wid = sid * NC + cid
    base = wid * GPW
    idx = [i0, i1]
    rows = [r0, r1]
    sem_i = [si0, si1]
    sem_g = [sg0, sg1]
    for k in range(GCH):
        b = k % 2
        off = pl.multiple_of(base + k * CH, CH)
        pltpu.async_copy(idx_all.at[pl.ds(off, CH)], idx[b], sem_i[b]).wait()
        pltpu.async_copy(tables.at[idx[b]], rows[b], sem_g[b]).wait()
        pltpu.sync_copy(rows[b], out.at[pl.ds(off, CH)])



def _dinv_of(degcol):
    return jnp.where(degcol > 0.0, lax.rsqrt(jnp.maximum(degcol, 1e-30)), 0.0)


def _scale_table_kernel(degp_ref, x_ref, out_ref, *, power):
    g = pl.program_id(0)
    degs = degp_ref[...]
    col = jnp.zeros_like(degs[:, 0:1])
    for k in range(NGRAPH):
        col = col + jnp.where(g == k, degs[:, k:k + 1], 0.0)
    d = _dinv_of(col)
    w = d * d if power == 2 else d
    out_ref[...] = w * x_ref[...]


def _scale_emb(degp, embp):
    out = pl.pallas_call(
        functools.partial(_scale_table_kernel, power=1),
        grid=(NGRAPH, NP // 1024),
        in_specs=[
            pl.BlockSpec((1024, NGRAPH), lambda g, i: (i, 0)),
            pl.BlockSpec((1024, EMB), lambda g, i: (i, 0)),
        ],
        out_specs=pl.BlockSpec((1024, EMB), lambda g, i: (g * (NP // 1024) + i, 0)),
        out_shape=jax.ShapeDtypeStruct((NGRAPH * NP, EMB), jnp.float32),
    )(degp, embp)
    return out


def _scale_s1(degp, s1):
    out = pl.pallas_call(
        functools.partial(_scale_table_kernel, power=2),
        grid=(NGRAPH, NP // 1024),
        in_specs=[
            pl.BlockSpec((1024, NGRAPH), lambda g, i: (i, 0)),
            pl.BlockSpec((1024, EMB), lambda g, i: (g * (NP // 1024) + i, 0)),
        ],
        out_specs=pl.BlockSpec((1024, EMB), lambda g, i: (g * (NP // 1024) + i, 0)),
        out_shape=jax.ShapeDtypeStruct((NGRAPH * NP, EMB), jnp.float32),
    )(degp, s1)
    return out


def _rownorm(x):
    n = jnp.sqrt(jnp.sum(x * x, axis=-1, keepdims=True))
    return x / jnp.maximum(n, 1e-12)


def _main_kernel(emb_ref, s1_ref, s2_ref,
                 degp_ref, n1_ref, n2_ref, sab_ref, sbb_ref, te_ref,
                 iWt, ibt, iW1a, iW1b, ib1, iW2, ib2,
                 cWt, cbt, cW1a, cW1b, cb1, cW2, cb2,
                 all_ref, l4_ref, l2n_ref, l3n_ref, acc_ref):
    i = pl.program_id(0)
    deg = degp_ref[...]
    emb = emb_ref[...]

    def allg(g):
        d = _dinv_of(deg[:, g:g + 1])
        return (emb + d * (s1_ref[g] + s2_ref[g])) * (1.0 / 3.0)

    all_layer = allg(0)
    l2 = allg(1)
    l3 = allg(2)
    l1n = _rownorm(allg(3))

    f32 = jnp.float32

    def mlp(x_t, Wt, bt, W1a, W1b, b1, W2, b2):
        temb = jnp.dot(te_ref[...], Wt[...], preferred_element_type=f32) + bt[...]
        h = jnp.tanh(jnp.dot(x_t, W1a[...], preferred_element_type=f32)
                     + jnp.dot(temb, W1b[...], preferred_element_type=f32)
                     + b1[...])
        return jnp.dot(h, W2[...], preferred_element_type=f32) + b2[...]

    sab = sab_ref[...]
    sbb = sbb_ref[...]
    x_t2 = sab * l2 + sbb * n1_ref[...]
    x_t3 = sab * l3 + sbb * n2_ref[...]
    d2 = mlp(x_t2, iWt, ibt, iW1a, iW1b, ib1, iW2, ib2)
    d3 = mlp(x_t3, cWt, cbt, cW1a, cW1b, cb1, cW2, cb2)

    part = (jnp.sum((l1n - d2) ** 2) + jnp.sum((l1n - d3) ** 2)) * (1.0 / EMB)

    all_ref[...] = all_layer
    l4_ref[...] = _rownorm(all_layer)
    l2n_ref[...] = _rownorm(l2 + d2)
    l3n_ref[...] = _rownorm(l3 + d3)

    @pl.when(i == 0)
    def _():
        acc_ref[...] = jnp.zeros((1, 1), f32)

    acc_ref[...] = acc_ref[...] + jnp.reshape(part, (1, 1))


def _run_main(embk, s1r, s2r, degp, n1, n2, sab, sbb, te, wts):
    rowspec = pl.BlockSpec((RB, EMB), lambda i: (i, 0))
    gspec = pl.BlockSpec((NGRAPH, RB, EMB), lambda i: (0, i, 0))
    wspecs = []
    for w in wts:
        wspecs.append(pl.BlockSpec(w.shape, lambda i: (0,) * w.ndim))
    outs = pl.pallas_call(
        _main_kernel,
        grid=(NB,),
        in_specs=[
            rowspec,
            gspec, gspec,
            pl.BlockSpec((RB, NGRAPH), lambda i: (i, 0)),
            rowspec, rowspec,
            pl.BlockSpec((RB, 1), lambda i: (i, 0)),
            pl.BlockSpec((RB, 1), lambda i: (i, 0)),
            pl.BlockSpec((RB, D_EMB), lambda i: (i, 0)),
            *wspecs,
        ],
        out_specs=[
            rowspec, rowspec, rowspec, rowspec,
            pl.BlockSpec((1, 1), lambda i: (0, 0)),
        ],
        out_shape=[
            jax.ShapeDtypeStruct((N, EMB), jnp.float32),
            jax.ShapeDtypeStruct((N, EMB), jnp.float32),
            jax.ShapeDtypeStruct((N, EMB), jnp.float32),
            jax.ShapeDtypeStruct((N, EMB), jnp.float32),
            jax.ShapeDtypeStruct((1, 1), jnp.float32),
        ],
        compiler_params=pltpu.CompilerParams(
            dimension_semantics=("arbitrary",)),
    )(embk, s1r, s2r, degp, n1, n2, sab, sbb, te, *wts)
    return outs


CB = 2000
NCB = N // CB


def _infonce_kernel(l4_ref, b2_ref, b3_ref, acc_ref, s2, p2, s3, p3):
    i = pl.program_id(0)
    j = pl.program_id(1)
    a = l4_ref[...] * (1.0 / GCL_TEMP)
    f32 = jnp.float32
    ab = a.astype(jnp.bfloat16)
    dn = (((1,), (1,)), ((), ()))
    log2 = lax.dot_general(ab, b2_ref[...].astype(jnp.bfloat16), dn,
                           preferred_element_type=f32)
    log3 = lax.dot_general(ab, b3_ref[...].astype(jnp.bfloat16), dn,
                           preferred_element_type=f32)

    def update(lg, bref, s_ref, p_ref):
        ssum = jnp.sum(jnp.exp(lg), axis=1, keepdims=True)

        @pl.when(j == 0)
        def _():
            s_ref[...] = ssum

        @pl.when(j > 0)
        def _():
            s_ref[...] = s_ref[...] + ssum

        @pl.when((j == i // 2) & (i % 2 == 0))
        def _():
            p_ref[...] = jnp.sum(a * bref[0:RB], axis=1, keepdims=True)

        @pl.when((j == i // 2) & (i % 2 == 1))
        def _():
            p_ref[...] = jnp.sum(a * bref[RB:2 * RB], axis=1, keepdims=True)

    update(log2, b2_ref, s2, p2)
    update(log3, b3_ref, s3, p3)

    @pl.when((i == 0) & (j == 0))
    def _():
        acc_ref[...] = jnp.zeros((1, 1), f32)

    @pl.when(j == NCB - 1)
    def _():
        part = (jnp.sum(jnp.log(s2[...]) - p2[...])
                + jnp.sum(jnp.log(s3[...]) - p3[...]))
        acc_ref[...] = acc_ref[...] + jnp.reshape(part, (1, 1))


def _run_infonce(l4, l2n, l3n):
    acc = pl.pallas_call(
        _infonce_kernel,
        grid=(NB, NCB),
        in_specs=[
            pl.BlockSpec((RB, EMB), lambda i, j: (i, 0)),
            pl.BlockSpec((CB, EMB), lambda i, j: (j, 0)),
            pl.BlockSpec((CB, EMB), lambda i, j: (j, 0)),
        ],
        out_specs=pl.BlockSpec((1, 1), lambda i, j: (0, 0)),
        out_shape=jax.ShapeDtypeStruct((1, 1), jnp.float32),
        scratch_shapes=[pltpu.VMEM((RB, 1), jnp.float32) for _ in range(4)],
        compiler_params=pltpu.CompilerParams(
            dimension_semantics=("arbitrary", "arbitrary")),
    )(l4, l2n, l3n)
    return acc


def _bpr_kernel(g_ref, out_ref):
    u = g_ref[0]
    p = g_ref[1]
    ng = g_ref[2]
    ue = g_ref[3]
    pe = g_ref[4]
    ne = g_ref[5]
    pos = jnp.sum(u * p, axis=-1)
    neg = jnp.sum(u * ng, axis=-1)
    x = pos - neg
    logsig = jnp.minimum(x, 0.0) - jnp.log1p(jnp.exp(-jnp.abs(x)))
    cf = -jnp.sum(logsig) * (1.0 / B)
    reg = 0.5 * (jnp.sum(ue * ue) + jnp.sum(pe * pe) + jnp.sum(ne * ne)) / B
    out_ref[...] = jnp.reshape(CF_WEIGHT * cf + WEIGHT_DECAY * reg, (1, 1))


def _run_bpr(grows):
    return pl.pallas_call(
        _bpr_kernel,
        in_specs=[pl.BlockSpec((6, B, EMB), lambda: (0, 0, 0))],
        out_specs=pl.BlockSpec((1, 1), lambda: (0, 0)),
        out_shape=jax.ShapeDtypeStruct((1, 1), jnp.float32),
    )(grows)



def _timestep_embedding_const():
    ts = jnp.arange(N, dtype=jnp.float32) % STEPS
    half = D_EMB // 2
    freqs = jnp.exp(-math.log(10000.0)
                    * jnp.arange(half, dtype=jnp.float32) / half)
    a = ts[:, None] * freqs[None, :]
    return jnp.concatenate([jnp.cos(a), jnp.sin(a)], axis=-1)


def kernel(user_idx, pos_item, neg_item, edge_index, ig_edge_index,
           kg_edge_index, cf_edge_index, emb, i_Wt, i_bt, i_W1, i_b1, i_W2,
           i_b2, c_Wt, c_bt, c_W1, c_b1, c_W2, c_b2):
    i32 = jnp.int32
    f32 = jnp.float32

    eis = [edge_index, ig_edge_index, kg_edge_index, cf_edge_index]
    pad_n = EPAD - E
    pad_src = (jnp.arange(pad_n, dtype=i32) * 37) % N
    pad_dst = N + (jnp.arange(pad_n, dtype=i32) % (NP - N))
    srcs = jnp.stack([ei[0].astype(i32) for ei in eis])
    dsts = jnp.stack([ei[1].astype(i32) for ei in eis])
    srcs = jnp.concatenate(
        [srcs, jnp.broadcast_to(pad_src, (NGRAPH, pad_n))], axis=1)
    dsts = jnp.concatenate(
        [dsts, jnp.broadcast_to(pad_dst, (NGRAPH, pad_n))], axis=1)
    goff = (jnp.arange(NGRAPH, dtype=i32) * NP)[:, None]
    dsts_flat = dsts.reshape(-1)
    arr_s = (srcs + goff).reshape(NGRAPH, NS, CHUNKS, CH)
    arr_d = dsts.reshape(NGRAPH, NS, CHUNKS, CH)
    idxcat = jnp.stack([arr_s, arr_d], axis=3).reshape(-1, CH)

    zeros1 = jnp.zeros((NP,), f32)
    zeros2 = jnp.zeros((NP, EMB), f32)

    deg_flat = _sc_degree(dsts_flat, zeros1)
    degp = deg_flat.reshape(NGRAPH, NP).T

    embp = jnp.concatenate([emb.astype(f32),
                            jnp.zeros((NP - N, EMB), f32)], axis=0)
    y1 = _scale_emb(degp, embp)
    s1 = _sc_propagate(idxcat, y1, zeros2)
    y2 = _scale_s1(degp, s1)
    s2 = _sc_propagate(idxcat, y2, zeros2)

    s1r = s1.reshape(NGRAPH, NP, EMB)
    s2r = s2.reshape(NGRAPH, NP, EMB)

    betas = NOISE_SCALE * jnp.linspace(NOISE_MIN, NOISE_MAX, STEPS)
    ab = jnp.cumprod(1.0 - betas)
    ts = jnp.arange(N) % STEPS
    abt = ab[ts][:, None].astype(f32)
    sab = jnp.sqrt(abt)
    sbb = jnp.sqrt(1.0 - abt)
    n1 = jax.random.normal(jax.random.key(1), (N, EMB), dtype=f32)
    n2 = jax.random.normal(jax.random.key(2), (N, EMB), dtype=f32)
    te = _timestep_embedding_const()

    wts = [i_Wt, i_bt.reshape(1, D_EMB), i_W1[:EMB], i_W1[EMB:],
           i_b1.reshape(1, EMB), i_W2, i_b2.reshape(1, EMB),
           c_Wt, c_bt.reshape(1, D_EMB), c_W1[:EMB], c_W1[EMB:],
           c_b1.reshape(1, EMB), c_W2, c_b2.reshape(1, EMB)]

    all_layer, l4, l2n, l3n, diff_acc = _run_main(
        emb.astype(f32), s1r, s2r, degp[:N], n1, n2, sab, sbb, te, wts)

    nce_acc = _run_infonce(l4, l2n, l3n)

    tables = jnp.concatenate([all_layer, emb.astype(f32)], axis=0)
    idx_all = jnp.concatenate([
        user_idx.astype(i32), pos_item.astype(i32), neg_item.astype(i32),
        user_idx.astype(i32) + N, pos_item.astype(i32) + N,
        neg_item.astype(i32) + N])
    grows = _sc_gather_rows(idx_all, tables).reshape(6, B, EMB)
    bpr = _run_bpr(grows)

    diff_loss = diff_acc[0, 0] * (1.0 / N)
    gcl = nce_acc[0, 0] * (1.0 / N)
    return bpr[0, 0] + diff_loss + GCL_WEIGHT * gcl

# --- scband reference (transcript-rebuilt; emitter-appended) ---
"""Pipeline reference for scband-sedirec-29970281791959 (READ-ONLY COPY).

The authoritative reference and input builder live on the scoring server;
editing this copy changes nothing except your own understanding.
"""

import jax, jax.numpy as jnp
import numpy as np
import math

N_NODES = 10000
USERS = 2000
EMB = 128
LAYERS = 2
STEPS = 5
NOISE_SCALE = 0.1
NOISE_MIN = 0.0001
NOISE_MAX = 0.02
CF_WEIGHT = 1.0
WEIGHT_DECAY = 0.0001
GCL_WEIGHT = 0.1
GCL_TEMP = 0.2
D_EMB = 10
B = 4096
E = 320000


def _normalize(x):
    n = jnp.linalg.norm(x, axis=1, keepdims=True)
    return x / jnp.maximum(n, 1e-12)


def _lgconv(x, ei):
    src = ei[0]
    dst = ei[1]
    deg = jnp.zeros((x.shape[0],), x.dtype).at[dst].add(1.0)
    dinv = jnp.where(deg > 0, deg ** -0.5, 0.0)
    w = dinv[src] * dinv[dst]
    return jnp.zeros_like(x).at[dst].add(w[:, None] * x[src])


def _compute(emb, ei):
    hs = [emb]
    h = emb
    for _ in range(LAYERS):
        h = _lgconv(h, ei)
        hs.append(h)
    return jnp.mean(jnp.stack(hs, axis=1), axis=1)


def _timestep_embedding(ts, dim):
    half = dim // 2
    freqs = jnp.exp(-math.log(10000.0) * jnp.arange(half, dtype=jnp.float32) / half)
    a = ts.astype(jnp.float32)[:, None] * freqs[None, :]
    return jnp.concatenate([jnp.cos(a), jnp.sin(a)], axis=-1)


def _denoise(x, ts, Wt, bt, W1, b1, W2, b2):
    temb = _timestep_embedding(ts, D_EMB) @ Wt + bt
    h = jnp.concatenate([x, temb], axis=-1)
    h = jnp.tanh(h @ W1 + b1)
    return h @ W2 + b2


def _alphabar():
    betas = NOISE_SCALE * jnp.linspace(NOISE_MIN, NOISE_MAX, STEPS)
    return jnp.cumprod(1.0 - betas)


def _training_losses2(x_start, target, params, noise_key):
    ts = jnp.arange(x_start.shape[0]) % STEPS
    ab = _alphabar()[ts][:, None]
    noise = jax.random.normal(noise_key, x_start.shape, dtype=x_start.dtype)
    x_t = jnp.sqrt(ab) * x_start + jnp.sqrt(1.0 - ab) * noise
    out = _denoise(x_t, ts, *params)
    mse = jnp.mean((target - out) ** 2, axis=-1)
    return mse, out


def _infonce(v1, v2, temp):
    pos = jnp.sum(v1 * v2, axis=-1) / temp
    logits = (v1 @ v2.T) / temp
    return jnp.mean(-pos + jax.nn.logsumexp(logits, axis=1))


def _forward(emb, i_params, c_params, user_idx, pos_item, neg_item, edge_index, ig_ei, kg_ei, cf_ei):
    all_layer = _compute(emb, edge_index)
    l1 = _normalize(_compute(emb, cf_ei))
    l2 = _compute(emb, ig_ei)
    l3 = _compute(emb, kg_ei)
    iloss, d2 = _training_losses2(l2, l1, i_params, jax.random.key(1))
    closs, d3 = _training_losses2(l3, l1, c_params, jax.random.key(2))
    diff_loss = jnp.mean(iloss) + jnp.mean(closs)
    l2n = _normalize(l2 + d2)
    l3n = _normalize(l3 + d3)
    l4 = _normalize(all_layer)
    gcl = _infonce(l4, l2n, GCL_TEMP) + _infonce(l4, l3n, GCL_TEMP)
    loss_cdc = diff_loss + GCL_WEIGHT * gcl
    u = all_layer[user_idx]
    p = all_layer[pos_item]
    ng = all_layer[neg_item]
    ue = emb[user_idx]
    pe = emb[pos_item]
    ne = emb[neg_item]
    pos_score = jnp.sum(u * p, axis=-1)
    neg_score = jnp.sum(u * ng, axis=-1)
    cf_loss = -jnp.mean(jax.nn.log_sigmoid(pos_score - neg_score))
    reg = 0.5 * (jnp.sum(ue ** 2) + jnp.sum(pe ** 2) + jnp.sum(ne ** 2)) / float(user_idx.shape[0])
    return CF_WEIGHT * cf_loss + reg * WEIGHT_DECAY + loss_cdc


def setup_inputs(seed: int = 0):
    key = jax.random.key(seed)
    ks = jax.random.split(key, 24)
    inp = {}
    inp['user_idx'] = jax.random.randint(ks[0], (B,), 0, USERS)
    inp['pos_item'] = jax.random.randint(ks[1], (B,), 0, N_NODES)
    inp['neg_item'] = jax.random.randint(ks[2], (B,), 0, N_NODES)
    inp['edge_index'] = jax.random.randint(ks[3], (2, E), 0, N_NODES)
    inp['ig_edge_index'] = jax.random.randint(ks[4], (2, E), 0, N_NODES)
    inp['kg_edge_index'] = jax.random.randint(ks[5], (2, E), 0, N_NODES)
    inp['cf_edge_index'] = jax.random.randint(ks[6], (2, E), 0, N_NODES)
    inp['emb'] = jax.random.normal(ks[7], (N_NODES, EMB), dtype=jnp.float32) * 0.02
    for gi, g in enumerate(['i', 'c']):
        base = 8 + gi * 6
        inp[g + '_Wt'] = jax.random.normal(ks[base + 0], (D_EMB, D_EMB), dtype=jnp.float32) * 0.3
        inp[g + '_bt'] = jnp.zeros((D_EMB,), dtype=jnp.float32)
        inp[g + '_W1'] = jax.random.normal(ks[base + 2], (EMB + D_EMB, EMB), dtype=jnp.float32) * 0.08
        inp[g + '_b1'] = jnp.zeros((EMB,), dtype=jnp.float32)
        inp[g + '_W2'] = jax.random.normal(ks[base + 4], (EMB, EMB), dtype=jnp.float32) * 0.08
        inp[g + '_b2'] = jnp.zeros((EMB,), dtype=jnp.float32)
    return inp


def reference(user_idx, pos_item, neg_item, edge_index, ig_edge_index, kg_edge_index, cf_edge_index, emb, i_Wt, i_bt, i_W1, i_b1, i_W2, i_b2, c_Wt, c_bt, c_W1, c_b1, c_W2, c_b2):
    i_params = (i_Wt, i_bt, i_W1, i_b1, i_W2, i_b2)
    c_params = (c_Wt, c_bt, c_W1, c_b1, c_W2, c_b2)
    return _forward(emb, i_params, c_params, user_idx, pos_item, neg_item, edge_index, ig_edge_index, kg_edge_index, cf_edge_index)

if __name__ == "__main__":
    import jax
    _d = setup_inputs()
    print(jax.jit(kernel)(*tuple(_d.values())))

</pallas_src>

<mosaic_0001>
#map = affine_map<(d0, d1) -> (0)>
#map1 = affine_map<(d0, d1) -> (0, 0)>
module attributes {stable_mosaic.version = 14 : i64} {
  func.func @_sc_gather_rows(%arg0: i32, %arg1: i32, %arg2: memref<24576xi32, #tpu.memory_space<hbm>>, %arg3: memref<20000x128xf32, #tpu.memory_space<hbm>>, %arg4: memref<24576x128xf32, #tpu.memory_space<hbm>>, %arg5: memref<128xi32, #tpu.memory_space<vmem>>, %arg6: memref<128xi32, #tpu.memory_space<vmem>>, %arg7: memref<128x128xf32, #tpu.memory_space<vmem>>, %arg8: memref<128x128xf32, #tpu.memory_space<vmem>>, %arg9: memref<!tpu.dma_semaphore, #tpu.memory_space<semaphore_mem>>, %arg10: memref<!tpu.dma_semaphore, #tpu.memory_space<semaphore_mem>>, %arg11: memref<!tpu.dma_semaphore, #tpu.memory_space<semaphore_mem>>, %arg12: memref<!tpu.dma_semaphore, #tpu.memory_space<semaphore_mem>>) attributes {dimension_semantics = [#tpu.dimension_semantics<core_parallel>, #tpu.dimension_semantics<subcore_parallel>], iteration_bounds = array<i64: 2, 16>, scalar_prefetch = 0 : i64, scratch_operands = 8 : i64, tpu.core_type = #tpu.core_type<sc_vector_subcore>, window_params = [{transform_indices = #map}, {transform_indices = #map1}, {transform_indices = #map1}]} {
    %mul3A = arith.constant 2 : i32
    %mul3A_0 = arith.muli %arg1, %mul3A : i32
    %add3A = arith.addi %mul3A_0, %arg0 : i32
    %mul3A_1 = arith.constant 768 : i32
    %mul3A_2 = arith.muli %add3A, %mul3A_1 : i32
    %add3A_3 = arith.constant 0 : i32
    %add3A_4 = arith.addi %mul3A_2, %add3A_3 : i32
    %multiple_of3A = tpu.assume_multiple %add3A_4, 128 : i32
    %dma_start3A = tpu.memref_slice %arg2[%multiple_of3A] : memref<24576xi32, #tpu.memory_space<hbm>> -> memref<128xi32, #tpu.memory_space<hbm>>
    %dma_start3A_5 = tpu.memref_slice %arg2[%multiple_of3A] : memref<24576xi32, #tpu.memory_space<hbm>> -> memref<128xi32, #tpu.memory_space<hbm>>
    tpu.enqueue_dma source(%dma_start3A_5 : memref<128xi32, #tpu.memory_space<hbm>>) target(%arg5 : memref<128xi32, #tpu.memory_space<vmem>>) target_semaphore(%arg9 : memref<!tpu.dma_semaphore, #tpu.memory_space<semaphore_mem>>)
    %dma_wait3A = tpu.memref_slice %arg2[%multiple_of3A] : memref<24576xi32, #tpu.memory_space<hbm>> -> memref<128xi32, #tpu.memory_space<hbm>>
    %dma_wait3A_6 = tpu.memref_slice %arg2[%multiple_of3A] : memref<24576xi32, #tpu.memory_space<hbm>> -> memref<128xi32, #tpu.memory_space<hbm>>
    tpu.wait_dma2 semaphore(%arg9 : memref<!tpu.dma_semaphore, #tpu.memory_space<semaphore_mem>>) src(%dma_wait3A_6 : memref<128xi32, #tpu.memory_space<hbm>>) dst(%arg5 : memref<128xi32, #tpu.memory_space<vmem>>)
    %dma_start3A_7 = arith.constant 0 : i32
    %dma_start3A_8 = arith.constant 0 : i32
    %dma_start3A_9 = tpu.memref_slice %arg3[%dma_start3A_7, %dma_start3A_8] : memref<20000x128xf32, #tpu.memory_space<hbm>> -> memref<20000x128xf32, #tpu.memory_space<hbm>>
    tpu.enqueue_indirect_dma source(%dma_start3A_9 : memref<20000x128xf32, #tpu.memory_space<hbm>>) target(%arg7 : memref<128x128xf32, #tpu.memory_space<vmem>>) offsets(%arg5 : memref<128xi32, #tpu.memory_space<vmem>>) semaphore(%arg11 : memref<!tpu.dma_semaphore, #tpu.memory_space<semaphore_mem>>)
    %dma_wait3A_10 = arith.constant 0 : i32
    %dma_wait3A_11 = arith.constant 0 : i32
    %dma_wait3A_12 = tpu.memref_slice %arg3[%dma_wait3A_10, %dma_wait3A_11] : memref<20000x128xf32, #tpu.memory_space<hbm>> -> memref<20000x128xf32, #tpu.memory_space<hbm>>
    tpu.wait_indirect_dma semaphore(%arg11 : memref<!tpu.dma_semaphore, #tpu.memory_space<semaphore_mem>>) src(%dma_wait3A_12 : memref<20000x128xf32, #tpu.memory_space<hbm>>) dst(%arg7 : memref<128x128xf32, #tpu.memory_space<vmem>>)
    "tpu.region"() ({
      %run_scoped3A = tpu.sem_alloc : memref<!tpu.dma_semaphore, #tpu.memory_space<semaphore_mem>>
      %dma_start3A_78 = arith.constant 0 : i32
      %dma_start3A_79 = tpu.memref_slice %arg4[%multiple_of3A, %dma_start3A_78] : memref<24576x128xf32, #tpu.memory_space<hbm>> -> memref<128x128xf32, #tpu.memory_space<hbm>>
      %dma_start3A_80 = arith.constant 0 : i32
      %dma_start3A_81 = tpu.memref_slice %arg4[%multiple_of3A, %dma_start3A_80] : memref<24576x128xf32, #tpu.memory_space<hbm>> -> memref<128x128xf32, #tpu.memory_space<hbm>>
      tpu.enqueue_dma source(%arg7 : memref<128x128xf32, #tpu.memory_space<vmem>>) target(%dma_start3A_81 : memref<128x128xf32, #tpu.memory_space<hbm>>) target_semaphore(%run_scoped3A : memref<!tpu.dma_semaphore, #tpu.memory_space<semaphore_mem>>)
      %dma_wait3A_82 = arith.constant 0 : i32
      %dma_wait3A_83 = tpu.memref_slice %arg4[%multiple_of3A, %dma_wait3A_82] : memref<24576x128xf32, #tpu.memory_space<hbm>> -> memref<128x128xf32, #tpu.memory_space<hbm>>
      %dma_wait3A_84 = arith.constant 0 : i32
      %dma_wait3A_85 = tpu.memref_slice %arg4[%multiple_of3A, %dma_wait3A_84] : memref<24576x128xf32, #tpu.memory_space<hbm>> -> memref<128x128xf32, #tpu.memory_space<hbm>>
      tpu.wait_dma2 semaphore(%run_scoped3A : memref<!tpu.dma_semaphore, #tpu.memory_space<semaphore_mem>>) src(%arg7 : memref<128x128xf32, #tpu.memory_space<vmem>>) dst(%dma_wait3A_85 : memref<128x128xf32, #tpu.memory_space<hbm>>)
      tpu.yield
    }) : () -> ()
    %add3A_13 = arith.constant 128 : i32
    %add3A_14 = arith.addi %mul3A_2, %add3A_13 : i32
    %multiple_of3A_15 = tpu.assume_multiple %add3A_14, 128 : i32
    %dma_start3A_16 = tpu.memref_slice %arg2[%multiple_of3A_15] : memref<24576xi32, #tpu.memory_space<hbm>> -> memref<128xi32, #tpu.memory_space<hbm>>
    %dma_start3A_17 = tpu.memref_slice %arg2[%multiple_of3A_15] : memref<24576xi32, #tpu.memory_space<hbm>> -> memref<128xi32, #tpu.memory_space<hbm>>
    tpu.enqueue_dma source(%dma_start3A_17 : memref<128xi32, #tpu.memory_space<hbm>>) target(%arg6 : memref<128xi32, #tpu.memory_space<vmem>>) target_semaphore(%arg10 : memref<!tpu.dma_semaphore, #tpu.memory_space<semaphore_mem>>)
    %dma_wait3A_18 = tpu.memref_slice %arg2[%multiple_of3A_15] : memref<24576xi32, #tpu.memory_space<hbm>> -> memref<128xi32, #tpu.memory_space<hbm>>
    %dma_wait3A_19 = tpu.memref_slice %arg2[%multiple_of3A_15] : memref<24576xi32, #tpu.memory_space<hbm>> -> memref<128xi32, #tpu.memory_space<hbm>>
    tpu.wait_dma2 semaphore(%arg10 : memref<!tpu.dma_semaphore, #tpu.memory_space<semaphore_mem>>) src(%dma_wait3A_19 : memref<128xi32, #tpu.memory_space<hbm>>) dst(%arg6 : memref<128xi32, #tpu.memory_space<vmem>>)
    %dma_start3A_20 = arith.constant 0 : i32
    %dma_start3A_21 = arith.constant 0 : i32
    %dma_start3A_22 = tpu.memref_slice %arg3[%dma_start3A_20, %dma_start3A_21] : memref<20000x128xf32, #tpu.memory_space<hbm>> -> memref<20000x128xf32, #tpu.memory_space<hbm>>
    tpu.enqueue_indirect_dma source(%dma_start3A_22 : memref<20000x128xf32, #tpu.memory_space<hbm>>) target(%arg8 : memref<128x128xf32, #tpu.memory_space<vmem>>) offsets(%arg6 : memref<128xi32, #tpu.memory_space<vmem>>) semaphore(%arg12 : memref<!tpu.dma_semaphore, #tpu.memory_space<semaphore_mem>>)
    %dma_wait3A_23 = arith.constant 0 : i32
    %dma_wait3A_24 = arith.constant 0 : i32
    %dma_wait3A_25 = tpu.memref_slice %arg3[%dma_wait3A_23, %dma_wait3A_24] : memref<20000x128xf32, #tpu.memory_space<hbm>> -> memref<20000x128xf32, #tpu.memory_space<hbm>>
    tpu.wait_indirect_dma semaphore(%arg12 : memref<!tpu.dma_semaphore, #tpu.memory_space<semaphore_mem>>) src(%dma_wait3A_25 : memref<20000x128xf32, #tpu.memory_space<hbm>>) dst(%arg8 : memref<128x128xf32, #tpu.memory_space<vmem>>)
    "tpu.region"() ({
      %run_scoped3A = tpu.sem_alloc : memref<!tpu.dma_semaphore, #tpu.memory_space<semaphore_mem>>
      %dma_start3A_78 = arith.constant 0 : i32
      %dma_start3A_79 = tpu.memref_slice %arg4[%multiple_of3A_15, %dma_start3A_78] : memref<24576x128xf32, #tpu.memory_space<hbm>> -> memref<128x128xf32, #tpu.memory_space<hbm>>
      %dma_start3A_80 = arith.constant 0 : i32
      %dma_start3A_81 = tpu.memref_slice %arg4[%multiple_of3A_15, %dma_start3A_80] : memref<24576x128xf32, #tpu.memory_space<hbm>> -> memref<128x128xf32, #tpu.memory_space<hbm>>
      tpu.enqueue_dma source(%arg8 : memref<128x128xf32, #tpu.memory_space<vmem>>) target(%dma_start3A_81 : memref<128x128xf32, #tpu.memory_space<hbm>>) target_semaphore(%run_scoped3A : memref<!tpu.dma_semaphore, #tpu.memory_space<semaphore_mem>>)
      %dma_wait3A_82 = arith.constant 0 : i32
      %dma_wait3A_83 = tpu.memref_slice %arg4[%multiple_of3A_15, %dma_wait3A_82] : memref<24576x128xf32, #tpu.memory_space<hbm>> -> memref<128x128xf32, #tpu.memory_space<hbm>>
      %dma_wait3A_84 = arith.constant 0 : i32
      %dma_wait3A_85 = tpu.memref_slice %arg4[%multiple_of3A_15, %dma_wait3A_84] : memref<24576x128xf32, #tpu.memory_space<hbm>> -> memref<128x128xf32, #tpu.memory_space<hbm>>
      tpu.wait_dma2 semaphore(%run_scoped3A : memref<!tpu.dma_semaphore, #tpu.memory_space<semaphore_mem>>) src(%arg8 : memref<128x128xf32, #tpu.memory_space<vmem>>) dst(%dma_wait3A_85 : memref<128x128xf32, #tpu.memory_space<hbm>>)
      tpu.yield
    }) : () -> ()
    %add3A_26 = arith.constant 256 : i32
    %add3A_27 = arith.addi %mul3A_2, %add3A_26 : i32
    %multiple_of3A_28 = tpu.assume_multiple %add3A_27, 128 : i32
    %dma_start3A_29 = tpu.memref_slice %arg2[%multiple_of3A_28] : memref<24576xi32, #tpu.memory_space<hbm>> -> memref<128xi32, #tpu.memory_space<hbm>>
    %dma_start3A_30 = tpu.memref_slice %arg2[%multiple_of3A_28] : memref<24576xi32, #tpu.memory_space<hbm>> -> memref<128xi32, #tpu.memory_space<hbm>>
    tpu.enqueue_dma source(%dma_start3A_30 : memref<128xi32, #tpu.memory_space<hbm>>) target(%arg5 : memref<128xi32, #tpu.memory_space<vmem>>) target_semaphore(%arg9 : memref<!tpu.dma_semaphore, #tpu.memory_space<semaphore_mem>>)
    %dma_wait3A_31 = tpu.memref_slice %arg2[%multiple_of3A_28] : memref<24576xi32, #tpu.memory_space<hbm>> -> memref<128xi32, #tpu.memory_space<hbm>>
    %dma_wait3A_32 = tpu.memref_slice %arg2[%multiple_of3A_28] : memref<24576xi32, #tpu.memory_space<hbm>> -> memref<128xi32, #tpu.memory_space<hbm>>
    tpu.wait_dma2 semaphore(%arg9 : memref<!tpu.dma_semaphore, #tpu.memory_space<semaphore_mem>>) src(%dma_wait3A_32 : memref<128xi32, #tpu.memory_space<hbm>>) dst(%arg5 : memref<128xi32, #tpu.memory_space<vmem>>)
    %dma_start3A_33 = arith.constant 0 : i32
    %dma_start3A_34 = arith.constant 0 : i32
    %dma_start3A_35 = tpu.memref_slice %arg3[%dma_start3A_33, %dma_start3A_34] : memref<20000x128xf32, #tpu.memory_space<hbm>> -> memref<20000x128xf32, #tpu.memory_space<hbm>>
    tpu.enqueue_indirect_dma source(%dma_start3A_35 : memref<20000x128xf32, #tpu.memory_space<hbm>>) target(%arg7 : memref<128x128xf32, #tpu.memory_space<vmem>>) offsets(%arg5 : memref<128xi32, #tpu.memory_space<vmem>>) semaphore(%arg11 : memref<!tpu.dma_semaphore, #tpu.memory_space<semaphore_mem>>)
    %dma_wait3A_36 = arith.constant 0 : i32
    %dma_wait3A_37 = arith.constant 0 : i32
    %dma_wait3A_38 = tpu.memref_slice %arg3[%dma_wait3A_36, %dma_wait3A_37] : memref<20000x128xf32, #tpu.memory_space<hbm>> -> memref<20000x128xf32, #tpu.memory_space<hbm>>
    tpu.wait_indirect_dma semaphore(%arg11 : memref<!tpu.dma_semaphore, #tpu.memory_space<semaphore_mem>>) src(%dma_wait3A_38 : memref<20000x128xf32, #tpu.memory_space<hbm>>) dst(%arg7 : memref<128x128xf32, #tpu.memory_space<vmem>>)
    "tpu.region"() ({
      %run_scoped3A = tpu.sem_alloc : memref<!tpu.dma_semaphore, #tpu.memory_space<semaphore_mem>>
      %dma_start3A_78 = arith.constant 0 : i32
      %dma_start3A_79 = tpu.memref_slice %arg4[%multiple_of3A_28, %dma_start3A_78] : memref<24576x128xf32, #tpu.memory_space<hbm>> -> memref<128x128xf32, #tpu.memory_space<hbm>>
      %dma_start3A_80 = arith.constant 0 : i32
      %dma_start3A_81 = tpu.memref_slice %arg4[%multiple_of3A_28, %dma_start3A_80] : memref<24576x128xf32, #tpu.memory_space<hbm>> -> memref<128x128xf32, #tpu.memory_space<hbm>>
      tpu.enqueue_dma source(%arg7 : memref<128x128xf32, #tpu.memory_space<vmem>>) target(%dma_start3A_81 : memref<128x128xf32, #tpu.memory_space<hbm>>) target_semaphore(%run_scoped3A : memref<!tpu.dma_semaphore, #tpu.memory_space<semaphore_mem>>)
      %dma_wait3A_82 = arith.constant 0 : i32
      %dma_wait3A_83 = tpu.memref_slice %arg4[%multiple_of3A_28, %dma_wait3A_82] : memref<24576x128xf32, #tpu.memory_space<hbm>> -> memref<128x128xf32, #tpu.memory_space<hbm>>
      %dma_wait3A_84 = arith.constant 0 : i32
      %dma_wait3A_85 = tpu.memref_slice %arg4[%multiple_of3A_28, %dma_wait3A_84] : memref<24576x128xf32, #tpu.memory_space<hbm>> -> memref<128x128xf32, #tpu.memory_space<hbm>>
      tpu.wait_dma2 semaphore(%run_scoped3A : memref<!tpu.dma_semaphore, #tpu.memory_space<semaphore_mem>>) src(%arg7 : memref<128x128xf32, #tpu.memory_space<vmem>>) dst(%dma_wait3A_85 : memref<128x128xf32, #tpu.memory_space<hbm>>)
      tpu.yield
    }) : () -> ()
    %add3A_39 = arith.constant 384 : i32
    %add3A_40 = arith.addi %mul3A_2, %add3A_39 : i32
    %multiple_of3A_41 = tpu.assume_multiple %add3A_40, 128 : i32
    %dma_start3A_42 = tpu.memref_slice %arg2[%multiple_of3A_41] : memref<24576xi32, #tpu.memory_space<hbm>> -> memref<128xi32, #tpu.memory_space<hbm>>
    %dma_start3A_43 = tpu.memref_slice %arg2[%multiple_of3A_41] : memref<24576xi32, #tpu.memory_space<hbm>> -> memref<128xi32, #tpu.memory_space<hbm>>
    tpu.enqueue_dma source(%dma_start3A_43 : memref<128xi32, #tpu.memory_space<hbm>>) target(%arg6 : memref<128xi32, #tpu.memory_space<vmem>>) target_semaphore(%arg10 : memref<!tpu.dma_semaphore, #tpu.memory_space<semaphore_mem>>)
    %dma_wait3A_44 = tpu.memref_slice %arg2[%multiple_of3A_41] : memref<24576xi32, #tpu.memory_space<hbm>> -> memref<128xi32, #tpu.memory_space<hbm>>
    %dma_wait3A_45 = tpu.memref_slice %arg2[%multiple_of3A_41] : memref<24576xi32, #tpu.memory_space<hbm>> -> memref<128xi32, #tpu.memory_space<hbm>>
    tpu.wait_dma2 semaphore(%arg10 : memref<!tpu.dma_semaphore, #tpu.memory_space<semaphore_mem>>) src(%dma_wait3A_45 : memref<128xi32, #tpu.memory_space<hbm>>) dst(%arg6 : memref<128xi32, #tpu.memory_space<vmem>>)
    %dma_start3A_46 = arith.constant 0 : i32
    %dma_start3A_47 = arith.constant 0 : i32
    %dma_start3A_48 = tpu.memref_slice %arg3[%dma_start3A_46, %dma_start3A_47] : memref<20000x128xf32, #tpu.memory_space<hbm>> -> memref<20000x128xf32, #tpu.memory_space<hbm>>
    tpu.enqueue_indirect_dma source(%dma_start3A_48 : memref<20000x128xf32, #tpu.memory_space<hbm>>) target(%arg8 : memref<128x128xf32, #tpu.memory_space<vmem>>) offsets(%arg6 : memref<128xi32, #tpu.memory_space<vmem>>) semaphore(%arg12 : memref<!tpu.dma_semaphore, #tpu.memory_space<semaphore_mem>>)
    %dma_wait3A_49 = arith.constant 0 : i32
    %dma_wait3A_50 = arith.constant 0 : i32
    %dma_wait3A_51 = tpu.memref_slice %arg3[%dma_wait3A_49, %dma_wait3A_50] : memref<20000x128xf32, #tpu.memory_space<hbm>> -> memref<20000x128xf32, #tpu.memory_space<hbm>>
    tpu.wait_indirect_dma semaphore(%arg12 : memref<!tpu.dma_semaphore, #tpu.memory_space<semaphore_mem>>) src(%dma_wait3A_51 : memref<20000x128xf32, #tpu.memory_space<hbm>>) dst(%arg8 : memref<128x128xf32, #tpu.memory_space<vmem>>)
    "tpu.region"() ({
      %run_scoped3A = tpu.sem_alloc : memref<!tpu.dma_semaphore, #tpu.memory_space<semaphore_mem>>
      %dma_start3A_78 = arith.constant 0 : i32
      %dma_start3A_79 = tpu.memref_slice %arg4[%multiple_of3A_41, %dma_start3A_78] : memref<24576x128xf32, #tpu.memory_space<hbm>> -> memref<128x128xf32, #tpu.memory_space<hbm>>
      %dma_start3A_80 = arith.constant 0 : i32
      %dma_start3A_81 = tpu.memref_slice %arg4[%multiple_of3A_41, %dma_start3A_80] : memref<24576x128xf32, #tpu.memory_space<hbm>> -> memref<128x128xf32, #tpu.memory_space<hbm>>
      tpu.enqueue_dma source(%arg8 : memref<128x128xf32, #tpu.memory_space<vmem>>) target(%dma_start3A_81 : memref<128x128xf32, #tpu.memory_space<hbm>>) target_semaphore(%run_scoped3A : memref<!tpu.dma_semaphore, #tpu.memory_space<semaphore_mem>>)
      %dma_wait3A_82 = arith.constant 0 : i32
      %dma_wait3A_83 = tpu.memref_slice %arg4[%multiple_of3A_41, %dma_wait3A_82] : memref<24576x128xf32, #tpu.memory_space<hbm>> -> memref<128x128xf32, #tpu.memory_space<hbm>>
      %dma_wait3A_84 = arith.constant 0 : i32
      %dma_wait3A_85 = tpu.memref_slice %arg4[%multiple_of3A_41, %dma_wait3A_84] : memref<24576x128xf32, #tpu.memory_space<hbm>> -> memref<128x128xf32, #tpu.memory_space<hbm>>
      tpu.wait_dma2 semaphore(%run_scoped3A : memref<!tpu.dma_semaphore, #tpu.memory_space<semaphore_mem>>) src(%arg8 : memref<128x128xf32, #tpu.memory_space<vmem>>) dst(%dma_wait3A_85 : memref<128x128xf32, #tpu.memory_space<hbm>>)
      tpu.yield
    }) : () -> ()
    %add3A_52 = arith.constant 512 : i32
    %add3A_53 = arith.addi %mul3A_2, %add3A_52 : i32
    %multiple_of3A_54 = tpu.assume_multiple %add3A_53, 128 : i32
    %dma_start3A_55 = tpu.memref_slice %arg2[%multiple_of3A_54] : memref<24576xi32, #tpu.memory_space<hbm>> -> memref<128xi32, #tpu.memory_space<hbm>>
    %dma_start3A_56 = tpu.memref_slice %arg2[%multiple_of3A_54] : memref<24576xi32, #tpu.memory_space<hbm>> -> memref<128xi32, #tpu.memory_space<hbm>>
    tpu.enqueue_dma source(%dma_start3A_56 : memref<128xi32, #tpu.memory_space<hbm>>) target(%arg5 : memref<128xi32, #tpu.memory_space<vmem>>) target_semaphore(%arg9 : memref<!tpu.dma_semaphore, #tpu.memory_space<semaphore_mem>>)
    %dma_wait3A_57 = tpu.memref_slice %arg2[%multiple_of3A_54] : memref<24576xi32, #tpu.memory_space<hbm>> -> memref<128xi32, #tpu.memory_space<hbm>>
    %dma_wait3A_58 = tpu.memref_slice %arg2[%multiple_of3A_54] : memref<24576xi32, #tpu.memory_space<hbm>> -> memref<128xi32, #tpu.memory_space<hbm>>
    tpu.wait_dma2 semaphore(%arg9 : memref<!tpu.dma_semaphore, #tpu.memory_space<semaphore_mem>>) src(%dma_wait3A_58 : memref<128xi32, #tpu.memory_space<hbm>>) dst(%arg5 : memref<128xi32, #tpu.memory_space<vmem>>)
    %dma_start3A_59 = arith.constant 0 : i32
    %dma_start3A_60 = arith.constant 0 : i32
    %dma_start3A_61 = tpu.memref_slice %arg3[%dma_start3A_59, %dma_start3A_60] : memref<20000x128xf32, #tpu.memory_space<hbm>> -> memref<20000x128xf32, #tpu.memory_space<hbm>>
    tpu.enqueue_indirect_dma source(%dma_start3A_61 : memref<20000x128xf32, #tpu.memory_space<hbm>>) target(%arg7 : memref<128x128xf32, #tpu.memory_space<vmem>>) offsets(%arg5 : memref<128xi32, #tpu.memory_space<vmem>>) semaphore(%arg11 : memref<!tpu.dma_semaphore, #tpu.memory_space<semaphore_mem>>)
    %dma_wait3A_62 = arith.constant 0 : i32
    %dma_wait3A_63 = arith.constant 0 : i32
    %dma_wait3A_64 = tpu.memref_slice %arg3[%dma_wait3A_62, %dma_wait3A_63] : memref<20000x128xf32, #tpu.memory_space<hbm>> -> memref<20000x128xf32, #tpu.memory_space<hbm>>
    tpu.wait_indirect_dma semaphore(%arg11 : memref<!tpu.dma_semaphore, #tpu.memory_space<semaphore_mem>>) src(%dma_wait3A_64 : memref<20000x128xf32, #tpu.memory_space<hbm>>) dst(%arg7 : memref<128x128xf32, #tpu.memory_space<vmem>>)
    "tpu.region"() ({
      %run_scoped3A = tpu.sem_alloc : memref<!tpu.dma_semaphore, #tpu.memory_space<semaphore_mem>>
      %dma_start3A_78 = arith.constant 0 : i32
      %dma_start3A_79 = tpu.memref_slice %arg4[%multiple_of3A_54, %dma_start3A_78] : memref<24576x128xf32, #tpu.memory_space<hbm>> -> memref<128x128xf32, #tpu.memory_space<hbm>>
      %dma_start3A_80 = arith.constant 0 : i32
      %dma_start3A_81 = tpu.memref_slice %arg4[%multiple_of3A_54, %dma_start3A_80] : memref<24576x128xf32, #tpu.memory_space<hbm>> -> memref<128x128xf32, #tpu.memory_space<hbm>>
      tpu.enqueue_dma source(%arg7 : memref<128x128xf32, #tpu.memory_space<vmem>>) target(%dma_start3A_81 : memref<128x128xf32, #tpu.memory_space<hbm>>) target_semaphore(%run_scoped3A : memref<!tpu.dma_semaphore, #tpu.memory_space<semaphore_mem>>)
      %dma_wait3A_82 = arith.constant 0 : i32
      %dma_wait3A_83 = tpu.memref_slice %arg4[%multiple_of3A_54, %dma_wait3A_82] : memref<24576x128xf32, #tpu.memory_space<hbm>> -> memref<128x128xf32, #tpu.memory_space<hbm>>
      %dma_wait3A_84 = arith.constant 0 : i32
      %dma_wait3A_85 = tpu.memref_slice %arg4[%multiple_of3A_54, %dma_wait3A_84] : memref<24576x128xf32, #tpu.memory_space<hbm>> -> memref<128x128xf32, #tpu.memory_space<hbm>>
      tpu.wait_dma2 semaphore(%run_scoped3A : memref<!tpu.dma_semaphore, #tpu.memory_space<semaphore_mem>>) src(%arg7 : memref<128x128xf32, #tpu.memory_space<vmem>>) dst(%dma_wait3A_85 : memref<128x128xf32, #tpu.memory_space<hbm>>)
      tpu.yield
    }) : () -> ()
    %add3A_65 = arith.constant 640 : i32
    %add3A_66 = arith.addi %mul3A_2, %add3A_65 : i32
    %multiple_of3A_67 = tpu.assume_multiple %add3A_66, 128 : i32
    %dma_start3A_68 = tpu.memref_slice %arg2[%multiple_of3A_67] : memref<24576xi32, #tpu.memory_space<hbm>> -> memref<128xi32, #tpu.memory_space<hbm>>
    %dma_start3A_69 = tpu.memref_slice %arg2[%multiple_of3A_67] : memref<24576xi32, #tpu.memory_space<hbm>> -> memref<128xi32, #tpu.memory_space<hbm>>
    tpu.enqueue_dma source(%dma_start3A_69 : memref<128xi32, #tpu.memory_space<hbm>>) target(%arg6 : memref<128xi32, #tpu.memory_space<vmem>>) target_semaphore(%arg10 : memref<!tpu.dma_semaphore, #tpu.memory_space<semaphore_mem>>)
    %dma_wait3A_70 = tpu.memref_slice %arg2[%multiple_of3A_67] : memref<24576xi32, #tpu.memory_space<hbm>> -> memref<128xi32, #tpu.memory_space<hbm>>
    %dma_wait3A_71 = tpu.memref_slice %arg2[%multiple_of3A_67] : memref<24576xi32, #tpu.memory_space<hbm>> -> memref<128xi32, #tpu.memory_space<hbm>>
    tpu.wait_dma2 semaphore(%arg10 : memref<!tpu.dma_semaphore, #tpu.memory_space<semaphore_mem>>) src(%dma_wait3A_71 : memref<128xi32, #tpu.memory_space<hbm>>) dst(%arg6 : memref<128xi32, #tpu.memory_space<vmem>>)
    %dma_start3A_72 = arith.constant 0 : i32
    %dma_start3A_73 = arith.constant 0 : i32
    %dma_start3A_74 = tpu.memref_slice %arg3[%dma_start3A_72, %dma_start3A_73] : memref<20000x128xf32, #tpu.memory_space<hbm>> -> memref<20000x128xf32, #tpu.memory_space<hbm>>
    tpu.enqueue_indirect_dma source(%dma_start3A_74 : memref<20000x128xf32, #tpu.memory_space<hbm>>) target(%arg8 : memref<128x128xf32, #tpu.memory_space<vmem>>) offsets(%arg6 : memref<128xi32, #tpu.memory_space<vmem>>) semaphore(%arg12 : memref<!tpu.dma_semaphore, #tpu.memory_space<semaphore_mem>>)
    %dma_wait3A_75 = arith.constant 0 : i32
    %dma_wait3A_76 = arith.constant 0 : i32
    %dma_wait3A_77 = tpu.memref_slice %arg3[%dma_wait3A_75, %dma_wait3A_76] : memref<20000x128xf32, #tpu.memory_space<hbm>> -> memref<20000x128xf32, #tpu.memory_space<hbm>>
    tpu.wait_indirect_dma semaphore(%arg12 : memref<!tpu.dma_semaphore, #tpu.memory_space<semaphore_mem>>) src(%dma_wait3A_77 : memref<20000x128xf32, #tpu.memory_space<hbm>>) dst(%arg8 : memref<128x128xf32, #tpu.memory_space<vmem>>)
    "tpu.region"() ({
      %run_scoped3A = tpu.sem_alloc : memref<!tpu.dma_semaphore, #tpu.memory_space<semaphore_mem>>
      %dma_start3A_78 = arith.constant 0 : i32
      %dma_start3A_79 = tpu.memref_slice %arg4[%multiple_of3A_67, %dma_start3A_78] : memref<24576x128xf32, #tpu.memory_space<hbm>> -> memref<128x128xf32, #tpu.memory_space<hbm>>
      %dma_start3A_80 = arith.constant 0 : i32
      %dma_start3A_81 = tpu.memref_slice %arg4[%multiple_of3A_67, %dma_start3A_80] : memref<24576x128xf32, #tpu.memory_space<hbm>> -> memref<128x128xf32, #tpu.memory_space<hbm>>
      tpu.enqueue_dma source(%arg8 : memref<128x128xf32, #tpu.memory_space<vmem>>) target(%dma_start3A_81 : memref<128x128xf32, #tpu.memory_space<hbm>>) target_semaphore(%run_scoped3A : memref<!tpu.dma_semaphore, #tpu.memory_space<semaphore_mem>>)
      %dma_wait3A_82 = arith.constant 0 : i32
      %dma_wait3A_83 = tpu.memref_slice %arg4[%multiple_of3A_67, %dma_wait3A_82] : memref<24576x128xf32, #tpu.memory_space<hbm>> -> memref<128x128xf32, #tpu.memory_space<hbm>>
      %dma_wait3A_84 = arith.constant 0 : i32
      %dma_wait3A_85 = tpu.memref_slice %arg4[%multiple_of3A_67, %dma_wait3A_84] : memref<24576x128xf32, #tpu.memory_space<hbm>> -> memref<128x128xf32, #tpu.memory_space<hbm>>
      tpu.wait_dma2 semaphore(%run_scoped3A : memref<!tpu.dma_semaphore, #tpu.memory_space<semaphore_mem>>) src(%arg8 : memref<128x128xf32, #tpu.memory_space<vmem>>) dst(%dma_wait3A_85 : memref<128x128xf32, #tpu.memory_space<hbm>>)
      tpu.yield
    }) : () -> ()
    return
  }
}

#map = affine_map<(d0, d1) -> (0, 0)>
module attributes {stable_mosaic.version = 14 : i64} {
  func.func @_sc_propagate(%arg0: i32, %arg1: i32, %arg2: memref<20480x128xi32, #tpu.memory_space<hbm>>, %arg3: memref<40960x128xf32, #tpu.memory_space<hbm>>, %arg4: memref<10240x128xf32, #tpu.memory_space<hbm>>, %arg5: memref<40960x128xf32, #tpu.memory_space<hbm>>, %arg6: memref<10240x128xf32, #tpu.memory_space<vmem_shared>>, %arg7: memref<8x128xi32, #tpu.memory_space<vmem>>, %arg8: memref<8x128xi32, #tpu.memory_space<vmem>>, %arg9: memref<128x128xf32, #tpu.memory_space<vmem>>, %arg10: memref<128x128xf32, #tpu.memory_space<vmem>>, %arg11: memref<!tpu.dma_semaphore, #tpu.memory_space<semaphore_mem>>, %arg12: memref<!tpu.dma_semaphore, #tpu.memory_space<semaphore_mem>>, %arg13: memref<!tpu.dma_semaphore, #tpu.memory_space<semaphore_mem>>, %arg14: memref<!tpu.dma_semaphore, #tpu.memory_space<semaphore_mem>>, %arg15: memref<!tpu.dma_semaphore, #tpu.memory_space<semaphore_mem>>, %arg16: memref<!tpu.dma_semaphore, #tpu.memory_space<semaphore_mem>>) attributes {dimension_semantics = [#tpu.dimension_semantics<core_parallel>, #tpu.dimension_semantics<subcore_parallel>], iteration_bounds = array<i64: 2, 16>, scalar_prefetch = 0 : i64, scratch_operands = 11 : i64, tpu.core_type = #tpu.core_type<sc_vector_subcore>, window_params = [{transform_indices = #map}, {transform_indices = #map}, {transform_indices = #map}, {transform_indices = #map}]} {
    %mul3A = arith.constant 2 : i32
    %mul3A_0 = arith.muli %arg0, %mul3A : i32
    %add3A = arith.constant 0 : i32
    %add3A_1 = arith.addi %mul3A_0, %add3A : i32
    %mul3A_2 = arith.constant 640 : i32
    %mul3A_3 = arith.muli %arg1, %mul3A_2 : i32
    %mul3A_4 = arith.constant 640 : i32
    %mul3A_5 = arith.muli %arg1, %mul3A_4 : i32
    "tpu.region"() ({
      %run_scoped3A = tpu.sem_alloc : memref<!tpu.dma_semaphore, #tpu.memory_space<semaphore_mem>>
      %dma_start3A_132 = arith.constant 0 : i32
      %dma_start3A_133 = tpu.memref_slice %arg6[%mul3A_5, %dma_start3A_132] : memref<10240x128xf32, #tpu.memory_space<vmem_shared>> -> memref<640x128xf32, #tpu.memory_space<vmem_shared>>
      %dma_start3A_134 = arith.constant 0 : i32
      %dma_start3A_135 = tpu.memref_slice %arg4[%mul3A_3, %dma_start3A_134] : memref<10240x128xf32, #tpu.memory_space<hbm>> -> memref<640x128xf32, #tpu.memory_space<hbm>>
      tpu.enqueue_dma source(%dma_start3A_135 : memref<640x128xf32, #tpu.memory_space<hbm>>) target(%dma_start3A_133 : memref<640x128xf32, #tpu.memory_space<vmem_shared>>) target_semaphore(%run_scoped3A : memref<!tpu.dma_semaphore, #tpu.memory_space<semaphore_mem>>)
      %dma_wait3A_136 = arith.constant 0 : i32
      %dma_wait3A_137 = tpu.memref_slice %arg6[%mul3A_5, %dma_wait3A_136] : memref<10240x128xf32, #tpu.memory_space<vmem_shared>> -> memref<640x128xf32, #tpu.memory_space<vmem_shared>>
      %dma_wait3A_138 = arith.constant 0 : i32
      %dma_wait3A_139 = tpu.memref_slice %arg4[%mul3A_3, %dma_wait3A_138] : memref<10240x128xf32, #tpu.memory_space<hbm>> -> memref<640x128xf32, #tpu.memory_space<hbm>>
      tpu.wait_dma2 semaphore(%run_scoped3A : memref<!tpu.dma_semaphore, #tpu.memory_space<semaphore_mem>>) src(%dma_wait3A_139 : memref<640x128xf32, #tpu.memory_space<hbm>>) dst(%dma_wait3A_137 : memref<640x128xf32, #tpu.memory_space<vmem_shared>>)
      tpu.yield
    }) : () -> ()
    %barrier3A = arith.constant 0 : index
    tpu.barrier barrier_id(%barrier3A)
    %mul3A_6 = arith.constant 16 : i32
    %mul3A_7 = arith.muli %add3A_1, %mul3A_6 : i32
    %add3A_8 = arith.addi %mul3A_7, %arg1 : i32
    %mul3A_9 = arith.constant 320 : i32
    %mul3A_10 = arith.muli %add3A_8, %mul3A_9 : i32
    %add3A_11 = arith.constant 0 : i32
    %add3A_12 = arith.addi %mul3A_10, %add3A_11 : i32
    %add3A_13 = arith.constant 0 : i32
    %add3A_14 = arith.addi %add3A_12, %add3A_13 : i32
    %dma_start3A = arith.constant 0 : i32
    %dma_start3A_15 = tpu.memref_slice %arg2[%add3A_14, %dma_start3A] : memref<20480x128xi32, #tpu.memory_space<hbm>> -> memref<8x128xi32, #tpu.memory_space<hbm>>
    %dma_start3A_16 = arith.constant 0 : i32
    %dma_start3A_17 = tpu.memref_slice %arg2[%add3A_14, %dma_start3A_16] : memref<20480x128xi32, #tpu.memory_space<hbm>> -> memref<8x128xi32, #tpu.memory_space<hbm>>
    tpu.enqueue_dma source(%dma_start3A_17 : memref<8x128xi32, #tpu.memory_space<hbm>>) target(%arg7 : memref<8x128xi32, #tpu.memory_space<vmem>>) target_semaphore(%arg11 : memref<!tpu.dma_semaphore, #tpu.memory_space<semaphore_mem>>)
    %dma_wait3A = arith.constant 0 : i32
    %dma_wait3A_18 = tpu.memref_slice %arg2[%add3A_14, %dma_wait3A] : memref<20480x128xi32, #tpu.memory_space<hbm>> -> memref<8x128xi32, #tpu.memory_space<hbm>>
    %dma_wait3A_19 = arith.constant 0 : i32
    %dma_wait3A_20 = tpu.memref_slice %arg2[%add3A_14, %dma_wait3A_19] : memref<20480x128xi32, #tpu.memory_space<hbm>> -> memref<8x128xi32, #tpu.memory_space<hbm>>
    tpu.wait_dma2 semaphore(%arg11 : memref<!tpu.dma_semaphore, #tpu.memory_space<semaphore_mem>>) src(%dma_wait3A_20 : memref<8x128xi32, #tpu.memory_space<hbm>>) dst(%arg7 : memref<8x128xi32, #tpu.memory_space<vmem>>)
    %mul3A_21 = arith.constant 16 : i32
    %mul3A_22 = arith.muli %add3A_1, %mul3A_21 : i32
    %add3A_23 = arith.addi %mul3A_22, %arg1 : i32
    %mul3A_24 = arith.constant 320 : i32
    %mul3A_25 = arith.muli %add3A_23, %mul3A_24 : i32
    %add3A_26 = arith.constant 0 : i32
    %add3A_27 = arith.addi %mul3A_25, %add3A_26 : i32
    %add3A_28 = arith.constant 8 : i32
    %add3A_29 = arith.addi %add3A_27, %add3A_28 : i32
    %dma_start3A_30 = arith.constant 0 : i32
    %dma_start3A_31 = tpu.memref_slice %arg2[%add3A_29, %dma_start3A_30] : memref<20480x128xi32, #tpu.memory_space<hbm>> -> memref<8x128xi32, #tpu.memory_space<hbm>>
    %dma_start3A_32 = arith.constant 0 : i32
    %dma_start3A_33 = tpu.memref_slice %arg2[%add3A_29, %dma_start3A_32] : memref<20480x128xi32, #tpu.memory_space<hbm>> -> memref<8x128xi32, #tpu.memory_space<hbm>>
    tpu.enqueue_dma source(%dma_start3A_33 : memref<8x128xi32, #tpu.memory_space<hbm>>) target(%arg8 : memref<8x128xi32, #tpu.memory_space<vmem>>) target_semaphore(%arg12 : memref<!tpu.dma_semaphore, #tpu.memory_space<semaphore_mem>>)
    %dma_start3A_34 = arith.constant 0 : i32
    %dma_start3A_35 = arith.constant 0 : i32
    %dma_start3A_36 = tpu.memref_slice %arg7[%dma_start3A_34, %dma_start3A_35] : memref<8x128xi32, #tpu.memory_space<vmem>> -> memref<1x128xi32, #tpu.memory_space<vmem>>
    %dma_start3A_37 = tpu.memref_squeeze %dma_start3A_36 : memref<1x128xi32, #tpu.memory_space<vmem>> -> memref<128xi32, #tpu.memory_space<vmem>>
    %dma_start3A_38 = arith.constant 0 : i32
    %dma_start3A_39 = arith.constant 0 : i32
    %dma_start3A_40 = tpu.memref_slice %arg3[%dma_start3A_38, %dma_start3A_39] : memref<40960x128xf32, #tpu.memory_space<hbm>> -> memref<40960x128xf32, #tpu.memory_space<hbm>>
    tpu.enqueue_indirect_dma source(%dma_start3A_40 : memref<40960x128xf32, #tpu.memory_space<hbm>>) target(%arg9 : memref<128x128xf32, #tpu.memory_space<vmem>>) offsets(%dma_start3A_37 : memref<128xi32, #tpu.memory_space<vmem>>) semaphore(%arg13 : memref<!tpu.dma_semaphore, #tpu.memory_space<semaphore_mem>>)
    %dma_start3A_41 = arith.constant 2 : i32
    %dma_start3A_42 = arith.constant 0 : i32
    %dma_start3A_43 = tpu.memref_slice %arg7[%dma_start3A_41, %dma_start3A_42] : memref<8x128xi32, #tpu.memory_space<vmem>> -> memref<1x128xi32, #tpu.memory_space<vmem>>
    %dma_start3A_44 = tpu.memref_squeeze %dma_start3A_43 : memref<1x128xi32, #tpu.memory_space<vmem>> -> memref<128xi32, #tpu.memory_space<vmem>>
    %dma_start3A_45 = arith.constant 0 : i32
    %dma_start3A_46 = arith.constant 0 : i32
    %dma_start3A_47 = tpu.memref_slice %arg3[%dma_start3A_45, %dma_start3A_46] : memref<40960x128xf32, #tpu.memory_space<hbm>> -> memref<40960x128xf32, #tpu.memory_space<hbm>>
    tpu.enqueue_indirect_dma source(%dma_start3A_47 : memref<40960x128xf32, #tpu.memory_space<hbm>>) target(%arg10 : memref<128x128xf32, #tpu.memory_space<vmem>>) offsets(%dma_start3A_44 : memref<128xi32, #tpu.memory_space<vmem>>) semaphore(%arg14 : memref<!tpu.dma_semaphore, #tpu.memory_space<semaphore_mem>>)
    %scan3A = arith.constant 0 : i32
    %scan3A_48 = arith.constant 0 : i32
    %scan3A_49 = arith.constant 20 : i32
    %scan3A_50 = arith.addi %scan3A_48, %scan3A_49 : i32
    %scan3A_51 = arith.constant 1 : i32
    %scan3A_52 = scf.for %scan3A_132 = %scan3A_48 to %scan3A_50 step %scan3A_51 iter_args(%scan3A_133 = %scan3A) -> (i32)  : i32 {
      %eq3A = arith.constant 19 : i32
      %eq3A_134 = arith.cmpi eq, %scan3A_132, %eq3A : i32
      %dma_wait3A_135 = arith.constant 0 : i32
      %dma_wait3A_136 = arith.constant 0 : i32
      %dma_wait3A_137 = tpu.memref_slice %arg3[%dma_wait3A_135, %dma_wait3A_136] : memref<40960x128xf32, #tpu.memory_space<hbm>> -> memref<128x128xf32, #tpu.memory_space<hbm>>
      %dma_wait3A_138 = arith.constant 0 : i32
      %dma_wait3A_139 = arith.constant 0 : i32
      %dma_wait3A_140 = tpu.memref_slice %arg3[%dma_wait3A_138, %dma_wait3A_139] : memref<40960x128xf32, #tpu.memory_space<hbm>> -> memref<128x128xf32, #tpu.memory_space<hbm>>
      tpu.wait_dma2 semaphore(%arg13 : memref<!tpu.dma_semaphore, #tpu.memory_space<semaphore_mem>>) src(%dma_wait3A_140 : memref<128x128xf32, #tpu.memory_space<hbm>>) dst(%arg9 : memref<128x128xf32, #tpu.memory_space<vmem>>)
      %dma_start3A_141 = arith.constant 1 : i32
      %dma_start3A_142 = arith.constant 0 : i32
      %dma_start3A_143 = tpu.memref_slice %arg7[%dma_start3A_141, %dma_start3A_142] : memref<8x128xi32, #tpu.memory_space<vmem>> -> memref<1x128xi32, #tpu.memory_space<vmem>>
      %dma_start3A_144 = tpu.memref_squeeze %dma_start3A_143 : memref<1x128xi32, #tpu.memory_space<vmem>> -> memref<128xi32, #tpu.memory_space<vmem>>
      %dma_start3A_145 = arith.constant 0 : i32
      %dma_start3A_146 = arith.constant 0 : i32
      %dma_start3A_147 = tpu.memref_slice %arg6[%dma_start3A_145, %dma_start3A_146] : memref<10240x128xf32, #tpu.memory_space<vmem_shared>> -> memref<10240x128xf32, #tpu.memory_space<vmem_shared>>
      tpu.enqueue_indirect_dma source(%arg9 : memref<128x128xf32, #tpu.memory_space<vmem>>) target(%dma_start3A_147 : memref<10240x128xf32, #tpu.memory_space<vmem_shared>>) offsets(%dma_start3A_144 : memref<128xi32, #tpu.memory_space<vmem>>) semaphore(%arg15 : memref<!tpu.dma_semaphore, #tpu.memory_space<semaphore_mem>>) {add = true}
      %dma_wait3A_148 = arith.constant 0 : i32
      %dma_wait3A_149 = arith.constant 0 : i32
      %dma_wait3A_150 = tpu.memref_slice %arg3[%dma_wait3A_148, %dma_wait3A_149] : memref<40960x128xf32, #tpu.memory_space<hbm>> -> memref<128x128xf32, #tpu.memory_space<hbm>>
      %dma_wait3A_151 = arith.constant 0 : i32
      %dma_wait3A_152 = arith.constant 0 : i32
      %dma_wait3A_153 = tpu.memref_slice %arg3[%dma_wait3A_151, %dma_wait3A_152] : memref<40960x128xf32, #tpu.memory_space<hbm>> -> memref<128x128xf32, #tpu.memory_space<hbm>>
      tpu.wait_dma2 semaphore(%arg14 : memref<!tpu.dma_semaphore, #tpu.memory_space<semaphore_mem>>) src(%dma_wait3A_153 : memref<128x128xf32, #tpu.memory_space<hbm>>) dst(%arg10 : memref<128x128xf32, #tpu.memory_space<vmem>>)
      %dma_start3A_154 = arith.constant 3 : i32
      %dma_start3A_155 = arith.constant 0 : i32
      %dma_start3A_156 = tpu.memref_slice %arg7[%dma_start3A_154, %dma_start3A_155] : memref<8x128xi32, #tpu.memory_space<vmem>> -> memref<1x128xi32, #tpu.memory_space<vmem>>
      %dma_start3A_157 = tpu.memref_squeeze %dma_start3A_156 : memref<1x128xi32, #tpu.memory_space<vmem>> -> memref<128xi32, #tpu.memory_space<vmem>>
      %dma_start3A_158 = arith.constant 0 : i32
      %dma_start3A_159 = arith.constant 0 : i32
      %dma_start3A_160 = tpu.memref_slice %arg6[%dma_start3A_158, %dma_start3A_159] : memref<10240x128xf32, #tpu.memory_space<vmem_shared>> -> memref<10240x128xf32, #tpu.memory_space<vmem_shared>>
      tpu.enqueue_indirect_dma source(%arg10 : memref<128x128xf32, #tpu.memory_space<vmem>>) target(%dma_start3A_160 : memref<10240x128xf32, #tpu.memory_space<vmem_shared>>) offsets(%dma_start3A_157 : memref<128xi32, #tpu.memory_space<vmem>>) semaphore(%arg16 : memref<!tpu.dma_semaphore, #tpu.memory_space<semaphore_mem>>) {add = true}
      %dma_wait3A_161 = arith.constant 0 : i32
      %dma_wait3A_162 = arith.constant 0 : i32
      %dma_wait3A_163 = tpu.memref_slice %arg3[%dma_wait3A_161, %dma_wait3A_162] : memref<40960x128xf32, #tpu.memory_space<hbm>> -> memref<128x128xf32, #tpu.memory_space<hbm>>
      %dma_wait3A_164 = arith.constant 0 : i32
      %dma_wait3A_165 = arith.constant 0 : i32
      %dma_wait3A_166 = tpu.memref_slice %arg3[%dma_wait3A_164, %dma_wait3A_165] : memref<40960x128xf32, #tpu.memory_space<hbm>> -> memref<128x128xf32, #tpu.memory_space<hbm>>
      tpu.wait_dma2 semaphore(%arg15 : memref<!tpu.dma_semaphore, #tpu.memory_space<semaphore_mem>>) src(%dma_wait3A_166 : memref<128x128xf32, #tpu.memory_space<hbm>>) dst(%arg9 : memref<128x128xf32, #tpu.memory_space<vmem>>)
      %dma_start3A_167 = arith.constant 4 : i32
      %dma_start3A_168 = arith.constant 0 : i32
      %dma_start3A_169 = tpu.memref_slice %arg7[%dma_start3A_167, %dma_start3A_168] : memref<8x128xi32, #tpu.memory_space<vmem>> -> memref<1x128xi32, #tpu.memory_space<vmem>>
      %dma_start3A_170 = tpu.memref_squeeze %dma_start3A_169 : memref<1x128xi32, #tpu.memory_space<vmem>> -> memref<128xi32, #tpu.memory_space<vmem>>
      %dma_start3A_171 = arith.constant 0 : i32
      %dma_start3A_172 = arith.constant 0 : i32
      %dma_start3A_173 = tpu.memref_slice %arg3[%dma_start3A_171, %dma_start3A_172] : memref<40960x128xf32, #tpu.memory_space<hbm>> -> memref<40960x128xf32, #tpu.memory_space<hbm>>
      tpu.enqueue_indirect_dma source(%dma_start3A_173 : memref<40960x128xf32, #tpu.memory_space<hbm>>) target(%arg9 : memref<128x128xf32, #tpu.memory_space<vmem>>) offsets(%dma_start3A_170 : memref<128xi32, #tpu.memory_space<vmem>>) semaphore(%arg13 : memref<!tpu.dma_semaphore, #tpu.memory_space<semaphore_mem>>)
      %dma_wait3A_174 = arith.constant 0 : i32
      %dma_wait3A_175 = arith.constant 0 : i32
      %dma_wait3A_176 = tpu.memref_slice %arg3[%dma_wait3A_174, %dma_wait3A_175] : memref<40960x128xf32, #tpu.memory_space<hbm>> -> memref<128x128xf32, #tpu.memory_space<hbm>>
      %dma_wait3A_177 = arith.constant 0 : i32
      %dma_wait3A_178 = arith.constant 0 : i32
      %dma_wait3A_179 = tpu.memref_slice %arg3[%dma_wait3A_177, %dma_wait3A_178] : memref<40960x128xf32, #tpu.memory_space<hbm>> -> memref<128x128xf32, #tpu.memory_space<hbm>>
      tpu.wait_dma2 semaphore(%arg16 : memref<!tpu.dma_semaphore, #tpu.memory_space<semaphore_mem>>) src(%dma_wait3A_179 : memref<128x128xf32, #tpu.memory_space<hbm>>) dst(%arg10 : memref<128x128xf32, #tpu.memory_space<vmem>>)
      %dma_start3A_180 = arith.constant 6 : i32
      %dma_start3A_181 = arith.constant 0 : i32
      %dma_start3A_182 = tpu.memref_slice %arg7[%dma_start3A_180, %dma_start3A_181] : memref<8x128xi32, #tpu.memory_space<vmem>> -> memref<1x128xi32, #tpu.memory_space<vmem>>
      %dma_start3A_183 = tpu.memref_squeeze %dma_start3A_182 : memref<1x128xi32, #tpu.memory_space<vmem>> -> memref<128xi32, #tpu.memory_space<vmem>>
      %dma_start3A_184 = arith.constant 0 : i32
      %dma_start3A_185 = arith.constant 0 : i32
      %dma_start3A_186 = tpu.memref_slice %arg3[%dma_start3A_184, %dma_start3A_185] : memref<40960x128xf32, #tpu.memory_space<hbm>> -> memref<40960x128xf32, #tpu.memory_space<hbm>>
      tpu.enqueue_indirect_dma source(%dma_start3A_186 : memref<40960x128xf32, #tpu.memory_space<hbm>>) target(%arg10 : memref<128x128xf32, #tpu.memory_space<vmem>>) offsets(%dma_start3A_183 : memref<128xi32, #tpu.memory_space<vmem>>) semaphore(%arg14 : memref<!tpu.dma_semaphore, #tpu.memory_space<semaphore_mem>>)
      %dma_wait3A_187 = arith.constant 0 : i32
      %dma_wait3A_188 = arith.constant 0 : i32
      %dma_wait3A_189 = tpu.memref_slice %arg2[%dma_wait3A_187, %dma_wait3A_188] : memref<20480x128xi32, #tpu.memory_space<hbm>> -> memref<8x128xi32, #tpu.memory_space<hbm>>
      %dma_wait3A_190 = arith.constant 0 : i32
      %dma_wait3A_191 = arith.constant 0 : i32
      %dma_wait3A_192 = tpu.memref_slice %arg2[%dma_wait3A_190, %dma_wait3A_191] : memref<20480x128xi32, #tpu.memory_space<hbm>> -> memref<8x128xi32, #tpu.memory_space<hbm>>
      tpu.wait_dma2 semaphore(%arg12 : memref<!tpu.dma_semaphore, #tpu.memory_space<semaphore_mem>>) src(%dma_wait3A_192 : memref<8x128xi32, #tpu.memory_space<hbm>>) dst(%arg8 : memref<8x128xi32, #tpu.memory_space<vmem>>)
      %dma_wait3A_193 = arith.constant 0 : i32
      %dma_wait3A_194 = arith.constant 0 : i32
      %dma_wait3A_195 = tpu.memref_slice %arg3[%dma_wait3A_193, %dma_wait3A_194] : memref<40960x128xf32, #tpu.memory_space<hbm>> -> memref<128x128xf32, #tpu.memory_space<hbm>>
      %dma_wait3A_196 = arith.constant 0 : i32
      %dma_wait3A_197 = arith.constant 0 : i32
      %dma_wait3A_198 = tpu.memref_slice %arg3[%dma_wait3A_196, %dma_wait3A_197] : memref<40960x128xf32, #tpu.memory_space<hbm>> -> memref<128x128xf32, #tpu.memory_space<hbm>>
      tpu.wait_dma2 semaphore(%arg13 : memref<!tpu.dma_semaphore, #tpu.memory_space<semaphore_mem>>) src(%dma_wait3A_198 : memref<128x128xf32, #tpu.memory_space<hbm>>) dst(%arg9 : memref<128x128xf32, #tpu.memory_space<vmem>>)
      %dma_start3A_199 = arith.constant 5 : i32
      %dma_start3A_200 = arith.constant 0 : i32
      %dma_start3A_201 = tpu.memref_slice %arg7[%dma_start3A_199, %dma_start3A_200] : memref<8x128xi32, #tpu.memory_space<vmem>> -> memref<1x128xi32, #tpu.memory_space<vmem>>
      %dma_start3A_202 = tpu.memref_squeeze %dma_start3A_201 : memref<1x128xi32, #tpu.memory_space<vmem>> -> memref<128xi32, #tpu.memory_space<vmem>>
      %dma_start3A_203 = arith.constant 0 : i32
      %dma_start3A_204 = arith.constant 0 : i32
      %dma_start3A_205 = tpu.memref_slice %arg6[%dma_start3A_203, %dma_start3A_204] : memref<10240x128xf32, #tpu.memory_space<vmem_shared>> -> memref<10240x128xf32, #tpu.memory_space<vmem_shared>>
      tpu.enqueue_indirect_dma source(%arg9 : memref<128x128xf32, #tpu.memory_space<vmem>>) target(%dma_start3A_205 : memref<10240x128xf32, #tpu.memory_space<vmem_shared>>) offsets(%dma_start3A_202 : memref<128xi32, #tpu.memory_space<vmem>>) semaphore(%arg15 : memref<!tpu.dma_semaphore, #tpu.memory_space<semaphore_mem>>) {add = true}
      %dma_wait3A_206 = arith.constant 0 : i32
      %dma_wait3A_207 = arith.constant 0 : i32
      %dma_wait3A_208 = tpu.memref_slice %arg3[%dma_wait3A_206, %dma_wait3A_207] : memref<40960x128xf32, #tpu.memory_space<hbm>> -> memref<128x128xf32, #tpu.memory_space<hbm>>
      %dma_wait3A_209 = arith.constant 0 : i32
      %dma_wait3A_210 = arith.constant 0 : i32
      %dma_wait3A_211 = tpu.memref_slice %arg3[%dma_wait3A_209, %dma_wait3A_210] : memref<40960x128xf32, #tpu.memory_space<hbm>> -> memref<128x128xf32, #tpu.memory_space<hbm>>
      tpu.wait_dma2 semaphore(%arg14 : memref<!tpu.dma_semaphore, #tpu.memory_space<semaphore_mem>>) src(%dma_wait3A_211 : memref<128x128xf32, #tpu.memory_space<hbm>>) dst(%arg10 : memref<128x128xf32, #tpu.memory_space<vmem>>)
      %dma_start3A_212 = arith.constant 7 : i32
      %dma_start3A_213 = arith.constant 0 : i32
      %dma_start3A_214 = tpu.memref_slice %arg7[%dma_start3A_212, %dma_start3A_213] : memref<8x128xi32, #tpu.memory_space<vmem>> -> memref<1x128xi32, #tpu.memory_space<vmem>>
      %dma_start3A_215 = tpu.memref_squeeze %dma_start3A_214 : memref<1x128xi32, #tpu.memory_space<vmem>> -> memref<128xi32, #tpu.memory_space<vmem>>
      %dma_start3A_216 = arith.constant 0 : i32
      %dma_start3A_217 = arith.constant 0 : i32
      %dma_start3A_218 = tpu.memref_slice %arg6[%dma_start3A_216, %dma_start3A_217] : memref<10240x128xf32, #tpu.memory_space<vmem_shared>> -> memref<10240x128xf32, #tpu.memory_space<vmem_shared>>
      tpu.enqueue_indirect_dma source(%arg10 : memref<128x128xf32, #tpu.memory_space<vmem>>) target(%dma_start3A_218 : memref<10240x128xf32, #tpu.memory_space<vmem_shared>>) offsets(%dma_start3A_215 : memref<128xi32, #tpu.memory_space<vmem>>) semaphore(%arg16 : memref<!tpu.dma_semaphore, #tpu.memory_space<semaphore_mem>>) {add = true}
      %dma_wait3A_219 = arith.constant 0 : i32
      %dma_wait3A_220 = arith.constant 0 : i32
      %dma_wait3A_221 = tpu.memref_slice %arg3[%dma_wait3A_219, %dma_wait3A_220] : memref<40960x128xf32, #tpu.memory_space<hbm>> -> memref<128x128xf32, #tpu.memory_space<hbm>>
      %dma_wait3A_222 = arith.constant 0 : i32
      %dma_wait3A_223 = arith.constant 0 : i32
      %dma_wait3A_224 = tpu.memref_slice %arg3[%dma_wait3A_222, %dma_wait3A_223] : memref<40960x128xf32, #tpu.memory_space<hbm>> -> memref<128x128xf32, #tpu.memory_space<hbm>>
      tpu.wait_dma2 semaphore(%arg15 : memref<!tpu.dma_semaphore, #tpu.memory_space<semaphore_mem>>) src(%dma_wait3A_224 : memref<128x128xf32, #tpu.memory_space<hbm>>) dst(%arg9 : memref<128x128xf32, #tpu.memory_space<vmem>>)
      %dma_start3A_225 = arith.constant 0 : i32
      %dma_start3A_226 = arith.constant 0 : i32
      %dma_start3A_227 = tpu.memref_slice %arg8[%dma_start3A_225, %dma_start3A_226] : memref<8x128xi32, #tpu.memory_space<vmem>> -> memref<1x128xi32, #tpu.memory_space<vmem>>
      %dma_start3A_228 = tpu.memref_squeeze %dma_start3A_227 : memref<1x128xi32, #tpu.memory_space<vmem>> -> memref<128xi32, #tpu.memory_space<vmem>>
      %dma_start3A_229 = arith.constant 0 : i32
      %dma_start3A_230 = arith.constant 0 : i32
      %dma_start3A_231 = tpu.memref_slice %arg3[%dma_start3A_229, %dma_start3A_230] : memref<40960x128xf32, #tpu.memory_space<hbm>> -> memref<40960x128xf32, #tpu.memory_space<hbm>>
      tpu.enqueue_indirect_dma source(%dma_start3A_231 : memref<40960x128xf32, #tpu.memory_space<hbm>>) target(%arg9 : memref<128x128xf32, #tpu.memory_space<vmem>>) offsets(%dma_start3A_228 : memref<128xi32, #tpu.memory_space<vmem>>) semaphore(%arg13 : memref<!tpu.dma_semaphore, #tpu.memory_space<semaphore_mem>>)
      %dma_wait3A_232 = arith.constant 0 : i32
      %dma_wait3A_233 = arith.constant 0 : i32
      %dma_wait3A_234 = tpu.memref_slice %arg3[%dma_wait3A_232, %dma_wait3A_233] : memref<40960x128xf32, #tpu.memory_space<hbm>> -> memref<128x128xf32, #tpu.memory_space<hbm>>
      %dma_wait3A_235 = arith.constant 0 : i32
      %dma_wait3A_236 = arith.constant 0 : i32
      %dma_wait3A_237 = tpu.memref_slice %arg3[%dma_wait3A_235, %dma_wait3A_236] : memref<40960x128xf32, #tpu.memory_space<hbm>> -> memref<128x128xf32, #tpu.memory_space<hbm>>
      tpu.wait_dma2 semaphore(%arg16 : memref<!tpu.dma_semaphore, #tpu.memory_space<semaphore_mem>>) src(%dma_wait3A_237 : memref<128x128xf32, #tpu.memory_space<hbm>>) dst(%arg10 : memref<128x128xf32, #tpu.memory_space<vmem>>)
      %dma_start3A_238 = arith.constant 2 : i32
      %dma_start3A_239 = arith.constant 0 : i32
      %dma_start3A_240 = tpu.memref_slice %arg8[%dma_start3A_238, %dma_start3A_239] : memref<8x128xi32, #tpu.memory_space<vmem>> -> memref<1x128xi32, #tpu.memory_space<vmem>>
      %dma_start3A_241 = tpu.memref_squeeze %dma_start3A_240 : memref<1x128xi32, #tpu.memory_space<vmem>> -> memref<128xi32, #tpu.memory_space<vmem>>
      %dma_start3A_242 = arith.constant 0 : i32
      %dma_start3A_243 = arith.constant 0 : i32
      %dma_start3A_244 = tpu.memref_slice %arg3[%dma_start3A_242, %dma_start3A_243] : memref<40960x128xf32, #tpu.memory_space<hbm>> -> memref<40960x128xf32, #tpu.memory_space<hbm>>
      tpu.enqueue_indirect_dma source(%dma_start3A_244 : memref<40960x128xf32, #tpu.memory_space<hbm>>) target(%arg10 : memref<128x128xf32, #tpu.memory_space<vmem>>) offsets(%dma_start3A_241 : memref<128xi32, #tpu.memory_space<vmem>>) semaphore(%arg14 : memref<!tpu.dma_semaphore, #tpu.memory_space<semaphore_mem>>)
      %not3A = arith.constant true
      %not3A_245 = arith.xori %eq3A_134, %not3A : i1
      %convert_element_type3A = arith.extui %not3A_245 : i1 to i32
      %cond3A = arith.constant 0 : i32
      %cond3A_246 = arith.cmpi ne, %convert_element_type3A, %cond3A : i32
      scf.if %cond3A_246 {
        %add3A_348 = arith.constant 1 : i32
        %add3A_349 = arith.addi %scan3A_132, %add3A_348 : i32
        %mul3A_350 = arith.constant 16 : i32
        %mul3A_351 = arith.muli %add3A_1, %mul3A_350 : i32
        %add3A_352 = arith.addi %mul3A_351, %arg1 : i32
        %mul3A_353 = arith.constant 320 : i32
        %mul3A_354 = arith.muli %add3A_352, %mul3A_353 : i32
        %mul3A_355 = arith.constant 16 : i32
        %mul3A_356 = arith.muli %add3A_349, %mul3A_355 : i32
        %add3A_357 = arith.addi %mul3A_354, %mul3A_356 : i32
        %add3A_358 = arith.constant 0 : i32
        %add3A_359 = arith.addi %add3A_357, %add3A_358 : i32
        %dma_start3A_360 = arith.constant 0 : i32
        %dma_start3A_361 = tpu.memref_slice %arg2[%add3A_359, %dma_start3A_360] : memref<20480x128xi32, #tpu.memory_space<hbm>> -> memref<8x128xi32, #tpu.memory_space<hbm>>
        %dma_start3A_362 = arith.constant 0 : i32
        %dma_start3A_363 = tpu.memref_slice %arg2[%add3A_359, %dma_start3A_362] : memref<20480x128xi32, #tpu.memory_space<hbm>> -> memref<8x128xi32, #tpu.memory_space<hbm>>
        tpu.enqueue_dma source(%dma_start3A_363 : memref<8x128xi32, #tpu.memory_space<hbm>>) target(%arg7 : memref<8x128xi32, #tpu.memory_space<vmem>>) target_semaphore(%arg11 : memref<!tpu.dma_semaphore, #tpu.memory_space<semaphore_mem>>)
      } else {
      }
      %dma_wait3A_247 = arith.constant 0 : i32
      %dma_wait3A_248 = arith.constant 0 : i32
      %dma_wait3A_249 = tpu.memref_slice %arg3[%dma_wait3A_247, %dma_wait3A_248] : memref<40960x128xf32, #tpu.memory_space<hbm>> -> memref<128x128xf32, #tpu.memory_space<hbm>>
      %dma_wait3A_250 = arith.constant 0 : i32
      %dma_wait3A_251 = arith.constant 0 : i32
      %dma_wait3A_252 = tpu.memref_slice %arg3[%dma_wait3A_250, %dma_wait3A_251] : memref<40960x128xf32, #tpu.memory_space<hbm>> -> memref<128x128xf32, #tpu.memory_space<hbm>>
      tpu.wait_dma2 semaphore(%arg13 : memref<!tpu.dma_semaphore, #tpu.memory_space<semaphore_mem>>) src(%dma_wait3A_252 : memref<128x128xf32, #tpu.memory_space<hbm>>) dst(%arg9 : memref<128x128xf32, #tpu.memory_space<vmem>>)
      %dma_start3A_253 = arith.constant 1 : i32
      %dma_start3A_254 = arith.constant 0 : i32
      %dma_start3A_255 = tpu.memref_slice %arg8[%dma_start3A_253, %dma_start3A_254] : memref<8x128xi32, #tpu.memory_space<vmem>> -> memref<1x128xi32, #tpu.memory_space<vmem>>
      %dma_start3A_256 = tpu.memref_squeeze %dma_start3A_255 : memref<1x128xi32, #tpu.memory_space<vmem>> -> memref<128xi32, #tpu.memory_space<vmem>>
      %dma_start3A_257 = arith.constant 0 : i32
      %dma_start3A_258 = arith.constant 0 : i32
      %dma_start3A_259 = tpu.memref_slice %arg6[%dma_start3A_257, %dma_start3A_258] : memref<10240x128xf32, #tpu.memory_space<vmem_shared>> -> memref<10240x128xf32, #tpu.memory_space<vmem_shared>>
      tpu.enqueue_indirect_dma source(%arg9 : memref<128x128xf32, #tpu.memory_space<vmem>>) target(%dma_start3A_259 : memref<10240x128xf32, #tpu.memory_space<vmem_shared>>) offsets(%dma_start3A_256 : memref<128xi32, #tpu.memory_space<vmem>>) semaphore(%arg15 : memref<!tpu.dma_semaphore, #tpu.memory_space<semaphore_mem>>) {add = true}
      %dma_wait3A_260 = arith.constant 0 : i32
      %dma_wait3A_261 = arith.constant 0 : i32
      %dma_wait3A_262 = tpu.memref_slice %arg3[%dma_wait3A_260, %dma_wait3A_261] : memref<40960x128xf32, #tpu.memory_space<hbm>> -> memref<128x128xf32, #tpu.memory_space<hbm>>
      %dma_wait3A_263 = arith.constant 0 : i32
      %dma_wait3A_264 = arith.constant 0 : i32
      %dma_wait3A_265 = tpu.memref_slice %arg3[%dma_wait3A_263, %dma_wait3A_264] : memref<40960x128xf32, #tpu.memory_space<hbm>> -> memref<128x128xf32, #tpu.memory_space<hbm>>
      tpu.wait_dma2 semaphore(%arg14 : memref<!tpu.dma_semaphore, #tpu.memory_space<semaphore_mem>>) src(%dma_wait3A_265 : memref<128x128xf32, #tpu.memory_space<hbm>>) dst(%arg10 : memref<128x128xf32, #tpu.memory_space<vmem>>)
      %dma_start3A_266 = arith.constant 3 : i32
      %dma_start3A_267 = arith.constant 0 : i32
      %dma_start3A_268 = tpu.memref_slice %arg8[%dma_start3A_266, %dma_start3A_267] : memref<8x128xi32, #tpu.memory_space<vmem>> -> memref<1x128xi32, #tpu.memory_space<vmem>>
      %dma_start3A_269 = tpu.memref_squeeze %dma_start3A_268 : memref<1x128xi32, #tpu.memory_space<vmem>> -> memref<128xi32, #tpu.memory_space<vmem>>
      %dma_start3A_270 = arith.constant 0 : i32
      %dma_start3A_271 = arith.constant 0 : i32
      %dma_start3A_272 = tpu.memref_slice %arg6[%dma_start3A_270, %dma_start3A_271] : memref<10240x128xf32, #tpu.memory_space<vmem_shared>> -> memref<10240x128xf32, #tpu.memory_space<vmem_shared>>
      tpu.enqueue_indirect_dma source(%arg10 : memref<128x128xf32, #tpu.memory_space<vmem>>) target(%dma_start3A_272 : memref<10240x128xf32, #tpu.memory_space<vmem_shared>>) offsets(%dma_start3A_269 : memref<128xi32, #tpu.memory_space<vmem>>) semaphore(%arg16 : memref<!tpu.dma_semaphore, #tpu.memory_space<semaphore_mem>>) {add = true}
      %dma_wait3A_273 = arith.constant 0 : i32
      %dma_wait3A_274 = arith.constant 0 : i32
      %dma_wait3A_275 = tpu.memref_slice %arg3[%dma_wait3A_273, %dma_wait3A_274] : memref<40960x128xf32, #tpu.memory_space<hbm>> -> memref<128x128xf32, #tpu.memory_space<hbm>>
      %dma_wait3A_276 = arith.constant 0 : i32
      %dma_wait3A_277 = arith.constant 0 : i32
      %dma_wait3A_278 = tpu.memref_slice %arg3[%dma_wait3A_276, %dma_wait3A_277] : memref<40960x128xf32, #tpu.memory_space<hbm>> -> memref<128x128xf32, #tpu.memory_space<hbm>>
      tpu.wait_dma2 semaphore(%arg15 : memref<!tpu.dma_semaphore, #tpu.memory_space<semaphore_mem>>) src(%dma_wait3A_278 : memref<128x128xf32, #tpu.memory_space<hbm>>) dst(%arg9 : memref<128x128xf32, #tpu.memory_space<vmem>>)
      %dma_start3A_279 = arith.constant 4 : i32
      %dma_start3A_280 = arith.constant 0 : i32
      %dma_start3A_281 = tpu.memref_slice %arg8[%dma_start3A_279, %dma_start3A_280] : memref<8x128xi32, #tpu.memory_space<vmem>> -> memref<1x128xi32, #tpu.memory_space<vmem>>
      %dma_start3A_282 = tpu.memref_squeeze %dma_start3A_281 : memref<1x128xi32, #tpu.memory_space<vmem>> -> memref<128xi32, #tpu.memory_space<vmem>>
      %dma_start3A_283 = arith.constant 0 : i32
      %dma_start3A_284 = arith.constant 0 : i32
      %dma_start3A_285 = tpu.memref_slice %arg3[%dma_start3A_283, %dma_start3A_284] : memref<40960x128xf32, #tpu.memory_space<hbm>> -> memref<40960x128xf32, #tpu.memory_space<hbm>>
      tpu.enqueue_indirect_dma source(%dma_start3A_285 : memref<40960x128xf32, #tpu.memory_space<hbm>>) target(%arg9 : memref<128x128xf32, #tpu.memory_space<vmem>>) offsets(%dma_start3A_282 : memref<128xi32, #tpu.memory_space<vmem>>) semaphore(%arg13 : memref<!tpu.dma_semaphore, #tpu.memory_space<semaphore_mem>>)
      %dma_wait3A_286 = arith.constant 0 : i32
      %dma_wait3A_287 = arith.constant 0 : i32
      %dma_wait3A_288 = tpu.memref_slice %arg3[%dma_wait3A_286, %dma_wait3A_287] : memref<40960x128xf32, #tpu.memory_space<hbm>> -> memref<128x128xf32, #tpu.memory_space<hbm>>
      %dma_wait3A_289 = arith.constant 0 : i32
      %dma_wait3A_290 = arith.constant 0 : i32
      %dma_wait3A_291 = tpu.memref_slice %arg3[%dma_wait3A_289, %dma_wait3A_290] : memref<40960x128xf32, #tpu.memory_space<hbm>> -> memref<128x128xf32, #tpu.memory_space<hbm>>
      tpu.wait_dma2 semaphore(%arg16 : memref<!tpu.dma_semaphore, #tpu.memory_space<semaphore_mem>>) src(%dma_wait3A_291 : memref<128x128xf32, #tpu.memory_space<hbm>>) dst(%arg10 : memref<128x128xf32, #tpu.memory_space<vmem>>)
      %dma_start3A_292 = arith.constant 6 : i32
      %dma_start3A_293 = arith.constant 0 : i32
      %dma_start3A_294 = tpu.memref_slice %arg8[%dma_start3A_292, %dma_start3A_293] : memref<8x128xi32, #tpu.memory_space<vmem>> -> memref<1x128xi32, #tpu.memory_space<vmem>>
      %dma_start3A_295 = tpu.memref_squeeze %dma_start3A_294 : memref<1x128xi32, #tpu.memory_space<vmem>> -> memref<128xi32, #tpu.memory_space<vmem>>
      %dma_start3A_296 = arith.constant 0 : i32
      %dma_start3A_297 = arith.constant 0 : i32
      %dma_start3A_298 = tpu.memref_slice %arg3[%dma_start3A_296, %dma_start3A_297] : memref<40960x128xf32, #tpu.memory_space<hbm>> -> memref<40960x128xf32, #tpu.memory_space<hbm>>
      tpu.enqueue_indirect_dma source(%dma_start3A_298 : memref<40960x128xf32, #tpu.memory_space<hbm>>) target(%arg10 : memref<128x128xf32, #tpu.memory_space<vmem>>) offsets(%dma_start3A_295 : memref<128xi32, #tpu.memory_space<vmem>>) semaphore(%arg14 : memref<!tpu.dma_semaphore, #tpu.memory_space<semaphore_mem>>)
      %dma_wait3A_299 = arith.constant 0 : i32
      %dma_wait3A_300 = arith.constant 0 : i32
      %dma_wait3A_301 = tpu.memref_slice %arg3[%dma_wait3A_299, %dma_wait3A_300] : memref<40960x128xf32, #tpu.memory_space<hbm>> -> memref<128x128xf32, #tpu.memory_space<hbm>>
      %dma_wait3A_302 = arith.constant 0 : i32
      %dma_wait3A_303 = arith.constant 0 : i32
      %dma_wait3A_304 = tpu.memref_slice %arg3[%dma_wait3A_302, %dma_wait3A_303] : memref<40960x128xf32, #tpu.memory_space<hbm>> -> memref<128x128xf32, #tpu.memory_space<hbm>>
      tpu.wait_dma2 semaphore(%arg13 : memref<!tpu.dma_semaphore, #tpu.memory_space<semaphore_mem>>) src(%dma_wait3A_304 : memref<128x128xf32, #tpu.memory_space<hbm>>) dst(%arg9 : memref<128x128xf32, #tpu.memory_space<vmem>>)
      %dma_start3A_305 = arith.constant 5 : i32
      %dma_start3A_306 = arith.constant 0 : i32
      %dma_start3A_307 = tpu.memref_slice %arg8[%dma_start3A_305, %dma_start3A_306] : memref<8x128xi32, #tpu.memory_space<vmem>> -> memref<1x128xi32, #tpu.memory_space<vmem>>
      %dma_start3A_308 = tpu.memref_squeeze %dma_start3A_307 : memref<1x128xi32, #tpu.memory_space<vmem>> -> memref<128xi32, #tpu.memory_space<vmem>>
      %dma_start3A_309 = arith.constant 0 : i32
      %dma_start3A_310 = arith.constant 0 : i32
      %dma_start3A_311 = tpu.memref_slice %arg6[%dma_start3A_309, %dma_start3A_310] : memref<10240x128xf32, #tpu.memory_space<vmem_shared>> -> memref<10240x128xf32, #tpu.memory_space<vmem_shared>>
      tpu.enqueue_indirect_dma source(%arg9 : memref<128x128xf32, #tpu.memory_space<vmem>>) target(%dma_start3A_311 : memref<10240x128xf32, #tpu.memory_space<vmem_shared>>) offsets(%dma_start3A_308 : memref<128xi32, #tpu.memory_space<vmem>>) semaphore(%arg15 : memref<!tpu.dma_semaphore, #tpu.memory_space<semaphore_mem>>) {add = true}
      %dma_wait3A_312 = arith.constant 0 : i32
      %dma_wait3A_313 = arith.constant 0 : i32
      %dma_wait3A_314 = tpu.memref_slice %arg3[%dma_wait3A_312, %dma_wait3A_313] : memref<40960x128xf32, #tpu.memory_space<hbm>> -> memref<128x128xf32, #tpu.memory_space<hbm>>
      %dma_wait3A_315 = arith.constant 0 : i32
      %dma_wait3A_316 = arith.constant 0 : i32
      %dma_wait3A_317 = tpu.memref_slice %arg3[%dma_wait3A_315, %dma_wait3A_316] : memref<40960x128xf32, #tpu.memory_space<hbm>> -> memref<128x128xf32, #tpu.memory_space<hbm>>
      tpu.wait_dma2 semaphore(%arg14 : memref<!tpu.dma_semaphore, #tpu.memory_space<semaphore_mem>>) src(%dma_wait3A_317 : memref<128x128xf32, #tpu.memory_space<hbm>>) dst(%arg10 : memref<128x128xf32, #tpu.memory_space<vmem>>)
      %dma_start3A_318 = arith.constant 7 : i32
      %dma_start3A_319 = arith.constant 0 : i32
      %dma_start3A_320 = tpu.memref_slice %arg8[%dma_start3A_318, %dma_start3A_319] : memref<8x128xi32, #tpu.memory_space<vmem>> -> memref<1x128xi32, #tpu.memory_space<vmem>>
      %dma_start3A_321 = tpu.memref_squeeze %dma_start3A_320 : memref<1x128xi32, #tpu.memory_space<vmem>> -> memref<128xi32, #tpu.memory_space<vmem>>
      %dma_start3A_322 = arith.constant 0 : i32
      %dma_start3A_323 = arith.constant 0 : i32
      %dma_start3A_324 = tpu.memref_slice %arg6[%dma_start3A_322, %dma_start3A_323] : memref<10240x128xf32, #tpu.memory_space<vmem_shared>> -> memref<10240x128xf32, #tpu.memory_space<vmem_shared>>
      tpu.enqueue_indirect_dma source(%arg10 : memref<128x128xf32, #tpu.memory_space<vmem>>) target(%dma_start3A_324 : memref<10240x128xf32, #tpu.memory_space<vmem_shared>>) offsets(%dma_start3A_321 : memref<128xi32, #tpu.memory_space<vmem>>) semaphore(%arg16 : memref<!tpu.dma_semaphore, #tpu.memory_space<semaphore_mem>>) {add = true}
      %dma_wait3A_325 = arith.constant 0 : i32
      %dma_wait3A_326 = arith.constant 0 : i32
      %dma_wait3A_327 = tpu.memref_slice %arg3[%dma_wait3A_325, %dma_wait3A_326] : memref<40960x128xf32, #tpu.memory_space<hbm>> -> memref<128x128xf32, #tpu.memory_space<hbm>>
      %dma_wait3A_328 = arith.constant 0 : i32
      %dma_wait3A_329 = arith.constant 0 : i32
      %dma_wait3A_330 = tpu.memref_slice %arg3[%dma_wait3A_328, %dma_wait3A_329] : memref<40960x128xf32, #tpu.memory_space<hbm>> -> memref<128x128xf32, #tpu.memory_space<hbm>>
      tpu.wait_dma2 semaphore(%arg15 : memref<!tpu.dma_semaphore, #tpu.memory_space<semaphore_mem>>) src(%dma_wait3A_330 : memref<128x128xf32, #tpu.memory_space<hbm>>) dst(%arg9 : memref<128x128xf32, #tpu.memory_space<vmem>>)
      %not3A_331 = arith.constant true
      %not3A_332 = arith.xori %eq3A_134, %not3A_331 : i1
      %convert_element_type3A_333 = arith.extui %not3A_332 : i1 to i32
      %cond3A_334 = arith.constant 0 : i32
      %cond3A_335 = arith.cmpi ne, %convert_element_type3A_333, %cond3A_334 : i32
      scf.if %cond3A_335 {
        %dma_wait3A_348 = arith.constant 0 : i32
        %dma_wait3A_349 = arith.constant 0 : i32
        %dma_wait3A_350 = tpu.memref_slice %arg2[%dma_wait3A_348, %dma_wait3A_349] : memref<20480x128xi32, #tpu.memory_space<hbm>> -> memref<8x128xi32, #tpu.memory_space<hbm>>
        %dma_wait3A_351 = arith.constant 0 : i32
        %dma_wait3A_352 = arith.constant 0 : i32
        %dma_wait3A_353 = tpu.memref_slice %arg2[%dma_wait3A_351, %dma_wait3A_352] : memref<20480x128xi32, #tpu.memory_space<hbm>> -> memref<8x128xi32, #tpu.memory_space<hbm>>
        tpu.wait_dma2 semaphore(%arg11 : memref<!tpu.dma_semaphore, #tpu.memory_space<semaphore_mem>>) src(%dma_wait3A_353 : memref<8x128xi32, #tpu.memory_space<hbm>>) dst(%arg7 : memref<8x128xi32, #tpu.memory_space<vmem>>)
        %dma_start3A_354 = arith.constant 0 : i32
        %dma_start3A_355 = arith.constant 0 : i32
        %dma_start3A_356 = tpu.memref_slice %arg7[%dma_start3A_354, %dma_start3A_355] : memref<8x128xi32, #tpu.memory_space<vmem>> -> memref<1x128xi32, #tpu.memory_space<vmem>>
        %dma_start3A_357 = tpu.memref_squeeze %dma_start3A_356 : memref<1x128xi32, #tpu.memory_space<vmem>> -> memref<128xi32, #tpu.memory_space<vmem>>
        %dma_start3A_358 = arith.constant 0 : i32
        %dma_start3A_359 = arith.constant 0 : i32
        %dma_start3A_360 = tpu.memref_slice %arg3[%dma_start3A_358, %dma_start3A_359] : memref<40960x128xf32, #tpu.memory_space<hbm>> -> memref<40960x128xf32, #tpu.memory_space<hbm>>
        tpu.enqueue_indirect_dma source(%dma_start3A_360 : memref<40960x128xf32, #tpu.memory_space<hbm>>) target(%arg9 : memref<128x128xf32, #tpu.memory_space<vmem>>) offsets(%dma_start3A_357 : memref<128xi32, #tpu.memory_space<vmem>>) semaphore(%arg13 : memref<!tpu.dma_semaphore, #tpu.memory_space<semaphore_mem>>)
      } else {
      }
      %dma_wait3A_336 = arith.constant 0 : i32
      %dma_wait3A_337 = arith.constant 0 : i32
      %dma_wait3A_338 = tpu.memref_slice %arg3[%dma_wait3A_336, %dma_wait3A_337] : memref<40960x128xf32, #tpu.memory_space<hbm>> -> memref<128x128xf32, #tpu.memory_space<hbm>>
      %dma_wait3A_339 = arith.constant 0 : i32
      %dma_wait3A_340 = arith.constant 0 : i32
      %dma_wait3A_341 = tpu.memref_slice %arg3[%dma_wait3A_339, %dma_wait3A_340] : memref<40960x128xf32, #tpu.memory_space<hbm>> -> memref<128x128xf32, #tpu.memory_space<hbm>>
      tpu.wait_dma2 semaphore(%arg16 : memref<!tpu.dma_semaphore, #tpu.memory_space<semaphore_mem>>) src(%dma_wait3A_341 : memref<128x128xf32, #tpu.memory_space<hbm>>) dst(%arg10 : memref<128x128xf32, #tpu.memory_space<vmem>>)
      %not3A_342 = arith.constant true
      %not3A_343 = arith.xori %eq3A_134, %not3A_342 : i1
      %convert_element_type3A_344 = arith.extui %not3A_343 : i1 to i32
      %cond3A_345 = arith.constant 0 : i32
      %cond3A_346 = arith.cmpi ne, %convert_element_type3A_344, %cond3A_345 : i32
      scf.if %cond3A_346 {
        %dma_start3A_348 = arith.constant 2 : i32
        %dma_start3A_349 = arith.constant 0 : i32
        %dma_start3A_350 = tpu.memref_slice %arg7[%dma_start3A_348, %dma_start3A_349] : memref<8x128xi32, #tpu.memory_space<vmem>> -> memref<1x128xi32, #tpu.memory_space<vmem>>
        %dma_start3A_351 = tpu.memref_squeeze %dma_start3A_350 : memref<1x128xi32, #tpu.memory_space<vmem>> -> memref<128xi32, #tpu.memory_space<vmem>>
        %dma_start3A_352 = arith.constant 0 : i32
        %dma_start3A_353 = arith.constant 0 : i32
        %dma_start3A_354 = tpu.memref_slice %arg3[%dma_start3A_352, %dma_start3A_353] : memref<40960x128xf32, #tpu.memory_space<hbm>> -> memref<40960x128xf32, #tpu.memory_space<hbm>>
        tpu.enqueue_indirect_dma source(%dma_start3A_354 : memref<40960x128xf32, #tpu.memory_space<hbm>>) target(%arg10 : memref<128x128xf32, #tpu.memory_space<vmem>>) offsets(%dma_start3A_351 : memref<128xi32, #tpu.memory_space<vmem>>) semaphore(%arg14 : memref<!tpu.dma_semaphore, #tpu.memory_space<semaphore_mem>>)
        %add3A_355 = arith.constant 1 : i32
        %add3A_356 = arith.addi %scan3A_132, %add3A_355 : i32
        %mul3A_357 = arith.constant 16 : i32
        %mul3A_358 = arith.muli %add3A_1, %mul3A_357 : i32
        %add3A_359 = arith.addi %mul3A_358, %arg1 : i32
        %mul3A_360 = arith.constant 320 : i32
        %mul3A_361 = arith.muli %add3A_359, %mul3A_360 : i32
        %mul3A_362 = arith.constant 16 : i32
        %mul3A_363 = arith.muli %add3A_356, %mul3A_362 : i32
        %add3A_364 = arith.addi %mul3A_361, %mul3A_363 : i32
        %add3A_365 = arith.constant 8 : i32
        %add3A_366 = arith.addi %add3A_364, %add3A_365 : i32
        %dma_start3A_367 = arith.constant 0 : i32
        %dma_start3A_368 = tpu.memref_slice %arg2[%add3A_366, %dma_start3A_367] : memref<20480x128xi32, #tpu.memory_space<hbm>> -> memref<8x128xi32, #tpu.memory_space<hbm>>
        %dma_start3A_369 = arith.constant 0 : i32
        %dma_start3A_370 = tpu.memref_slice %arg2[%add3A_366, %dma_start3A_369] : memref<20480x128xi32, #tpu.memory_space<hbm>> -> memref<8x128xi32, #tpu.memory_space<hbm>>
        tpu.enqueue_dma source(%dma_start3A_370 : memref<8x128xi32, #tpu.memory_space<hbm>>) target(%arg8 : memref<8x128xi32, #tpu.memory_space<vmem>>) target_semaphore(%arg12 : memref<!tpu.dma_semaphore, #tpu.memory_space<semaphore_mem>>)
      } else {
      }
      %scan3A_347 = arith.constant 0 : i32
      scf.yield %scan3A_347 : i32
    }
    %scan3A_53 = arith.constant 20 : i32
    %barrier3A_54 = arith.constant 0 : index
    tpu.barrier barrier_id(%barrier3A_54)
    %mul3A_55 = arith.constant 10240 : i32
    %mul3A_56 = arith.muli %add3A_1, %mul3A_55 : i32
    %mul3A_57 = arith.constant 640 : i32
    %mul3A_58 = arith.muli %arg1, %mul3A_57 : i32
    %add3A_59 = arith.addi %mul3A_56, %mul3A_58 : i32
    %mul3A_60 = arith.constant 640 : i32
    %mul3A_61 = arith.muli %arg1, %mul3A_60 : i32
    "tpu.region"() ({
      %run_scoped3A = tpu.sem_alloc : memref<!tpu.dma_semaphore, #tpu.memory_space<semaphore_mem>>
      %dma_start3A_132 = arith.constant 0 : i32
      %dma_start3A_133 = tpu.memref_slice %arg5[%add3A_59, %dma_start3A_132] : memref<40960x128xf32, #tpu.memory_space<hbm>> -> memref<640x128xf32, #tpu.memory_space<hbm>>
      %dma_start3A_134 = arith.constant 0 : i32
      %dma_start3A_135 = tpu.memref_slice %arg6[%mul3A_61, %dma_start3A_134] : memref<10240x128xf32, #tpu.memory_space<vmem_shared>> -> memref<640x128xf32, #tpu.memory_space<vmem_shared>>
      tpu.enqueue_dma source(%dma_start3A_135 : memref<640x128xf32, #tpu.memory_space<vmem_shared>>) target(%dma_start3A_133 : memref<640x128xf32, #tpu.memory_space<hbm>>) target_semaphore(%run_scoped3A : memref<!tpu.dma_semaphore, #tpu.memory_space<semaphore_mem>>)
      %dma_wait3A_136 = arith.constant 0 : i32
      %dma_wait3A_137 = tpu.memref_slice %arg5[%add3A_59, %dma_wait3A_136] : memref<40960x128xf32, #tpu.memory_space<hbm>> -> memref<640x128xf32, #tpu.memory_space<hbm>>
      %dma_wait3A_138 = arith.constant 0 : i32
      %dma_wait3A_139 = tpu.memref_slice %arg6[%mul3A_61, %dma_wait3A_138] : memref<10240x128xf32, #tpu.memory_space<vmem_shared>> -> memref<640x128xf32, #tpu.memory_space<vmem_shared>>
      tpu.wait_dma2 semaphore(%run_scoped3A : memref<!tpu.dma_semaphore, #tpu.memory_space<semaphore_mem>>) src(%dma_wait3A_139 : memref<640x128xf32, #tpu.memory_space<vmem_shared>>) dst(%dma_wait3A_137 : memref<640x128xf32, #tpu.memory_space<hbm>>)
      tpu.yield
    }) : () -> ()
    %barrier3A_62 = arith.constant 0 : index
    tpu.barrier barrier_id(%barrier3A_62)
    %mul3A_63 = arith.constant 2 : i32
    %mul3A_64 = arith.muli %arg0, %mul3A_63 : i32
    %add3A_65 = arith.constant 1 : i32
    %add3A_66 = arith.addi %mul3A_64, %add3A_65 : i32
    %mul3A_67 = arith.constant 640 : i32
    %mul3A_68 = arith.muli %arg1, %mul3A_67 : i32
    %mul3A_69 = arith.constant 640 : i32
    %mul3A_70 = arith.muli %arg1, %mul3A_69 : i32
    "tpu.region"() ({
      %run_scoped3A = tpu.sem_alloc : memref<!tpu.dma_semaphore, #tpu.memory_space<semaphore_mem>>
      %dma_start3A_132 = arith.constant 0 : i32
      %dma_start3A_133 = tpu.memref_slice %arg6[%mul3A_70, %dma_start3A_132] : memref<10240x128xf32, #tpu.memory_space<vmem_shared>> -> memref<640x128xf32, #tpu.memory_space<vmem_shared>>
      %dma_start3A_134 = arith.constant 0 : i32
      %dma_start3A_135 = tpu.memref_slice %arg4[%mul3A_68, %dma_start3A_134] : memref<10240x128xf32, #tpu.memory_space<hbm>> -> memref<640x128xf32, #tpu.memory_space<hbm>>
      tpu.enqueue_dma source(%dma_start3A_135 : memref<640x128xf32, #tpu.memory_space<hbm>>) target(%dma_start3A_133 : memref<640x128xf32, #tpu.memory_space<vmem_shared>>) target_semaphore(%run_scoped3A : memref<!tpu.dma_semaphore, #tpu.memory_space<semaphore_mem>>)
      %dma_wait3A_136 = arith.constant 0 : i32
      %dma_wait3A_137 = tpu.memref_slice %arg6[%mul3A_70, %dma_wait3A_136] : memref<10240x128xf32, #tpu.memory_space<vmem_shared>> -> memref<640x128xf32, #tpu.memory_space<vmem_shared>>
      %dma_wait3A_138 = arith.constant 0 : i32
      %dma_wait3A_139 = tpu.memref_slice %arg4[%mul3A_68, %dma_wait3A_138] : memref<10240x128xf32, #tpu.memory_space<hbm>> -> memref<640x128xf32, #tpu.memory_space<hbm>>
      tpu.wait_dma2 semaphore(%run_scoped3A : memref<!tpu.dma_semaphore, #tpu.memory_space<semaphore_mem>>) src(%dma_wait3A_139 : memref<640x128xf32, #tpu.memory_space<hbm>>) dst(%dma_wait3A_137 : memref<640x128xf32, #tpu.memory_space<vmem_shared>>)
      tpu.yield
    }) : () -> ()
    %barrier3A_71 = arith.constant 0 : index
    tpu.barrier barrier_id(%barrier3A_71)
    %mul3A_72 = arith.constant 16 : i32
    %mul3A_73 = arith.muli %add3A_66, %mul3A_72 : i32
    %add3A_74 = arith.addi %mul3A_73, %arg1 : i32
    %mul3A_75 = arith.constant 320 : i32
    %mul3A_76 = arith.muli %add3A_74, %mul3A_75 : i32
    %add3A_77 = arith.constant 0 : i32
    %add3A_78 = arith.addi %mul3A_76, %add3A_77 : i32
    %add3A_79 = arith.constant 0 : i32
    %add3A_80 = arith.addi %add3A_78, %add3A_79 : i32
    %dma_start3A_81 = arith.constant 0 : i32
    %dma_start3A_82 = tpu.memref_slice %arg2[%add3A_80, %dma_start3A_81] : memref<20480x128xi32, #tpu.memory_space<hbm>> -> memref<8x128xi32, #tpu.memory_space<hbm>>
    %dma_start3A_83 = arith.constant 0 : i32
    %dma_start3A_84 = tpu.memref_slice %arg2[%add3A_80, %dma_start3A_83] : memref<20480x128xi32, #tpu.memory_space<hbm>> -> memref<8x128xi32, #tpu.memory_space<hbm>>
    tpu.enqueue_dma source(%dma_start3A_84 : memref<8x128xi32, #tpu.memory_space<hbm>>) target(%arg7 : memref<8x128xi32, #tpu.memory_space<vmem>>) target_semaphore(%arg11 : memref<!tpu.dma_semaphore, #tpu.memory_space<semaphore_mem>>)
    %dma_wait3A_85 = arith.constant 0 : i32
    %dma_wait3A_86 = tpu.memref_slice %arg2[%add3A_80, %dma_wait3A_85] : memref<20480x128xi32, #tpu.memory_space<hbm>> -> memref<8x128xi32, #tpu.memory_space<hbm>>
    %dma_wait3A_87 = arith.constant 0 : i32
    %dma_wait3A_88 = tpu.memref_slice %arg2[%add3A_80, %dma_wait3A_87] : memref<20480x128xi32, #tpu.memory_space<hbm>> -> memref<8x128xi32, #tpu.memory_space<hbm>>
    tpu.wait_dma2 semaphore(%arg11 : memref<!tpu.dma_semaphore, #tpu.memory_space<semaphore_mem>>) src(%dma_wait3A_88 : memref<8x128xi32, #tpu.memory_space<hbm>>) dst(%arg7 : memref<8x128xi32, #tpu.memory_space<vmem>>)
    %mul3A_89 = arith.constant 16 : i32
    %mul3A_90 = arith.muli %add3A_66, %mul3A_89 : i32
    %add3A_91 = arith.addi %mul3A_90, %arg1 : i32
    %mul3A_92 = arith.constant 320 : i32
    %mul3A_93 = arith.muli %add3A_91, %mul3A_92 : i32
    %add3A_94 = arith.constant 0 : i32
    %add3A_95 = arith.addi %mul3A_93, %add3A_94 : i32
    %add3A_96 = arith.constant 8 : i32
    %add3A_97 = arith.addi %add3A_95, %add3A_96 : i32
    %dma_start3A_98 = arith.constant 0 : i32
    %dma_start3A_99 = tpu.memref_slice %arg2[%add3A_97, %dma_start3A_98] : memref<20480x128xi32, #tpu.memory_space<hbm>> -> memref<8x128xi32, #tpu.memory_space<hbm>>
    %dma_start3A_100 = arith.constant 0 : i32
    %dma_start3A_101 = tpu.memref_slice %arg2[%add3A_97, %dma_start3A_100] : memref<20480x128xi32, #tpu.memory_space<hbm>> -> memref<8x128xi32, #tpu.memory_space<hbm>>
    tpu.enqueue_dma source(%dma_start3A_101 : memref<8x128xi32, #tpu.memory_space<hbm>>) target(%arg8 : memref<8x128xi32, #tpu.memory_space<vmem>>) target_semaphore(%arg12 : memref<!tpu.dma_semaphore, #tpu.memory_space<semaphore_mem>>)
    %dma_start3A_102 = arith.constant 0 : i32
    %dma_start3A_103 = arith.constant 0 : i32
    %dma_start3A_104 = tpu.memref_slice %arg7[%dma_start3A_102, %dma_start3A_103] : memref<8x128xi32, #tpu.memory_space<vmem>> -> memref<1x128xi32, #tpu.memory_space<vmem>>
    %dma_start3A_105 = tpu.memref_squeeze %dma_start3A_104 : memref<1x128xi32, #tpu.memory_space<vmem>> -> memref<128xi32, #tpu.memory_space<vmem>>
    %dma_start3A_106 = arith.constant 0 : i32
    %dma_start3A_107 = arith.constant 0 : i32
    %dma_start3A_108 = tpu.memref_slice %arg3[%dma_start3A_106, %dma_start3A_107] : memref<40960x128xf32, #tpu.memory_space<hbm>> -> memref<40960x128xf32, #tpu.memory_space<hbm>>
    tpu.enqueue_indirect_dma source(%dma_start3A_108 : memref<40960x128xf32, #tpu.memory_space<hbm>>) target(%arg9 : memref<128x128xf32, #tpu.memory_space<vmem>>) offsets(%dma_start3A_105 : memref<128xi32, #tpu.memory_space<vmem>>) semaphore(%arg13 : memref<!tpu.dma_semaphore, #tpu.memory_space<semaphore_mem>>)
    %dma_start3A_109 = arith.constant 2 : i32
    %dma_start3A_110 = arith.constant 0 : i32
    %dma_start3A_111 = tpu.memref_slice %arg7[%dma_start3A_109, %dma_start3A_110] : memref<8x128xi32, #tpu.memory_space<vmem>> -> memref<1x128xi32, #tpu.memory_space<vmem>>
    %dma_start3A_112 = tpu.memref_squeeze %dma_start3A_111 : memref<1x128xi32, #tpu.memory_space<vmem>> -> memref<128xi32, #tpu.memory_space<vmem>>
    %dma_start3A_113 = arith.constant 0 : i32
    %dma_start3A_114 = arith.constant 0 : i32
    %dma_start3A_115 = tpu.memref_slice %arg3[%dma_start3A_113, %dma_start3A_114] : memref<40960x128xf32, #tpu.memory_space<hbm>> -> memref<40960x128xf32, #tpu.memory_space<hbm>>
    tpu.enqueue_indirect_dma source(%dma_start3A_115 : memref<40960x128xf32, #tpu.memory_space<hbm>>) target(%arg10 : memref<128x128xf32, #tpu.memory_space<vmem>>) offsets(%dma_start3A_112 : memref<128xi32, #tpu.memory_space<vmem>>) semaphore(%arg14 : memref<!tpu.dma_semaphore, #tpu.memory_space<semaphore_mem>>)
    %scan3A_116 = arith.constant 0 : i32
    %scan3A_117 = arith.constant 0 : i32
    %scan3A_118 = arith.constant 20 : i32
    %scan3A_119 = arith.addi %scan3A_117, %scan3A_118 : i32
    %scan3A_120 = arith.constant 1 : i32
    %scan3A_121 = scf.for %scan3A_132 = %scan3A_117 to %scan3A_119 step %scan3A_120 iter_args(%scan3A_133 = %scan3A_116) -> (i32)  : i32 {
      %eq3A = arith.constant 19 : i32
      %eq3A_134 = arith.cmpi eq, %scan3A_132, %eq3A : i32
      %dma_wait3A_135 = arith.constant 0 : i32
      %dma_wait3A_136 = arith.constant 0 : i32
      %dma_wait3A_137 = tpu.memref_slice %arg3[%dma_wait3A_135, %dma_wait3A_136] : memref<40960x128xf32, #tpu.memory_space<hbm>> -> memref<128x128xf32, #tpu.memory_space<hbm>>
      %dma_wait3A_138 = arith.constant 0 : i32
      %dma_wait3A_139 = arith.constant 0 : i32
      %dma_wait3A_140 = tpu.memref_slice %arg3[%dma_wait3A_138, %dma_wait3A_139] : memref<40960x128xf32, #tpu.memory_space<hbm>> -> memref<128x128xf32, #tpu.memory_space<hbm>>
      tpu.wait_dma2 semaphore(%arg13 : memref<!tpu.dma_semaphore, #tpu.memory_space<semaphore_mem>>) src(%dma_wait3A_140 : memref<128x128xf32, #tpu.memory_space<hbm>>) dst(%arg9 : memref<128x128xf32, #tpu.memory_space<vmem>>)
      %dma_start3A_141 = arith.constant 1 : i32
      %dma_start3A_142 = arith.constant 0 : i32
      %dma_start3A_143 = tpu.memref_slice %arg7[%dma_start3A_141, %dma_start3A_142] : memref<8x128xi32, #tpu.memory_space<vmem>> -> memref<1x128xi32, #tpu.memory_space<vmem>>
      %dma_start3A_144 = tpu.memref_squeeze %dma_start3A_143 : memref<1x128xi32, #tpu.memory_space<vmem>> -> memref<128xi32, #tpu.memory_space<vmem>>
      %dma_start3A_145 = arith.constant 0 : i32
      %dma_start3A_146 = arith.constant 0 : i32
      %dma_start3A_147 = tpu.memref_slice %arg6[%dma_start3A_145, %dma_start3A_146] : memref<10240x128xf32, #tpu.memory_space<vmem_shared>> -> memref<10240x128xf32, #tpu.memory_space<vmem_shared>>
      tpu.enqueue_indirect_dma source(%arg9 : memref<128x128xf32, #tpu.memory_space<vmem>>) target(%dma_start3A_147 : memref<10240x128xf32, #tpu.memory_space<vmem_shared>>) offsets(%dma_start3A_144 : memref<128xi32, #tpu.memory_space<vmem>>) semaphore(%arg15 : memref<!tpu.dma_semaphore, #tpu.memory_space<semaphore_mem>>) {add = true}
      %dma_wait3A_148 = arith.constant 0 : i32
      %dma_wait3A_149 = arith.constant 0 : i32
      %dma_wait3A_150 = tpu.memref_slice %arg3[%dma_wait3A_148, %dma_wait3A_149] : memref<40960x128xf32, #tpu.memory_space<hbm>> -> memref<128x128xf32, #tpu.memory_space<hbm>>
      %dma_wait3A_151 = arith.constant 0 : i32
      %dma_wait3A_152 = arith.constant 0 : i32
      %dma_wait3A_153 = tpu.memref_slice %arg3[%dma_wait3A_151, %dma_wait3A_152] : memref<40960x128xf32, #tpu.memory_space<hbm>> -> memref<128x128xf32, #tpu.memory_space<hbm>>
      tpu.wait_dma2 semaphore(%arg14 : memref<!tpu.dma_semaphore, #tpu.memory_space<semaphore_mem>>) src(%dma_wait3A_153 : memref<128x128xf32, #tpu.memory_space<hbm>>) dst(%arg10 : memref<128x128xf32, #tpu.memory_space<vmem>>)
      %dma_start3A_154 = arith.constant 3 : i32
      %dma_start3A_155 = arith.constant 0 : i32
      %dma_start3A_156 = tpu.memref_slice %arg7[%dma_start3A_154, %dma_start3A_155] : memref<8x128xi32, #tpu.memory_space<vmem>> -> memref<1x128xi32, #tpu.memory_space<vmem>>
      %dma_start3A_157 = tpu.memref_squeeze %dma_start3A_156 : memref<1x128xi32, #tpu.memory_space<vmem>> -> memref<128xi32, #tpu.memory_space<vmem>>
      %dma_start3A_158 = arith.constant 0 : i32
      %dma_start3A_159 = arith.constant 0 : i32
      %dma_start3A_160 = tpu.memref_slice %arg6[%dma_start3A_158, %dma_start3A_159] : memref<10240x128xf32, #tpu.memory_space<vmem_shared>> -> memref<10240x128xf32, #tpu.memory_space<vmem_shared>>
      tpu.enqueue_indirect_dma source(%arg10 : memref<128x128xf32, #tpu.memory_space<vmem>>) target(%dma_start3A_160 : memref<10240x128xf32, #tpu.memory_space<vmem_shared>>) offsets(%dma_start3A_157 : memref<128xi32, #tpu.memory_space<vmem>>) semaphore(%arg16 : memref<!tpu.dma_semaphore, #tpu.memory_space<semaphore_mem>>) {add = true}
      %dma_wait3A_161 = arith.constant 0 : i32
      %dma_wait3A_162 = arith.constant 0 : i32
      %dma_wait3A_163 = tpu.memref_slice %arg3[%dma_wait3A_161, %dma_wait3A_162] : memref<40960x128xf32, #tpu.memory_space<hbm>> -> memref<128x128xf32, #tpu.memory_space<hbm>>
      %dma_wait3A_164 = arith.constant 0 : i32
      %dma_wait3A_165 = arith.constant 0 : i32
      %dma_wait3A_166 = tpu.memref_slice %arg3[%dma_wait3A_164, %dma_wait3A_165] : memref<40960x128xf32, #tpu.memory_space<hbm>> -> memref<128x128xf32, #tpu.memory_space<hbm>>
      tpu.wait_dma2 semaphore(%arg15 : memref<!tpu.dma_semaphore, #tpu.memory_space<semaphore_mem>>) src(%dma_wait3A_166 : memref<128x128xf32, #tpu.memory_space<hbm>>) dst(%arg9 : memref<128x128xf32, #tpu.memory_space<vmem>>)
      %dma_start3A_167 = arith.constant 4 : i32
      %dma_start3A_168 = arith.constant 0 : i32
      %dma_start3A_169 = tpu.memref_slice %arg7[%dma_start3A_167, %dma_start3A_168] : memref<8x128xi32, #tpu.memory_space<vmem>> -> memref<1x128xi32, #tpu.memory_space<vmem>>
      %dma_start3A_170 = tpu.memref_squeeze %dma_start3A_169 : memref<1x128xi32, #tpu.memory_space<vmem>> -> memref<128xi32, #tpu.memory_space<vmem>>
      %dma_start3A_171 = arith.constant 0 : i32
      %dma_start3A_172 = arith.constant 0 : i32
      %dma_start3A_173 = tpu.memref_slice %arg3[%dma_start3A_171, %dma_start3A_172] : memref<40960x128xf32, #tpu.memory_space<hbm>> -> memref<40960x128xf32, #tpu.memory_space<hbm>>
      tpu.enqueue_indirect_dma source(%dma_start3A_173 : memref<40960x128xf32, #tpu.memory_space<hbm>>) target(%arg9 : memref<128x128xf32, #tpu.memory_space<vmem>>) offsets(%dma_start3A_170 : memref<128xi32, #tpu.memory_space<vmem>>) semaphore(%arg13 : memref<!tpu.dma_semaphore, #tpu.memory_space<semaphore_mem>>)
      %dma_wait3A_174 = arith.constant 0 : i32
      %dma_wait3A_175 = arith.constant 0 : i32
      %dma_wait3A_176 = tpu.memref_slice %arg3[%dma_wait3A_174, %dma_wait3A_175] : memref<40960x128xf32, #tpu.memory_space<hbm>> -> memref<128x128xf32, #tpu.memory_space<hbm>>
      %dma_wait3A_177 = arith.constant 0 : i32
      %dma_wait3A_178 = arith.constant 0 : i32
      %dma_wait3A_179 = tpu.memref_slice %arg3[%dma_wait3A_177, %dma_wait3A_178] : memref<40960x128xf32, #tpu.memory_space<hbm>> -> memref<128x128xf32, #tpu.memory_space<hbm>>
      tpu.wait_dma2 semaphore(%arg16 : memref<!tpu.dma_semaphore, #tpu.memory_space<semaphore_mem>>) src(%dma_wait3A_179 : memref<128x128xf32, #tpu.memory_space<hbm>>) dst(%arg10 : memref<128x128xf32, #tpu.memory_space<vmem>>)
      %dma_start3A_180 = arith.constant 6 : i32
      %dma_start3A_181 = arith.constant 0 : i32
      %dma_start3A_182 = tpu.memref_slice %arg7[%dma_start3A_180, %dma_start3A_181] : memref<8x128xi32, #tpu.memory_space<vmem>> -> memref<1x128xi32, #tpu.memory_space<vmem>>
      %dma_start3A_183 = tpu.memref_squeeze %dma_start3A_182 : memref<1x128xi32, #tpu.memory_space<vmem>> -> memref<128xi32, #tpu.memory_space<vmem>>
      %dma_start3A_184 = arith.constant 0 : i32
      %dma_start3A_185 = arith.constant 0 : i32
      %dma_start3A_186 = tpu.memref_slice %arg3[%dma_start3A_184, %dma_start3A_185] : memref<40960x128xf32, #tpu.memory_space<hbm>> -> memref<40960x128xf32, #tpu.memory_space<hbm>>
      tpu.enqueue_indirect_dma source(%dma_start3A_186 : memref<40960x128xf32, #tpu.memory_space<hbm>>) target(%arg10 : memref<128x128xf32, #tpu.memory_space<vmem>>) offsets(%dma_start3A_183 : memref<128xi32, #tpu.memory_space<vmem>>) semaphore(%arg14 : memref<!tpu.dma_semaphore, #tpu.memory_space<semaphore_mem>>)
      %dma_wait3A_187 = arith.constant 0 : i32
      %dma_wait3A_188 = arith.constant 0 : i32
      %dma_wait3A_189 = tpu.memref_slice %arg2[%dma_wait3A_187, %dma_wait3A_188] : memref<20480x128xi32, #tpu.memory_space<hbm>> -> memref<8x128xi32, #tpu.memory_space<hbm>>
      %dma_wait3A_190 = arith.constant 0 : i32
      %dma_wait3A_191 = arith.constant 0 : i32
      %dma_wait3A_192 = tpu.memref_slice %arg2[%dma_wait3A_190, %dma_wait3A_191] : memref<20480x128xi32, #tpu.memory_space<hbm>> -> memref<8x128xi32, #tpu.memory_space<hbm>>
      tpu.wait_dma2 semaphore(%arg12 : memref<!tpu.dma_semaphore, #tpu.memory_space<semaphore_mem>>) src(%dma_wait3A_192 : memref<8x128xi32, #tpu.memory_space<hbm>>) dst(%arg8 : memref<8x128xi32, #tpu.memory_space<vmem>>)
      %dma_wait3A_193 = arith.constant 0 : i32
      %dma_wait3A_194 = arith.constant 0 : i32
      %dma_wait3A_195 = tpu.memref_slice %arg3[%dma_wait3A_193, %dma_wait3A_194] : memref<40960x128xf32, #tpu.memory_space<hbm>> -> memref<128x128xf32, #tpu.memory_space<hbm>>
      %dma_wait3A_196 = arith.constant 0 : i32
      %dma_wait3A_197 = arith.constant 0 : i32
      %dma_wait3A_198 = tpu.memref_slice %arg3[%dma_wait3A_196, %dma_wait3A_197] : memref<40960x128xf32, #tpu.memory_space<hbm>> -> memref<128x128xf32, #tpu.memory_space<hbm>>
      tpu.wait_dma2 semaphore(%arg13 : memref<!tpu.dma_semaphore, #tpu.memory_space<semaphore_mem>>) src(%dma_wait3A_198 : memref<128x128xf32, #tpu.memory_space<hbm>>) dst(%arg9 : memref<128x128xf32, #tpu.memory_space<vmem>>)
      %dma_start3A_199 = arith.constant 5 : i32
      %dma_start3A_200 = arith.constant 0 : i32
      %dma_start3A_201 = tpu.memref_slice %arg7[%dma_start3A_199, %dma_start3A_200] : memref<8x128xi32, #tpu.memory_space<vmem>> -> memref<1x128xi32, #tpu.memory_space<vmem>>
      %dma_start3A_202 = tpu.memref_squeeze %dma_start3A_201 : memref<1x128xi32, #tpu.memory_space<vmem>> -> memref<128xi32, #tpu.memory_space<vmem>>
      %dma_start3A_203 = arith.constant 0 : i32
      %dma_start3A_204 = arith.constant 0 : i32
      %dma_start3A_205 = tpu.memref_slice %arg6[%dma_start3A_203, %dma_start3A_204] : memref<10240x128xf32, #tpu.memory_space<vmem_shared>> -> memref<10240x128xf32, #tpu.memory_space<vmem_shared>>
      tpu.enqueue_indirect_dma source(%arg9 : memref<128x128xf32, #tpu.memory_space<vmem>>) target(%dma_start3A_205 : memref<10240x128xf32, #tpu.memory_space<vmem_shared>>) offsets(%dma_start3A_202 : memref<128xi32, #tpu.memory_space<vmem>>) semaphore(%arg15 : memref<!tpu.dma_semaphore, #tpu.memory_space<semaphore_mem>>) {add = true}
      %dma_wait3A_206 = arith.constant 0 : i32
      %dma_wait3A_207 = arith.constant 0 : i32
      %dma_wait3A_208 = tpu.memref_slice %arg3[%dma_wait3A_206, %dma_wait3A_207] : memref<40960x128xf32, #tpu.memory_space<hbm>> -> memref<128x128xf32, #tpu.memory_space<hbm>>
      %dma_wait3A_209 = arith.constant 0 : i32
      %dma_wait3A_210 = arith.constant 0 : i32
      %dma_wait3A_211 = tpu.memref_slice %arg3[%dma_wait3A_209, %dma_wait3A_210] : memref<40960x128xf32, #tpu.memory_space<hbm>> -> memref<128x128xf32, #tpu.memory_space<hbm>>
      tpu.wait_dma2 semaphore(%arg14 : memref<!tpu.dma_semaphore, #tpu.memory_space<semaphore_mem>>) src(%dma_wait3A_211 : memref<128x128xf32, #tpu.memory_space<hbm>>) dst(%arg10 : memref<128x128xf32, #tpu.memory_space<vmem>>)
      %dma_start3A_212 = arith.constant 7 : i32
      %dma_start3A_213 = arith.constant 0 : i32
      %dma_start3A_214 = tpu.memref_slice %arg7[%dma_start3A_212, %dma_start3A_213] : memref<8x128xi32, #tpu.memory_space<vmem>> -> memref<1x128xi32, #tpu.memory_space<vmem>>
      %dma_start3A_215 = tpu.memref_squeeze %dma_start3A_214 : memref<1x128xi32, #tpu.memory_space<vmem>> -> memref<128xi32, #tpu.memory_space<vmem>>
      %dma_start3A_216 = arith.constant 0 : i32
      %dma_start3A_217 = arith.constant 0 : i32
      %dma_start3A_218 = tpu.memref_slice %arg6[%dma_start3A_216, %dma_start3A_217] : memref<10240x128xf32, #tpu.memory_space<vmem_shared>> -> memref<10240x128xf32, #tpu.memory_space<vmem_shared>>
      tpu.enqueue_indirect_dma source(%arg10 : memref<128x128xf32, #tpu.memory_space<vmem>>) target(%dma_start3A_218 : memref<10240x128xf32, #tpu.memory_space<vmem_shared>>) offsets(%dma_start3A_215 : memref<128xi32, #tpu.memory_space<vmem>>) semaphore(%arg16 : memref<!tpu.dma_semaphore, #tpu.memory_space<semaphore_mem>>) {add = true}
      %dma_wait3A_219 = arith.constant 0 : i32
      %dma_wait3A_220 = arith.constant 0 : i32
      %dma_wait3A_221 = tpu.memref_slice %arg3[%dma_wait3A_219, %dma_wait3A_220] : memref<40960x128xf32, #tpu.memory_space<hbm>> -> memref<128x128xf32, #tpu.memory_space<hbm>>
      %dma_wait3A_222 = arith.constant 0 : i32
      %dma_wait3A_223 = arith.constant 0 : i32
      %dma_wait3A_224 = tpu.memref_slice %arg3[%dma_wait3A_222, %dma_wait3A_223] : memref<40960x128xf32, #tpu.memory_space<hbm>> -> memref<128x128xf32, #tpu.memory_space<hbm>>
      tpu.wait_dma2 semaphore(%arg15 : memref<!tpu.dma_semaphore, #tpu.memory_space<semaphore_mem>>) src(%dma_wait3A_224 : memref<128x128xf32, #tpu.memory_space<hbm>>) dst(%arg9 : memref<128x128xf32, #tpu.memory_space<vmem>>)
      %dma_start3A_225 = arith.constant 0 : i32
      %dma_start3A_226 = arith.constant 0 : i32
      %dma_start3A_227 = tpu.memref_slice %arg8[%dma_start3A_225, %dma_start3A_226] : memref<8x128xi32, #tpu.memory_space<vmem>> -> memref<1x128xi32, #tpu.memory_space<vmem>>
      %dma_start3A_228 = tpu.memref_squeeze %dma_start3A_227 : memref<1x128xi32, #tpu.memory_space<vmem>> -> memref<128xi32, #tpu.memory_space<vmem>>
      %dma_start3A_229 = arith.constant 0 : i32
      %dma_start3A_230 = arith.constant 0 : i32
      %dma_start3A_231 = tpu.memref_slice %arg3[%dma_start3A_229, %dma_start3A_230] : memref<40960x128xf32, #tpu.memory_space<hbm>> -> memref<40960x128xf32, #tpu.memory_space<hbm>>
      tpu.enqueue_indirect_dma source(%dma_start3A_231 : memref<40960x128xf32, #tpu.memory_space<hbm>>) target(%arg9 : memref<128x128xf32, #tpu.memory_space<vmem>>) offsets(%dma_start3A_228 : memref<128xi32, #tpu.memory_space<vmem>>) semaphore(%arg13 : memref<!tpu.dma_semaphore, #tpu.memory_space<semaphore_mem>>)
      %dma_wait3A_232 = arith.constant 0 : i32
      %dma_wait3A_233 = arith.constant 0 : i32
      %dma_wait3A_234 = tpu.memref_slice %arg3[%dma_wait3A_232, %dma_wait3A_233] : memref<40960x128xf32, #tpu.memory_space<hbm>> -> memref<128x128xf32, #tpu.memory_space<hbm>>
      %dma_wait3A_235 = arith.constant 0 : i32
      %dma_wait3A_236 = arith.constant 0 : i32
      %dma_wait3A_237 = tpu.memref_slice %arg3[%dma_wait3A_235, %dma_wait3A_236] : memref<40960x128xf32, #tpu.memory_space<hbm>> -> memref<128x128xf32, #tpu.memory_space<hbm>>
      tpu.wait_dma2 semaphore(%arg16 : memref<!tpu.dma_semaphore, #tpu.memory_space<semaphore_mem>>) src(%dma_wait3A_237 : memref<128x128xf32, #tpu.memory_space<hbm>>) dst(%arg10 : memref<128x128xf32, #tpu.memory_space<vmem>>)
      %dma_start3A_238 = arith.constant 2 : i32
      %dma_start3A_239 = arith.constant 0 : i32
      %dma_start3A_240 = tpu.memref_slice %arg8[%dma_start3A_238, %dma_start3A_239] : memref<8x128xi32, #tpu.memory_space<vmem>> -> memref<1x128xi32, #tpu.memory_space<vmem>>
      %dma_start3A_241 = tpu.memref_squeeze %dma_start3A_240 : memref<1x128xi32, #tpu.memory_space<vmem>> -> memref<128xi32, #tpu.memory_space<vmem>>
      %dma_start3A_242 = arith.constant 0 : i32
      %dma_start3A_243 = arith.constant 0 : i32
      %dma_start3A_244 = tpu.memref_slice %arg3[%dma_start3A_242, %dma_start3A_243] : memref<40960x128xf32, #tpu.memory_space<hbm>> -> memref<40960x128xf32, #tpu.memory_space<hbm>>
      tpu.enqueue_indirect_dma source(%dma_start3A_244 : memref<40960x128xf32, #tpu.memory_space<hbm>>) target(%arg10 : memref<128x128xf32, #tpu.memory_space<vmem>>) offsets(%dma_start3A_241 : memref<128xi32, #tpu.memory_space<vmem>>) semaphore(%arg14 : memref<!tpu.dma_semaphore, #tpu.memory_space<semaphore_mem>>)
      %not3A = arith.constant true
      %not3A_245 = arith.xori %eq3A_134, %not3A : i1
      %convert_element_type3A = arith.extui %not3A_245 : i1 to i32
      %cond3A = arith.constant 0 : i32
      %cond3A_246 = arith.cmpi ne, %convert_element_type3A, %cond3A : i32
      scf.if %cond3A_246 {
        %add3A_348 = arith.constant 1 : i32
        %add3A_349 = arith.addi %scan3A_132, %add3A_348 : i32
        %mul3A_350 = arith.constant 16 : i32
        %mul3A_351 = arith.muli %add3A_66, %mul3A_350 : i32
        %add3A_352 = arith.addi %mul3A_351, %arg1 : i32
        %mul3A_353 = arith.constant 320 : i32
        %mul3A_354 = arith.muli %add3A_352, %mul3A_353 : i32
        %mul3A_355 = arith.constant 16 : i32
        %mul3A_356 = arith.muli %add3A_349, %mul3A_355 : i32
        %add3A_357 = arith.addi %mul3A_354, %mul3A_356 : i32
        %add3A_358 = arith.constant 0 : i32
        %add3A_359 = arith.addi %add3A_357, %add3A_358 : i32
        %dma_start3A_360 = arith.constant 0 : i32
        %dma_start3A_361 = tpu.memref_slice %arg2[%add3A_359, %dma_start3A_360] : memref<20480x128xi32, #tpu.memory_space<hbm>> -> memref<8x128xi32, #tpu.memory_space<hbm>>
        %dma_start3A_362 = arith.constant 0 : i32
        %dma_start3A_363 = tpu.memref_slice %arg2[%add3A_359, %dma_start3A_362] : memref<20480x128xi32, #tpu.memory_space<hbm>> -> memref<8x128xi32, #tpu.memory_space<hbm>>
        tpu.enqueue_dma source(%dma_start3A_363 : memref<8x128xi32, #tpu.memory_space<hbm>>) target(%arg7 : memref<8x128xi32, #tpu.memory_space<vmem>>) target_semaphore(%arg11 : memref<!tpu.dma_semaphore, #tpu.memory_space<semaphore_mem>>)
      } else {
      }
      %dma_wait3A_247 = arith.constant 0 : i32
      %dma_wait3A_248 = arith.constant 0 : i32
      %dma_wait3A_249 = tpu.memref_slice %arg3[%dma_wait3A_247, %dma_wait3A_248] : memref<40960x128xf32, #tpu.memory_space<hbm>> -> memref<128x128xf32, #tpu.memory_space<hbm>>
      %dma_wait3A_250 = arith.constant 0 : i32
      %dma_wait3A_251 = arith.constant 0 : i32
      %dma_wait3A_252 = tpu.memref_slice %arg3[%dma_wait3A_250, %dma_wait3A_251] : memref<40960x128xf32, #tpu.memory_space<hbm>> -> memref<128x128xf32, #tpu.memory_space<hbm>>
      tpu.wait_dma2 semaphore(%arg13 : memref<!tpu.dma_semaphore, #tpu.memory_space<semaphore_mem>>) src(%dma_wait3A_252 : memref<128x128xf32, #tpu.memory_space<hbm>>) dst(%arg9 : memref<128x128xf32, #tpu.memory_space<vmem>>)
      %dma_start3A_253 = arith.constant 1 : i32
      %dma_start3A_254 = arith.constant 0 : i32
      %dma_start3A_255 = tpu.memref_slice %arg8[%dma_start3A_253, %dma_start3A_254] : memref<8x128xi32, #tpu.memory_space<vmem>> -> memref<1x128xi32, #tpu.memory_space<vmem>>
      %dma_start3A_256 = tpu.memref_squeeze %dma_start3A_255 : memref<1x128xi32, #tpu.memory_space<vmem>> -> memref<128xi32, #tpu.memory_space<vmem>>
      %dma_start3A_257 = arith.constant 0 : i32
      %dma_start3A_258 = arith.constant 0 : i32
      %dma_start3A_259 = tpu.memref_slice %arg6[%dma_start3A_257, %dma_start3A_258] : memref<10240x128xf32, #tpu.memory_space<vmem_shared>> -> memref<10240x128xf32, #tpu.memory_space<vmem_shared>>
      tpu.enqueue_indirect_dma source(%arg9 : memref<128x128xf32, #tpu.memory_space<vmem>>) target(%dma_start3A_259 : memref<10240x128xf32, #tpu.memory_space<vmem_shared>>) offsets(%dma_start3A_256 : memref<128xi32, #tpu.memory_space<vmem>>) semaphore(%arg15 : memref<!tpu.dma_semaphore, #tpu.memory_space<semaphore_mem>>) {add = true}
      %dma_wait3A_260 = arith.constant 0 : i32
      %dma_wait3A_261 = arith.constant 0 : i32
      %dma_wait3A_262 = tpu.memref_slice %arg3[%dma_wait3A_260, %dma_wait3A_261] : memref<40960x128xf32, #tpu.memory_space<hbm>> -> memref<128x128xf32, #tpu.memory_space<hbm>>
      %dma_wait3A_263 = arith.constant 0 : i32
      %dma_wait3A_264 = arith.constant 0 : i32
      %dma_wait3A_265 = tpu.memref_slice %arg3[%dma_wait3A_263, %dma_wait3A_264] : memref<40960x128xf32, #tpu.memory_space<hbm>> -> memref<128x128xf32, #tpu.memory_space<hbm>>
      tpu.wait_dma2 semaphore(%arg14 : memref<!tpu.dma_semaphore, #tpu.memory_space<semaphore_mem>>) src(%dma_wait3A_265 : memref<128x128xf32, #tpu.memory_space<hbm>>) dst(%arg10 : memref<128x128xf32, #tpu.memory_space<vmem>>)
      %dma_start3A_266 = arith.constant 3 : i32
      %dma_start3A_267 = arith.constant 0 : i32
      %dma_start3A_268 = tpu.memref_slice %arg8[%dma_start3A_266, %dma_start3A_267] : memref<8x128xi32, #tpu.memory_space<vmem>> -> memref<1x128xi32, #tpu.memory_space<vmem>>
      %dma_start3A_269 = tpu.memref_squeeze %dma_start3A_268 : memref<1x128xi32, #tpu.memory_space<vmem>> -> memref<128xi32, #tpu.memory_space<vmem>>
      %dma_start3A_270 = arith.constant 0 : i32
      %dma_start3A_271 = arith.constant 0 : i32
      %dma_start3A_272 = tpu.memref_slice %arg6[%dma_start3A_270, %dma_start3A_271] : memref<10240x128xf32, #tpu.memory_space<vmem_shared>> -> memref<10240x128xf32, #tpu.memory_space<vmem_shared>>
      tpu.enqueue_indirect_dma source(%arg10 : memref<128x128xf32, #tpu.memory_space<vmem>>) target(%dma_start3A_272 : memref<10240x128xf32, #tpu.memory_space<vmem_shared>>) offsets(%dma_start3A_269 : memref<128xi32, #tpu.memory_space<vmem>>) semaphore(%arg16 : memref<!tpu.dma_semaphore, #tpu.memory_space<semaphore_mem>>) {add = true}
      %dma_wait3A_273 = arith.constant 0 : i32
      %dma_wait3A_274 = arith.constant 0 : i32
      %dma_wait3A_275 = tpu.memref_slice %arg3[%dma_wait3A_273, %dma_wait3A_274] : memref<40960x128xf32, #tpu.memory_space<hbm>> -> memref<128x128xf32, #tpu.memory_space<hbm>>
      %dma_wait3A_276 = arith.constant 0 : i32
      %dma_wait3A_277 = arith.constant 0 : i32
      %dma_wait3A_278 = tpu.memref_slice %arg3[%dma_wait3A_276, %dma_wait3A_277] : memref<40960x128xf32, #tpu.memory_space<hbm>> -> memref<128x128xf32, #tpu.memory_space<hbm>>
      tpu.wait_dma2 semaphore(%arg15 : memref<!tpu.dma_semaphore, #tpu.memory_space<semaphore_mem>>) src(%dma_wait3A_278 : memref<128x128xf32, #tpu.memory_space<hbm>>) dst(%arg9 : memref<128x128xf32, #tpu.memory_space<vmem>>)
      %dma_start3A_279 = arith.constant 4 : i32
      %dma_start3A_280 = arith.constant 0 : i32
      %dma_start3A_281 = tpu.memref_slice %arg8[%dma_start3A_279, %dma_start3A_280] : memref<8x128xi32, #tpu.memory_space<vmem>> -> memref<1x128xi32, #tpu.memory_space<vmem>>
      %dma_start3A_282 = tpu.memref_squeeze %dma_start3A_281 : memref<1x128xi32, #tpu.memory_space<vmem>> -> memref<128xi32, #tpu.memory_space<vmem>>
      %dma_start3A_283 = arith.constant 0 : i32
      %dma_start3A_284 = arith.constant 0 : i32
      %dma_start3A_285 = tpu.memref_slice %arg3[%dma_start3A_283, %dma_start3A_284] : memref<40960x128xf32, #tpu.memory_space<hbm>> -> memref<40960x128xf32, #tpu.memory_space<hbm>>
      tpu.enqueue_indirect_dma source(%dma_start3A_285 : memref<40960x128xf32, #tpu.memory_space<hbm>>) target(%arg9 : memref<128x128xf32, #tpu.memory_space<vmem>>) offsets(%dma_start3A_282 : memref<128xi32, #tpu.memory_space<vmem>>) semaphore(%arg13 : memref<!tpu.dma_semaphore, #tpu.memory_space<semaphore_mem>>)
      %dma_wait3A_286 = arith.constant 0 : i32
      %dma_wait3A_287 = arith.constant 0 : i32
      %dma_wait3A_288 = tpu.memref_slice %arg3[%dma_wait3A_286, %dma_wait3A_287] : memref<40960x128xf32, #tpu.memory_space<hbm>> -> memref<128x128xf32, #tpu.memory_space<hbm>>
      %dma_wait3A_289 = arith.constant 0 : i32
      %dma_wait3A_290 = arith.constant 0 : i32
      %dma_wait3A_291 = tpu.memref_slice %arg3[%dma_wait3A_289, %dma_wait3A_290] : memref<40960x128xf32, #tpu.memory_space<hbm>> -> memref<128x128xf32, #tpu.memory_space<hbm>>
      tpu.wait_dma2 semaphore(%arg16 : memref<!tpu.dma_semaphore, #tpu.memory_space<semaphore_mem>>) src(%dma_wait3A_291 : memref<128x128xf32, #tpu.memory_space<hbm>>) dst(%arg10 : memref<128x128xf32, #tpu.memory_space<vmem>>)
      %dma_start3A_292 = arith.constant 6 : i32
      %dma_start3A_293 = arith.constant 0 : i32
      %dma_start3A_294 = tpu.memref_slice %arg8[%dma_start3A_292, %dma_start3A_293] : memref<8x128xi32, #tpu.memory_space<vmem>> -> memref<1x128xi32, #tpu.memory_space<vmem>>
      %dma_start3A_295 = tpu.memref_squeeze %dma_start3A_294 : memref<1x128xi32, #tpu.memory_space<vmem>> -> memref<128xi32, #tpu.memory_space<vmem>>
      %dma_start3A_296 = arith.constant 0 : i32
      %dma_start3A_297 = arith.constant 0 : i32
      %dma_start3A_298 = tpu.memref_slice %arg3[%dma_start3A_296, %dma_start3A_297] : memref<40960x128xf32, #tpu.memory_space<hbm>> -> memref<40960x128xf32, #tpu.memory_space<hbm>>
      tpu.enqueue_indirect_dma source(%dma_start3A_298 : memref<40960x128xf32, #tpu.memory_space<hbm>>) target(%arg10 : memref<128x128xf32, #tpu.memory_space<vmem>>) offsets(%dma_start3A_295 : memref<128xi32, #tpu.memory_space<vmem>>) semaphore(%arg14 : memref<!tpu.dma_semaphore, #tpu.memory_space<semaphore_mem>>)
      %dma_wait3A_299 = arith.constant 0 : i32
      %dma_wait3A_300 = arith.constant 0 : i32
      %dma_wait3A_301 = tpu.memref_slice %arg3[%dma_wait3A_299, %dma_wait3A_300] : memref<40960x128xf32, #tpu.memory_space<hbm>> -> memref<128x128xf32, #tpu.memory_space<hbm>>
      %dma_wait3A_302 = arith.constant 0 : i32
      %dma_wait3A_303 = arith.constant 0 : i32
      %dma_wait3A_304 = tpu.memref_slice %arg3[%dma_wait3A_302, %dma_wait3A_303] : memref<40960x128xf32, #tpu.memory_space<hbm>> -> memref<128x128xf32, #tpu.memory_space<hbm>>
      tpu.wait_dma2 semaphore(%arg13 : memref<!tpu.dma_semaphore, #tpu.memory_space<semaphore_mem>>) src(%dma_wait3A_304 : memref<128x128xf32, #tpu.memory_space<hbm>>) dst(%arg9 : memref<128x128xf32, #tpu.memory_space<vmem>>)
      %dma_start3A_305 = arith.constant 5 : i32
      %dma_start3A_306 = arith.constant 0 : i32
      %dma_start3A_307 = tpu.memref_slice %arg8[%dma_start3A_305, %dma_start3A_306] : memref<8x128xi32, #tpu.memory_space<vmem>> -> memref<1x128xi32, #tpu.memory_space<vmem>>
      %dma_start3A_308 = tpu.memref_squeeze %dma_start3A_307 : memref<1x128xi32, #tpu.memory_space<vmem>> -> memref<128xi32, #tpu.memory_space<vmem>>
      %dma_start3A_309 = arith.constant 0 : i32
      %dma_start3A_310 = arith.constant 0 : i32
      %dma_start3A_311 = tpu.memref_slice %arg6[%dma_start3A_309, %dma_start3A_310] : memref<10240x128xf32, #tpu.memory_space<vmem_shared>> -> memref<10240x128xf32, #tpu.memory_space<vmem_shared>>
      tpu.enqueue_indirect_dma source(%arg9 : memref<128x128xf32, #tpu.memory_space<vmem>>) target(%dma_start3A_311 : memref<10240x128xf32, #tpu.memory_space<vmem_shared>>) offsets(%dma_start3A_308 : memref<128xi32, #tpu.memory_space<vmem>>) semaphore(%arg15 : memref<!tpu.dma_semaphore, #tpu.memory_space<semaphore_mem>>) {add = true}
      %dma_wait3A_312 = arith.constant 0 : i32
      %dma_wait3A_313 = arith.constant 0 : i32
      %dma_wait3A_314 = tpu.memref_slice %arg3[%dma_wait3A_312, %dma_wait3A_313] : memref<40960x128xf32, #tpu.memory_space<hbm>> -> memref<128x128xf32, #tpu.memory_space<hbm>>
      %dma_wait3A_315 = arith.constant 0 : i32
      %dma_wait3A_316 = arith.constant 0 : i32
      %dma_wait3A_317 = tpu.memref_slice %arg3[%dma_wait3A_315, %dma_wait3A_316] : memref<40960x128xf32, #tpu.memory_space<hbm>> -> memref<128x128xf32, #tpu.memory_space<hbm>>
      tpu.wait_dma2 semaphore(%arg14 : memref<!tpu.dma_semaphore, #tpu.memory_space<semaphore_mem>>) src(%dma_wait3A_317 : memref<128x128xf32, #tpu.memory_space<hbm>>) dst(%arg10 : memref<128x128xf32, #tpu.memory_space<vmem>>)
      %dma_start3A_318 = arith.constant 7 : i32
      %dma_start3A_319 = arith.constant 0 : i32
      %dma_start3A_320 = tpu.memref_slice %arg8[%dma_start3A_318, %dma_start3A_319] : memref<8x128xi32, #tpu.memory_space<vmem>> -> memref<1x128xi32, #tpu.memory_space<vmem>>
      %dma_start3A_321 = tpu.memref_squeeze %dma_start3A_320 : memref<1x128xi32, #tpu.memory_space<vmem>> -> memref<128xi32, #tpu.memory_space<vmem>>
      %dma_start3A_322 = arith.constant 0 : i32
      %dma_start3A_323 = arith.constant 0 : i32
      %dma_start3A_324 = tpu.memref_slice %arg6[%dma_start3A_322, %dma_start3A_323] : memref<10240x128xf32, #tpu.memory_space<vmem_shared>> -> memref<10240x128xf32, #tpu.memory_space<vmem_shared>>
      tpu.enqueue_indirect_dma source(%arg10 : memref<128x128xf32, #tpu.memory_space<vmem>>) target(%dma_start3A_324 : memref<10240x128xf32, #tpu.memory_space<vmem_shared>>) offsets(%dma_start3A_321 : memref<128xi32, #tpu.memory_space<vmem>>) semaphore(%arg16 : memref<!tpu.dma_semaphore, #tpu.memory_space<semaphore_mem>>) {add = true}
      %dma_wait3A_325 = arith.constant 0 : i32
      %dma_wait3A_326 = arith.constant 0 : i32
      %dma_wait3A_327 = tpu.memref_slice %arg3[%dma_wait3A_325, %dma_wait3A_326] : memref<40960x128xf32, #tpu.memory_space<hbm>> -> memref<128x128xf32, #tpu.memory_space<hbm>>
      %dma_wait3A_328 = arith.constant 0 : i32
      %dma_wait3A_329 = arith.constant 0 : i32
      %dma_wait3A_330 = tpu.memref_slice %arg3[%dma_wait3A_328, %dma_wait3A_329] : memref<40960x128xf32, #tpu.memory_space<hbm>> -> memref<128x128xf32, #tpu.memory_space<hbm>>
      tpu.wait_dma2 semaphore(%arg15 : memref<!tpu.dma_semaphore, #tpu.memory_space<semaphore_mem>>) src(%dma_wait3A_330 : memref<128x128xf32, #tpu.memory_space<hbm>>) dst(%arg9 : memref<128x128xf32, #tpu.memory_space<vmem>>)
      %not3A_331 = arith.constant true
      %not3A_332 = arith.xori %eq3A_134, %not3A_331 : i1
      %convert_element_type3A_333 = arith.extui %not3A_332 : i1 to i32
      %cond3A_334 = arith.constant 0 : i32
      %cond3A_335 = arith.cmpi ne, %convert_element_type3A_333, %cond3A_334 : i32
      scf.if %cond3A_335 {
        %dma_wait3A_348 = arith.constant 0 : i32
        %dma_wait3A_349 = arith.constant 0 : i32
        %dma_wait3A_350 = tpu.memref_slice %arg2[%dma_wait3A_348, %dma_wait3A_349] : memref<20480x128xi32, #tpu.memory_space<hbm>> -> memref<8x128xi32, #tpu.memory_space<hbm>>
        %dma_wait3A_351 = arith.constant 0 : i32
        %dma_wait3A_352 = arith.constant 0 : i32
        %dma_wait3A_353 = tpu.memref_slice %arg2[%dma_wait3A_351, %dma_wait3A_352] : memref<20480x128xi32, #tpu.memory_space<hbm>> -> memref<8x128xi32, #tpu.memory_space<hbm>>
        tpu.wait_dma2 semaphore(%arg11 : memref<!tpu.dma_semaphore, #tpu.memory_space<semaphore_mem>>) src(%dma_wait3A_353 : memref<8x128xi32, #tpu.memory_space<hbm>>) dst(%arg7 : memref<8x128xi32, #tpu.memory_space<vmem>>)
        %dma_start3A_354 = arith.constant 0 : i32
        %dma_start3A_355 = arith.constant 0 : i32
        %dma_start3A_356 = tpu.memref_slice %arg7[%dma_start3A_354, %dma_start3A_355] : memref<8x128xi32, #tpu.memory_space<vmem>> -> memref<1x128xi32, #tpu.memory_space<vmem>>
        %dma_start3A_357 = tpu.memref_squeeze %dma_start3A_356 : memref<1x128xi32, #tpu.memory_space<vmem>> -> memref<128xi32, #tpu.memory_space<vmem>>
        %dma_start3A_358 = arith.constant 0 : i32
        %dma_start3A_359 = arith.constant 0 : i32
        %dma_start3A_360 = tpu.memref_slice %arg3[%dma_start3A_358, %dma_start3A_359] : memref<40960x128xf32, #tpu.memory_space<hbm>> -> memref<40960x128xf32, #tpu.memory_space<hbm>>
        tpu.enqueue_indirect_dma source(%dma_start3A_360 : memref<40960x128xf32, #tpu.memory_space<hbm>>) target(%arg9 : memref<128x128xf32, #tpu.memory_space<vmem>>) offsets(%dma_start3A_357 : memref<128xi32, #tpu.memory_space<vmem>>) semaphore(%arg13 : memref<!tpu.dma_semaphore, #tpu.memory_space<semaphore_mem>>)
      } else {
      }
      %dma_wait3A_336 = arith.constant 0 : i32
      %dma_wait3A_337 = arith.constant 0 : i32
      %dma_wait3A_338 = tpu.memref_slice %arg3[%dma_wait3A_336, %dma_wait3A_337] : memref<40960x128xf32, #tpu.memory_space<hbm>> -> memref<128x128xf32, #tpu.memory_space<hbm>>
      %dma_wait3A_339 = arith.constant 0 : i32
      %dma_wait3A_340 = arith.constant 0 : i32
      %dma_wait3A_341 = tpu.memref_slice %arg3[%dma_wait3A_339, %dma_wait3A_340] : memref<40960x128xf32, #tpu.memory_space<hbm>> -> memref<128x128xf32, #tpu.memory_space<hbm>>
      tpu.wait_dma2 semaphore(%arg16 : memref<!tpu.dma_semaphore, #tpu.memory_space<semaphore_mem>>) src(%dma_wait3A_341 : memref<128x128xf32, #tpu.memory_space<hbm>>) dst(%arg10 : memref<128x128xf32, #tpu.memory_space<vmem>>)
      %not3A_342 = arith.constant true
      %not3A_343 = arith.xori %eq3A_134, %not3A_342 : i1
      %convert_element_type3A_344 = arith.extui %not3A_343 : i1 to i32
      %cond3A_345 = arith.constant 0 : i32
      %cond3A_346 = arith.cmpi ne, %convert_element_type3A_344, %cond3A_345 : i32
      scf.if %cond3A_346 {
        %dma_start3A_348 = arith.constant 2 : i32
        %dma_start3A_349 = arith.constant 0 : i32
        %dma_start3A_350 = tpu.memref_slice %arg7[%dma_start3A_348, %dma_start3A_349] : memref<8x128xi32, #tpu.memory_space<vmem>> -> memref<1x128xi32, #tpu.memory_space<vmem>>
        %dma_start3A_351 = tpu.memref_squeeze %dma_start3A_350 : memref<1x128xi32, #tpu.memory_space<vmem>> -> memref<128xi32, #tpu.memory_space<vmem>>
        %dma_start3A_352 = arith.constant 0 : i32
        %dma_start3A_353 = arith.constant 0 : i32
        %dma_start3A_354 = tpu.memref_slice %arg3[%dma_start3A_352, %dma_start3A_353] : memref<40960x128xf32, #tpu.memory_space<hbm>> -> memref<40960x128xf32, #tpu.memory_space<hbm>>
        tpu.enqueue_indirect_dma source(%dma_start3A_354 : memref<40960x128xf32, #tpu.memory_space<hbm>>) target(%arg10 : memref<128x128xf32, #tpu.memory_space<vmem>>) offsets(%dma_start3A_351 : memref<128xi32, #tpu.memory_space<vmem>>) semaphore(%arg14 : memref<!tpu.dma_semaphore, #tpu.memory_space<semaphore_mem>>)
        %add3A_355 = arith.constant 1 : i32
        %add3A_356 = arith.addi %scan3A_132, %add3A_355 : i32
        %mul3A_357 = arith.constant 16 : i32
        %mul3A_358 = arith.muli %add3A_66, %mul3A_357 : i32
        %add3A_359 = arith.addi %mul3A_358, %arg1 : i32
        %mul3A_360 = arith.constant 320 : i32
        %mul3A_361 = arith.muli %add3A_359, %mul3A_360 : i32
        %mul3A_362 = arith.constant 16 : i32
        %mul3A_363 = arith.muli %add3A_356, %mul3A_362 : i32
        %add3A_364 = arith.addi %mul3A_361, %mul3A_363 : i32
        %add3A_365 = arith.constant 8 : i32
        %add3A_366 = arith.addi %add3A_364, %add3A_365 : i32
        %dma_start3A_367 = arith.constant 0 : i32
        %dma_start3A_368 = tpu.memref_slice %arg2[%add3A_366, %dma_start3A_367] : memref<20480x128xi32, #tpu.memory_space<hbm>> -> memref<8x128xi32, #tpu.memory_space<hbm>>
        %dma_start3A_369 = arith.constant 0 : i32
        %dma_start3A_370 = tpu.memref_slice %arg2[%add3A_366, %dma_start3A_369] : memref<20480x128xi32, #tpu.memory_space<hbm>> -> memref<8x128xi32, #tpu.memory_space<hbm>>
        tpu.enqueue_dma source(%dma_start3A_370 : memref<8x128xi32, #tpu.memory_space<hbm>>) target(%arg8 : memref<8x128xi32, #tpu.memory_space<vmem>>) target_semaphore(%arg12 : memref<!tpu.dma_semaphore, #tpu.memory_space<semaphore_mem>>)
      } else {
      }
      %scan3A_347 = arith.constant 0 : i32
      scf.yield %scan3A_347 : i32
    }
    %scan3A_122 = arith.constant 20 : i32
    %barrier3A_123 = arith.constant 0 : index
    tpu.barrier barrier_id(%barrier3A_123)
    %mul3A_124 = arith.constant 10240 : i32
    %mul3A_125 = arith.muli %add3A_66, %mul3A_124 : i32
    %mul3A_126 = arith.constant 640 : i32
    %mul3A_127 = arith.muli %arg1, %mul3A_126 : i32
    %add3A_128 = arith.addi %mul3A_125, %mul3A_127 : i32
    %mul3A_129 = arith.constant 640 : i32
    %mul3A_130 = arith.muli %arg1, %mul3A_129 : i32
    "tpu.region"() ({
      %run_scoped3A = tpu.sem_alloc : memref<!tpu.dma_semaphore, #tpu.memory_space<semaphore_mem>>
      %dma_start3A_132 = arith.constant 0 : i32
      %dma_start3A_133 = tpu.memref_slice %arg5[%add3A_128, %dma_start3A_132] : memref<40960x128xf32, #tpu.memory_space<hbm>> -> memref<640x128xf32, #tpu.memory_space<hbm>>
      %dma_start3A_134 = arith.constant 0 : i32
      %dma_start3A_135 = tpu.memref_slice %arg6[%mul3A_130, %dma_start3A_134] : memref<10240x128xf32, #tpu.memory_space<vmem_shared>> -> memref<640x128xf32, #tpu.memory_space<vmem_shared>>
      tpu.enqueue_dma source(%dma_start3A_135 : memref<640x128xf32, #tpu.memory_space<vmem_shared>>) target(%dma_start3A_133 : memref<640x128xf32, #tpu.memory_space<hbm>>) target_semaphore(%run_scoped3A : memref<!tpu.dma_semaphore, #tpu.memory_space<semaphore_mem>>)
      %dma_wait3A_136 = arith.constant 0 : i32
      %dma_wait3A_137 = tpu.memref_slice %arg5[%add3A_128, %dma_wait3A_136] : memref<40960x128xf32, #tpu.memory_space<hbm>> -> memref<640x128xf32, #tpu.memory_space<hbm>>
      %dma_wait3A_138 = arith.constant 0 : i32
      %dma_wait3A_139 = tpu.memref_slice %arg6[%mul3A_130, %dma_wait3A_138] : memref<10240x128xf32, #tpu.memory_space<vmem_shared>> -> memref<640x128xf32, #tpu.memory_space<vmem_shared>>
      tpu.wait_dma2 semaphore(%run_scoped3A : memref<!tpu.dma_semaphore, #tpu.memory_space<semaphore_mem>>) src(%dma_wait3A_139 : memref<640x128xf32, #tpu.memory_space<vmem_shared>>) dst(%dma_wait3A_137 : memref<640x128xf32, #tpu.memory_space<hbm>>)
      tpu.yield
    }) : () -> ()
    %barrier3A_131 = arith.constant 0 : index
    tpu.barrier barrier_id(%barrier3A_131)
    return
  }
}

#map = affine_map<(d0, d1) -> (0)>
module attributes {stable_mosaic.version = 14 : i64} {
  func.func @_sc_degree(%arg0: i32, %arg1: i32, %arg2: memref<1310720xi32, #tpu.memory_space<hbm>>, %arg3: memref<10240xf32, #tpu.memory_space<hbm>>, %arg4: memref<40960xf32, #tpu.memory_space<hbm>>, %arg5: memref<10240xf32, #tpu.memory_space<vmem_shared>>, %arg6: memref<10240xf32, #tpu.memory_space<vmem_shared>>, %arg7: memref<128xf32, #tpu.memory_space<vmem>>, %arg8: memref<128xi32, #tpu.memory_space<vmem>>, %arg9: memref<128xi32, #tpu.memory_space<vmem>>, %arg10: memref<128xi32, #tpu.memory_space<vmem>>, %arg11: memref<128xi32, #tpu.memory_space<vmem>>, %arg12: memref<128xi32, #tpu.memory_space<vmem>>, %arg13: memref<128xi32, #tpu.memory_space<vmem>>, %arg14: memref<128xi32, #tpu.memory_space<vmem>>, %arg15: memref<128xi32, #tpu.memory_space<vmem>>, %arg16: memref<!tpu.dma_semaphore, #tpu.memory_space<semaphore_mem>>, %arg17: memref<!tpu.dma_semaphore, #tpu.memory_space<semaphore_mem>>, %arg18: memref<!tpu.dma_semaphore, #tpu.memory_space<semaphore_mem>>, %arg19: memref<!tpu.dma_semaphore, #tpu.memory_space<semaphore_mem>>, %arg20: memref<!tpu.dma_semaphore, #tpu.memory_space<semaphore_mem>>, %arg21: memref<!tpu.dma_semaphore, #tpu.memory_space<semaphore_mem>>, %arg22: memref<!tpu.dma_semaphore, #tpu.memory_space<semaphore_mem>>, %arg23: memref<!tpu.dma_semaphore, #tpu.memory_space<semaphore_mem>>, %arg24: memref<!tpu.dma_semaphore, #tpu.memory_space<semaphore_mem>>, %arg25: memref<!tpu.dma_semaphore, #tpu.memory_space<semaphore_mem>>, %arg26: memref<!tpu.dma_semaphore, #tpu.memory_space<semaphore_mem>>, %arg27: memref<!tpu.dma_semaphore, #tpu.memory_space<semaphore_mem>>, %arg28: memref<!tpu.dma_semaphore, #tpu.memory_space<semaphore_mem>>, %arg29: memref<!tpu.dma_semaphore, #tpu.memory_space<semaphore_mem>>, %arg30: memref<!tpu.dma_semaphore, #tpu.memory_space<semaphore_mem>>, %arg31: memref<!tpu.dma_semaphore, #tpu.memory_space<semaphore_mem>>) attributes {dimension_semantics = [#tpu.dimension_semantics<core_parallel>, #tpu.dimension_semantics<subcore_parallel>], iteration_bounds = array<i64: 2, 16>, scalar_prefetch = 0 : i64, scratch_operands = 27 : i64, tpu.core_type = #tpu.core_type<sc_vector_subcore>, window_params = [{transform_indices = #map}, {transform_indices = #map}, {transform_indices = #map}]} {
    %broadcast_in_dim3A = arith.constant 1.000000e+00 : f32
    %broadcast_in_dim3A_0 = vector.broadcast %broadcast_in_dim3A : f32 to vector<16xf32>
    %swap3A = arith.constant 0 : index
    %swap3A_1 = tpu.vector_load %arg7[%swap3A] {strides = array<i32>} : memref<128xf32, #tpu.memory_space<vmem>>, vector<16xf32>,
    %swap3A_2 = vector.shape_cast %swap3A_1 : vector<16xf32> to vector<16xf32>
    %swap3A_3 = vector.shape_cast %broadcast_in_dim3A_0 : vector<16xf32> to vector<16xf32>
    tpu.vector_store %arg7[%swap3A], %swap3A_3 {strides = array<i32>} : memref<128xf32, #tpu.memory_space<vmem>>, vector<16xf32>,
    %broadcast_in_dim3A_4 = arith.constant 1.000000e+00 : f32
    %broadcast_in_dim3A_5 = vector.broadcast %broadcast_in_dim3A_4 : f32 to vector<16xf32>
    %swap3A_6 = arith.constant 16 : index
    %swap3A_7 = tpu.vector_load %arg7[%swap3A_6] {strides = array<i32>} : memref<128xf32, #tpu.memory_space<vmem>>, vector<16xf32>,
    %swap3A_8 = vector.shape_cast %swap3A_7 : vector<16xf32> to vector<16xf32>
    %swap3A_9 = vector.shape_cast %broadcast_in_dim3A_5 : vector<16xf32> to vector<16xf32>
    tpu.vector_store %arg7[%swap3A_6], %swap3A_9 {strides = array<i32>} : memref<128xf32, #tpu.memory_space<vmem>>, vector<16xf32>,
    %broadcast_in_dim3A_10 = arith.constant 1.000000e+00 : f32
    %broadcast_in_dim3A_11 = vector.broadcast %broadcast_in_dim3A_10 : f32 to vector<16xf32>
    %swap3A_12 = arith.constant 32 : index
    %swap3A_13 = tpu.vector_load %arg7[%swap3A_12] {strides = array<i32>} : memref<128xf32, #tpu.memory_space<vmem>>, vector<16xf32>,
    %swap3A_14 = vector.shape_cast %swap3A_13 : vector<16xf32> to vector<16xf32>
    %swap3A_15 = vector.shape_cast %broadcast_in_dim3A_11 : vector<16xf32> to vector<16xf32>
    tpu.vector_store %arg7[%swap3A_12], %swap3A_15 {strides = array<i32>} : memref<128xf32, #tpu.memory_space<vmem>>, vector<16xf32>,
    %broadcast_in_dim3A_16 = arith.constant 1.000000e+00 : f32
    %broadcast_in_dim3A_17 = vector.broadcast %broadcast_in_dim3A_16 : f32 to vector<16xf32>
    %swap3A_18 = arith.constant 48 : index
    %swap3A_19 = tpu.vector_load %arg7[%swap3A_18] {strides = array<i32>} : memref<128xf32, #tpu.memory_space<vmem>>, vector<16xf32>,
    %swap3A_20 = vector.shape_cast %swap3A_19 : vector<16xf32> to vector<16xf32>
    %swap3A_21 = vector.shape_cast %broadcast_in_dim3A_17 : vector<16xf32> to vector<16xf32>
    tpu.vector_store %arg7[%swap3A_18], %swap3A_21 {strides = array<i32>} : memref<128xf32, #tpu.memory_space<vmem>>, vector<16xf32>,
    %broadcast_in_dim3A_22 = arith.constant 1.000000e+00 : f32
    %broadcast_in_dim3A_23 = vector.broadcast %broadcast_in_dim3A_22 : f32 to vector<16xf32>
    %swap3A_24 = arith.constant 64 : index
    %swap3A_25 = tpu.vector_load %arg7[%swap3A_24] {strides = array<i32>} : memref<128xf32, #tpu.memory_space<vmem>>, vector<16xf32>,
    %swap3A_26 = vector.shape_cast %swap3A_25 : vector<16xf32> to vector<16xf32>
    %swap3A_27 = vector.shape_cast %broadcast_in_dim3A_23 : vector<16xf32> to vector<16xf32>
    tpu.vector_store %arg7[%swap3A_24], %swap3A_27 {strides = array<i32>} : memref<128xf32, #tpu.memory_space<vmem>>, vector<16xf32>,
    %broadcast_in_dim3A_28 = arith.constant 1.000000e+00 : f32
    %broadcast_in_dim3A_29 = vector.broadcast %broadcast_in_dim3A_28 : f32 to vector<16xf32>
    %swap3A_30 = arith.constant 80 : index
    %swap3A_31 = tpu.vector_load %arg7[%swap3A_30] {strides = array<i32>} : memref<128xf32, #tpu.memory_space<vmem>>, vector<16xf32>,
    %swap3A_32 = vector.shape_cast %swap3A_31 : vector<16xf32> to vector<16xf32>
    %swap3A_33 = vector.shape_cast %broadcast_in_dim3A_29 : vector<16xf32> to vector<16xf32>
    tpu.vector_store %arg7[%swap3A_30], %swap3A_33 {strides = array<i32>} : memref<128xf32, #tpu.memory_space<vmem>>, vector<16xf32>,
    %broadcast_in_dim3A_34 = arith.constant 1.000000e+00 : f32
    %broadcast_in_dim3A_35 = vector.broadcast %broadcast_in_dim3A_34 : f32 to vector<16xf32>
    %swap3A_36 = arith.constant 96 : index
    %swap3A_37 = tpu.vector_load %arg7[%swap3A_36] {strides = array<i32>} : memref<128xf32, #tpu.memory_space<vmem>>, vector<16xf32>,
    %swap3A_38 = vector.shape_cast %swap3A_37 : vector<16xf32> to vector<16xf32>
    %swap3A_39 = vector.shape_cast %broadcast_in_dim3A_35 : vector<16xf32> to vector<16xf32>
    tpu.vector_store %arg7[%swap3A_36], %swap3A_39 {strides = array<i32>} : memref<128xf32, #tpu.memory_space<vmem>>, vector<16xf32>,
    %broadcast_in_dim3A_40 = arith.constant 1.000000e+00 : f32
    %broadcast_in_dim3A_41 = vector.broadcast %broadcast_in_dim3A_40 : f32 to vector<16xf32>
    %swap3A_42 = arith.constant 112 : index
    %swap3A_43 = tpu.vector_load %arg7[%swap3A_42] {strides = array<i32>} : memref<128xf32, #tpu.memory_space<vmem>>, vector<16xf32>,
    %swap3A_44 = vector.shape_cast %swap3A_43 : vector<16xf32> to vector<16xf32>
    %swap3A_45 = vector.shape_cast %broadcast_in_dim3A_41 : vector<16xf32> to vector<16xf32>
    tpu.vector_store %arg7[%swap3A_42], %swap3A_45 {strides = array<i32>} : memref<128xf32, #tpu.memory_space<vmem>>, vector<16xf32>,
    %mul3A = arith.constant 640 : i32
    %mul3A_46 = arith.muli %arg1, %mul3A : i32
    %mul3A_47 = arith.constant 640 : i32
    %mul3A_48 = arith.muli %arg1, %mul3A_47 : i32
    "tpu.region"() ({
      %run_scoped3A = tpu.sem_alloc : memref<!tpu.dma_semaphore, #tpu.memory_space<semaphore_mem>>
      %dma_start3A_186 = tpu.memref_slice %arg5[%mul3A_48] : memref<10240xf32, #tpu.memory_space<vmem_shared>> -> memref<640xf32, #tpu.memory_space<vmem_shared>>
      %dma_start3A_187 = tpu.memref_slice %arg3[%mul3A_46] : memref<10240xf32, #tpu.memory_space<hbm>> -> memref<640xf32, #tpu.memory_space<hbm>>
      tpu.enqueue_dma source(%dma_start3A_187 : memref<640xf32, #tpu.memory_space<hbm>>) target(%dma_start3A_186 : memref<640xf32, #tpu.memory_space<vmem_shared>>) target_semaphore(%run_scoped3A : memref<!tpu.dma_semaphore, #tpu.memory_space<semaphore_mem>>)
      %dma_wait3A = tpu.memref_slice %arg5[%mul3A_48] : memref<10240xf32, #tpu.memory_space<vmem_shared>> -> memref<640xf32, #tpu.memory_space<vmem_shared>>
      %dma_wait3A_188 = tpu.memref_slice %arg3[%mul3A_46] : memref<10240xf32, #tpu.memory_space<hbm>> -> memref<640xf32, #tpu.memory_space<hbm>>
      tpu.wait_dma2 semaphore(%run_scoped3A : memref<!tpu.dma_semaphore, #tpu.memory_space<semaphore_mem>>) src(%dma_wait3A_188 : memref<640xf32, #tpu.memory_space<hbm>>) dst(%dma_wait3A : memref<640xf32, #tpu.memory_space<vmem_shared>>)
      tpu.yield
    }) : () -> ()
    %mul3A_49 = arith.constant 640 : i32
    %mul3A_50 = arith.muli %arg1, %mul3A_49 : i32
    %mul3A_51 = arith.constant 640 : i32
    %mul3A_52 = arith.muli %arg1, %mul3A_51 : i32
    "tpu.region"() ({
      %run_scoped3A = tpu.sem_alloc : memref<!tpu.dma_semaphore, #tpu.memory_space<semaphore_mem>>
      %dma_start3A_186 = tpu.memref_slice %arg6[%mul3A_52] : memref<10240xf32, #tpu.memory_space<vmem_shared>> -> memref<640xf32, #tpu.memory_space<vmem_shared>>
      %dma_start3A_187 = tpu.memref_slice %arg3[%mul3A_50] : memref<10240xf32, #tpu.memory_space<hbm>> -> memref<640xf32, #tpu.memory_space<hbm>>
      tpu.enqueue_dma source(%dma_start3A_187 : memref<640xf32, #tpu.memory_space<hbm>>) target(%dma_start3A_186 : memref<640xf32, #tpu.memory_space<vmem_shared>>) target_semaphore(%run_scoped3A : memref<!tpu.dma_semaphore, #tpu.memory_space<semaphore_mem>>)
      %dma_wait3A = tpu.memref_slice %arg6[%mul3A_52] : memref<10240xf32, #tpu.memory_space<vmem_shared>> -> memref<640xf32, #tpu.memory_space<vmem_shared>>
      %dma_wait3A_188 = tpu.memref_slice %arg3[%mul3A_50] : memref<10240xf32, #tpu.memory_space<hbm>> -> memref<640xf32, #tpu.memory_space<hbm>>
      tpu.wait_dma2 semaphore(%run_scoped3A : memref<!tpu.dma_semaphore, #tpu.memory_space<semaphore_mem>>) src(%dma_wait3A_188 : memref<640xf32, #tpu.memory_space<hbm>>) dst(%dma_wait3A : memref<640xf32, #tpu.memory_space<vmem_shared>>)
      tpu.yield
    }) : () -> ()
    %barrier3A = arith.constant 0 : index
    tpu.barrier barrier_id(%barrier3A)
    %mul3A_53 = arith.constant 2 : i32
    %mul3A_54 = arith.muli %arg0, %mul3A_53 : i32
    %add3A = arith.constant 0 : i32
    %add3A_55 = arith.addi %mul3A_54, %add3A : i32
    %mul3A_56 = arith.constant 327680 : i32
    %mul3A_57 = arith.muli %add3A_55, %mul3A_56 : i32
    %mul3A_58 = arith.constant 20480 : i32
    %mul3A_59 = arith.muli %arg1, %mul3A_58 : i32
    %add3A_60 = arith.addi %mul3A_57, %mul3A_59 : i32
    %add3A_61 = arith.constant 0 : i32
    %add3A_62 = arith.addi %add3A_60, %add3A_61 : i32
    %multiple_of3A = tpu.assume_multiple %add3A_62, 128 : i32
    %dma_start3A = tpu.memref_slice %arg2[%multiple_of3A] : memref<1310720xi32, #tpu.memory_space<hbm>> -> memref<128xi32, #tpu.memory_space<hbm>>
    %dma_start3A_63 = tpu.memref_slice %arg2[%multiple_of3A] : memref<1310720xi32, #tpu.memory_space<hbm>> -> memref<128xi32, #tpu.memory_space<hbm>>
    tpu.enqueue_dma source(%dma_start3A_63 : memref<128xi32, #tpu.memory_space<hbm>>) target(%arg8 : memref<128xi32, #tpu.memory_space<vmem>>) target_semaphore(%arg16 : memref<!tpu.dma_semaphore, #tpu.memory_space<semaphore_mem>>)
    %add3A_64 = arith.constant 128 : i32
    %add3A_65 = arith.addi %add3A_60, %add3A_64 : i32
    %multiple_of3A_66 = tpu.assume_multiple %add3A_65, 128 : i32
    %dma_start3A_67 = tpu.memref_slice %arg2[%multiple_of3A_66] : memref<1310720xi32, #tpu.memory_space<hbm>> -> memref<128xi32, #tpu.memory_space<hbm>>
    %dma_start3A_68 = tpu.memref_slice %arg2[%multiple_of3A_66] : memref<1310720xi32, #tpu.memory_space<hbm>> -> memref<128xi32, #tpu.memory_space<hbm>>
    tpu.enqueue_dma source(%dma_start3A_68 : memref<128xi32, #tpu.memory_space<hbm>>) target(%arg9 : memref<128xi32, #tpu.memory_space<vmem>>) target_semaphore(%arg17 : memref<!tpu.dma_semaphore, #tpu.memory_space<semaphore_mem>>)
    %add3A_69 = arith.constant 256 : i32
    %add3A_70 = arith.addi %add3A_60, %add3A_69 : i32
    %multiple_of3A_71 = tpu.assume_multiple %add3A_70, 128 : i32
    %dma_start3A_72 = tpu.memref_slice %arg2[%multiple_of3A_71] : memref<1310720xi32, #tpu.memory_space<hbm>> -> memref<128xi32, #tpu.memory_space<hbm>>
    %dma_start3A_73 = tpu.memref_slice %arg2[%multiple_of3A_71] : memref<1310720xi32, #tpu.memory_space<hbm>> -> memref<128xi32, #tpu.memory_space<hbm>>
    tpu.enqueue_dma source(%dma_start3A_73 : memref<128xi32, #tpu.memory_space<hbm>>) target(%arg10 : memref<128xi32, #tpu.memory_space<vmem>>) target_semaphore(%arg18 : memref<!tpu.dma_semaphore, #tpu.memory_space<semaphore_mem>>)
    %add3A_74 = arith.constant 384 : i32
    %add3A_75 = arith.addi %add3A_60, %add3A_74 : i32
    %multiple_of3A_76 = tpu.assume_multiple %add3A_75, 128 : i32
    %dma_start3A_77 = tpu.memref_slice %arg2[%multiple_of3A_76] : memref<1310720xi32, #tpu.memory_space<hbm>> -> memref<128xi32, #tpu.memory_space<hbm>>
    %dma_start3A_78 = tpu.memref_slice %arg2[%multiple_of3A_76] : memref<1310720xi32, #tpu.memory_space<hbm>> -> memref<128xi32, #tpu.memory_space<hbm>>
    tpu.enqueue_dma source(%dma_start3A_78 : memref<128xi32, #tpu.memory_space<hbm>>) target(%arg11 : memref<128xi32, #tpu.memory_space<vmem>>) target_semaphore(%arg19 : memref<!tpu.dma_semaphore, #tpu.memory_space<semaphore_mem>>)
    %add3A_79 = arith.constant 512 : i32
    %add3A_80 = arith.addi %add3A_60, %add3A_79 : i32
    %multiple_of3A_81 = tpu.assume_multiple %add3A_80, 128 : i32
    %dma_start3A_82 = tpu.memref_slice %arg2[%multiple_of3A_81] : memref<1310720xi32, #tpu.memory_space<hbm>> -> memref<128xi32, #tpu.memory_space<hbm>>
    %dma_start3A_83 = tpu.memref_slice %arg2[%multiple_of3A_81] : memref<1310720xi32, #tpu.memory_space<hbm>> -> memref<128xi32, #tpu.memory_space<hbm>>
    tpu.enqueue_dma source(%dma_start3A_83 : memref<128xi32, #tpu.memory_space<hbm>>) target(%arg12 : memref<128xi32, #tpu.memory_space<vmem>>) target_semaphore(%arg20 : memref<!tpu.dma_semaphore, #tpu.memory_space<semaphore_mem>>)
    %add3A_84 = arith.constant 640 : i32
    %add3A_85 = arith.addi %add3A_60, %add3A_84 : i32
    %multiple_of3A_86 = tpu.assume_multiple %add3A_85, 128 : i32
    %dma_start3A_87 = tpu.memref_slice %arg2[%multiple_of3A_86] : memref<1310720xi32, #tpu.memory_space<hbm>> -> memref<128xi32, #tpu.memory_space<hbm>>
    %dma_start3A_88 = tpu.memref_slice %arg2[%multiple_of3A_86] : memref<1310720xi32, #tpu.memory_space<hbm>> -> memref<128xi32, #tpu.memory_space<hbm>>
    tpu.enqueue_dma source(%dma_start3A_88 : memref<128xi32, #tpu.memory_space<hbm>>) target(%arg13 : memref<128xi32, #tpu.memory_space<vmem>>) target_semaphore(%arg21 : memref<!tpu.dma_semaphore, #tpu.memory_space<semaphore_mem>>)
    %add3A_89 = arith.constant 768 : i32
    %add3A_90 = arith.addi %add3A_60, %add3A_89 : i32
    %multiple_of3A_91 = tpu.assume_multiple %add3A_90, 128 : i32
    %dma_start3A_92 = tpu.memref_slice %arg2[%multiple_of3A_91] : memref<1310720xi32, #tpu.memory_space<hbm>> -> memref<128xi32, #tpu.memory_space<hbm>>
    %dma_start3A_93 = tpu.memref_slice %arg2[%multiple_of3A_91] : memref<1310720xi32, #tpu.memory_space<hbm>> -> memref<128xi32, #tpu.memory_space<hbm>>
    tpu.enqueue_dma source(%dma_start3A_93 : memref<128xi32, #tpu.memory_space<hbm>>) target(%arg14 : memref<128xi32, #tpu.memory_space<vmem>>) target_semaphore(%arg22 : memref<!tpu.dma_semaphore, #tpu.memory_space<semaphore_mem>>)
    %add3A_94 = arith.constant 896 : i32
    %add3A_95 = arith.addi %add3A_60, %add3A_94 : i32
    %multiple_of3A_96 = tpu.assume_multiple %add3A_95, 128 : i32
    %dma_start3A_97 = tpu.memref_slice %arg2[%multiple_of3A_96] : memref<1310720xi32, #tpu.memory_space<hbm>> -> memref<128xi32, #tpu.memory_space<hbm>>
    %dma_start3A_98 = tpu.memref_slice %arg2[%multiple_of3A_96] : memref<1310720xi32, #tpu.memory_space<hbm>> -> memref<128xi32, #tpu.memory_space<hbm>>
    tpu.enqueue_dma source(%dma_start3A_98 : memref<128xi32, #tpu.memory_space<hbm>>) target(%arg15 : memref<128xi32, #tpu.memory_space<vmem>>) target_semaphore(%arg23 : memref<!tpu.dma_semaphore, #tpu.memory_space<semaphore_mem>>)
    %scan3A = arith.constant 0 : i32
    %scan3A_99 = arith.constant 0 : i32
    %scan3A_100 = arith.constant 20 : i32
    %scan3A_101 = arith.addi %scan3A_99, %scan3A_100 : i32
    %scan3A_102 = arith.constant 1 : i32
    %scan3A_103 = scf.for %scan3A_186 = %scan3A_99 to %scan3A_101 step %scan3A_102 iter_args(%scan3A_187 = %scan3A) -> (i32)  : i32 {
      %dma_wait3A = arith.constant 0 : i32
      %dma_wait3A_188 = tpu.memref_slice %arg2[%dma_wait3A] : memref<1310720xi32, #tpu.memory_space<hbm>> -> memref<128xi32, #tpu.memory_space<hbm>>
      %dma_wait3A_189 = arith.constant 0 : i32
      %dma_wait3A_190 = tpu.memref_slice %arg2[%dma_wait3A_189] : memref<1310720xi32, #tpu.memory_space<hbm>> -> memref<128xi32, #tpu.memory_space<hbm>>
      tpu.wait_dma2 semaphore(%arg16 : memref<!tpu.dma_semaphore, #tpu.memory_space<semaphore_mem>>) src(%dma_wait3A_190 : memref<128xi32, #tpu.memory_space<hbm>>) dst(%arg8 : memref<128xi32, #tpu.memory_space<vmem>>)
      %dma_start3A_191 = arith.constant 0 : i32
      %dma_start3A_192 = tpu.memref_slice %arg5[%dma_start3A_191] : memref<10240xf32, #tpu.memory_space<vmem_shared>> -> memref<10240xf32, #tpu.memory_space<vmem_shared>>
      tpu.enqueue_indirect_dma source(%arg7 : memref<128xf32, #tpu.memory_space<vmem>>) target(%dma_start3A_192 : memref<10240xf32, #tpu.memory_space<vmem_shared>>) offsets(%arg8 : memref<128xi32, #tpu.memory_space<vmem>>) semaphore(%arg24 : memref<!tpu.dma_semaphore, #tpu.memory_space<semaphore_mem>>) {add = true}
      %dma_wait3A_193 = arith.constant 0 : i32
      %dma_wait3A_194 = tpu.memref_slice %arg2[%dma_wait3A_193] : memref<1310720xi32, #tpu.memory_space<hbm>> -> memref<128xi32, #tpu.memory_space<hbm>>
      %dma_wait3A_195 = arith.constant 0 : i32
      %dma_wait3A_196 = tpu.memref_slice %arg2[%dma_wait3A_195] : memref<1310720xi32, #tpu.memory_space<hbm>> -> memref<128xi32, #tpu.memory_space<hbm>>
      tpu.wait_dma2 semaphore(%arg17 : memref<!tpu.dma_semaphore, #tpu.memory_space<semaphore_mem>>) src(%dma_wait3A_196 : memref<128xi32, #tpu.memory_space<hbm>>) dst(%arg9 : memref<128xi32, #tpu.memory_space<vmem>>)
      %dma_start3A_197 = arith.constant 0 : i32
      %dma_start3A_198 = tpu.memref_slice %arg5[%dma_start3A_197] : memref<10240xf32, #tpu.memory_space<vmem_shared>> -> memref<10240xf32, #tpu.memory_space<vmem_shared>>
      tpu.enqueue_indirect_dma source(%arg7 : memref<128xf32, #tpu.memory_space<vmem>>) target(%dma_start3A_198 : memref<10240xf32, #tpu.memory_space<vmem_shared>>) offsets(%arg9 : memref<128xi32, #tpu.memory_space<vmem>>) semaphore(%arg25 : memref<!tpu.dma_semaphore, #tpu.memory_space<semaphore_mem>>) {add = true}
      %dma_wait3A_199 = arith.constant 0 : i32
      %dma_wait3A_200 = tpu.memref_slice %arg2[%dma_wait3A_199] : memref<1310720xi32, #tpu.memory_space<hbm>> -> memref<128xi32, #tpu.memory_space<hbm>>
      %dma_wait3A_201 = arith.constant 0 : i32
      %dma_wait3A_202 = tpu.memref_slice %arg2[%dma_wait3A_201] : memref<1310720xi32, #tpu.memory_space<hbm>> -> memref<128xi32, #tpu.memory_space<hbm>>
      tpu.wait_dma2 semaphore(%arg18 : memref<!tpu.dma_semaphore, #tpu.memory_space<semaphore_mem>>) src(%dma_wait3A_202 : memref<128xi32, #tpu.memory_space<hbm>>) dst(%arg10 : memref<128xi32, #tpu.memory_space<vmem>>)
      %dma_start3A_203 = arith.constant 0 : i32
      %dma_start3A_204 = tpu.memref_slice %arg5[%dma_start3A_203] : memref<10240xf32, #tpu.memory_space<vmem_shared>> -> memref<10240xf32, #tpu.memory_space<vmem_shared>>
      tpu.enqueue_indirect_dma source(%arg7 : memref<128xf32, #tpu.memory_space<vmem>>) target(%dma_start3A_204 : memref<10240xf32, #tpu.memory_space<vmem_shared>>) offsets(%arg10 : memref<128xi32, #tpu.memory_space<vmem>>) semaphore(%arg26 : memref<!tpu.dma_semaphore, #tpu.memory_space<semaphore_mem>>) {add = true}
      %dma_wait3A_205 = arith.constant 0 : i32
      %dma_wait3A_206 = tpu.memref_slice %arg2[%dma_wait3A_205] : memref<1310720xi32, #tpu.memory_space<hbm>> -> memref<128xi32, #tpu.memory_space<hbm>>
      %dma_wait3A_207 = arith.constant 0 : i32
      %dma_wait3A_208 = tpu.memref_slice %arg2[%dma_wait3A_207] : memref<1310720xi32, #tpu.memory_space<hbm>> -> memref<128xi32, #tpu.memory_space<hbm>>
      tpu.wait_dma2 semaphore(%arg19 : memref<!tpu.dma_semaphore, #tpu.memory_space<semaphore_mem>>) src(%dma_wait3A_208 : memref<128xi32, #tpu.memory_space<hbm>>) dst(%arg11 : memref<128xi32, #tpu.memory_space<vmem>>)
      %dma_start3A_209 = arith.constant 0 : i32
      %dma_start3A_210 = tpu.memref_slice %arg5[%dma_start3A_209] : memref<10240xf32, #tpu.memory_space<vmem_shared>> -> memref<10240xf32, #tpu.memory_space<vmem_shared>>
      tpu.enqueue_indirect_dma source(%arg7 : memref<128xf32, #tpu.memory_space<vmem>>) target(%dma_start3A_210 : memref<10240xf32, #tpu.memory_space<vmem_shared>>) offsets(%arg11 : memref<128xi32, #tpu.memory_space<vmem>>) semaphore(%arg27 : memref<!tpu.dma_semaphore, #tpu.memory_space<semaphore_mem>>) {add = true}
      %dma_wait3A_211 = arith.constant 0 : i32
      %dma_wait3A_212 = tpu.memref_slice %arg2[%dma_wait3A_211] : memref<1310720xi32, #tpu.memory_space<hbm>> -> memref<128xi32, #tpu.memory_space<hbm>>
      %dma_wait3A_213 = arith.constant 0 : i32
      %dma_wait3A_214 = tpu.memref_slice %arg2[%dma_wait3A_213] : memref<1310720xi32, #tpu.memory_space<hbm>> -> memref<128xi32, #tpu.memory_space<hbm>>
      tpu.wait_dma2 semaphore(%arg20 : memref<!tpu.dma_semaphore, #tpu.memory_space<semaphore_mem>>) src(%dma_wait3A_214 : memref<128xi32, #tpu.memory_space<hbm>>) dst(%arg12 : memref<128xi32, #tpu.memory_space<vmem>>)
      %dma_start3A_215 = arith.constant 0 : i32
      %dma_start3A_216 = tpu.memref_slice %arg5[%dma_start3A_215] : memref<10240xf32, #tpu.memory_space<vmem_shared>> -> memref<10240xf32, #tpu.memory_space<vmem_shared>>
      tpu.enqueue_indirect_dma source(%arg7 : memref<128xf32, #tpu.memory_space<vmem>>) target(%dma_start3A_216 : memref<10240xf32, #tpu.memory_space<vmem_shared>>) offsets(%arg12 : memref<128xi32, #tpu.memory_space<vmem>>) semaphore(%arg28 : memref<!tpu.dma_semaphore, #tpu.memory_space<semaphore_mem>>) {add = true}
      %dma_wait3A_217 = arith.constant 0 : i32
      %dma_wait3A_218 = tpu.memref_slice %arg2[%dma_wait3A_217] : memref<1310720xi32, #tpu.memory_space<hbm>> -> memref<128xi32, #tpu.memory_space<hbm>>
      %dma_wait3A_219 = arith.constant 0 : i32
      %dma_wait3A_220 = tpu.memref_slice %arg2[%dma_wait3A_219] : memref<1310720xi32, #tpu.memory_space<hbm>> -> memref<128xi32, #tpu.memory_space<hbm>>
      tpu.wait_dma2 semaphore(%arg21 : memref<!tpu.dma_semaphore, #tpu.memory_space<semaphore_mem>>) src(%dma_wait3A_220 : memref<128xi32, #tpu.memory_space<hbm>>) dst(%arg13 : memref<128xi32, #tpu.memory_space<vmem>>)
      %dma_start3A_221 = arith.constant 0 : i32
      %dma_start3A_222 = tpu.memref_slice %arg5[%dma_start3A_221] : memref<10240xf32, #tpu.memory_space<vmem_shared>> -> memref<10240xf32, #tpu.memory_space<vmem_shared>>
      tpu.enqueue_indirect_dma source(%arg7 : memref<128xf32, #tpu.memory_space<vmem>>) target(%dma_start3A_222 : memref<10240xf32, #tpu.memory_space<vmem_shared>>) offsets(%arg13 : memref<128xi32, #tpu.memory_space<vmem>>) semaphore(%arg29 : memref<!tpu.dma_semaphore, #tpu.memory_space<semaphore_mem>>) {add = true}
      %dma_wait3A_223 = arith.constant 0 : i32
      %dma_wait3A_224 = tpu.memref_slice %arg2[%dma_wait3A_223] : memref<1310720xi32, #tpu.memory_space<hbm>> -> memref<128xi32, #tpu.memory_space<hbm>>
      %dma_wait3A_225 = arith.constant 0 : i32
      %dma_wait3A_226 = tpu.memref_slice %arg2[%dma_wait3A_225] : memref<1310720xi32, #tpu.memory_space<hbm>> -> memref<128xi32, #tpu.memory_space<hbm>>
      tpu.wait_dma2 semaphore(%arg22 : memref<!tpu.dma_semaphore, #tpu.memory_space<semaphore_mem>>) src(%dma_wait3A_226 : memref<128xi32, #tpu.memory_space<hbm>>) dst(%arg14 : memref<128xi32, #tpu.memory_space<vmem>>)
      %dma_start3A_227 = arith.constant 0 : i32
      %dma_start3A_228 = tpu.memref_slice %arg5[%dma_start3A_227] : memref<10240xf32, #tpu.memory_space<vmem_shared>> -> memref<10240xf32, #tpu.memory_space<vmem_shared>>
      tpu.enqueue_indirect_dma source(%arg7 : memref<128xf32, #tpu.memory_space<vmem>>) target(%dma_start3A_228 : memref<10240xf32, #tpu.memory_space<vmem_shared>>) offsets(%arg14 : memref<128xi32, #tpu.memory_space<vmem>>) semaphore(%arg30 : memref<!tpu.dma_semaphore, #tpu.memory_space<semaphore_mem>>) {add = true}
      %dma_wait3A_229 = arith.constant 0 : i32
      %dma_wait3A_230 = tpu.memref_slice %arg2[%dma_wait3A_229] : memref<1310720xi32, #tpu.memory_space<hbm>> -> memref<128xi32, #tpu.memory_space<hbm>>
      %dma_wait3A_231 = arith.constant 0 : i32
      %dma_wait3A_232 = tpu.memref_slice %arg2[%dma_wait3A_231] : memref<1310720xi32, #tpu.memory_space<hbm>> -> memref<128xi32, #tpu.memory_space<hbm>>
      tpu.wait_dma2 semaphore(%arg23 : memref<!tpu.dma_semaphore, #tpu.memory_space<semaphore_mem>>) src(%dma_wait3A_232 : memref<128xi32, #tpu.memory_space<hbm>>) dst(%arg15 : memref<128xi32, #tpu.memory_space<vmem>>)
      %dma_start3A_233 = arith.constant 0 : i32
      %dma_start3A_234 = tpu.memref_slice %arg5[%dma_start3A_233] : memref<10240xf32, #tpu.memory_space<vmem_shared>> -> memref<10240xf32, #tpu.memory_space<vmem_shared>>
      tpu.enqueue_indirect_dma source(%arg7 : memref<128xf32, #tpu.memory_space<vmem>>) target(%dma_start3A_234 : memref<10240xf32, #tpu.memory_space<vmem_shared>>) offsets(%arg15 : memref<128xi32, #tpu.memory_space<vmem>>) semaphore(%arg31 : memref<!tpu.dma_semaphore, #tpu.memory_space<semaphore_mem>>) {add = true}
      %dma_wait3A_235 = arith.constant 0 : i32
      %dma_wait3A_236 = tpu.memref_slice %arg3[%dma_wait3A_235] : memref<10240xf32, #tpu.memory_space<hbm>> -> memref<128xf32, #tpu.memory_space<hbm>>
      %dma_wait3A_237 = arith.constant 0 : i32
      %dma_wait3A_238 = tpu.memref_slice %arg3[%dma_wait3A_237] : memref<10240xf32, #tpu.memory_space<hbm>> -> memref<128xf32, #tpu.memory_space<hbm>>
      tpu.wait_dma2 semaphore(%arg24 : memref<!tpu.dma_semaphore, #tpu.memory_space<semaphore_mem>>) src(%dma_wait3A_238 : memref<128xf32, #tpu.memory_space<hbm>>) dst(%arg7 : memref<128xf32, #tpu.memory_space<vmem>>)
      %lt3A = arith.constant 19 : i32
      %lt3A_239 = arith.cmpi slt, %scan3A_186, %lt3A : i32
      %convert_element_type3A = arith.extui %lt3A_239 : i1 to i32
      %cond3A = arith.constant 0 : i32
      %cond3A_240 = arith.cmpi ne, %convert_element_type3A, %cond3A : i32
      scf.if %cond3A_240 {
        %add3A_305 = arith.constant 1 : i32
        %add3A_306 = arith.addi %scan3A_186, %add3A_305 : i32
        %mul3A_307 = arith.constant 8 : i32
        %mul3A_308 = arith.muli %add3A_306, %mul3A_307 : i32
        %add3A_309 = arith.constant 0 : i32
        %add3A_310 = arith.addi %mul3A_308, %add3A_309 : i32
        %mul3A_311 = arith.constant 128 : i32
        %mul3A_312 = arith.muli %add3A_310, %mul3A_311 : i32
        %add3A_313 = arith.addi %add3A_60, %mul3A_312 : i32
        %multiple_of3A_314 = tpu.assume_multiple %add3A_313, 128 : i32
        %dma_start3A_315 = tpu.memref_slice %arg2[%multiple_of3A_314] : memref<1310720xi32, #tpu.memory_space<hbm>> -> memref<128xi32, #tpu.memory_space<hbm>>
        %dma_start3A_316 = tpu.memref_slice %arg2[%multiple_of3A_314] : memref<1310720xi32, #tpu.memory_space<hbm>> -> memref<128xi32, #tpu.memory_space<hbm>>
        tpu.enqueue_dma source(%dma_start3A_316 : memref<128xi32, #tpu.memory_space<hbm>>) target(%arg8 : memref<128xi32, #tpu.memory_space<vmem>>) target_semaphore(%arg16 : memref<!tpu.dma_semaphore, #tpu.memory_space<semaphore_mem>>)
      } else {
      }
      %dma_wait3A_241 = arith.constant 0 : i32
      %dma_wait3A_242 = tpu.memref_slice %arg3[%dma_wait3A_241] : memref<10240xf32, #tpu.memory_space<hbm>> -> memref<128xf32, #tpu.memory_space<hbm>>
      %dma_wait3A_243 = arith.constant 0 : i32
      %dma_wait3A_244 = tpu.memref_slice %arg3[%dma_wait3A_243] : memref<10240xf32, #tpu.memory_space<hbm>> -> memref<128xf32, #tpu.memory_space<hbm>>
      tpu.wait_dma2 semaphore(%arg25 : memref<!tpu.dma_semaphore, #tpu.memory_space<semaphore_mem>>) src(%dma_wait3A_244 : memref<128xf32, #tpu.memory_space<hbm>>) dst(%arg7 : memref<128xf32, #tpu.memory_space<vmem>>)
      %lt3A_245 = arith.constant 19 : i32
      %lt3A_246 = arith.cmpi slt, %scan3A_186, %lt3A_245 : i32
      %convert_element_type3A_247 = arith.extui %lt3A_246 : i1 to i32
      %cond3A_248 = arith.constant 0 : i32
      %cond3A_249 = arith.cmpi ne, %convert_element_type3A_247, %cond3A_248 : i32
      scf.if %cond3A_249 {
        %add3A_305 = arith.constant 1 : i32
        %add3A_306 = arith.addi %scan3A_186, %add3A_305 : i32
        %mul3A_307 = arith.constant 8 : i32
        %mul3A_308 = arith.muli %add3A_306, %mul3A_307 : i32
        %add3A_309 = arith.constant 1 : i32
        %add3A_310 = arith.addi %mul3A_308, %add3A_309 : i32
        %mul3A_311 = arith.constant 128 : i32
        %mul3A_312 = arith.muli %add3A_310, %mul3A_311 : i32
        %add3A_313 = arith.addi %add3A_60, %mul3A_312 : i32
        %multiple_of3A_314 = tpu.assume_multiple %add3A_313, 128 : i32
        %dma_start3A_315 = tpu.memref_slice %arg2[%multiple_of3A_314] : memref<1310720xi32, #tpu.memory_space<hbm>> -> memref<128xi32, #tpu.memory_space<hbm>>
        %dma_start3A_316 = tpu.memref_slice %arg2[%multiple_of3A_314] : memref<1310720xi32, #tpu.memory_space<hbm>> -> memref<128xi32, #tpu.memory_space<hbm>>
        tpu.enqueue_dma source(%dma_start3A_316 : memref<128xi32, #tpu.memory_space<hbm>>) target(%arg9 : memref<128xi32, #tpu.memory_space<vmem>>) target_semaphore(%arg17 : memref<!tpu.dma_semaphore, #tpu.memory_space<semaphore_mem>>)
      } else {
      }
      %dma_wait3A_250 = arith.constant 0 : i32
      %dma_wait3A_251 = tpu.memref_slice %arg3[%dma_wait3A_250] : memref<10240xf32, #tpu.memory_space<hbm>> -> memref<128xf32, #tpu.memory_space<hbm>>
      %dma_wait3A_252 = arith.constant 0 : i32
      %dma_wait3A_253 = tpu.memref_slice %arg3[%dma_wait3A_252] : memref<10240xf32, #tpu.memory_space<hbm>> -> memref<128xf32, #tpu.memory_space<hbm>>
      tpu.wait_dma2 semaphore(%arg26 : memref<!tpu.dma_semaphore, #tpu.memory_space<semaphore_mem>>) src(%dma_wait3A_253 : memref<128xf32, #tpu.memory_space<hbm>>) dst(%arg7 : memref<128xf32, #tpu.memory_space<vmem>>)
      %lt3A_254 = arith.constant 19 : i32
      %lt3A_255 = arith.cmpi slt, %scan3A_186, %lt3A_254 : i32
      %convert_element_type3A_256 = arith.extui %lt3A_255 : i1 to i32
      %cond3A_257 = arith.constant 0 : i32
      %cond3A_258 = arith.cmpi ne, %convert_element_type3A_256, %cond3A_257 : i32
      scf.if %cond3A_258 {
        %add3A_305 = arith.constant 1 : i32
        %add3A_306 = arith.addi %scan3A_186, %add3A_305 : i32
        %mul3A_307 = arith.constant 8 : i32
        %mul3A_308 = arith.muli %add3A_306, %mul3A_307 : i32
        %add3A_309 = arith.constant 2 : i32
        %add3A_310 = arith.addi %mul3A_308, %add3A_309 : i32
        %mul3A_311 = arith.constant 128 : i32
        %mul3A_312 = arith.muli %add3A_310, %mul3A_311 : i32
        %add3A_313 = arith.addi %add3A_60, %mul3A_312 : i32
        %multiple_of3A_314 = tpu.assume_multiple %add3A_313, 128 : i32
        %dma_start3A_315 = tpu.memref_slice %arg2[%multiple_of3A_314] : memref<1310720xi32, #tpu.memory_space<hbm>> -> memref<128xi32, #tpu.memory_space<hbm>>
        %dma_start3A_316 = tpu.memref_slice %arg2[%multiple_of3A_314] : memref<1310720xi32, #tpu.memory_space<hbm>> -> memref<128xi32, #tpu.memory_space<hbm>>
        tpu.enqueue_dma source(%dma_start3A_316 : memref<128xi32, #tpu.memory_space<hbm>>) target(%arg10 : memref<128xi32, #tpu.memory_space<vmem>>) target_semaphore(%arg18 : memref<!tpu.dma_semaphore, #tpu.memory_space<semaphore_mem>>)
      } else {
      }
      %dma_wait3A_259 = arith.constant 0 : i32
      %dma_wait3A_260 = tpu.memref_slice %arg3[%dma_wait3A_259] : memref<10240xf32, #tpu.memory_space<hbm>> -> memref<128xf32, #tpu.memory_space<hbm>>
      %dma_wait3A_261 = arith.constant 0 : i32
      %dma_wait3A_262 = tpu.memref_slice %arg3[%dma_wait3A_261] : memref<10240xf32, #tpu.memory_space<hbm>> -> memref<128xf32, #tpu.memory_space<hbm>>
      tpu.wait_dma2 semaphore(%arg27 : memref<!tpu.dma_semaphore, #tpu.memory_space<semaphore_mem>>) src(%dma_wait3A_262 : memref<128xf32, #tpu.memory_space<hbm>>) dst(%arg7 : memref<128xf32, #tpu.memory_space<vmem>>)
      %lt3A_263 = arith.constant 19 : i32
      %lt3A_264 = arith.cmpi slt, %scan3A_186, %lt3A_263 : i32
      %convert_element_type3A_265 = arith.extui %lt3A_264 : i1 to i32
      %cond3A_266 = arith.constant 0 : i32
      %cond3A_267 = arith.cmpi ne, %convert_element_type3A_265, %cond3A_266 : i32
      scf.if %cond3A_267 {
        %add3A_305 = arith.constant 1 : i32
        %add3A_306 = arith.addi %scan3A_186, %add3A_305 : i32
        %mul3A_307 = arith.constant 8 : i32
        %mul3A_308 = arith.muli %add3A_306, %mul3A_307 : i32
        %add3A_309 = arith.constant 3 : i32
        %add3A_310 = arith.addi %mul3A_308, %add3A_309 : i32
        %mul3A_311 = arith.constant 128 : i32
        %mul3A_312 = arith.muli %add3A_310, %mul3A_311 : i32
        %add3A_313 = arith.addi %add3A_60, %mul3A_312 : i32
        %multiple_of3A_314 = tpu.assume_multiple %add3A_313, 128 : i32
        %dma_start3A_315 = tpu.memref_slice %arg2[%multiple_of3A_314] : memref<1310720xi32, #tpu.memory_space<hbm>> -> memref<128xi32, #tpu.memory_space<hbm>>
        %dma_start3A_316 = tpu.memref_slice %arg2[%multiple_of3A_314] : memref<1310720xi32, #tpu.memory_space<hbm>> -> memref<128xi32, #tpu.memory_space<hbm>>
        tpu.enqueue_dma source(%dma_start3A_316 : memref<128xi32, #tpu.memory_space<hbm>>) target(%arg11 : memref<128xi32, #tpu.memory_space<vmem>>) target_semaphore(%arg19 : memref<!tpu.dma_semaphore, #tpu.memory_space<semaphore_mem>>)
      } else {
      }
      %dma_wait3A_268 = arith.constant 0 : i32
      %dma_wait3A_269 = tpu.memref_slice %arg3[%dma_wait3A_268] : memref<10240xf32, #tpu.memory_space<hbm>> -> memref<128xf32, #tpu.memory_space<hbm>>
      %dma_wait3A_270 = arith.constant 0 : i32
      %dma_wait3A_271 = tpu.memref_slice %arg3[%dma_wait3A_270] : memref<10240xf32, #tpu.memory_space<hbm>> -> memref<128xf32, #tpu.memory_space<hbm>>
      tpu.wait_dma2 semaphore(%arg28 : memref<!tpu.dma_semaphore, #tpu.memory_space<semaphore_mem>>) src(%dma_wait3A_271 : memref<128xf32, #tpu.memory_space<hbm>>) dst(%arg7 : memref<128xf32, #tpu.memory_space<vmem>>)
      %lt3A_272 = arith.constant 19 : i32
      %lt3A_273 = arith.cmpi slt, %scan3A_186, %lt3A_272 : i32
      %convert_element_type3A_274 = arith.extui %lt3A_273 : i1 to i32
      %cond3A_275 = arith.constant 0 : i32
      %cond3A_276 = arith.cmpi ne, %convert_element_type3A_274, %cond3A_275 : i32
      scf.if %cond3A_276 {
        %add3A_305 = arith.constant 1 : i32
        %add3A_306 = arith.addi %scan3A_186, %add3A_305 : i32
        %mul3A_307 = arith.constant 8 : i32
        %mul3A_308 = arith.muli %add3A_306, %mul3A_307 : i32
        %add3A_309 = arith.constant 4 : i32
        %add3A_310 = arith.addi %mul3A_308, %add3A_309 : i32
        %mul3A_311 = arith.constant 128 : i32
        %mul3A_312 = arith.muli %add3A_310, %mul3A_311 : i32
        %add3A_313 = arith.addi %add3A_60, %mul3A_312 : i32
        %multiple_of3A_314 = tpu.assume_multiple %add3A_313, 128 : i32
        %dma_start3A_315 = tpu.memref_slice %arg2[%multiple_of3A_314] : memref<1310720xi32, #tpu.memory_space<hbm>> -> memref<128xi32, #tpu.memory_space<hbm>>
        %dma_start3A_316 = tpu.memref_slice %arg2[%multiple_of3A_314] : memref<1310720xi32, #tpu.memory_space<hbm>> -> memref<128xi32, #tpu.memory_space<hbm>>
        tpu.enqueue_dma source(%dma_start3A_316 : memref<128xi32, #tpu.memory_space<hbm>>) target(%arg12 : memref<128xi32, #tpu.memory_space<vmem>>) target_semaphore(%arg20 : memref<!tpu.dma_semaphore, #tpu.memory_space<semaphore_mem>>)
      } else {
      }
      %dma_wait3A_277 = arith.constant 0 : i32
      %dma_wait3A_278 = tpu.memref_slice %arg3[%dma_wait3A_277] : memref<10240xf32, #tpu.memory_space<hbm>> -> memref<128xf32, #tpu.memory_space<hbm>>
      %dma_wait3A_279 = arith.constant 0 : i32
      %dma_wait3A_280 = tpu.memref_slice %arg3[%dma_wait3A_279] : memref<10240xf32, #tpu.memory_space<hbm>> -> memref<128xf32, #tpu.memory_space<hbm>>
      tpu.wait_dma2 semaphore(%arg29 : memref<!tpu.dma_semaphore, #tpu.memory_space<semaphore_mem>>) src(%dma_wait3A_280 : memref<128xf32, #tpu.memory_space<hbm>>) dst(%arg7 : memref<128xf32, #tpu.memory_space<vmem>>)
      %lt3A_281 = arith.constant 19 : i32
      %lt3A_282 = arith.cmpi slt, %scan3A_186, %lt3A_281 : i32
      %convert_element_type3A_283 = arith.extui %lt3A_282 : i1 to i32
      %cond3A_284 = arith.constant 0 : i32
      %cond3A_285 = arith.cmpi ne, %convert_element_type3A_283, %cond3A_284 : i32
      scf.if %cond3A_285 {
        %add3A_305 = arith.constant 1 : i32
        %add3A_306 = arith.addi %scan3A_186, %add3A_305 : i32
        %mul3A_307 = arith.constant 8 : i32
        %mul3A_308 = arith.muli %add3A_306, %mul3A_307 : i32
        %add3A_309 = arith.constant 5 : i32
        %add3A_310 = arith.addi %mul3A_308, %add3A_309 : i32
        %mul3A_311 = arith.constant 128 : i32
        %mul3A_312 = arith.muli %add3A_310, %mul3A_311 : i32
        %add3A_313 = arith.addi %add3A_60, %mul3A_312 : i32
        %multiple_of3A_314 = tpu.assume_multiple %add3A_313, 128 : i32
        %dma_start3A_315 = tpu.memref_slice %arg2[%multiple_of3A_314] : memref<1310720xi32, #tpu.memory_space<hbm>> -> memref<128xi32, #tpu.memory_space<hbm>>
        %dma_start3A_316 = tpu.memref_slice %arg2[%multiple_of3A_314] : memref<1310720xi32, #tpu.memory_space<hbm>> -> memref<128xi32, #tpu.memory_space<hbm>>
        tpu.enqueue_dma source(%dma_start3A_316 : memref<128xi32, #tpu.memory_space<hbm>>) target(%arg13 : memref<128xi32, #tpu.memory_space<vmem>>) target_semaphore(%arg21 : memref<!tpu.dma_semaphore, #tpu.memory_space<semaphore_mem>>)
      } else {
      }
      %dma_wait3A_286 = arith.constant 0 : i32
      %dma_wait3A_287 = tpu.memref_slice %arg3[%dma_wait3A_286] : memref<10240xf32, #tpu.memory_space<hbm>> -> memref<128xf32, #tpu.memory_space<hbm>>
      %dma_wait3A_288 = arith.constant 0 : i32
      %dma_wait3A_289 = tpu.memref_slice %arg3[%dma_wait3A_288] : memref<10240xf32, #tpu.memory_space<hbm>> -> memref<128xf32, #tpu.memory_space<hbm>>
      tpu.wait_dma2 semaphore(%arg30 : memref<!tpu.dma_semaphore, #tpu.memory_space<semaphore_mem>>) src(%dma_wait3A_289 : memref<128xf32, #tpu.memory_space<hbm>>) dst(%arg7 : memref<128xf32, #tpu.memory_space<vmem>>)
      %lt3A_290 = arith.constant 19 : i32
      %lt3A_291 = arith.cmpi slt, %scan3A_186, %lt3A_290 : i32
      %convert_element_type3A_292 = arith.extui %lt3A_291 : i1 to i32
      %cond3A_293 = arith.constant 0 : i32
      %cond3A_294 = arith.cmpi ne, %convert_element_type3A_292, %cond3A_293 : i32
      scf.if %cond3A_294 {
        %add3A_305 = arith.constant 1 : i32
        %add3A_306 = arith.addi %scan3A_186, %add3A_305 : i32
        %mul3A_307 = arith.constant 8 : i32
        %mul3A_308 = arith.muli %add3A_306, %mul3A_307 : i32
        %add3A_309 = arith.constant 6 : i32
        %add3A_310 = arith.addi %mul3A_308, %add3A_309 : i32
        %mul3A_311 = arith.constant 128 : i32
        %mul3A_312 = arith.muli %add3A_310, %mul3A_311 : i32
        %add3A_313 = arith.addi %add3A_60, %mul3A_312 : i32
        %multiple_of3A_314 = tpu.assume_multiple %add3A_313, 128 : i32
        %dma_start3A_315 = tpu.memref_slice %arg2[%multiple_of3A_314] : memref<1310720xi32, #tpu.memory_space<hbm>> -> memref<128xi32, #tpu.memory_space<hbm>>
        %dma_start3A_316 = tpu.memref_slice %arg2[%multiple_of3A_314] : memref<1310720xi32, #tpu.memory_space<hbm>> -> memref<128xi32, #tpu.memory_space<hbm>>
        tpu.enqueue_dma source(%dma_start3A_316 : memref<128xi32, #tpu.memory_space<hbm>>) target(%arg14 : memref<128xi32, #tpu.memory_space<vmem>>) target_semaphore(%arg22 : memref<!tpu.dma_semaphore, #tpu.memory_space<semaphore_mem>>)
      } else {
      }
      %dma_wait3A_295 = arith.constant 0 : i32
      %dma_wait3A_296 = tpu.memref_slice %arg3[%dma_wait3A_295] : memref<10240xf32, #tpu.memory_space<hbm>> -> memref<128xf32, #tpu.memory_space<hbm>>
      %dma_wait3A_297 = arith.constant 0 : i32
      %dma_wait3A_298 = tpu.memref_slice %arg3[%dma_wait3A_297] : memref<10240xf32, #tpu.memory_space<hbm>> -> memref<128xf32, #tpu.memory_space<hbm>>
      tpu.wait_dma2 semaphore(%arg31 : memref<!tpu.dma_semaphore, #tpu.memory_space<semaphore_mem>>) src(%dma_wait3A_298 : memref<128xf32, #tpu.memory_space<hbm>>) dst(%arg7 : memref<128xf32, #tpu.memory_space<vmem>>)
      %lt3A_299 = arith.constant 19 : i32
      %lt3A_300 = arith.cmpi slt, %scan3A_186, %lt3A_299 : i32
      %convert_element_type3A_301 = arith.extui %lt3A_300 : i1 to i32
      %cond3A_302 = arith.constant 0 : i32
      %cond3A_303 = arith.cmpi ne, %convert_element_type3A_301, %cond3A_302 : i32
      scf.if %cond3A_303 {
        %add3A_305 = arith.constant 1 : i32
        %add3A_306 = arith.addi %scan3A_186, %add3A_305 : i32
        %mul3A_307 = arith.constant 8 : i32
        %mul3A_308 = arith.muli %add3A_306, %mul3A_307 : i32
        %add3A_309 = arith.constant 7 : i32
        %add3A_310 = arith.addi %mul3A_308, %add3A_309 : i32
        %mul3A_311 = arith.constant 128 : i32
        %mul3A_312 = arith.muli %add3A_310, %mul3A_311 : i32
        %add3A_313 = arith.addi %add3A_60, %mul3A_312 : i32
        %multiple_of3A_314 = tpu.assume_multiple %add3A_313, 128 : i32
        %dma_start3A_315 = tpu.memref_slice %arg2[%multiple_of3A_314] : memref<1310720xi32, #tpu.memory_space<hbm>> -> memref<128xi32, #tpu.memory_space<hbm>>
        %dma_start3A_316 = tpu.memref_slice %arg2[%multiple_of3A_314] : memref<1310720xi32, #tpu.memory_space<hbm>> -> memref<128xi32, #tpu.memory_space<hbm>>
        tpu.enqueue_dma source(%dma_start3A_316 : memref<128xi32, #tpu.memory_space<hbm>>) target(%arg15 : memref<128xi32, #tpu.memory_space<vmem>>) target_semaphore(%arg23 : memref<!tpu.dma_semaphore, #tpu.memory_space<semaphore_mem>>)
      } else {
      }
      %scan3A_304 = arith.constant 0 : i32
      scf.yield %scan3A_304 : i32
    }
    %scan3A_104 = arith.constant 20 : i32
    %mul3A_105 = arith.constant 2 : i32
    %mul3A_106 = arith.muli %arg0, %mul3A_105 : i32
    %add3A_107 = arith.constant 1 : i32
    %add3A_108 = arith.addi %mul3A_106, %add3A_107 : i32
    %mul3A_109 = arith.constant 327680 : i32
    %mul3A_110 = arith.muli %add3A_108, %mul3A_109 : i32
    %mul3A_111 = arith.constant 20480 : i32
    %mul3A_112 = arith.muli %arg1, %mul3A_111 : i32
    %add3A_113 = arith.addi %mul3A_110, %mul3A_112 : i32
    %add3A_114 = arith.constant 0 : i32
    %add3A_115 = arith.addi %add3A_113, %add3A_114 : i32
    %multiple_of3A_116 = tpu.assume_multiple %add3A_115, 128 : i32
    %dma_start3A_117 = tpu.memref_slice %arg2[%multiple_of3A_116] : memref<1310720xi32, #tpu.memory_space<hbm>> -> memref<128xi32, #tpu.memory_space<hbm>>
    %dma_start3A_118 = tpu.memref_slice %arg2[%multiple_of3A_116] : memref<1310720xi32, #tpu.memory_space<hbm>> -> memref<128xi32, #tpu.memory_space<hbm>>
    tpu.enqueue_dma source(%dma_start3A_118 : memref<128xi32, #tpu.memory_space<hbm>>) target(%arg8 : memref<128xi32, #tpu.memory_space<vmem>>) target_semaphore(%arg16 : memref<!tpu.dma_semaphore, #tpu.memory_space<semaphore_mem>>)
    %add3A_119 = arith.constant 128 : i32
    %add3A_120 = arith.addi %add3A_113, %add3A_119 : i32
    %multiple_of3A_121 = tpu.assume_multiple %add3A_120, 128 : i32
    %dma_start3A_122 = tpu.memref_slice %arg2[%multiple_of3A_121] : memref<1310720xi32, #tpu.memory_space<hbm>> -> memref<128xi32, #tpu.memory_space<hbm>>
    %dma_start3A_123 = tpu.memref_slice %arg2[%multiple_of3A_121] : memref<1310720xi32, #tpu.memory_space<hbm>> -> memref<128xi32, #tpu.memory_space<hbm>>
    tpu.enqueue_dma source(%dma_start3A_123 : memref<128xi32, #tpu.memory_space<hbm>>) target(%arg9 : memref<128xi32, #tpu.memory_space<vmem>>) target_semaphore(%arg17 : memref<!tpu.dma_semaphore, #tpu.memory_space<semaphore_mem>>)
    %add3A_124 = arith.constant 256 : i32
    %add3A_125 = arith.addi %add3A_113, %add3A_124 : i32
    %multiple_of3A_126 = tpu.assume_multiple %add3A_125, 128 : i32
    %dma_start3A_127 = tpu.memref_slice %arg2[%multiple_of3A_126] : memref<1310720xi32, #tpu.memory_space<hbm>> -> memref<128xi32, #tpu.memory_space<hbm>>
    %dma_start3A_128 = tpu.memref_slice %arg2[%multiple_of3A_126] : memref<1310720xi32, #tpu.memory_space<hbm>> -> memref<128xi32, #tpu.memory_space<hbm>>
    tpu.enqueue_dma source(%dma_start3A_128 : memref<128xi32, #tpu.memory_space<hbm>>) target(%arg10 : memref<128xi32, #tpu.memory_space<vmem>>) target_semaphore(%arg18 : memref<!tpu.dma_semaphore, #tpu.memory_space<semaphore_mem>>)
    %add3A_129 = arith.constant 384 : i32
    %add3A_130 = arith.addi %add3A_113, %add3A_129 : i32
    %multiple_of3A_131 = tpu.assume_multiple %add3A_130, 128 : i32
    %dma_start3A_132 = tpu.memref_slice %arg2[%multiple_of3A_131] : memref<1310720xi32, #tpu.memory_space<hbm>> -> memref<128xi32, #tpu.memory_space<hbm>>
    %dma_start3A_133 = tpu.memref_slice %arg2[%multiple_of3A_131] : memref<1310720xi32, #tpu.memory_space<hbm>> -> memref<128xi32, #tpu.memory_space<hbm>>
    tpu.enqueue_dma source(%dma_start3A_133 : memref<128xi32, #tpu.memory_space<hbm>>) target(%arg11 : memref<128xi32, #tpu.memory_space<vmem>>) target_semaphore(%arg19 : memref<!tpu.dma_semaphore, #tpu.memory_space<semaphore_mem>>)
    %add3A_134 = arith.constant 512 : i32
    %add3A_135 = arith.addi %add3A_113, %add3A_134 : i32
    %multiple_of3A_136 = tpu.assume_multiple %add3A_135, 128 : i32
    %dma_start3A_137 = tpu.memref_slice %arg2[%multiple_of3A_136] : memref<1310720xi32, #tpu.memory_space<hbm>> -> memref<128xi32, #tpu.memory_space<hbm>>
    %dma_start3A_138 = tpu.memref_slice %arg2[%multiple_of3A_136] : memref<1310720xi32, #tpu.memory_space<hbm>> -> memref<128xi32, #tpu.memory_space<hbm>>
    tpu.enqueue_dma source(%dma_start3A_138 : memref<128xi32, #tpu.memory_space<hbm>>) target(%arg12 : memref<128xi32, #tpu.memory_space<vmem>>) target_semaphore(%arg20 : memref<!tpu.dma_semaphore, #tpu.memory_space<semaphore_mem>>)
    %add3A_139 = arith.constant 640 : i32
    %add3A_140 = arith.addi %add3A_113, %add3A_139 : i32
    %multiple_of3A_141 = tpu.assume_multiple %add3A_140, 128 : i32
    %dma_start3A_142 = tpu.memref_slice %arg2[%multiple_of3A_141] : memref<1310720xi32, #tpu.memory_space<hbm>> -> memref<128xi32, #tpu.memory_space<hbm>>
    %dma_start3A_143 = tpu.memref_slice %arg2[%multiple_of3A_141] : memref<1310720xi32, #tpu.memory_space<hbm>> -> memref<128xi32, #tpu.memory_space<hbm>>
    tpu.enqueue_dma source(%dma_start3A_143 : memref<128xi32, #tpu.memory_space<hbm>>) target(%arg13 : memref<128xi32, #tpu.memory_space<vmem>>) target_semaphore(%arg21 : memref<!tpu.dma_semaphore, #tpu.memory_space<semaphore_mem>>)
    %add3A_144 = arith.constant 768 : i32
    %add3A_145 = arith.addi %add3A_113, %add3A_144 : i32
    %multiple_of3A_146 = tpu.assume_multiple %add3A_145, 128 : i32
    %dma_start3A_147 = tpu.memref_slice %arg2[%multiple_of3A_146] : memref<1310720xi32, #tpu.memory_space<hbm>> -> memref<128xi32, #tpu.memory_space<hbm>>
    %dma_start3A_148 = tpu.memref_slice %arg2[%multiple_of3A_146] : memref<1310720xi32, #tpu.memory_space<hbm>> -> memref<128xi32, #tpu.memory_space<hbm>>
    tpu.enqueue_dma source(%dma_start3A_148 : memref<128xi32, #tpu.memory_space<hbm>>) target(%arg14 : memref<128xi32, #tpu.memory_space<vmem>>) target_semaphore(%arg22 : memref<!tpu.dma_semaphore, #tpu.memory_space<semaphore_mem>>)
    %add3A_149 = arith.constant 896 : i32
    %add3A_150 = arith.addi %add3A_113, %add3A_149 : i32
    %multiple_of3A_151 = tpu.assume_multiple %add3A_150, 128 : i32
    %dma_start3A_152 = tpu.memref_slice %arg2[%multiple_of3A_151] : memref<1310720xi32, #tpu.memory_space<hbm>> -> memref<128xi32, #tpu.memory_space<hbm>>
    %dma_start3A_153 = tpu.memref_slice %arg2[%multiple_of3A_151] : memref<1310720xi32, #tpu.memory_space<hbm>> -> memref<128xi32, #tpu.memory_space<hbm>>
    tpu.enqueue_dma source(%dma_start3A_153 : memref<128xi32, #tpu.memory_space<hbm>>) target(%arg15 : memref<128xi32, #tpu.memory_space<vmem>>) target_semaphore(%arg23 : memref<!tpu.dma_semaphore, #tpu.memory_space<semaphore_mem>>)
    %scan3A_154 = arith.constant 0 : i32
    %scan3A_155 = arith.constant 0 : i32
    %scan3A_156 = arith.constant 20 : i32
    %scan3A_157 = arith.addi %scan3A_155, %scan3A_156 : i32
    %scan3A_158 = arith.constant 1 : i32
    %scan3A_159 = scf.for %scan3A_186 = %scan3A_155 to %scan3A_157 step %scan3A_158 iter_args(%scan3A_187 = %scan3A_154) -> (i32)  : i32 {
      %dma_wait3A = arith.constant 0 : i32
      %dma_wait3A_188 = tpu.memref_slice %arg2[%dma_wait3A] : memref<1310720xi32, #tpu.memory_space<hbm>> -> memref<128xi32, #tpu.memory_space<hbm>>
      %dma_wait3A_189 = arith.constant 0 : i32
      %dma_wait3A_190 = tpu.memref_slice %arg2[%dma_wait3A_189] : memref<1310720xi32, #tpu.memory_space<hbm>> -> memref<128xi32, #tpu.memory_space<hbm>>
      tpu.wait_dma2 semaphore(%arg16 : memref<!tpu.dma_semaphore, #tpu.memory_space<semaphore_mem>>) src(%dma_wait3A_190 : memref<128xi32, #tpu.memory_space<hbm>>) dst(%arg8 : memref<128xi32, #tpu.memory_space<vmem>>)
      %dma_start3A_191 = arith.constant 0 : i32
      %dma_start3A_192 = tpu.memref_slice %arg6[%dma_start3A_191] : memref<10240xf32, #tpu.memory_space<vmem_shared>> -> memref<10240xf32, #tpu.memory_space<vmem_shared>>
      tpu.enqueue_indirect_dma source(%arg7 : memref<128xf32, #tpu.memory_space<vmem>>) target(%dma_start3A_192 : memref<10240xf32, #tpu.memory_space<vmem_shared>>) offsets(%arg8 : memref<128xi32, #tpu.memory_space<vmem>>) semaphore(%arg24 : memref<!tpu.dma_semaphore, #tpu.memory_space<semaphore_mem>>) {add = true}
      %dma_wait3A_193 = arith.constant 0 : i32
      %dma_wait3A_194 = tpu.memref_slice %arg2[%dma_wait3A_193] : memref<1310720xi32, #tpu.memory_space<hbm>> -> memref<128xi32, #tpu.memory_space<hbm>>
      %dma_wait3A_195 = arith.constant 0 : i32
      %dma_wait3A_196 = tpu.memref_slice %arg2[%dma_wait3A_195] : memref<1310720xi32, #tpu.memory_space<hbm>> -> memref<128xi32, #tpu.memory_space<hbm>>
      tpu.wait_dma2 semaphore(%arg17 : memref<!tpu.dma_semaphore, #tpu.memory_space<semaphore_mem>>) src(%dma_wait3A_196 : memref<128xi32, #tpu.memory_space<hbm>>) dst(%arg9 : memref<128xi32, #tpu.memory_space<vmem>>)
      %dma_start3A_197 = arith.constant 0 : i32
      %dma_start3A_198 = tpu.memref_slice %arg6[%dma_start3A_197] : memref<10240xf32, #tpu.memory_space<vmem_shared>> -> memref<10240xf32, #tpu.memory_space<vmem_shared>>
      tpu.enqueue_indirect_dma source(%arg7 : memref<128xf32, #tpu.memory_space<vmem>>) target(%dma_start3A_198 : memref<10240xf32, #tpu.memory_space<vmem_shared>>) offsets(%arg9 : memref<128xi32, #tpu.memory_space<vmem>>) semaphore(%arg25 : memref<!tpu.dma_semaphore, #tpu.memory_space<semaphore_mem>>) {add = true}
      %dma_wait3A_199 = arith.constant 0 : i32
      %dma_wait3A_200 = tpu.memref_slice %arg2[%dma_wait3A_199] : memref<1310720xi32, #tpu.memory_space<hbm>> -> memref<128xi32, #tpu.memory_space<hbm>>
      %dma_wait3A_201 = arith.constant 0 : i32
      %dma_wait3A_202 = tpu.memref_slice %arg2[%dma_wait3A_201] : memref<1310720xi32, #tpu.memory_space<hbm>> -> memref<128xi32, #tpu.memory_space<hbm>>
      tpu.wait_dma2 semaphore(%arg18 : memref<!tpu.dma_semaphore, #tpu.memory_space<semaphore_mem>>) src(%dma_wait3A_202 : memref<128xi32, #tpu.memory_space<hbm>>) dst(%arg10 : memref<128xi32, #tpu.memory_space<vmem>>)
      %dma_start3A_203 = arith.constant 0 : i32
      %dma_start3A_204 = tpu.memref_slice %arg6[%dma_start3A_203] : memref<10240xf32, #tpu.memory_space<vmem_shared>> -> memref<10240xf32, #tpu.memory_space<vmem_shared>>
      tpu.enqueue_indirect_dma source(%arg7 : memref<128xf32, #tpu.memory_space<vmem>>) target(%dma_start3A_204 : memref<10240xf32, #tpu.memory_space<vmem_shared>>) offsets(%arg10 : memref<128xi32, #tpu.memory_space<vmem>>) semaphore(%arg26 : memref<!tpu.dma_semaphore, #tpu.memory_space<semaphore_mem>>) {add = true}
      %dma_wait3A_205 = arith.constant 0 : i32
      %dma_wait3A_206 = tpu.memref_slice %arg2[%dma_wait3A_205] : memref<1310720xi32, #tpu.memory_space<hbm>> -> memref<128xi32, #tpu.memory_space<hbm>>
      %dma_wait3A_207 = arith.constant 0 : i32
      %dma_wait3A_208 = tpu.memref_slice %arg2[%dma_wait3A_207] : memref<1310720xi32, #tpu.memory_space<hbm>> -> memref<128xi32, #tpu.memory_space<hbm>>
      tpu.wait_dma2 semaphore(%arg19 : memref<!tpu.dma_semaphore, #tpu.memory_space<semaphore_mem>>) src(%dma_wait3A_208 : memref<128xi32, #tpu.memory_space<hbm>>) dst(%arg11 : memref<128xi32, #tpu.memory_space<vmem>>)
      %dma_start3A_209 = arith.constant 0 : i32
      %dma_start3A_210 = tpu.memref_slice %arg6[%dma_start3A_209] : memref<10240xf32, #tpu.memory_space<vmem_shared>> -> memref<10240xf32, #tpu.memory_space<vmem_shared>>
      tpu.enqueue_indirect_dma source(%arg7 : memref<128xf32, #tpu.memory_space<vmem>>) target(%dma_start3A_210 : memref<10240xf32, #tpu.memory_space<vmem_shared>>) offsets(%arg11 : memref<128xi32, #tpu.memory_space<vmem>>) semaphore(%arg27 : memref<!tpu.dma_semaphore, #tpu.memory_space<semaphore_mem>>) {add = true}
      %dma_wait3A_211 = arith.constant 0 : i32
      %dma_wait3A_212 = tpu.memref_slice %arg2[%dma_wait3A_211] : memref<1310720xi32, #tpu.memory_space<hbm>> -> memref<128xi32, #tpu.memory_space<hbm>>
      %dma_wait3A_213 = arith.constant 0 : i32
      %dma_wait3A_214 = tpu.memref_slice %arg2[%dma_wait3A_213] : memref<1310720xi32, #tpu.memory_space<hbm>> -> memref<128xi32, #tpu.memory_space<hbm>>
      tpu.wait_dma2 semaphore(%arg20 : memref<!tpu.dma_semaphore, #tpu.memory_space<semaphore_mem>>) src(%dma_wait3A_214 : memref<128xi32, #tpu.memory_space<hbm>>) dst(%arg12 : memref<128xi32, #tpu.memory_space<vmem>>)
      %dma_start3A_215 = arith.constant 0 : i32
      %dma_start3A_216 = tpu.memref_slice %arg6[%dma_start3A_215] : memref<10240xf32, #tpu.memory_space<vmem_shared>> -> memref<10240xf32, #tpu.memory_space<vmem_shared>>
      tpu.enqueue_indirect_dma source(%arg7 : memref<128xf32, #tpu.memory_space<vmem>>) target(%dma_start3A_216 : memref<10240xf32, #tpu.memory_space<vmem_shared>>) offsets(%arg12 : memref<128xi32, #tpu.memory_space<vmem>>) semaphore(%arg28 : memref<!tpu.dma_semaphore, #tpu.memory_space<semaphore_mem>>) {add = true}
      %dma_wait3A_217 = arith.constant 0 : i32
      %dma_wait3A_218 = tpu.memref_slice %arg2[%dma_wait3A_217] : memref<1310720xi32, #tpu.memory_space<hbm>> -> memref<128xi32, #tpu.memory_space<hbm>>
      %dma_wait3A_219 = arith.constant 0 : i32
      %dma_wait3A_220 = tpu.memref_slice %arg2[%dma_wait3A_219] : memref<1310720xi32, #tpu.memory_space<hbm>> -> memref<128xi32, #tpu.memory_space<hbm>>
      tpu.wait_dma2 semaphore(%arg21 : memref<!tpu.dma_semaphore, #tpu.memory_space<semaphore_mem>>) src(%dma_wait3A_220 : memref<128xi32, #tpu.memory_space<hbm>>) dst(%arg13 : memref<128xi32, #tpu.memory_space<vmem>>)
      %dma_start3A_221 = arith.constant 0 : i32
      %dma_start3A_222 = tpu.memref_slice %arg6[%dma_start3A_221] : memref<10240xf32, #tpu.memory_space<vmem_shared>> -> memref<10240xf32, #tpu.memory_space<vmem_shared>>
      tpu.enqueue_indirect_dma source(%arg7 : memref<128xf32, #tpu.memory_space<vmem>>) target(%dma_start3A_222 : memref<10240xf32, #tpu.memory_space<vmem_shared>>) offsets(%arg13 : memref<128xi32, #tpu.memory_space<vmem>>) semaphore(%arg29 : memref<!tpu.dma_semaphore, #tpu.memory_space<semaphore_mem>>) {add = true}
      %dma_wait3A_223 = arith.constant 0 : i32
      %dma_wait3A_224 = tpu.memref_slice %arg2[%dma_wait3A_223] : memref<1310720xi32, #tpu.memory_space<hbm>> -> memref<128xi32, #tpu.memory_space<hbm>>
      %dma_wait3A_225 = arith.constant 0 : i32
      %dma_wait3A_226 = tpu.memref_slice %arg2[%dma_wait3A_225] : memref<1310720xi32, #tpu.memory_space<hbm>> -> memref<128xi32, #tpu.memory_space<hbm>>
      tpu.wait_dma2 semaphore(%arg22 : memref<!tpu.dma_semaphore, #tpu.memory_space<semaphore_mem>>) src(%dma_wait3A_226 : memref<128xi32, #tpu.memory_space<hbm>>) dst(%arg14 : memref<128xi32, #tpu.memory_space<vmem>>)
      %dma_start3A_227 = arith.constant 0 : i32
      %dma_start3A_228 = tpu.memref_slice %arg6[%dma_start3A_227] : memref<10240xf32, #tpu.memory_space<vmem_shared>> -> memref<10240xf32, #tpu.memory_space<vmem_shared>>
      tpu.enqueue_indirect_dma source(%arg7 : memref<128xf32, #tpu.memory_space<vmem>>) target(%dma_start3A_228 : memref<10240xf32, #tpu.memory_space<vmem_shared>>) offsets(%arg14 : memref<128xi32, #tpu.memory_space<vmem>>) semaphore(%arg30 : memref<!tpu.dma_semaphore, #tpu.memory_space<semaphore_mem>>) {add = true}
      %dma_wait3A_229 = arith.constant 0 : i32
      %dma_wait3A_230 = tpu.memref_slice %arg2[%dma_wait3A_229] : memref<1310720xi32, #tpu.memory_space<hbm>> -> memref<128xi32, #tpu.memory_space<hbm>>
      %dma_wait3A_231 = arith.constant 0 : i32
      %dma_wait3A_232 = tpu.memref_slice %arg2[%dma_wait3A_231] : memref<1310720xi32, #tpu.memory_space<hbm>> -> memref<128xi32, #tpu.memory_space<hbm>>
      tpu.wait_dma2 semaphore(%arg23 : memref<!tpu.dma_semaphore, #tpu.memory_space<semaphore_mem>>) src(%dma_wait3A_232 : memref<128xi32, #tpu.memory_space<hbm>>) dst(%arg15 : memref<128xi32, #tpu.memory_space<vmem>>)
      %dma_start3A_233 = arith.constant 0 : i32
      %dma_start3A_234 = tpu.memref_slice %arg6[%dma_start3A_233] : memref<10240xf32, #tpu.memory_space<vmem_shared>> -> memref<10240xf32, #tpu.memory_space<vmem_shared>>
      tpu.enqueue_indirect_dma source(%arg7 : memref<128xf32, #tpu.memory_space<vmem>>) target(%dma_start3A_234 : memref<10240xf32, #tpu.memory_space<vmem_shared>>) offsets(%arg15 : memref<128xi32, #tpu.memory_space<vmem>>) semaphore(%arg31 : memref<!tpu.dma_semaphore, #tpu.memory_space<semaphore_mem>>) {add = true}
      %dma_wait3A_235 = arith.constant 0 : i32
      %dma_wait3A_236 = tpu.memref_slice %arg3[%dma_wait3A_235] : memref<10240xf32, #tpu.memory_space<hbm>> -> memref<128xf32, #tpu.memory_space<hbm>>
      %dma_wait3A_237 = arith.constant 0 : i32
      %dma_wait3A_238 = tpu.memref_slice %arg3[%dma_wait3A_237] : memref<10240xf32, #tpu.memory_space<hbm>> -> memref<128xf32, #tpu.memory_space<hbm>>
      tpu.wait_dma2 semaphore(%arg24 : memref<!tpu.dma_semaphore, #tpu.memory_space<semaphore_mem>>) src(%dma_wait3A_238 : memref<128xf32, #tpu.memory_space<hbm>>) dst(%arg7 : memref<128xf32, #tpu.memory_space<vmem>>)
      %lt3A = arith.constant 19 : i32
      %lt3A_239 = arith.cmpi slt, %scan3A_186, %lt3A : i32
      %convert_element_type3A = arith.extui %lt3A_239 : i1 to i32
      %cond3A = arith.constant 0 : i32
      %cond3A_240 = arith.cmpi ne, %convert_element_type3A, %cond3A : i32
      scf.if %cond3A_240 {
        %add3A_305 = arith.constant 1 : i32
        %add3A_306 = arith.addi %scan3A_186, %add3A_305 : i32
        %mul3A_307 = arith.constant 8 : i32
        %mul3A_308 = arith.muli %add3A_306, %mul3A_307 : i32
        %add3A_309 = arith.constant 0 : i32
        %add3A_310 = arith.addi %mul3A_308, %add3A_309 : i32
        %mul3A_311 = arith.constant 128 : i32
        %mul3A_312 = arith.muli %add3A_310, %mul3A_311 : i32
        %add3A_313 = arith.addi %add3A_113, %mul3A_312 : i32
        %multiple_of3A_314 = tpu.assume_multiple %add3A_313, 128 : i32
        %dma_start3A_315 = tpu.memref_slice %arg2[%multiple_of3A_314] : memref<1310720xi32, #tpu.memory_space<hbm>> -> memref<128xi32, #tpu.memory_space<hbm>>
        %dma_start3A_316 = tpu.memref_slice %arg2[%multiple_of3A_314] : memref<1310720xi32, #tpu.memory_space<hbm>> -> memref<128xi32, #tpu.memory_space<hbm>>
        tpu.enqueue_dma source(%dma_start3A_316 : memref<128xi32, #tpu.memory_space<hbm>>) target(%arg8 : memref<128xi32, #tpu.memory_space<vmem>>) target_semaphore(%arg16 : memref<!tpu.dma_semaphore, #tpu.memory_space<semaphore_mem>>)
      } else {
      }
      %dma_wait3A_241 = arith.constant 0 : i32
      %dma_wait3A_242 = tpu.memref_slice %arg3[%dma_wait3A_241] : memref<10240xf32, #tpu.memory_space<hbm>> -> memref<128xf32, #tpu.memory_space<hbm>>
      %dma_wait3A_243 = arith.constant 0 : i32
      %dma_wait3A_244 = tpu.memref_slice %arg3[%dma_wait3A_243] : memref<10240xf32, #tpu.memory_space<hbm>> -> memref<128xf32, #tpu.memory_space<hbm>>
      tpu.wait_dma2 semaphore(%arg25 : memref<!tpu.dma_semaphore, #tpu.memory_space<semaphore_mem>>) src(%dma_wait3A_244 : memref<128xf32, #tpu.memory_space<hbm>>) dst(%arg7 : memref<128xf32, #tpu.memory_space<vmem>>)
      %lt3A_245 = arith.constant 19 : i32
      %lt3A_246 = arith.cmpi slt, %scan3A_186, %lt3A_245 : i32
      %convert_element_type3A_247 = arith.extui %lt3A_246 : i1 to i32
      %cond3A_248 = arith.constant 0 : i32
      %cond3A_249 = arith.cmpi ne, %convert_element_type3A_247, %cond3A_248 : i32
      scf.if %cond3A_249 {
        %add3A_305 = arith.constant 1 : i32
        %add3A_306 = arith.addi %scan3A_186, %add3A_305 : i32
        %mul3A_307 = arith.constant 8 : i32
        %mul3A_308 = arith.muli %add3A_306, %mul3A_307 : i32
        %add3A_309 = arith.constant 1 : i32
        %add3A_310 = arith.addi %mul3A_308, %add3A_309 : i32
        %mul3A_311 = arith.constant 128 : i32
        %mul3A_312 = arith.muli %add3A_310, %mul3A_311 : i32
        %add3A_313 = arith.addi %add3A_113, %mul3A_312 : i32
        %multiple_of3A_314 = tpu.assume_multiple %add3A_313, 128 : i32
        %dma_start3A_315 = tpu.memref_slice %arg2[%multiple_of3A_314] : memref<1310720xi32, #tpu.memory_space<hbm>> -> memref<128xi32, #tpu.memory_space<hbm>>
        %dma_start3A_316 = tpu.memref_slice %arg2[%multiple_of3A_314] : memref<1310720xi32, #tpu.memory_space<hbm>> -> memref<128xi32, #tpu.memory_space<hbm>>
        tpu.enqueue_dma source(%dma_start3A_316 : memref<128xi32, #tpu.memory_space<hbm>>) target(%arg9 : memref<128xi32, #tpu.memory_space<vmem>>) target_semaphore(%arg17 : memref<!tpu.dma_semaphore, #tpu.memory_space<semaphore_mem>>)
      } else {
      }
      %dma_wait3A_250 = arith.constant 0 : i32
      %dma_wait3A_251 = tpu.memref_slice %arg3[%dma_wait3A_250] : memref<10240xf32, #tpu.memory_space<hbm>> -> memref<128xf32, #tpu.memory_space<hbm>>
      %dma_wait3A_252 = arith.constant 0 : i32
      %dma_wait3A_253 = tpu.memref_slice %arg3[%dma_wait3A_252] : memref<10240xf32, #tpu.memory_space<hbm>> -> memref<128xf32, #tpu.memory_space<hbm>>
      tpu.wait_dma2 semaphore(%arg26 : memref<!tpu.dma_semaphore, #tpu.memory_space<semaphore_mem>>) src(%dma_wait3A_253 : memref<128xf32, #tpu.memory_space<hbm>>) dst(%arg7 : memref<128xf32, #tpu.memory_space<vmem>>)
      %lt3A_254 = arith.constant 19 : i32
      %lt3A_255 = arith.cmpi slt, %scan3A_186, %lt3A_254 : i32
      %convert_element_type3A_256 = arith.extui %lt3A_255 : i1 to i32
      %cond3A_257 = arith.constant 0 : i32
      %cond3A_258 = arith.cmpi ne, %convert_element_type3A_256, %cond3A_257 : i32
      scf.if %cond3A_258 {
        %add3A_305 = arith.constant 1 : i32
        %add3A_306 = arith.addi %scan3A_186, %add3A_305 : i32
        %mul3A_307 = arith.constant 8 : i32
        %mul3A_308 = arith.muli %add3A_306, %mul3A_307 : i32
        %add3A_309 = arith.constant 2 : i32
        %add3A_310 = arith.addi %mul3A_308, %add3A_309 : i32
        %mul3A_311 = arith.constant 128 : i32
        %mul3A_312 = arith.muli %add3A_310, %mul3A_311 : i32
        %add3A_313 = arith.addi %add3A_113, %mul3A_312 : i32
        %multiple_of3A_314 = tpu.assume_multiple %add3A_313, 128 : i32
        %dma_start3A_315 = tpu.memref_slice %arg2[%multiple_of3A_314] : memref<1310720xi32, #tpu.memory_space<hbm>> -> memref<128xi32, #tpu.memory_space<hbm>>
        %dma_start3A_316 = tpu.memref_slice %arg2[%multiple_of3A_314] : memref<1310720xi32, #tpu.memory_space<hbm>> -> memref<128xi32, #tpu.memory_space<hbm>>
        tpu.enqueue_dma source(%dma_start3A_316 : memref<128xi32, #tpu.memory_space<hbm>>) target(%arg10 : memref<128xi32, #tpu.memory_space<vmem>>) target_semaphore(%arg18 : memref<!tpu.dma_semaphore, #tpu.memory_space<semaphore_mem>>)
      } else {
      }
      %dma_wait3A_259 = arith.constant 0 : i32
      %dma_wait3A_260 = tpu.memref_slice %arg3[%dma_wait3A_259] : memref<10240xf32, #tpu.memory_space<hbm>> -> memref<128xf32, #tpu.memory_space<hbm>>
      %dma_wait3A_261 = arith.constant 0 : i32
      %dma_wait3A_262 = tpu.memref_slice %arg3[%dma_wait3A_261] : memref<10240xf32, #tpu.memory_space<hbm>> -> memref<128xf32, #tpu.memory_space<hbm>>
      tpu.wait_dma2 semaphore(%arg27 : memref<!tpu.dma_semaphore, #tpu.memory_space<semaphore_mem>>) src(%dma_wait3A_262 : memref<128xf32, #tpu.memory_space<hbm>>) dst(%arg7 : memref<128xf32, #tpu.memory_space<vmem>>)
      %lt3A_263 = arith.constant 19 : i32
      %lt3A_264 = arith.cmpi slt, %scan3A_186, %lt3A_263 : i32
      %convert_element_type3A_265 = arith.extui %lt3A_264 : i1 to i32
      %cond3A_266 = arith.constant 0 : i32
      %cond3A_267 = arith.cmpi ne, %convert_element_type3A_265, %cond3A_266 : i32
      scf.if %cond3A_267 {
        %add3A_305 = arith.constant 1 : i32
        %add3A_306 = arith.addi %scan3A_186, %add3A_305 : i32
        %mul3A_307 = arith.constant 8 : i32
        %mul3A_308 = arith.muli %add3A_306, %mul3A_307 : i32
        %add3A_309 = arith.constant 3 : i32
        %add3A_310 = arith.addi %mul3A_308, %add3A_309 : i32
        %mul3A_311 = arith.constant 128 : i32
        %mul3A_312 = arith.muli %add3A_310, %mul3A_311 : i32
        %add3A_313 = arith.addi %add3A_113, %mul3A_312 : i32
        %multiple_of3A_314 = tpu.assume_multiple %add3A_313, 128 : i32
        %dma_start3A_315 = tpu.memref_slice %arg2[%multiple_of3A_314] : memref<1310720xi32, #tpu.memory_space<hbm>> -> memref<128xi32, #tpu.memory_space<hbm>>
        %dma_start3A_316 = tpu.memref_slice %arg2[%multiple_of3A_314] : memref<1310720xi32, #tpu.memory_space<hbm>> -> memref<128xi32, #tpu.memory_space<hbm>>
        tpu.enqueue_dma source(%dma_start3A_316 : memref<128xi32, #tpu.memory_space<hbm>>) target(%arg11 : memref<128xi32, #tpu.memory_space<vmem>>) target_semaphore(%arg19 : memref<!tpu.dma_semaphore, #tpu.memory_space<semaphore_mem>>)
      } else {
      }
      %dma_wait3A_268 = arith.constant 0 : i32
      %dma_wait3A_269 = tpu.memref_slice %arg3[%dma_wait3A_268] : memref<10240xf32, #tpu.memory_space<hbm>> -> memref<128xf32, #tpu.memory_space<hbm>>
      %dma_wait3A_270 = arith.constant 0 : i32
      %dma_wait3A_271 = tpu.memref_slice %arg3[%dma_wait3A_270] : memref<10240xf32, #tpu.memory_space<hbm>> -> memref<128xf32, #tpu.memory_space<hbm>>
      tpu.wait_dma2 semaphore(%arg28 : memref<!tpu.dma_semaphore, #tpu.memory_space<semaphore_mem>>) src(%dma_wait3A_271 : memref<128xf32, #tpu.memory_space<hbm>>) dst(%arg7 : memref<128xf32, #tpu.memory_space<vmem>>)
      %lt3A_272 = arith.constant 19 : i32
      %lt3A_273 = arith.cmpi slt, %scan3A_186, %lt3A_272 : i32
      %convert_element_type3A_274 = arith.extui %lt3A_273 : i1 to i32
      %cond3A_275 = arith.constant 0 : i32
      %cond3A_276 = arith.cmpi ne, %convert_element_type3A_274, %cond3A_275 : i32
      scf.if %cond3A_276 {
        %add3A_305 = arith.constant 1 : i32
        %add3A_306 = arith.addi %scan3A_186, %add3A_305 : i32
        %mul3A_307 = arith.constant 8 : i32
        %mul3A_308 = arith.muli %add3A_306, %mul3A_307 : i32
        %add3A_309 = arith.constant 4 : i32
        %add3A_310 = arith.addi %mul3A_308, %add3A_309 : i32
        %mul3A_311 = arith.constant 128 : i32
        %mul3A_312 = arith.muli %add3A_310, %mul3A_311 : i32
        %add3A_313 = arith.addi %add3A_113, %mul3A_312 : i32
        %multiple_of3A_314 = tpu.assume_multiple %add3A_313, 128 : i32
        %dma_start3A_315 = tpu.memref_slice %arg2[%multiple_of3A_314] : memref<1310720xi32, #tpu.memory_space<hbm>> -> memref<128xi32, #tpu.memory_space<hbm>>
        %dma_start3A_316 = tpu.memref_slice %arg2[%multiple_of3A_314] : memref<1310720xi32, #tpu.memory_space<hbm>> -> memref<128xi32, #tpu.memory_space<hbm>>
        tpu.enqueue_dma source(%dma_start3A_316 : memref<128xi32, #tpu.memory_space<hbm>>) target(%arg12 : memref<128xi32, #tpu.memory_space<vmem>>) target_semaphore(%arg20 : memref<!tpu.dma_semaphore, #tpu.memory_space<semaphore_mem>>)
      } else {
      }
      %dma_wait3A_277 = arith.constant 0 : i32
      %dma_wait3A_278 = tpu.memref_slice %arg3[%dma_wait3A_277] : memref<10240xf32, #tpu.memory_space<hbm>> -> memref<128xf32, #tpu.memory_space<hbm>>
      %dma_wait3A_279 = arith.constant 0 : i32
      %dma_wait3A_280 = tpu.memref_slice %arg3[%dma_wait3A_279] : memref<10240xf32, #tpu.memory_space<hbm>> -> memref<128xf32, #tpu.memory_space<hbm>>
      tpu.wait_dma2 semaphore(%arg29 : memref<!tpu.dma_semaphore, #tpu.memory_space<semaphore_mem>>) src(%dma_wait3A_280 : memref<128xf32, #tpu.memory_space<hbm>>) dst(%arg7 : memref<128xf32, #tpu.memory_space<vmem>>)
      %lt3A_281 = arith.constant 19 : i32
      %lt3A_282 = arith.cmpi slt, %scan3A_186, %lt3A_281 : i32
      %convert_element_type3A_283 = arith.extui %lt3A_282 : i1 to i32
      %cond3A_284 = arith.constant 0 : i32
      %cond3A_285 = arith.cmpi ne, %convert_element_type3A_283, %cond3A_284 : i32
      scf.if %cond3A_285 {
        %add3A_305 = arith.constant 1 : i32
        %add3A_306 = arith.addi %scan3A_186, %add3A_305 : i32
        %mul3A_307 = arith.constant 8 : i32
        %mul3A_308 = arith.muli %add3A_306, %mul3A_307 : i32
        %add3A_309 = arith.constant 5 : i32
        %add3A_310 = arith.addi %mul3A_308, %add3A_309 : i32
        %mul3A_311 = arith.constant 128 : i32
        %mul3A_312 = arith.muli %add3A_310, %mul3A_311 : i32
        %add3A_313 = arith.addi %add3A_113, %mul3A_312 : i32
        %multiple_of3A_314 = tpu.assume_multiple %add3A_313, 128 : i32
        %dma_start3A_315 = tpu.memref_slice %arg2[%multiple_of3A_314] : memref<1310720xi32, #tpu.memory_space<hbm>> -> memref<128xi32, #tpu.memory_space<hbm>>
        %dma_start3A_316 = tpu.memref_slice %arg2[%multiple_of3A_314] : memref<1310720xi32, #tpu.memory_space<hbm>> -> memref<128xi32, #tpu.memory_space<hbm>>
        tpu.enqueue_dma source(%dma_start3A_316 : memref<128xi32, #tpu.memory_space<hbm>>) target(%arg13 : memref<128xi32, #tpu.memory_space<vmem>>) target_semaphore(%arg21 : memref<!tpu.dma_semaphore, #tpu.memory_space<semaphore_mem>>)
      } else {
      }
      %dma_wait3A_286 = arith.constant 0 : i32
      %dma_wait3A_287 = tpu.memref_slice %arg3[%dma_wait3A_286] : memref<10240xf32, #tpu.memory_space<hbm>> -> memref<128xf32, #tpu.memory_space<hbm>>
      %dma_wait3A_288 = arith.constant 0 : i32
      %dma_wait3A_289 = tpu.memref_slice %arg3[%dma_wait3A_288] : memref<10240xf32, #tpu.memory_space<hbm>> -> memref<128xf32, #tpu.memory_space<hbm>>
      tpu.wait_dma2 semaphore(%arg30 : memref<!tpu.dma_semaphore, #tpu.memory_space<semaphore_mem>>) src(%dma_wait3A_289 : memref<128xf32, #tpu.memory_space<hbm>>) dst(%arg7 : memref<128xf32, #tpu.memory_space<vmem>>)
      %lt3A_290 = arith.constant 19 : i32
      %lt3A_291 = arith.cmpi slt, %scan3A_186, %lt3A_290 : i32
      %convert_element_type3A_292 = arith.extui %lt3A_291 : i1 to i32
      %cond3A_293 = arith.constant 0 : i32
      %cond3A_294 = arith.cmpi ne, %convert_element_type3A_292, %cond3A_293 : i32
      scf.if %cond3A_294 {
        %add3A_305 = arith.constant 1 : i32
        %add3A_306 = arith.addi %scan3A_186, %add3A_305 : i32
        %mul3A_307 = arith.constant 8 : i32
        %mul3A_308 = arith.muli %add3A_306, %mul3A_307 : i32
        %add3A_309 = arith.constant 6 : i32
        %add3A_310 = arith.addi %mul3A_308, %add3A_309 : i32
        %mul3A_311 = arith.constant 128 : i32
        %mul3A_312 = arith.muli %add3A_310, %mul3A_311 : i32
        %add3A_313 = arith.addi %add3A_113, %mul3A_312 : i32
        %multiple_of3A_314 = tpu.assume_multiple %add3A_313, 128 : i32
        %dma_start3A_315 = tpu.memref_slice %arg2[%multiple_of3A_314] : memref<1310720xi32, #tpu.memory_space<hbm>> -> memref<128xi32, #tpu.memory_space<hbm>>
        %dma_start3A_316 = tpu.memref_slice %arg2[%multiple_of3A_314] : memref<1310720xi32, #tpu.memory_space<hbm>> -> memref<128xi32, #tpu.memory_space<hbm>>
        tpu.enqueue_dma source(%dma_start3A_316 : memref<128xi32, #tpu.memory_space<hbm>>) target(%arg14 : memref<128xi32, #tpu.memory_space<vmem>>) target_semaphore(%arg22 : memref<!tpu.dma_semaphore, #tpu.memory_space<semaphore_mem>>)
      } else {
      }
      %dma_wait3A_295 = arith.constant 0 : i32
      %dma_wait3A_296 = tpu.memref_slice %arg3[%dma_wait3A_295] : memref<10240xf32, #tpu.memory_space<hbm>> -> memref<128xf32, #tpu.memory_space<hbm>>
      %dma_wait3A_297 = arith.constant 0 : i32
      %dma_wait3A_298 = tpu.memref_slice %arg3[%dma_wait3A_297] : memref<10240xf32, #tpu.memory_space<hbm>> -> memref<128xf32, #tpu.memory_space<hbm>>
      tpu.wait_dma2 semaphore(%arg31 : memref<!tpu.dma_semaphore, #tpu.memory_space<semaphore_mem>>) src(%dma_wait3A_298 : memref<128xf32, #tpu.memory_space<hbm>>) dst(%arg7 : memref<128xf32, #tpu.memory_space<vmem>>)
      %lt3A_299 = arith.constant 19 : i32
      %lt3A_300 = arith.cmpi slt, %scan3A_186, %lt3A_299 : i32
      %convert_element_type3A_301 = arith.extui %lt3A_300 : i1 to i32
      %cond3A_302 = arith.constant 0 : i32
      %cond3A_303 = arith.cmpi ne, %convert_element_type3A_301, %cond3A_302 : i32
      scf.if %cond3A_303 {
        %add3A_305 = arith.constant 1 : i32
        %add3A_306 = arith.addi %scan3A_186, %add3A_305 : i32
        %mul3A_307 = arith.constant 8 : i32
        %mul3A_308 = arith.muli %add3A_306, %mul3A_307 : i32
        %add3A_309 = arith.constant 7 : i32
        %add3A_310 = arith.addi %mul3A_308, %add3A_309 : i32
        %mul3A_311 = arith.constant 128 : i32
        %mul3A_312 = arith.muli %add3A_310, %mul3A_311 : i32
        %add3A_313 = arith.addi %add3A_113, %mul3A_312 : i32
        %multiple_of3A_314 = tpu.assume_multiple %add3A_313, 128 : i32
        %dma_start3A_315 = tpu.memref_slice %arg2[%multiple_of3A_314] : memref<1310720xi32, #tpu.memory_space<hbm>> -> memref<128xi32, #tpu.memory_space<hbm>>
        %dma_start3A_316 = tpu.memref_slice %arg2[%multiple_of3A_314] : memref<1310720xi32, #tpu.memory_space<hbm>> -> memref<128xi32, #tpu.memory_space<hbm>>
        tpu.enqueue_dma source(%dma_start3A_316 : memref<128xi32, #tpu.memory_space<hbm>>) target(%arg15 : memref<128xi32, #tpu.memory_space<vmem>>) target_semaphore(%arg23 : memref<!tpu.dma_semaphore, #tpu.memory_space<semaphore_mem>>)
      } else {
      }
      %scan3A_304 = arith.constant 0 : i32
      scf.yield %scan3A_304 : i32
    }
    %scan3A_160 = arith.constant 20 : i32
    %barrier3A_161 = arith.constant 0 : index
    tpu.barrier barrier_id(%barrier3A_161)
    %mul3A_162 = arith.constant 2 : i32
    %mul3A_163 = arith.muli %arg0, %mul3A_162 : i32
    %add3A_164 = arith.constant 0 : i32
    %add3A_165 = arith.addi %mul3A_163, %add3A_164 : i32
    %mul3A_166 = arith.constant 10240 : i32
    %mul3A_167 = arith.muli %add3A_165, %mul3A_166 : i32
    %mul3A_168 = arith.constant 640 : i32
    %mul3A_169 = arith.muli %arg1, %mul3A_168 : i32
    %add3A_170 = arith.addi %mul3A_167, %mul3A_169 : i32
    %multiple_of3A_171 = tpu.assume_multiple %add3A_170, 8 : i32
    %mul3A_172 = arith.constant 640 : i32
    %mul3A_173 = arith.muli %arg1, %mul3A_172 : i32
    "tpu.region"() ({
      %run_scoped3A = tpu.sem_alloc : memref<!tpu.dma_semaphore, #tpu.memory_space<semaphore_mem>>
      %dma_start3A_186 = tpu.memref_slice %arg4[%multiple_of3A_171] : memref<40960xf32, #tpu.memory_space<hbm>> -> memref<640xf32, #tpu.memory_space<hbm>>
      %dma_start3A_187 = tpu.memref_slice %arg5[%mul3A_173] : memref<10240xf32, #tpu.memory_space<vmem_shared>> -> memref<640xf32, #tpu.memory_space<vmem_shared>>
      tpu.enqueue_dma source(%dma_start3A_187 : memref<640xf32, #tpu.memory_space<vmem_shared>>) target(%dma_start3A_186 : memref<640xf32, #tpu.memory_space<hbm>>) target_semaphore(%run_scoped3A : memref<!tpu.dma_semaphore, #tpu.memory_space<semaphore_mem>>)
      %dma_wait3A = tpu.memref_slice %arg4[%multiple_of3A_171] : memref<40960xf32, #tpu.memory_space<hbm>> -> memref<640xf32, #tpu.memory_space<hbm>>
      %dma_wait3A_188 = tpu.memref_slice %arg5[%mul3A_173] : memref<10240xf32, #tpu.memory_space<vmem_shared>> -> memref<640xf32, #tpu.memory_space<vmem_shared>>
      tpu.wait_dma2 semaphore(%run_scoped3A : memref<!tpu.dma_semaphore, #tpu.memory_space<semaphore_mem>>) src(%dma_wait3A_188 : memref<640xf32, #tpu.memory_space<vmem_shared>>) dst(%dma_wait3A : memref<640xf32, #tpu.memory_space<hbm>>)
      tpu.yield
    }) : () -> ()
    %mul3A_174 = arith.constant 2 : i32
    %mul3A_175 = arith.muli %arg0, %mul3A_174 : i32
    %add3A_176 = arith.constant 1 : i32
    %add3A_177 = arith.addi %mul3A_175, %add3A_176 : i32
    %mul3A_178 = arith.constant 10240 : i32
    %mul3A_179 = arith.muli %add3A_177, %mul3A_178 : i32
    %mul3A_180 = arith.constant 640 : i32
    %mul3A_181 = arith.muli %arg1, %mul3A_180 : i32
    %add3A_182 = arith.addi %mul3A_179, %mul3A_181 : i32
    %multiple_of3A_183 = tpu.assume_multiple %add3A_182, 8 : i32
    %mul3A_184 = arith.constant 640 : i32
    %mul3A_185 = arith.muli %arg1, %mul3A_184 : i32
    "tpu.region"() ({
      %run_scoped3A = tpu.sem_alloc : memref<!tpu.dma_semaphore, #tpu.memory_space<semaphore_mem>>
      %dma_start3A_186 = tpu.memref_slice %arg4[%multiple_of3A_183] : memref<40960xf32, #tpu.memory_space<hbm>> -> memref<640xf32, #tpu.memory_space<hbm>>
      %dma_start3A_187 = tpu.memref_slice %arg6[%mul3A_185] : memref<10240xf32, #tpu.memory_space<vmem_shared>> -> memref<640xf32, #tpu.memory_space<vmem_shared>>
      tpu.enqueue_dma source(%dma_start3A_187 : memref<640xf32, #tpu.memory_space<vmem_shared>>) target(%dma_start3A_186 : memref<640xf32, #tpu.memory_space<hbm>>) target_semaphore(%run_scoped3A : memref<!tpu.dma_semaphore, #tpu.memory_space<semaphore_mem>>)
      %dma_wait3A = tpu.memref_slice %arg4[%multiple_of3A_183] : memref<40960xf32, #tpu.memory_space<hbm>> -> memref<640xf32, #tpu.memory_space<hbm>>
      %dma_wait3A_188 = tpu.memref_slice %arg6[%mul3A_185] : memref<10240xf32, #tpu.memory_space<vmem_shared>> -> memref<640xf32, #tpu.memory_space<vmem_shared>>
      tpu.wait_dma2 semaphore(%run_scoped3A : memref<!tpu.dma_semaphore, #tpu.memory_space<semaphore_mem>>) src(%dma_wait3A_188 : memref<640xf32, #tpu.memory_space<vmem_shared>>) dst(%dma_wait3A : memref<640xf32, #tpu.memory_space<hbm>>)
      tpu.yield
    }) : () -> ()
    return
  }
}

#map = affine_map<(d0, d1) -> (0, 0)>
module attributes {stable_mosaic.version = 14 : i64} {
  func.func @_sc_propagate(%arg0: i32, %arg1: i32, %arg2: memref<20480x128xi32, #tpu.memory_space<hbm>>, %arg3: memref<40960x128xf32, #tpu.memory_space<hbm>>, %arg4: memref<10240x128xf32, #tpu.memory_space<hbm>>, %arg5: memref<40960x128xf32, #tpu.memory_space<hbm>>, %arg6: memref<10240x128xf32, #tpu.memory_space<vmem_shared>>, %arg7: memref<8x128xi32, #tpu.memory_space<vmem>>, %arg8: memref<8x128xi32, #tpu.memory_space<vmem>>, %arg9: memref<128x128xf32, #tpu.memory_space<vmem>>, %arg10: memref<128x128xf32, #tpu.memory_space<vmem>>, %arg11: memref<!tpu.dma_semaphore, #tpu.memory_space<semaphore_mem>>, %arg12: memref<!tpu.dma_semaphore, #tpu.memory_space<semaphore_mem>>, %arg13: memref<!tpu.dma_semaphore, #tpu.memory_space<semaphore_mem>>, %arg14: memref<!tpu.dma_semaphore, #tpu.memory_space<semaphore_mem>>, %arg15: memref<!tpu.dma_semaphore, #tpu.memory_space<semaphore_mem>>, %arg16: memref<!tpu.dma_semaphore, #tpu.memory_space<semaphore_mem>>) attributes {dimension_semantics = [#tpu.dimension_semantics<core_parallel>, #tpu.dimension_semantics<subcore_parallel>], iteration_bounds = array<i64: 2, 16>, scalar_prefetch = 0 : i64, scratch_operands = 11 : i64, tpu.core_type = #tpu.core_type<sc_vector_subcore>, window_params = [{transform_indices = #map}, {transform_indices = #map}, {transform_indices = #map}, {transform_indices = #map}]} {
    %mul3A = arith.constant 2 : i32
    %mul3A_0 = arith.muli %arg0, %mul3A : i32
    %add3A = arith.constant 0 : i32
    %add3A_1 = arith.addi %mul3A_0, %add3A : i32
    %mul3A_2 = arith.constant 640 : i32
    %mul3A_3 = arith.muli %arg1, %mul3A_2 : i32
    %mul3A_4 = arith.constant 640 : i32
    %mul3A_5 = arith.muli %arg1, %mul3A_4 : i32
    "tpu.region"() ({
      %run_scoped3A = tpu.sem_alloc : memref<!tpu.dma_semaphore, #tpu.memory_space<semaphore_mem>>
      %dma_start3A_132 = arith.constant 0 : i32
      %dma_start3A_133 = tpu.memref_slice %arg6[%mul3A_5, %dma_start3A_132] : memref<10240x128xf32, #tpu.memory_space<vmem_shared>> -> memref<640x128xf32, #tpu.memory_space<vmem_shared>>
      %dma_start3A_134 = arith.constant 0 : i32
      %dma_start3A_135 = tpu.memref_slice %arg4[%mul3A_3, %dma_start3A_134] : memref<10240x128xf32, #tpu.memory_space<hbm>> -> memref<640x128xf32, #tpu.memory_space<hbm>>
      tpu.enqueue_dma source(%dma_start3A_135 : memref<640x128xf32, #tpu.memory_space<hbm>>) target(%dma_start3A_133 : memref<640x128xf32, #tpu.memory_space<vmem_shared>>) target_semaphore(%run_scoped3A : memref<!tpu.dma_semaphore, #tpu.memory_space<semaphore_mem>>)
      %dma_wait3A_136 = arith.constant 0 : i32
      %dma_wait3A_137 = tpu.memref_slice %arg6[%mul3A_5, %dma_wait3A_136] : memref<10240x128xf32, #tpu.memory_space<vmem_shared>> -> memref<640x128xf32, #tpu.memory_space<vmem_shared>>
      %dma_wait3A_138 = arith.constant 0 : i32
      %dma_wait3A_139 = tpu.memref_slice %arg4[%mul3A_3, %dma_wait3A_138] : memref<10240x128xf32, #tpu.memory_space<hbm>> -> memref<640x128xf32, #tpu.memory_space<hbm>>
      tpu.wait_dma2 semaphore(%run_scoped3A : memref<!tpu.dma_semaphore, #tpu.memory_space<semaphore_mem>>) src(%dma_wait3A_139 : memref<640x128xf32, #tpu.memory_space<hbm>>) dst(%dma_wait3A_137 : memref<640x128xf32, #tpu.memory_space<vmem_shared>>)
      tpu.yield
    }) : () -> ()
    %barrier3A = arith.constant 0 : index
    tpu.barrier barrier_id(%barrier3A)
    %mul3A_6 = arith.constant 16 : i32
    %mul3A_7 = arith.muli %add3A_1, %mul3A_6 : i32
    %add3A_8 = arith.addi %mul3A_7, %arg1 : i32
    %mul3A_9 = arith.constant 320 : i32
    %mul3A_10 = arith.muli %add3A_8, %mul3A_9 : i32
    %add3A_11 = arith.constant 0 : i32
    %add3A_12 = arith.addi %mul3A_10, %add3A_11 : i32
    %add3A_13 = arith.constant 0 : i32
    %add3A_14 = arith.addi %add3A_12, %add3A_13 : i32
    %dma_start3A = arith.constant 0 : i32
    %dma_start3A_15 = tpu.memref_slice %arg2[%add3A_14, %dma_start3A] : memref<20480x128xi32, #tpu.memory_space<hbm>> -> memref<8x128xi32, #tpu.memory_space<hbm>>
    %dma_start3A_16 = arith.constant 0 : i32
    %dma_start3A_17 = tpu.memref_slice %arg2[%add3A_14, %dma_start3A_16] : memref<20480x128xi32, #tpu.memory_space<hbm>> -> memref<8x128xi32, #tpu.memory_space<hbm>>
    tpu.enqueue_dma source(%dma_start3A_17 : memref<8x128xi32, #tpu.memory_space<hbm>>) target(%arg7 : memref<8x128xi32, #tpu.memory_space<vmem>>) target_semaphore(%arg11 : memref<!tpu.dma_semaphore, #tpu.memory_space<semaphore_mem>>)
    %dma_wait3A = arith.constant 0 : i32
    %dma_wait3A_18 = tpu.memref_slice %arg2[%add3A_14, %dma_wait3A] : memref<20480x128xi32, #tpu.memory_space<hbm>> -> memref<8x128xi32, #tpu.memory_space<hbm>>
    %dma_wait3A_19 = arith.constant 0 : i32
    %dma_wait3A_20 = tpu.memref_slice %arg2[%add3A_14, %dma_wait3A_19] : memref<20480x128xi32, #tpu.memory_space<hbm>> -> memref<8x128xi32, #tpu.memory_space<hbm>>
    tpu.wait_dma2 semaphore(%arg11 : memref<!tpu.dma_semaphore, #tpu.memory_space<semaphore_mem>>) src(%dma_wait3A_20 : memref<8x128xi32, #tpu.memory_space<hbm>>) dst(%arg7 : memref<8x128xi32, #tpu.memory_space<vmem>>)
    %mul3A_21 = arith.constant 16 : i32
    %mul3A_22 = arith.muli %add3A_1, %mul3A_21 : i32
    %add3A_23 = arith.addi %mul3A_22, %arg1 : i32
    %mul3A_24 = arith.constant 320 : i32
    %mul3A_25 = arith.muli %add3A_23, %mul3A_24 : i32
    %add3A_26 = arith.constant 0 : i32
    %add3A_27 = arith.addi %mul3A_25, %add3A_26 : i32
    %add3A_28 = arith.constant 8 : i32
    %add3A_29 = arith.addi %add3A_27, %add3A_28 : i32
    %dma_start3A_30 = arith.constant 0 : i32
    %dma_start3A_31 = tpu.memref_slice %arg2[%add3A_29, %dma_start3A_30] : memref<20480x128xi32, #tpu.memory_space<hbm>> -> memref<8x128xi32, #tpu.memory_space<hbm>>
    %dma_start3A_32 = arith.constant 0 : i32
    %dma_start3A_33 = tpu.memref_slice %arg2[%add3A_29, %dma_start3A_32] : memref<20480x128xi32, #tpu.memory_space<hbm>> -> memref<8x128xi32, #tpu.memory_space<hbm>>
    tpu.enqueue_dma source(%dma_start3A_33 : memref<8x128xi32, #tpu.memory_space<hbm>>) target(%arg8 : memref<8x128xi32, #tpu.memory_space<vmem>>) target_semaphore(%arg12 : memref<!tpu.dma_semaphore, #tpu.memory_space<semaphore_mem>>)
    %dma_start3A_34 = arith.constant 0 : i32
    %dma_start3A_35 = arith.constant 0 : i32
    %dma_start3A_36 = tpu.memref_slice %arg7[%dma_start3A_34, %dma_start3A_35] : memref<8x128xi32, #tpu.memory_space<vmem>> -> memref<1x128xi32, #tpu.memory_space<vmem>>
    %dma_start3A_37 = tpu.memref_squeeze %dma_start3A_36 : memref<1x128xi32, #tpu.memory_space<vmem>> -> memref<128xi32, #tpu.memory_space<vmem>>
    %dma_start3A_38 = arith.constant 0 : i32
    %dma_start3A_39 = arith.constant 0 : i32
    %dma_start3A_40 = tpu.memref_slice %arg3[%dma_start3A_38, %dma_start3A_39] : memref<40960x128xf32, #tpu.memory_space<hbm>> -> memref<40960x128xf32, #tpu.memory_space<hbm>>
    tpu.enqueue_indirect_dma source(%dma_start3A_40 : memref<40960x128xf32, #tpu.memory_space<hbm>>) target(%arg9 : memref<128x128xf32, #tpu.memory_space<vmem>>) offsets(%dma_start3A_37 : memref<128xi32, #tpu.memory_space<vmem>>) semaphore(%arg13 : memref<!tpu.dma_semaphore, #tpu.memory_space<semaphore_mem>>)
    %dma_start3A_41 = arith.constant 2 : i32
    %dma_start3A_42 = arith.constant 0 : i32
    %dma_start3A_43 = tpu.memref_slice %arg7[%dma_start3A_41, %dma_start3A_42] : memref<8x128xi32, #tpu.memory_space<vmem>> -> memref<1x128xi32, #tpu.memory_space<vmem>>
    %dma_start3A_44 = tpu.memref_squeeze %dma_start3A_43 : memref<1x128xi32, #tpu.memory_space<vmem>> -> memref<128xi32, #tpu.memory_space<vmem>>
    %dma_start3A_45 = arith.constant 0 : i32
    %dma_start3A_46 = arith.constant 0 : i32
    %dma_start3A_47 = tpu.memref_slice %arg3[%dma_start3A_45, %dma_start3A_46] : memref<40960x128xf32, #tpu.memory_space<hbm>> -> memref<40960x128xf32, #tpu.memory_space<hbm>>
    tpu.enqueue_indirect_dma source(%dma_start3A_47 : memref<40960x128xf32, #tpu.memory_space<hbm>>) target(%arg10 : memref<128x128xf32, #tpu.memory_space<vmem>>) offsets(%dma_start3A_44 : memref<128xi32, #tpu.memory_space<vmem>>) semaphore(%arg14 : memref<!tpu.dma_semaphore, #tpu.memory_space<semaphore_mem>>)
    %scan3A = arith.constant 0 : i32
    %scan3A_48 = arith.constant 0 : i32
    %scan3A_49 = arith.constant 20 : i32
    %scan3A_50 = arith.addi %scan3A_48, %scan3A_49 : i32
    %scan3A_51 = arith.constant 1 : i32
    %scan3A_52 = scf.for %scan3A_132 = %scan3A_48 to %scan3A_50 step %scan3A_51 iter_args(%scan3A_133 = %scan3A) -> (i32)  : i32 {
      %eq3A = arith.constant 19 : i32
      %eq3A_134 = arith.cmpi eq, %scan3A_132, %eq3A : i32
      %dma_wait3A_135 = arith.constant 0 : i32
      %dma_wait3A_136 = arith.constant 0 : i32
      %dma_wait3A_137 = tpu.memref_slice %arg3[%dma_wait3A_135, %dma_wait3A_136] : memref<40960x128xf32, #tpu.memory_space<hbm>> -> memref<128x128xf32, #tpu.memory_space<hbm>>
      %dma_wait3A_138 = arith.constant 0 : i32
      %dma_wait3A_139 = arith.constant 0 : i32
      %dma_wait3A_140 = tpu.memref_slice %arg3[%dma_wait3A_138, %dma_wait3A_139] : memref<40960x128xf32, #tpu.memory_space<hbm>> -> memref<128x128xf32, #tpu.memory_space<hbm>>
      tpu.wait_dma2 semaphore(%arg13 : memref<!tpu.dma_semaphore, #tpu.memory_space<semaphore_mem>>) src(%dma_wait3A_140 : memref<128x128xf32, #tpu.memory_space<hbm>>) dst(%arg9 : memref<128x128xf32, #tpu.memory_space<vmem>>)
      %dma_start3A_141 = arith.constant 1 : i32
      %dma_start3A_142 = arith.constant 0 : i32
      %dma_start3A_143 = tpu.memref_slice %arg7[%dma_start3A_141, %dma_start3A_142] : memref<8x128xi32, #tpu.memory_space<vmem>> -> memref<1x128xi32, #tpu.memory_space<vmem>>
      %dma_start3A_144 = tpu.memref_squeeze %dma_start3A_143 : memref<1x128xi32, #tpu.memory_space<vmem>> -> memref<128xi32, #tpu.memory_space<vmem>>
      %dma_start3A_145 = arith.constant 0 : i32
      %dma_start3A_146 = arith.constant 0 : i32
      %dma_start3A_147 = tpu.memref_slice %arg6[%dma_start3A_145, %dma_start3A_146] : memref<10240x128xf32, #tpu.memory_space<vmem_shared>> -> memref<10240x128xf32, #tpu.memory_space<vmem_shared>>
      tpu.enqueue_indirect_dma source(%arg9 : memref<128x128xf32, #tpu.memory_space<vmem>>) target(%dma_start3A_147 : memref<10240x128xf32, #tpu.memory_space<vmem_shared>>) offsets(%dma_start3A_144 : memref<128xi32, #tpu.memory_space<vmem>>) semaphore(%arg15 : memref<!tpu.dma_semaphore, #tpu.memory_space<semaphore_mem>>) {add = true}
      %dma_wait3A_148 = arith.constant 0 : i32
      %dma_wait3A_149 = arith.constant 0 : i32
      %dma_wait3A_150 = tpu.memref_slice %arg3[%dma_wait3A_148, %dma_wait3A_149] : memref<40960x128xf32, #tpu.memory_space<hbm>> -> memref<128x128xf32, #tpu.memory_space<hbm>>
      %dma_wait3A_151 = arith.constant 0 : i32
      %dma_wait3A_152 = arith.constant 0 : i32
      %dma_wait3A_153 = tpu.memref_slice %arg3[%dma_wait3A_151, %dma_wait3A_152] : memref<40960x128xf32, #tpu.memory_space<hbm>> -> memref<128x128xf32, #tpu.memory_space<hbm>>
      tpu.wait_dma2 semaphore(%arg14 : memref<!tpu.dma_semaphore, #tpu.memory_space<semaphore_mem>>) src(%dma_wait3A_153 : memref<128x128xf32, #tpu.memory_space<hbm>>) dst(%arg10 : memref<128x128xf32, #tpu.memory_space<vmem>>)
      %dma_start3A_154 = arith.constant 3 : i32
      %dma_start3A_155 = arith.constant 0 : i32
      %dma_start3A_156 = tpu.memref_slice %arg7[%dma_start3A_154, %dma_start3A_155] : memref<8x128xi32, #tpu.memory_space<vmem>> -> memref<1x128xi32, #tpu.memory_space<vmem>>
      %dma_start3A_157 = tpu.memref_squeeze %dma_start3A_156 : memref<1x128xi32, #tpu.memory_space<vmem>> -> memref<128xi32, #tpu.memory_space<vmem>>
      %dma_start3A_158 = arith.constant 0 : i32
      %dma_start3A_159 = arith.constant 0 : i32
      %dma_start3A_160 = tpu.memref_slice %arg6[%dma_start3A_158, %dma_start3A_159] : memref<10240x128xf32, #tpu.memory_space<vmem_shared>> -> memref<10240x128xf32, #tpu.memory_space<vmem_shared>>
      tpu.enqueue_indirect_dma source(%arg10 : memref<128x128xf32, #tpu.memory_space<vmem>>) target(%dma_start3A_160 : memref<10240x128xf32, #tpu.memory_space<vmem_shared>>) offsets(%dma_start3A_157 : memref<128xi32, #tpu.memory_space<vmem>>) semaphore(%arg16 : memref<!tpu.dma_semaphore, #tpu.memory_space<semaphore_mem>>) {add = true}
      %dma_wait3A_161 = arith.constant 0 : i32
      %dma_wait3A_162 = arith.constant 0 : i32
      %dma_wait3A_163 = tpu.memref_slice %arg3[%dma_wait3A_161, %dma_wait3A_162] : memref<40960x128xf32, #tpu.memory_space<hbm>> -> memref<128x128xf32, #tpu.memory_space<hbm>>
      %dma_wait3A_164 = arith.constant 0 : i32
      %dma_wait3A_165 = arith.constant 0 : i32
      %dma_wait3A_166 = tpu.memref_slice %arg3[%dma_wait3A_164, %dma_wait3A_165] : memref<40960x128xf32, #tpu.memory_space<hbm>> -> memref<128x128xf32, #tpu.memory_space<hbm>>
      tpu.wait_dma2 semaphore(%arg15 : memref<!tpu.dma_semaphore, #tpu.memory_space<semaphore_mem>>) src(%dma_wait3A_166 : memref<128x128xf32, #tpu.memory_space<hbm>>) dst(%arg9 : memref<128x128xf32, #tpu.memory_space<vmem>>)
      %dma_start3A_167 = arith.constant 4 : i32
      %dma_start3A_168 = arith.constant 0 : i32
      %dma_start3A_169 = tpu.memref_slice %arg7[%dma_start3A_167, %dma_start3A_168] : memref<8x128xi32, #tpu.memory_space<vmem>> -> memref<1x128xi32, #tpu.memory_space<vmem>>
      %dma_start3A_170 = tpu.memref_squeeze %dma_start3A_169 : memref<1x128xi32, #tpu.memory_space<vmem>> -> memref<128xi32, #tpu.memory_space<vmem>>
      %dma_start3A_171 = arith.constant 0 : i32
      %dma_start3A_172 = arith.constant 0 : i32
      %dma_start3A_173 = tpu.memref_slice %arg3[%dma_start3A_171, %dma_start3A_172] : memref<40960x128xf32, #tpu.memory_space<hbm>> -> memref<40960x128xf32, #tpu.memory_space<hbm>>
      tpu.enqueue_indirect_dma source(%dma_start3A_173 : memref<40960x128xf32, #tpu.memory_space<hbm>>) target(%arg9 : memref<128x128xf32, #tpu.memory_space<vmem>>) offsets(%dma_start3A_170 : memref<128xi32, #tpu.memory_space<vmem>>) semaphore(%arg13 : memref<!tpu.dma_semaphore, #tpu.memory_space<semaphore_mem>>)
      %dma_wait3A_174 = arith.constant 0 : i32
      %dma_wait3A_175 = arith.constant 0 : i32
      %dma_wait3A_176 = tpu.memref_slice %arg3[%dma_wait3A_174, %dma_wait3A_175] : memref<40960x128xf32, #tpu.memory_space<hbm>> -> memref<128x128xf32, #tpu.memory_space<hbm>>
      %dma_wait3A_177 = arith.constant 0 : i32
      %dma_wait3A_178 = arith.constant 0 : i32
      %dma_wait3A_179 = tpu.memref_slice %arg3[%dma_wait3A_177, %dma_wait3A_178] : memref<40960x128xf32, #tpu.memory_space<hbm>> -> memref<128x128xf32, #tpu.memory_space<hbm>>
      tpu.wait_dma2 semaphore(%arg16 : memref<!tpu.dma_semaphore, #tpu.memory_space<semaphore_mem>>) src(%dma_wait3A_179 : memref<128x128xf32, #tpu.memory_space<hbm>>) dst(%arg10 : memref<128x128xf32, #tpu.memory_space<vmem>>)
      %dma_start3A_180 = arith.constant 6 : i32
      %dma_start3A_181 = arith.constant 0 : i32
      %dma_start3A_182 = tpu.memref_slice %arg7[%dma_start3A_180, %dma_start3A_181] : memref<8x128xi32, #tpu.memory_space<vmem>> -> memref<1x128xi32, #tpu.memory_space<vmem>>
      %dma_start3A_183 = tpu.memref_squeeze %dma_start3A_182 : memref<1x128xi32, #tpu.memory_space<vmem>> -> memref<128xi32, #tpu.memory_space<vmem>>
      %dma_start3A_184 = arith.constant 0 : i32
      %dma_start3A_185 = arith.constant 0 : i32
      %dma_start3A_186 = tpu.memref_slice %arg3[%dma_start3A_184, %dma_start3A_185] : memref<40960x128xf32, #tpu.memory_space<hbm>> -> memref<40960x128xf32, #tpu.memory_space<hbm>>
      tpu.enqueue_indirect_dma source(%dma_start3A_186 : memref<40960x128xf32, #tpu.memory_space<hbm>>) target(%arg10 : memref<128x128xf32, #tpu.memory_space<vmem>>) offsets(%dma_start3A_183 : memref<128xi32, #tpu.memory_space<vmem>>) semaphore(%arg14 : memref<!tpu.dma_semaphore, #tpu.memory_space<semaphore_mem>>)
      %dma_wait3A_187 = arith.constant 0 : i32
      %dma_wait3A_188 = arith.constant 0 : i32
      %dma_wait3A_189 = tpu.memref_slice %arg2[%dma_wait3A_187, %dma_wait3A_188] : memref<20480x128xi32, #tpu.memory_space<hbm>> -> memref<8x128xi32, #tpu.memory_space<hbm>>
      %dma_wait3A_190 = arith.constant 0 : i32
      %dma_wait3A_191 = arith.constant 0 : i32
      %dma_wait3A_192 = tpu.memref_slice %arg2[%dma_wait3A_190, %dma_wait3A_191] : memref<20480x128xi32, #tpu.memory_space<hbm>> -> memref<8x128xi32, #tpu.memory_space<hbm>>
      tpu.wait_dma2 semaphore(%arg12 : memref<!tpu.dma_semaphore, #tpu.memory_space<semaphore_mem>>) src(%dma_wait3A_192 : memref<8x128xi32, #tpu.memory_space<hbm>>) dst(%arg8 : memref<8x128xi32, #tpu.memory_space<vmem>>)
      %dma_wait3A_193 = arith.constant 0 : i32
      %dma_wait3A_194 = arith.constant 0 : i32
      %dma_wait3A_195 = tpu.memref_slice %arg3[%dma_wait3A_193, %dma_wait3A_194] : memref<40960x128xf32, #tpu.memory_space<hbm>> -> memref<128x128xf32, #tpu.memory_space<hbm>>
      %dma_wait3A_196 = arith.constant 0 : i32
      %dma_wait3A_197 = arith.constant 0 : i32
      %dma_wait3A_198 = tpu.memref_slice %arg3[%dma_wait3A_196, %dma_wait3A_197] : memref<40960x128xf32, #tpu.memory_space<hbm>> -> memref<128x128xf32, #tpu.memory_space<hbm>>
      tpu.wait_dma2 semaphore(%arg13 : memref<!tpu.dma_semaphore, #tpu.memory_space<semaphore_mem>>) src(%dma_wait3A_198 : memref<128x128xf32, #tpu.memory_space<hbm>>) dst(%arg9 : memref<128x128xf32, #tpu.memory_space<vmem>>)
      %dma_start3A_199 = arith.constant 5 : i32
      %dma_start3A_200 = arith.constant 0 : i32
      %dma_start3A_201 = tpu.memref_slice %arg7[%dma_start3A_199, %dma_start3A_200] : memref<8x128xi32, #tpu.memory_space<vmem>> -> memref<1x128xi32, #tpu.memory_space<vmem>>
      %dma_start3A_202 = tpu.memref_squeeze %dma_start3A_201 : memref<1x128xi32, #tpu.memory_space<vmem>> -> memref<128xi32, #tpu.memory_space<vmem>>
      %dma_start3A_203 = arith.constant 0 : i32
      %dma_start3A_204 = arith.constant 0 : i32
      %dma_start3A_205 = tpu.memref_slice %arg6[%dma_start3A_203, %dma_start3A_204] : memref<10240x128xf32, #tpu.memory_space<vmem_shared>> -> memref<10240x128xf32, #tpu.memory_space<vmem_shared>>
      tpu.enqueue_indirect_dma source(%arg9 : memref<128x128xf32, #tpu.memory_space<vmem>>) target(%dma_start3A_205 : memref<10240x128xf32, #tpu.memory_space<vmem_shared>>) offsets(%dma_start3A_202 : memref<128xi32, #tpu.memory_space<vmem>>) semaphore(%arg15 : memref<!tpu.dma_semaphore, #tpu.memory_space<semaphore_mem>>) {add = true}
      %dma_wait3A_206 = arith.constant 0 : i32
      %dma_wait3A_207 = arith.constant 0 : i32
      %dma_wait3A_208 = tpu.memref_slice %arg3[%dma_wait3A_206, %dma_wait3A_207] : memref<40960x128xf32, #tpu.memory_space<hbm>> -> memref<128x128xf32, #tpu.memory_space<hbm>>
      %dma_wait3A_209 = arith.constant 0 : i32
      %dma_wait3A_210 = arith.constant 0 : i32
      %dma_wait3A_211 = tpu.memref_slice %arg3[%dma_wait3A_209, %dma_wait3A_210] : memref<40960x128xf32, #tpu.memory_space<hbm>> -> memref<128x128xf32, #tpu.memory_space<hbm>>
      tpu.wait_dma2 semaphore(%arg14 : memref<!tpu.dma_semaphore, #tpu.memory_space<semaphore_mem>>) src(%dma_wait3A_211 : memref<128x128xf32, #tpu.memory_space<hbm>>) dst(%arg10 : memref<128x128xf32, #tpu.memory_space<vmem>>)
      %dma_start3A_212 = arith.constant 7 : i32
      %dma_start3A_213 = arith.constant 0 : i32
      %dma_start3A_214 = tpu.memref_slice %arg7[%dma_start3A_212, %dma_start3A_213] : memref<8x128xi32, #tpu.memory_space<vmem>> -> memref<1x128xi32, #tpu.memory_space<vmem>>
      %dma_start3A_215 = tpu.memref_squeeze %dma_start3A_214 : memref<1x128xi32, #tpu.memory_space<vmem>> -> memref<128xi32, #tpu.memory_space<vmem>>
      %dma_start3A_216 = arith.constant 0 : i32
      %dma_start3A_217 = arith.constant 0 : i32
      %dma_start3A_218 = tpu.memref_slice %arg6[%dma_start3A_216, %dma_start3A_217] : memref<10240x128xf32, #tpu.memory_space<vmem_shared>> -> memref<10240x128xf32, #tpu.memory_space<vmem_shared>>
      tpu.enqueue_indirect_dma source(%arg10 : memref<128x128xf32, #tpu.memory_space<vmem>>) target(%dma_start3A_218 : memref<10240x128xf32, #tpu.memory_space<vmem_shared>>) offsets(%dma_start3A_215 : memref<128xi32, #tpu.memory_space<vmem>>) semaphore(%arg16 : memref<!tpu.dma_semaphore, #tpu.memory_space<semaphore_mem>>) {add = true}
      %dma_wait3A_219 = arith.constant 0 : i32
      %dma_wait3A_220 = arith.constant 0 : i32
      %dma_wait3A_221 = tpu.memref_slice %arg3[%dma_wait3A_219, %dma_wait3A_220] : memref<40960x128xf32, #tpu.memory_space<hbm>> -> memref<128x128xf32, #tpu.memory_space<hbm>>
      %dma_wait3A_222 = arith.constant 0 : i32
      %dma_wait3A_223 = arith.constant 0 : i32
      %dma_wait3A_224 = tpu.memref_slice %arg3[%dma_wait3A_222, %dma_wait3A_223] : memref<40960x128xf32, #tpu.memory_space<hbm>> -> memref<128x128xf32, #tpu.memory_space<hbm>>
      tpu.wait_dma2 semaphore(%arg15 : memref<!tpu.dma_semaphore, #tpu.memory_space<semaphore_mem>>) src(%dma_wait3A_224 : memref<128x128xf32, #tpu.memory_space<hbm>>) dst(%arg9 : memref<128x128xf32, #tpu.memory_space<vmem>>)
      %dma_start3A_225 = arith.constant 0 : i32
      %dma_start3A_226 = arith.constant 0 : i32
      %dma_start3A_227 = tpu.memref_slice %arg8[%dma_start3A_225, %dma_start3A_226] : memref<8x128xi32, #tpu.memory_space<vmem>> -> memref<1x128xi32, #tpu.memory_space<vmem>>
      %dma_start3A_228 = tpu.memref_squeeze %dma_start3A_227 : memref<1x128xi32, #tpu.memory_space<vmem>> -> memref<128xi32, #tpu.memory_space<vmem>>
      %dma_start3A_229 = arith.constant 0 : i32
      %dma_start3A_230 = arith.constant 0 : i32
      %dma_start3A_231 = tpu.memref_slice %arg3[%dma_start3A_229, %dma_start3A_230] : memref<40960x128xf32, #tpu.memory_space<hbm>> -> memref<40960x128xf32, #tpu.memory_space<hbm>>
      tpu.enqueue_indirect_dma source(%dma_start3A_231 : memref<40960x128xf32, #tpu.memory_space<hbm>>) target(%arg9 : memref<128x128xf32, #tpu.memory_space<vmem>>) offsets(%dma_start3A_228 : memref<128xi32, #tpu.memory_space<vmem>>) semaphore(%arg13 : memref<!tpu.dma_semaphore, #tpu.memory_space<semaphore_mem>>)
      %dma_wait3A_232 = arith.constant 0 : i32
      %dma_wait3A_233 = arith.constant 0 : i32
      %dma_wait3A_234 = tpu.memref_slice %arg3[%dma_wait3A_232, %dma_wait3A_233] : memref<40960x128xf32, #tpu.memory_space<hbm>> -> memref<128x128xf32, #tpu.memory_space<hbm>>
      %dma_wait3A_235 = arith.constant 0 : i32
      %dma_wait3A_236 = arith.constant 0 : i32
      %dma_wait3A_237 = tpu.memref_slice %arg3[%dma_wait3A_235, %dma_wait3A_236] : memref<40960x128xf32, #tpu.memory_space<hbm>> -> memref<128x128xf32, #tpu.memory_space<hbm>>
      tpu.wait_dma2 semaphore(%arg16 : memref<!tpu.dma_semaphore, #tpu.memory_space<semaphore_mem>>) src(%dma_wait3A_237 : memref<128x128xf32, #tpu.memory_space<hbm>>) dst(%arg10 : memref<128x128xf32, #tpu.memory_space<vmem>>)
      %dma_start3A_238 = arith.constant 2 : i32
      %dma_start3A_239 = arith.constant 0 : i32
      %dma_start3A_240 = tpu.memref_slice %arg8[%dma_start3A_238, %dma_start3A_239] : memref<8x128xi32, #tpu.memory_space<vmem>> -> memref<1x128xi32, #tpu.memory_space<vmem>>
      %dma_start3A_241 = tpu.memref_squeeze %dma_start3A_240 : memref<1x128xi32, #tpu.memory_space<vmem>> -> memref<128xi32, #tpu.memory_space<vmem>>
      %dma_start3A_242 = arith.constant 0 : i32
      %dma_start3A_243 = arith.constant 0 : i32
      %dma_start3A_244 = tpu.memref_slice %arg3[%dma_start3A_242, %dma_start3A_243] : memref<40960x128xf32, #tpu.memory_space<hbm>> -> memref<40960x128xf32, #tpu.memory_space<hbm>>
      tpu.enqueue_indirect_dma source(%dma_start3A_244 : memref<40960x128xf32, #tpu.memory_space<hbm>>) target(%arg10 : memref<128x128xf32, #tpu.memory_space<vmem>>) offsets(%dma_start3A_241 : memref<128xi32, #tpu.memory_space<vmem>>) semaphore(%arg14 : memref<!tpu.dma_semaphore, #tpu.memory_space<semaphore_mem>>)
      %not3A = arith.constant true
      %not3A_245 = arith.xori %eq3A_134, %not3A : i1
      %convert_element_type3A = arith.extui %not3A_245 : i1 to i32
      %cond3A = arith.constant 0 : i32
      %cond3A_246 = arith.cmpi ne, %convert_element_type3A, %cond3A : i32
      scf.if %cond3A_246 {
        %add3A_348 = arith.constant 1 : i32
        %add3A_349 = arith.addi %scan3A_132, %add3A_348 : i32
        %mul3A_350 = arith.constant 16 : i32
        %mul3A_351 = arith.muli %add3A_1, %mul3A_350 : i32
        %add3A_352 = arith.addi %mul3A_351, %arg1 : i32
        %mul3A_353 = arith.constant 320 : i32
        %mul3A_354 = arith.muli %add3A_352, %mul3A_353 : i32
        %mul3A_355 = arith.constant 16 : i32
        %mul3A_356 = arith.muli %add3A_349, %mul3A_355 : i32
        %add3A_357 = arith.addi %mul3A_354, %mul3A_356 : i32
        %add3A_358 = arith.constant 0 : i32
        %add3A_359 = arith.addi %add3A_357, %add3A_358 : i32
        %dma_start3A_360 = arith.constant 0 : i32
        %dma_start3A_361 = tpu.memref_slice %arg2[%add3A_359, %dma_start3A_360] : memref<20480x128xi32, #tpu.memory_space<hbm>> -> memref<8x128xi32, #tpu.memory_space<hbm>>
        %dma_start3A_362 = arith.constant 0 : i32
        %dma_start3A_363 = tpu.memref_slice %arg2[%add3A_359, %dma_start3A_362] : memref<20480x128xi32, #tpu.memory_space<hbm>> -> memref<8x128xi32, #tpu.memory_space<hbm>>
        tpu.enqueue_dma source(%dma_start3A_363 : memref<8x128xi32, #tpu.memory_space<hbm>>) target(%arg7 : memref<8x128xi32, #tpu.memory_space<vmem>>) target_semaphore(%arg11 : memref<!tpu.dma_semaphore, #tpu.memory_space<semaphore_mem>>)
      } else {
      }
      %dma_wait3A_247 = arith.constant 0 : i32
      %dma_wait3A_248 = arith.constant 0 : i32
      %dma_wait3A_249 = tpu.memref_slice %arg3[%dma_wait3A_247, %dma_wait3A_248] : memref<40960x128xf32, #tpu.memory_space<hbm>> -> memref<128x128xf32, #tpu.memory_space<hbm>>
      %dma_wait3A_250 = arith.constant 0 : i32
      %dma_wait3A_251 = arith.constant 0 : i32
      %dma_wait3A_252 = tpu.memref_slice %arg3[%dma_wait3A_250, %dma_wait3A_251] : memref<40960x128xf32, #tpu.memory_space<hbm>> -> memref<128x128xf32, #tpu.memory_space<hbm>>
      tpu.wait_dma2 semaphore(%arg13 : memref<!tpu.dma_semaphore, #tpu.memory_space<semaphore_mem>>) src(%dma_wait3A_252 : memref<128x128xf32, #tpu.memory_space<hbm>>) dst(%arg9 : memref<128x128xf32, #tpu.memory_space<vmem>>)
      %dma_start3A_253 = arith.constant 1 : i32
      %dma_start3A_254 = arith.constant 0 : i32
      %dma_start3A_255 = tpu.memref_slice %arg8[%dma_start3A_253, %dma_start3A_254] : memref<8x128xi32, #tpu.memory_space<vmem>> -> memref<1x128xi32, #tpu.memory_space<vmem>>
      %dma_start3A_256 = tpu.memref_squeeze %dma_start3A_255 : memref<1x128xi32, #tpu.memory_space<vmem>> -> memref<128xi32, #tpu.memory_space<vmem>>
      %dma_start3A_257 = arith.constant 0 : i32
      %dma_start3A_258 = arith.constant 0 : i32
      %dma_start3A_259 = tpu.memref_slice %arg6[%dma_start3A_257, %dma_start3A_258] : memref<10240x128xf32, #tpu.memory_space<vmem_shared>> -> memref<10240x128xf32, #tpu.memory_space<vmem_shared>>
      tpu.enqueue_indirect_dma source(%arg9 : memref<128x128xf32, #tpu.memory_space<vmem>>) target(%dma_start3A_259 : memref<10240x128xf32, #tpu.memory_space<vmem_shared>>) offsets(%dma_start3A_256 : memref<128xi32, #tpu.memory_space<vmem>>) semaphore(%arg15 : memref<!tpu.dma_semaphore, #tpu.memory_space<semaphore_mem>>) {add = true}
      %dma_wait3A_260 = arith.constant 0 : i32
      %dma_wait3A_261 = arith.constant 0 : i32
      %dma_wait3A_262 = tpu.memref_slice %arg3[%dma_wait3A_260, %dma_wait3A_261] : memref<40960x128xf32, #tpu.memory_space<hbm>> -> memref<128x128xf32, #tpu.memory_space<hbm>>
      %dma_wait3A_263 = arith.constant 0 : i32
      %dma_wait3A_264 = arith.constant 0 : i32
      %dma_wait3A_265 = tpu.memref_slice %arg3[%dma_wait3A_263, %dma_wait3A_264] : memref<40960x128xf32, #tpu.memory_space<hbm>> -> memref<128x128xf32, #tpu.memory_space<hbm>>
      tpu.wait_dma2 semaphore(%arg14 : memref<!tpu.dma_semaphore, #tpu.memory_space<semaphore_mem>>) src(%dma_wait3A_265 : memref<128x128xf32, #tpu.memory_space<hbm>>) dst(%arg10 : memref<128x128xf32, #tpu.memory_space<vmem>>)
      %dma_start3A_266 = arith.constant 3 : i32
      %dma_start3A_267 = arith.constant 0 : i32
      %dma_start3A_268 = tpu.memref_slice %arg8[%dma_start3A_266, %dma_start3A_267] : memref<8x128xi32, #tpu.memory_space<vmem>> -> memref<1x128xi32, #tpu.memory_space<vmem>>
      %dma_start3A_269 = tpu.memref_squeeze %dma_start3A_268 : memref<1x128xi32, #tpu.memory_space<vmem>> -> memref<128xi32, #tpu.memory_space<vmem>>
      %dma_start3A_270 = arith.constant 0 : i32
      %dma_start3A_271 = arith.constant 0 : i32
      %dma_start3A_272 = tpu.memref_slice %arg6[%dma_start3A_270, %dma_start3A_271] : memref<10240x128xf32, #tpu.memory_space<vmem_shared>> -> memref<10240x128xf32, #tpu.memory_space<vmem_shared>>
      tpu.enqueue_indirect_dma source(%arg10 : memref<128x128xf32, #tpu.memory_space<vmem>>) target(%dma_start3A_272 : memref<10240x128xf32, #tpu.memory_space<vmem_shared>>) offsets(%dma_start3A_269 : memref<128xi32, #tpu.memory_space<vmem>>) semaphore(%arg16 : memref<!tpu.dma_semaphore, #tpu.memory_space<semaphore_mem>>) {add = true}
      %dma_wait3A_273 = arith.constant 0 : i32
      %dma_wait3A_274 = arith.constant 0 : i32
      %dma_wait3A_275 = tpu.memref_slice %arg3[%dma_wait3A_273, %dma_wait3A_274] : memref<40960x128xf32, #tpu.memory_space<hbm>> -> memref<128x128xf32, #tpu.memory_space<hbm>>
      %dma_wait3A_276 = arith.constant 0 : i32
      %dma_wait3A_277 = arith.constant 0 : i32
      %dma_wait3A_278 = tpu.memref_slice %arg3[%dma_wait3A_276, %dma_wait3A_277] : memref<40960x128xf32, #tpu.memory_space<hbm>> -> memref<128x128xf32, #tpu.memory_space<hbm>>
      tpu.wait_dma2 semaphore(%arg15 : memref<!tpu.dma_semaphore, #tpu.memory_space<semaphore_mem>>) src(%dma_wait3A_278 : memref<128x128xf32, #tpu.memory_space<hbm>>) dst(%arg9 : memref<128x128xf32, #tpu.memory_space<vmem>>)
      %dma_start3A_279 = arith.constant 4 : i32
      %dma_start3A_280 = arith.constant 0 : i32
      %dma_start3A_281 = tpu.memref_slice %arg8[%dma_start3A_279, %dma_start3A_280] : memref<8x128xi32, #tpu.memory_space<vmem>> -> memref<1x128xi32, #tpu.memory_space<vmem>>
      %dma_start3A_282 = tpu.memref_squeeze %dma_start3A_281 : memref<1x128xi32, #tpu.memory_space<vmem>> -> memref<128xi32, #tpu.memory_space<vmem>>
      %dma_start3A_283 = arith.constant 0 : i32
      %dma_start3A_284 = arith.constant 0 : i32
      %dma_start3A_285 = tpu.memref_slice %arg3[%dma_start3A_283, %dma_start3A_284] : memref<40960x128xf32, #tpu.memory_space<hbm>> -> memref<40960x128xf32, #tpu.memory_space<hbm>>
      tpu.enqueue_indirect_dma source(%dma_start3A_285 : memref<40960x128xf32, #tpu.memory_space<hbm>>) target(%arg9 : memref<128x128xf32, #tpu.memory_space<vmem>>) offsets(%dma_start3A_282 : memref<128xi32, #tpu.memory_space<vmem>>) semaphore(%arg13 : memref<!tpu.dma_semaphore, #tpu.memory_space<semaphore_mem>>)
      %dma_wait3A_286 = arith.constant 0 : i32
      %dma_wait3A_287 = arith.constant 0 : i32
      %dma_wait3A_288 = tpu.memref_slice %arg3[%dma_wait3A_286, %dma_wait3A_287] : memref<40960x128xf32, #tpu.memory_space<hbm>> -> memref<128x128xf32, #tpu.memory_space<hbm>>
      %dma_wait3A_289 = arith.constant 0 : i32
      %dma_wait3A_290 = arith.constant 0 : i32
      %dma_wait3A_291 = tpu.memref_slice %arg3[%dma_wait3A_289, %dma_wait3A_290] : memref<40960x128xf32, #tpu.memory_space<hbm>> -> memref<128x128xf32, #tpu.memory_space<hbm>>
      tpu.wait_dma2 semaphore(%arg16 : memref<!tpu.dma_semaphore, #tpu.memory_space<semaphore_mem>>) src(%dma_wait3A_291 : memref<128x128xf32, #tpu.memory_space<hbm>>) dst(%arg10 : memref<128x128xf32, #tpu.memory_space<vmem>>)
      %dma_start3A_292 = arith.constant 6 : i32
      %dma_start3A_293 = arith.constant 0 : i32
      %dma_start3A_294 = tpu.memref_slice %arg8[%dma_start3A_292, %dma_start3A_293] : memref<8x128xi32, #tpu.memory_space<vmem>> -> memref<1x128xi32, #tpu.memory_space<vmem>>
      %dma_start3A_295 = tpu.memref_squeeze %dma_start3A_294 : memref<1x128xi32, #tpu.memory_space<vmem>> -> memref<128xi32, #tpu.memory_space<vmem>>
      %dma_start3A_296 = arith.constant 0 : i32
      %dma_start3A_297 = arith.constant 0 : i32
      %dma_start3A_298 = tpu.memref_slice %arg3[%dma_start3A_296, %dma_start3A_297] : memref<40960x128xf32, #tpu.memory_space<hbm>> -> memref<40960x128xf32, #tpu.memory_space<hbm>>
      tpu.enqueue_indirect_dma source(%dma_start3A_298 : memref<40960x128xf32, #tpu.memory_space<hbm>>) target(%arg10 : memref<128x128xf32, #tpu.memory_space<vmem>>) offsets(%dma_start3A_295 : memref<128xi32, #tpu.memory_space<vmem>>) semaphore(%arg14 : memref<!tpu.dma_semaphore, #tpu.memory_space<semaphore_mem>>)
      %dma_wait3A_299 = arith.constant 0 : i32
      %dma_wait3A_300 = arith.constant 0 : i32
      %dma_wait3A_301 = tpu.memref_slice %arg3[%dma_wait3A_299, %dma_wait3A_300] : memref<40960x128xf32, #tpu.memory_space<hbm>> -> memref<128x128xf32, #tpu.memory_space<hbm>>
      %dma_wait3A_302 = arith.constant 0 : i32
      %dma_wait3A_303 = arith.constant 0 : i32
      %dma_wait3A_304 = tpu.memref_slice %arg3[%dma_wait3A_302, %dma_wait3A_303] : memref<40960x128xf32, #tpu.memory_space<hbm>> -> memref<128x128xf32, #tpu.memory_space<hbm>>
      tpu.wait_dma2 semaphore(%arg13 : memref<!tpu.dma_semaphore, #tpu.memory_space<semaphore_mem>>) src(%dma_wait3A_304 : memref<128x128xf32, #tpu.memory_space<hbm>>) dst(%arg9 : memref<128x128xf32, #tpu.memory_space<vmem>>)
      %dma_start3A_305 = arith.constant 5 : i32
      %dma_start3A_306 = arith.constant 0 : i32
      %dma_start3A_307 = tpu.memref_slice %arg8[%dma_start3A_305, %dma_start3A_306] : memref<8x128xi32, #tpu.memory_space<vmem>> -> memref<1x128xi32, #tpu.memory_space<vmem>>
      %dma_start3A_308 = tpu.memref_squeeze %dma_start3A_307 : memref<1x128xi32, #tpu.memory_space<vmem>> -> memref<128xi32, #tpu.memory_space<vmem>>
      %dma_start3A_309 = arith.constant 0 : i32
      %dma_start3A_310 = arith.constant 0 : i32
      %dma_start3A_311 = tpu.memref_slice %arg6[%dma_start3A_309, %dma_start3A_310] : memref<10240x128xf32, #tpu.memory_space<vmem_shared>> -> memref<10240x128xf32, #tpu.memory_space<vmem_shared>>
      tpu.enqueue_indirect_dma source(%arg9 : memref<128x128xf32, #tpu.memory_space<vmem>>) target(%dma_start3A_311 : memref<10240x128xf32, #tpu.memory_space<vmem_shared>>) offsets(%dma_start3A_308 : memref<128xi32, #tpu.memory_space<vmem>>) semaphore(%arg15 : memref<!tpu.dma_semaphore, #tpu.memory_space<semaphore_mem>>) {add = true}
      %dma_wait3A_312 = arith.constant 0 : i32
      %dma_wait3A_313 = arith.constant 0 : i32
      %dma_wait3A_314 = tpu.memref_slice %arg3[%dma_wait3A_312, %dma_wait3A_313] : memref<40960x128xf32, #tpu.memory_space<hbm>> -> memref<128x128xf32, #tpu.memory_space<hbm>>
      %dma_wait3A_315 = arith.constant 0 : i32
      %dma_wait3A_316 = arith.constant 0 : i32
      %dma_wait3A_317 = tpu.memref_slice %arg3[%dma_wait3A_315, %dma_wait3A_316] : memref<40960x128xf32, #tpu.memory_space<hbm>> -> memref<128x128xf32, #tpu.memory_space<hbm>>
      tpu.wait_dma2 semaphore(%arg14 : memref<!tpu.dma_semaphore, #tpu.memory_space<semaphore_mem>>) src(%dma_wait3A_317 : memref<128x128xf32, #tpu.memory_space<hbm>>) dst(%arg10 : memref<128x128xf32, #tpu.memory_space<vmem>>)
      %dma_start3A_318 = arith.constant 7 : i32
      %dma_start3A_319 = arith.constant 0 : i32
      %dma_start3A_320 = tpu.memref_slice %arg8[%dma_start3A_318, %dma_start3A_319] : memref<8x128xi32, #tpu.memory_space<vmem>> -> memref<1x128xi32, #tpu.memory_space<vmem>>
      %dma_start3A_321 = tpu.memref_squeeze %dma_start3A_320 : memref<1x128xi32, #tpu.memory_space<vmem>> -> memref<128xi32, #tpu.memory_space<vmem>>
      %dma_start3A_322 = arith.constant 0 : i32
      %dma_start3A_323 = arith.constant 0 : i32
      %dma_start3A_324 = tpu.memref_slice %arg6[%dma_start3A_322, %dma_start3A_323] : memref<10240x128xf32, #tpu.memory_space<vmem_shared>> -> memref<10240x128xf32, #tpu.memory_space<vmem_shared>>
      tpu.enqueue_indirect_dma source(%arg10 : memref<128x128xf32, #tpu.memory_space<vmem>>) target(%dma_start3A_324 : memref<10240x128xf32, #tpu.memory_space<vmem_shared>>) offsets(%dma_start3A_321 : memref<128xi32, #tpu.memory_space<vmem>>) semaphore(%arg16 : memref<!tpu.dma_semaphore, #tpu.memory_space<semaphore_mem>>) {add = true}
      %dma_wait3A_325 = arith.constant 0 : i32
      %dma_wait3A_326 = arith.constant 0 : i32
      %dma_wait3A_327 = tpu.memref_slice %arg3[%dma_wait3A_325, %dma_wait3A_326] : memref<40960x128xf32, #tpu.memory_space<hbm>> -> memref<128x128xf32, #tpu.memory_space<hbm>>
      %dma_wait3A_328 = arith.constant 0 : i32
      %dma_wait3A_329 = arith.constant 0 : i32
      %dma_wait3A_330 = tpu.memref_slice %arg3[%dma_wait3A_328, %dma_wait3A_329] : memref<40960x128xf32, #tpu.memory_space<hbm>> -> memref<128x128xf32, #tpu.memory_space<hbm>>
      tpu.wait_dma2 semaphore(%arg15 : memref<!tpu.dma_semaphore, #tpu.memory_space<semaphore_mem>>) src(%dma_wait3A_330 : memref<128x128xf32, #tpu.memory_space<hbm>>) dst(%arg9 : memref<128x128xf32, #tpu.memory_space<vmem>>)
      %not3A_331 = arith.constant true
      %not3A_332 = arith.xori %eq3A_134, %not3A_331 : i1
      %convert_element_type3A_333 = arith.extui %not3A_332 : i1 to i32
      %cond3A_334 = arith.constant 0 : i32
      %cond3A_335 = arith.cmpi ne, %convert_element_type3A_333, %cond3A_334 : i32
      scf.if %cond3A_335 {
        %dma_wait3A_348 = arith.constant 0 : i32
        %dma_wait3A_349 = arith.constant 0 : i32
        %dma_wait3A_350 = tpu.memref_slice %arg2[%dma_wait3A_348, %dma_wait3A_349] : memref<20480x128xi32, #tpu.memory_space<hbm>> -> memref<8x128xi32, #tpu.memory_space<hbm>>
        %dma_wait3A_351 = arith.constant 0 : i32
        %dma_wait3A_352 = arith.constant 0 : i32
        %dma_wait3A_353 = tpu.memref_slice %arg2[%dma_wait3A_351, %dma_wait3A_352] : memref<20480x128xi32, #tpu.memory_space<hbm>> -> memref<8x128xi32, #tpu.memory_space<hbm>>
        tpu.wait_dma2 semaphore(%arg11 : memref<!tpu.dma_semaphore, #tpu.memory_space<semaphore_mem>>) src(%dma_wait3A_353 : memref<8x128xi32, #tpu.memory_space<hbm>>) dst(%arg7 : memref<8x128xi32, #tpu.memory_space<vmem>>)
        %dma_start3A_354 = arith.constant 0 : i32
        %dma_start3A_355 = arith.constant 0 : i32
        %dma_start3A_356 = tpu.memref_slice %arg7[%dma_start3A_354, %dma_start3A_355] : memref<8x128xi32, #tpu.memory_space<vmem>> -> memref<1x128xi32, #tpu.memory_space<vmem>>
        %dma_start3A_357 = tpu.memref_squeeze %dma_start3A_356 : memref<1x128xi32, #tpu.memory_space<vmem>> -> memref<128xi32, #tpu.memory_space<vmem>>
        %dma_start3A_358 = arith.constant 0 : i32
        %dma_start3A_359 = arith.constant 0 : i32
        %dma_start3A_360 = tpu.memref_slice %arg3[%dma_start3A_358, %dma_start3A_359] : memref<40960x128xf32, #tpu.memory_space<hbm>> -> memref<40960x128xf32, #tpu.memory_space<hbm>>
        tpu.enqueue_indirect_dma source(%dma_start3A_360 : memref<40960x128xf32, #tpu.memory_space<hbm>>) target(%arg9 : memref<128x128xf32, #tpu.memory_space<vmem>>) offsets(%dma_start3A_357 : memref<128xi32, #tpu.memory_space<vmem>>) semaphore(%arg13 : memref<!tpu.dma_semaphore, #tpu.memory_space<semaphore_mem>>)
      } else {
      }
      %dma_wait3A_336 = arith.constant 0 : i32
      %dma_wait3A_337 = arith.constant 0 : i32
      %dma_wait3A_338 = tpu.memref_slice %arg3[%dma_wait3A_336, %dma_wait3A_337] : memref<40960x128xf32, #tpu.memory_space<hbm>> -> memref<128x128xf32, #tpu.memory_space<hbm>>
      %dma_wait3A_339 = arith.constant 0 : i32
      %dma_wait3A_340 = arith.constant 0 : i32
      %dma_wait3A_341 = tpu.memref_slice %arg3[%dma_wait3A_339, %dma_wait3A_340] : memref<40960x128xf32, #tpu.memory_space<hbm>> -> memref<128x128xf32, #tpu.memory_space<hbm>>
      tpu.wait_dma2 semaphore(%arg16 : memref<!tpu.dma_semaphore, #tpu.memory_space<semaphore_mem>>) src(%dma_wait3A_341 : memref<128x128xf32, #tpu.memory_space<hbm>>) dst(%arg10 : memref<128x128xf32, #tpu.memory_space<vmem>>)
      %not3A_342 = arith.constant true
      %not3A_343 = arith.xori %eq3A_134, %not3A_342 : i1
      %convert_element_type3A_344 = arith.extui %not3A_343 : i1 to i32
      %cond3A_345 = arith.constant 0 : i32
      %cond3A_346 = arith.cmpi ne, %convert_element_type3A_344, %cond3A_345 : i32
      scf.if %cond3A_346 {
        %dma_start3A_348 = arith.constant 2 : i32
        %dma_start3A_349 = arith.constant 0 : i32
        %dma_start3A_350 = tpu.memref_slice %arg7[%dma_start3A_348, %dma_start3A_349] : memref<8x128xi32, #tpu.memory_space<vmem>> -> memref<1x128xi32, #tpu.memory_space<vmem>>
        %dma_start3A_351 = tpu.memref_squeeze %dma_start3A_350 : memref<1x128xi32, #tpu.memory_space<vmem>> -> memref<128xi32, #tpu.memory_space<vmem>>
        %dma_start3A_352 = arith.constant 0 : i32
        %dma_start3A_353 = arith.constant 0 : i32
        %dma_start3A_354 = tpu.memref_slice %arg3[%dma_start3A_352, %dma_start3A_353] : memref<40960x128xf32, #tpu.memory_space<hbm>> -> memref<40960x128xf32, #tpu.memory_space<hbm>>
        tpu.enqueue_indirect_dma source(%dma_start3A_354 : memref<40960x128xf32, #tpu.memory_space<hbm>>) target(%arg10 : memref<128x128xf32, #tpu.memory_space<vmem>>) offsets(%dma_start3A_351 : memref<128xi32, #tpu.memory_space<vmem>>) semaphore(%arg14 : memref<!tpu.dma_semaphore, #tpu.memory_space<semaphore_mem>>)
        %add3A_355 = arith.constant 1 : i32
        %add3A_356 = arith.addi %scan3A_132, %add3A_355 : i32
        %mul3A_357 = arith.constant 16 : i32
        %mul3A_358 = arith.muli %add3A_1, %mul3A_357 : i32
        %add3A_359 = arith.addi %mul3A_358, %arg1 : i32
        %mul3A_360 = arith.constant 320 : i32
        %mul3A_361 = arith.muli %add3A_359, %mul3A_360 : i32
        %mul3A_362 = arith.constant 16 : i32
        %mul3A_363 = arith.muli %add3A_356, %mul3A_362 : i32
        %add3A_364 = arith.addi %mul3A_361, %mul3A_363 : i32
        %add3A_365 = arith.constant 8 : i32
        %add3A_366 = arith.addi %add3A_364, %add3A_365 : i32
        %dma_start3A_367 = arith.constant 0 : i32
        %dma_start3A_368 = tpu.memref_slice %arg2[%add3A_366, %dma_start3A_367] : memref<20480x128xi32, #tpu.memory_space<hbm>> -> memref<8x128xi32, #tpu.memory_space<hbm>>
        %dma_start3A_369 = arith.constant 0 : i32
        %dma_start3A_370 = tpu.memref_slice %arg2[%add3A_366, %dma_start3A_369] : memref<20480x128xi32, #tpu.memory_space<hbm>> -> memref<8x128xi32, #tpu.memory_space<hbm>>
        tpu.enqueue_dma source(%dma_start3A_370 : memref<8x128xi32, #tpu.memory_space<hbm>>) target(%arg8 : memref<8x128xi32, #tpu.memory_space<vmem>>) target_semaphore(%arg12 : memref<!tpu.dma_semaphore, #tpu.memory_space<semaphore_mem>>)
      } else {
      }
      %scan3A_347 = arith.constant 0 : i32
      scf.yield %scan3A_347 : i32
    }
    %scan3A_53 = arith.constant 20 : i32
    %barrier3A_54 = arith.constant 0 : index
    tpu.barrier barrier_id(%barrier3A_54)
    %mul3A_55 = arith.constant 10240 : i32
    %mul3A_56 = arith.muli %add3A_1, %mul3A_55 : i32
    %mul3A_57 = arith.constant 640 : i32
    %mul3A_58 = arith.muli %arg1, %mul3A_57 : i32
    %add3A_59 = arith.addi %mul3A_56, %mul3A_58 : i32
    %mul3A_60 = arith.constant 640 : i32
    %mul3A_61 = arith.muli %arg1, %mul3A_60 : i32
    "tpu.region"() ({
      %run_scoped3A = tpu.sem_alloc : memref<!tpu.dma_semaphore, #tpu.memory_space<semaphore_mem>>
      %dma_start3A_132 = arith.constant 0 : i32
      %dma_start3A_133 = tpu.memref_slice %arg5[%add3A_59, %dma_start3A_132] : memref<40960x128xf32, #tpu.memory_space<hbm>> -> memref<640x128xf32, #tpu.memory_space<hbm>>
      %dma_start3A_134 = arith.constant 0 : i32
      %dma_start3A_135 = tpu.memref_slice %arg6[%mul3A_61, %dma_start3A_134] : memref<10240x128xf32, #tpu.memory_space<vmem_shared>> -> memref<640x128xf32, #tpu.memory_space<vmem_shared>>
      tpu.enqueue_dma source(%dma_start3A_135 : memref<640x128xf32, #tpu.memory_space<vmem_shared>>) target(%dma_start3A_133 : memref<640x128xf32, #tpu.memory_space<hbm>>) target_semaphore(%run_scoped3A : memref<!tpu.dma_semaphore, #tpu.memory_space<semaphore_mem>>)
      %dma_wait3A_136 = arith.constant 0 : i32
      %dma_wait3A_137 = tpu.memref_slice %arg5[%add3A_59, %dma_wait3A_136] : memref<40960x128xf32, #tpu.memory_space<hbm>> -> memref<640x128xf32, #tpu.memory_space<hbm>>
      %dma_wait3A_138 = arith.constant 0 : i32
      %dma_wait3A_139 = tpu.memref_slice %arg6[%mul3A_61, %dma_wait3A_138] : memref<10240x128xf32, #tpu.memory_space<vmem_shared>> -> memref<640x128xf32, #tpu.memory_space<vmem_shared>>
      tpu.wait_dma2 semaphore(%run_scoped3A : memref<!tpu.dma_semaphore, #tpu.memory_space<semaphore_mem>>) src(%dma_wait3A_139 : memref<640x128xf32, #tpu.memory_space<vmem_shared>>) dst(%dma_wait3A_137 : memref<640x128xf32, #tpu.memory_space<hbm>>)
      tpu.yield
    }) : () -> ()
    %barrier3A_62 = arith.constant 0 : index
    tpu.barrier barrier_id(%barrier3A_62)
    %mul3A_63 = arith.constant 2 : i32
    %mul3A_64 = arith.muli %arg0, %mul3A_63 : i32
    %add3A_65 = arith.constant 1 : i32
    %add3A_66 = arith.addi %mul3A_64, %add3A_65 : i32
    %mul3A_67 = arith.constant 640 : i32
    %mul3A_68 = arith.muli %arg1, %mul3A_67 : i32
    %mul3A_69 = arith.constant 640 : i32
    %mul3A_70 = arith.muli %arg1, %mul3A_69 : i32
    "tpu.region"() ({
      %run_scoped3A = tpu.sem_alloc : memref<!tpu.dma_semaphore, #tpu.memory_space<semaphore_mem>>
      %dma_start3A_132 = arith.constant 0 : i32
      %dma_start3A_133 = tpu.memref_slice %arg6[%mul3A_70, %dma_start3A_132] : memref<10240x128xf32, #tpu.memory_space<vmem_shared>> -> memref<640x128xf32, #tpu.memory_space<vmem_shared>>
      %dma_start3A_134 = arith.constant 0 : i32
      %dma_start3A_135 = tpu.memref_slice %arg4[%mul3A_68, %dma_start3A_134] : memref<10240x128xf32, #tpu.memory_space<hbm>> -> memref<640x128xf32, #tpu.memory_space<hbm>>
      tpu.enqueue_dma source(%dma_start3A_135 : memref<640x128xf32, #tpu.memory_space<hbm>>) target(%dma_start3A_133 : memref<640x128xf32, #tpu.memory_space<vmem_shared>>) target_semaphore(%run_scoped3A : memref<!tpu.dma_semaphore, #tpu.memory_space<semaphore_mem>>)
      %dma_wait3A_136 = arith.constant 0 : i32
      %dma_wait3A_137 = tpu.memref_slice %arg6[%mul3A_70, %dma_wait3A_136] : memref<10240x128xf32, #tpu.memory_space<vmem_shared>> -> memref<640x128xf32, #tpu.memory_space<vmem_shared>>
      %dma_wait3A_138 = arith.constant 0 : i32
      %dma_wait3A_139 = tpu.memref_slice %arg4[%mul3A_68, %dma_wait3A_138] : memref<10240x128xf32, #tpu.memory_space<hbm>> -> memref<640x128xf32, #tpu.memory_space<hbm>>
      tpu.wait_dma2 semaphore(%run_scoped3A : memref<!tpu.dma_semaphore, #tpu.memory_space<semaphore_mem>>) src(%dma_wait3A_139 : memref<640x128xf32, #tpu.memory_space<hbm>>) dst(%dma_wait3A_137 : memref<640x128xf32, #tpu.memory_space<vmem_shared>>)
      tpu.yield
    }) : () -> ()
    %barrier3A_71 = arith.constant 0 : index
    tpu.barrier barrier_id(%barrier3A_71)
    %mul3A_72 = arith.constant 16 : i32
    %mul3A_73 = arith.muli %add3A_66, %mul3A_72 : i32
    %add3A_74 = arith.addi %mul3A_73, %arg1 : i32
    %mul3A_75 = arith.constant 320 : i32
    %mul3A_76 = arith.muli %add3A_74, %mul3A_75 : i32
    %add3A_77 = arith.constant 0 : i32
    %add3A_78 = arith.addi %mul3A_76, %add3A_77 : i32
    %add3A_79 = arith.constant 0 : i32
    %add3A_80 = arith.addi %add3A_78, %add3A_79 : i32
    %dma_start3A_81 = arith.constant 0 : i32
    %dma_start3A_82 = tpu.memref_slice %arg2[%add3A_80, %dma_start3A_81] : memref<20480x128xi32, #tpu.memory_space<hbm>> -> memref<8x128xi32, #tpu.memory_space<hbm>>
    %dma_start3A_83 = arith.constant 0 : i32
    %dma_start3A_84 = tpu.memref_slice %arg2[%add3A_80, %dma_start3A_83] : memref<20480x128xi32, #tpu.memory_space<hbm>> -> memref<8x128xi32, #tpu.memory_space<hbm>>
    tpu.enqueue_dma source(%dma_start3A_84 : memref<8x128xi32, #tpu.memory_space<hbm>>) target(%arg7 : memref<8x128xi32, #tpu.memory_space<vmem>>) target_semaphore(%arg11 : memref<!tpu.dma_semaphore, #tpu.memory_space<semaphore_mem>>)
    %dma_wait3A_85 = arith.constant 0 : i32
    %dma_wait3A_86 = tpu.memref_slice %arg2[%add3A_80, %dma_wait3A_85] : memref<20480x128xi32, #tpu.memory_space<hbm>> -> memref<8x128xi32, #tpu.memory_space<hbm>>
    %dma_wait3A_87 = arith.constant 0 : i32
    %dma_wait3A_88 = tpu.memref_slice %arg2[%add3A_80, %dma_wait3A_87] : memref<20480x128xi32, #tpu.memory_space<hbm>> -> memref<8x128xi32, #tpu.memory_space<hbm>>
    tpu.wait_dma2 semaphore(%arg11 : memref<!tpu.dma_semaphore, #tpu.memory_space<semaphore_mem>>) src(%dma_wait3A_88 : memref<8x128xi32, #tpu.memory_space<hbm>>) dst(%arg7 : memref<8x128xi32, #tpu.memory_space<vmem>>)
    %mul3A_89 = arith.constant 16 : i32
    %mul3A_90 = arith.muli %add3A_66, %mul3A_89 : i32
    %add3A_91 = arith.addi %mul3A_90, %arg1 : i32
    %mul3A_92 = arith.constant 320 : i32
    %mul3A_93 = arith.muli %add3A_91, %mul3A_92 : i32
    %add3A_94 = arith.constant 0 : i32
    %add3A_95 = arith.addi %mul3A_93, %add3A_94 : i32
    %add3A_96 = arith.constant 8 : i32
    %add3A_97 = arith.addi %add3A_95, %add3A_96 : i32
    %dma_start3A_98 = arith.constant 0 : i32
    %dma_start3A_99 = tpu.memref_slice %arg2[%add3A_97, %dma_start3A_98] : memref<20480x128xi32, #tpu.memory_space<hbm>> -> memref<8x128xi32, #tpu.memory_space<hbm>>
    %dma_start3A_100 = arith.constant 0 : i32
    %dma_start3A_101 = tpu.memref_slice %arg2[%add3A_97, %dma_start3A_100] : memref<20480x128xi32, #tpu.memory_space<hbm>> -> memref<8x128xi32, #tpu.memory_space<hbm>>
    tpu.enqueue_dma source(%dma_start3A_101 : memref<8x128xi32, #tpu.memory_space<hbm>>) target(%arg8 : memref<8x128xi32, #tpu.memory_space<vmem>>) target_semaphore(%arg12 : memref<!tpu.dma_semaphore, #tpu.memory_space<semaphore_mem>>)
    %dma_start3A_102 = arith.constant 0 : i32
    %dma_start3A_103 = arith.constant 0 : i32
    %dma_start3A_104 = tpu.memref_slice %arg7[%dma_start3A_102, %dma_start3A_103] : memref<8x128xi32, #tpu.memory_space<vmem>> -> memref<1x128xi32, #tpu.memory_space<vmem>>
    %dma_start3A_105 = tpu.memref_squeeze %dma_start3A_104 : memref<1x128xi32, #tpu.memory_space<vmem>> -> memref<128xi32, #tpu.memory_space<vmem>>
    %dma_start3A_106 = arith.constant 0 : i32
    %dma_start3A_107 = arith.constant 0 : i32
    %dma_start3A_108 = tpu.memref_slice %arg3[%dma_start3A_106, %dma_start3A_107] : memref<40960x128xf32, #tpu.memory_space<hbm>> -> memref<40960x128xf32, #tpu.memory_space<hbm>>
    tpu.enqueue_indirect_dma source(%dma_start3A_108 : memref<40960x128xf32, #tpu.memory_space<hbm>>) target(%arg9 : memref<128x128xf32, #tpu.memory_space<vmem>>) offsets(%dma_start3A_105 : memref<128xi32, #tpu.memory_space<vmem>>) semaphore(%arg13 : memref<!tpu.dma_semaphore, #tpu.memory_space<semaphore_mem>>)
    %dma_start3A_109 = arith.constant 2 : i32
    %dma_start3A_110 = arith.constant 0 : i32
    %dma_start3A_111 = tpu.memref_slice %arg7[%dma_start3A_109, %dma_start3A_110] : memref<8x128xi32, #tpu.memory_space<vmem>> -> memref<1x128xi32, #tpu.memory_space<vmem>>
    %dma_start3A_112 = tpu.memref_squeeze %dma_start3A_111 : memref<1x128xi32, #tpu.memory_space<vmem>> -> memref<128xi32, #tpu.memory_space<vmem>>
    %dma_start3A_113 = arith.constant 0 : i32
    %dma_start3A_114 = arith.constant 0 : i32
    %dma_start3A_115 = tpu.memref_slice %arg3[%dma_start3A_113, %dma_start3A_114] : memref<40960x128xf32, #tpu.memory_space<hbm>> -> memref<40960x128xf32, #tpu.memory_space<hbm>>
    tpu.enqueue_indirect_dma source(%dma_start3A_115 : memref<40960x128xf32, #tpu.memory_space<hbm>>) target(%arg10 : memref<128x128xf32, #tpu.memory_space<vmem>>) offsets(%dma_start3A_112 : memref<128xi32, #tpu.memory_space<vmem>>) semaphore(%arg14 : memref<!tpu.dma_semaphore, #tpu.memory_space<semaphore_mem>>)
    %scan3A_116 = arith.constant 0 : i32
    %scan3A_117 = arith.constant 0 : i32
    %scan3A_118 = arith.constant 20 : i32
    %scan3A_119 = arith.addi %scan3A_117, %scan3A_118 : i32
    %scan3A_120 = arith.constant 1 : i32
    %scan3A_121 = scf.for %scan3A_132 = %scan3A_117 to %scan3A_119 step %scan3A_120 iter_args(%scan3A_133 = %scan3A_116) -> (i32)  : i32 {
      %eq3A = arith.constant 19 : i32
      %eq3A_134 = arith.cmpi eq, %scan3A_132, %eq3A : i32
      %dma_wait3A_135 = arith.constant 0 : i32
      %dma_wait3A_136 = arith.constant 0 : i32
      %dma_wait3A_137 = tpu.memref_slice %arg3[%dma_wait3A_135, %dma_wait3A_136] : memref<40960x128xf32, #tpu.memory_space<hbm>> -> memref<128x128xf32, #tpu.memory_space<hbm>>
      %dma_wait3A_138 = arith.constant 0 : i32
      %dma_wait3A_139 = arith.constant 0 : i32
      %dma_wait3A_140 = tpu.memref_slice %arg3[%dma_wait3A_138, %dma_wait3A_139] : memref<40960x128xf32, #tpu.memory_space<hbm>> -> memref<128x128xf32, #tpu.memory_space<hbm>>
      tpu.wait_dma2 semaphore(%arg13 : memref<!tpu.dma_semaphore, #tpu.memory_space<semaphore_mem>>) src(%dma_wait3A_140 : memref<128x128xf32, #tpu.memory_space<hbm>>) dst(%arg9 : memref<128x128xf32, #tpu.memory_space<vmem>>)
      %dma_start3A_141 = arith.constant 1 : i32
      %dma_start3A_142 = arith.constant 0 : i32
      %dma_start3A_143 = tpu.memref_slice %arg7[%dma_start3A_141, %dma_start3A_142] : memref<8x128xi32, #tpu.memory_space<vmem>> -> memref<1x128xi32, #tpu.memory_space<vmem>>
      %dma_start3A_144 = tpu.memref_squeeze %dma_start3A_143 : memref<1x128xi32, #tpu.memory_space<vmem>> -> memref<128xi32, #tpu.memory_space<vmem>>
      %dma_start3A_145 = arith.constant 0 : i32
      %dma_start3A_146 = arith.constant 0 : i32
      %dma_start3A_147 = tpu.memref_slice %arg6[%dma_start3A_145, %dma_start3A_146] : memref<10240x128xf32, #tpu.memory_space<vmem_shared>> -> memref<10240x128xf32, #tpu.memory_space<vmem_shared>>
      tpu.enqueue_indirect_dma source(%arg9 : memref<128x128xf32, #tpu.memory_space<vmem>>) target(%dma_start3A_147 : memref<10240x128xf32, #tpu.memory_space<vmem_shared>>) offsets(%dma_start3A_144 : memref<128xi32, #tpu.memory_space<vmem>>) semaphore(%arg15 : memref<!tpu.dma_semaphore, #tpu.memory_space<semaphore_mem>>) {add = true}
      %dma_wait3A_148 = arith.constant 0 : i32
      %dma_wait3A_149 = arith.constant 0 : i32
      %dma_wait3A_150 = tpu.memref_slice %arg3[%dma_wait3A_148, %dma_wait3A_149] : memref<40960x128xf32, #tpu.memory_space<hbm>> -> memref<128x128xf32, #tpu.memory_space<hbm>>
      %dma_wait3A_151 = arith.constant 0 : i32
      %dma_wait3A_152 = arith.constant 0 : i32
      %dma_wait3A_153 = tpu.memref_slice %arg3[%dma_wait3A_151, %dma_wait3A_152] : memref<40960x128xf32, #tpu.memory_space<hbm>> -> memref<128x128xf32, #tpu.memory_space<hbm>>
      tpu.wait_dma2 semaphore(%arg14 : memref<!tpu.dma_semaphore, #tpu.memory_space<semaphore_mem>>) src(%dma_wait3A_153 : memref<128x128xf32, #tpu.memory_space<hbm>>) dst(%arg10 : memref<128x128xf32, #tpu.memory_space<vmem>>)
      %dma_start3A_154 = arith.constant 3 : i32
      %dma_start3A_155 = arith.constant 0 : i32
      %dma_start3A_156 = tpu.memref_slice %arg7[%dma_start3A_154, %dma_start3A_155] : memref<8x128xi32, #tpu.memory_space<vmem>> -> memref<1x128xi32, #tpu.memory_space<vmem>>
      %dma_start3A_157 = tpu.memref_squeeze %dma_start3A_156 : memref<1x128xi32, #tpu.memory_space<vmem>> -> memref<128xi32, #tpu.memory_space<vmem>>
      %dma_start3A_158 = arith.constant 0 : i32
      %dma_start3A_159 = arith.constant 0 : i32
      %dma_start3A_160 = tpu.memref_slice %arg6[%dma_start3A_158, %dma_start3A_159] : memref<10240x128xf32, #tpu.memory_space<vmem_shared>> -> memref<10240x128xf32, #tpu.memory_space<vmem_shared>>
      tpu.enqueue_indirect_dma source(%arg10 : memref<128x128xf32, #tpu.memory_space<vmem>>) target(%dma_start3A_160 : memref<10240x128xf32, #tpu.memory_space<vmem_shared>>) offsets(%dma_start3A_157 : memref<128xi32, #tpu.memory_space<vmem>>) semaphore(%arg16 : memref<!tpu.dma_semaphore, #tpu.memory_space<semaphore_mem>>) {add = true}
      %dma_wait3A_161 = arith.constant 0 : i32
      %dma_wait3A_162 = arith.constant 0 : i32
      %dma_wait3A_163 = tpu.memref_slice %arg3[%dma_wait3A_161, %dma_wait3A_162] : memref<40960x128xf32, #tpu.memory_space<hbm>> -> memref<128x128xf32, #tpu.memory_space<hbm>>
      %dma_wait3A_164 = arith.constant 0 : i32
      %dma_wait3A_165 = arith.constant 0 : i32
      %dma_wait3A_166 = tpu.memref_slice %arg3[%dma_wait3A_164, %dma_wait3A_165] : memref<40960x128xf32, #tpu.memory_space<hbm>> -> memref<128x128xf32, #tpu.memory_space<hbm>>
      tpu.wait_dma2 semaphore(%arg15 : memref<!tpu.dma_semaphore, #tpu.memory_space<semaphore_mem>>) src(%dma_wait3A_166 : memref<128x128xf32, #tpu.memory_space<hbm>>) dst(%arg9 : memref<128x128xf32, #tpu.memory_space<vmem>>)
      %dma_start3A_167 = arith.constant 4 : i32
      %dma_start3A_168 = arith.constant 0 : i32
      %dma_start3A_169 = tpu.memref_slice %arg7[%dma_start3A_167, %dma_start3A_168] : memref<8x128xi32, #tpu.memory_space<vmem>> -> memref<1x128xi32, #tpu.memory_space<vmem>>
      %dma_start3A_170 = tpu.memref_squeeze %dma_start3A_169 : memref<1x128xi32, #tpu.memory_space<vmem>> -> memref<128xi32, #tpu.memory_space<vmem>>
      %dma_start3A_171 = arith.constant 0 : i32
      %dma_start3A_172 = arith.constant 0 : i32
      %dma_start3A_173 = tpu.memref_slice %arg3[%dma_start3A_171, %dma_start3A_172] : memref<40960x128xf32, #tpu.memory_space<hbm>> -> memref<40960x128xf32, #tpu.memory_space<hbm>>
      tpu.enqueue_indirect_dma source(%dma_start3A_173 : memref<40960x128xf32, #tpu.memory_space<hbm>>) target(%arg9 : memref<128x128xf32, #tpu.memory_space<vmem>>) offsets(%dma_start3A_170 : memref<128xi32, #tpu.memory_space<vmem>>) semaphore(%arg13 : memref<!tpu.dma_semaphore, #tpu.memory_space<semaphore_mem>>)
      %dma_wait3A_174 = arith.constant 0 : i32
      %dma_wait3A_175 = arith.constant 0 : i32
      %dma_wait3A_176 = tpu.memref_slice %arg3[%dma_wait3A_174, %dma_wait3A_175] : memref<40960x128xf32, #tpu.memory_space<hbm>> -> memref<128x128xf32, #tpu.memory_space<hbm>>
      %dma_wait3A_177 = arith.constant 0 : i32
      %dma_wait3A_178 = arith.constant 0 : i32
      %dma_wait3A_179 = tpu.memref_slice %arg3[%dma_wait3A_177, %dma_wait3A_178] : memref<40960x128xf32, #tpu.memory_space<hbm>> -> memref<128x128xf32, #tpu.memory_space<hbm>>
      tpu.wait_dma2 semaphore(%arg16 : memref<!tpu.dma_semaphore, #tpu.memory_space<semaphore_mem>>) src(%dma_wait3A_179 : memref<128x128xf32, #tpu.memory_space<hbm>>) dst(%arg10 : memref<128x128xf32, #tpu.memory_space<vmem>>)
      %dma_start3A_180 = arith.constant 6 : i32
      %dma_start3A_181 = arith.constant 0 : i32
      %dma_start3A_182 = tpu.memref_slice %arg7[%dma_start3A_180, %dma_start3A_181] : memref<8x128xi32, #tpu.memory_space<vmem>> -> memref<1x128xi32, #tpu.memory_space<vmem>>
      %dma_start3A_183 = tpu.memref_squeeze %dma_start3A_182 : memref<1x128xi32, #tpu.memory_space<vmem>> -> memref<128xi32, #tpu.memory_space<vmem>>
      %dma_start3A_184 = arith.constant 0 : i32
      %dma_start3A_185 = arith.constant 0 : i32
      %dma_start3A_186 = tpu.memref_slice %arg3[%dma_start3A_184, %dma_start3A_185] : memref<40960x128xf32, #tpu.memory_space<hbm>> -> memref<40960x128xf32, #tpu.memory_space<hbm>>
      tpu.enqueue_indirect_dma source(%dma_start3A_186 : memref<40960x128xf32, #tpu.memory_space<hbm>>) target(%arg10 : memref<128x128xf32, #tpu.memory_space<vmem>>) offsets(%dma_start3A_183 : memref<128xi32, #tpu.memory_space<vmem>>) semaphore(%arg14 : memref<!tpu.dma_semaphore, #tpu.memory_space<semaphore_mem>>)
      %dma_wait3A_187 = arith.constant 0 : i32
      %dma_wait3A_188 = arith.constant 0 : i32
      %dma_wait3A_189 = tpu.memref_slice %arg2[%dma_wait3A_187, %dma_wait3A_188] : memref<20480x128xi32, #tpu.memory_space<hbm>> -> memref<8x128xi32, #tpu.memory_space<hbm>>
      %dma_wait3A_190 = arith.constant 0 : i32
      %dma_wait3A_191 = arith.constant 0 : i32
      %dma_wait3A_192 = tpu.memref_slice %arg2[%dma_wait3A_190, %dma_wait3A_191] : memref<20480x128xi32, #tpu.memory_space<hbm>> -> memref<8x128xi32, #tpu.memory_space<hbm>>
      tpu.wait_dma2 semaphore(%arg12 : memref<!tpu.dma_semaphore, #tpu.memory_space<semaphore_mem>>) src(%dma_wait3A_192 : memref<8x128xi32, #tpu.memory_space<hbm>>) dst(%arg8 : memref<8x128xi32, #tpu.memory_space<vmem>>)
      %dma_wait3A_193 = arith.constant 0 : i32
      %dma_wait3A_194 = arith.constant 0 : i32
      %dma_wait3A_195 = tpu.memref_slice %arg3[%dma_wait3A_193, %dma_wait3A_194] : memref<40960x128xf32, #tpu.memory_space<hbm>> -> memref<128x128xf32, #tpu.memory_space<hbm>>
      %dma_wait3A_196 = arith.constant 0 : i32
      %dma_wait3A_197 = arith.constant 0 : i32
      %dma_wait3A_198 = tpu.memref_slice %arg3[%dma_wait3A_196, %dma_wait3A_197] : memref<40960x128xf32, #tpu.memory_space<hbm>> -> memref<128x128xf32, #tpu.memory_space<hbm>>
      tpu.wait_dma2 semaphore(%arg13 : memref<!tpu.dma_semaphore, #tpu.memory_space<semaphore_mem>>) src(%dma_wait3A_198 : memref<128x128xf32, #tpu.memory_space<hbm>>) dst(%arg9 : memref<128x128xf32, #tpu.memory_space<vmem>>)
      %dma_start3A_199 = arith.constant 5 : i32
      %dma_start3A_200 = arith.constant 0 : i32
      %dma_start3A_201 = tpu.memref_slice %arg7[%dma_start3A_199, %dma_start3A_200] : memref<8x128xi32, #tpu.memory_space<vmem>> -> memref<1x128xi32, #tpu.memory_space<vmem>>
      %dma_start3A_202 = tpu.memref_squeeze %dma_start3A_201 : memref<1x128xi32, #tpu.memory_space<vmem>> -> memref<128xi32, #tpu.memory_space<vmem>>
      %dma_start3A_203 = arith.constant 0 : i32
      %dma_start3A_204 = arith.constant 0 : i32
      %dma_start3A_205 = tpu.memref_slice %arg6[%dma_start3A_203, %dma_start3A_204] : memref<10240x128xf32, #tpu.memory_space<vmem_shared>> -> memref<10240x128xf32, #tpu.memory_space<vmem_shared>>
      tpu.enqueue_indirect_dma source(%arg9 : memref<128x128xf32, #tpu.memory_space<vmem>>) target(%dma_start3A_205 : memref<10240x128xf32, #tpu.memory_space<vmem_shared>>) offsets(%dma_start3A_202 : memref<128xi32, #tpu.memory_space<vmem>>) semaphore(%arg15 : memref<!tpu.dma_semaphore, #tpu.memory_space<semaphore_mem>>) {add = true}
      %dma_wait3A_206 = arith.constant 0 : i32
      %dma_wait3A_207 = arith.constant 0 : i32
      %dma_wait3A_208 = tpu.memref_slice %arg3[%dma_wait3A_206, %dma_wait3A_207] : memref<40960x128xf32, #tpu.memory_space<hbm>> -> memref<128x128xf32, #tpu.memory_space<hbm>>
      %dma_wait3A_209 = arith.constant 0 : i32
      %dma_wait3A_210 = arith.constant 0 : i32
      %dma_wait3A_211 = tpu.memref_slice %arg3[%dma_wait3A_209, %dma_wait3A_210] : memref<40960x128xf32, #tpu.memory_space<hbm>> -> memref<128x128xf32, #tpu.memory_space<hbm>>
      tpu.wait_dma2 semaphore(%arg14 : memref<!tpu.dma_semaphore, #tpu.memory_space<semaphore_mem>>) src(%dma_wait3A_211 : memref<128x128xf32, #tpu.memory_space<hbm>>) dst(%arg10 : memref<128x128xf32, #tpu.memory_space<vmem>>)
      %dma_start3A_212 = arith.constant 7 : i32
      %dma_start3A_213 = arith.constant 0 : i32
      %dma_start3A_214 = tpu.memref_slice %arg7[%dma_start3A_212, %dma_start3A_213] : memref<8x128xi32, #tpu.memory_space<vmem>> -> memref<1x128xi32, #tpu.memory_space<vmem>>
      %dma_start3A_215 = tpu.memref_squeeze %dma_start3A_214 : memref<1x128xi32, #tpu.memory_space<vmem>> -> memref<128xi32, #tpu.memory_space<vmem>>
      %dma_start3A_216 = arith.constant 0 : i32
      %dma_start3A_217 = arith.constant 0 : i32
      %dma_start3A_218 = tpu.memref_slice %arg6[%dma_start3A_216, %dma_start3A_217] : memref<10240x128xf32, #tpu.memory_space<vmem_shared>> -> memref<10240x128xf32, #tpu.memory_space<vmem_shared>>
      tpu.enqueue_indirect_dma source(%arg10 : memref<128x128xf32, #tpu.memory_space<vmem>>) target(%dma_start3A_218 : memref<10240x128xf32, #tpu.memory_space<vmem_shared>>) offsets(%dma_start3A_215 : memref<128xi32, #tpu.memory_space<vmem>>) semaphore(%arg16 : memref<!tpu.dma_semaphore, #tpu.memory_space<semaphore_mem>>) {add = true}
      %dma_wait3A_219 = arith.constant 0 : i32
      %dma_wait3A_220 = arith.constant 0 : i32
      %dma_wait3A_221 = tpu.memref_slice %arg3[%dma_wait3A_219, %dma_wait3A_220] : memref<40960x128xf32, #tpu.memory_space<hbm>> -> memref<128x128xf32, #tpu.memory_space<hbm>>
      %dma_wait3A_222 = arith.constant 0 : i32
      %dma_wait3A_223 = arith.constant 0 : i32
      %dma_wait3A_224 = tpu.memref_slice %arg3[%dma_wait3A_222, %dma_wait3A_223] : memref<40960x128xf32, #tpu.memory_space<hbm>> -> memref<128x128xf32, #tpu.memory_space<hbm>>
      tpu.wait_dma2 semaphore(%arg15 : memref<!tpu.dma_semaphore, #tpu.memory_space<semaphore_mem>>) src(%dma_wait3A_224 : memref<128x128xf32, #tpu.memory_space<hbm>>) dst(%arg9 : memref<128x128xf32, #tpu.memory_space<vmem>>)
      %dma_start3A_225 = arith.constant 0 : i32
      %dma_start3A_226 = arith.constant 0 : i32
      %dma_start3A_227 = tpu.memref_slice %arg8[%dma_start3A_225, %dma_start3A_226] : memref<8x128xi32, #tpu.memory_space<vmem>> -> memref<1x128xi32, #tpu.memory_space<vmem>>
      %dma_start3A_228 = tpu.memref_squeeze %dma_start3A_227 : memref<1x128xi32, #tpu.memory_space<vmem>> -> memref<128xi32, #tpu.memory_space<vmem>>
      %dma_start3A_229 = arith.constant 0 : i32
      %dma_start3A_230 = arith.constant 0 : i32
      %dma_start3A_231 = tpu.memref_slice %arg3[%dma_start3A_229, %dma_start3A_230] : memref<40960x128xf32, #tpu.memory_space<hbm>> -> memref<40960x128xf32, #tpu.memory_space<hbm>>
      tpu.enqueue_indirect_dma source(%dma_start3A_231 : memref<40960x128xf32, #tpu.memory_space<hbm>>) target(%arg9 : memref<128x128xf32, #tpu.memory_space<vmem>>) offsets(%dma_start3A_228 : memref<128xi32, #tpu.memory_space<vmem>>) semaphore(%arg13 : memref<!tpu.dma_semaphore, #tpu.memory_space<semaphore_mem>>)
      %dma_wait3A_232 = arith.constant 0 : i32
      %dma_wait3A_233 = arith.constant 0 : i32
      %dma_wait3A_234 = tpu.memref_slice %arg3[%dma_wait3A_232, %dma_wait3A_233] : memref<40960x128xf32, #tpu.memory_space<hbm>> -> memref<128x128xf32, #tpu.memory_space<hbm>>
      %dma_wait3A_235 = arith.constant 0 : i32
      %dma_wait3A_236 = arith.constant 0 : i32
      %dma_wait3A_237 = tpu.memref_slice %arg3[%dma_wait3A_235, %dma_wait3A_236] : memref<40960x128xf32, #tpu.memory_space<hbm>> -> memref<128x128xf32, #tpu.memory_space<hbm>>
      tpu.wait_dma2 semaphore(%arg16 : memref<!tpu.dma_semaphore, #tpu.memory_space<semaphore_mem>>) src(%dma_wait3A_237 : memref<128x128xf32, #tpu.memory_space<hbm>>) dst(%arg10 : memref<128x128xf32, #tpu.memory_space<vmem>>)
      %dma_start3A_238 = arith.constant 2 : i32
      %dma_start3A_239 = arith.constant 0 : i32
      %dma_start3A_240 = tpu.memref_slice %arg8[%dma_start3A_238, %dma_start3A_239] : memref<8x128xi32, #tpu.memory_space<vmem>> -> memref<1x128xi32, #tpu.memory_space<vmem>>
      %dma_start3A_241 = tpu.memref_squeeze %dma_start3A_240 : memref<1x128xi32, #tpu.memory_space<vmem>> -> memref<128xi32, #tpu.memory_space<vmem>>
      %dma_start3A_242 = arith.constant 0 : i32
      %dma_start3A_243 = arith.constant 0 : i32
      %dma_start3A_244 = tpu.memref_slice %arg3[%dma_start3A_242, %dma_start3A_243] : memref<40960x128xf32, #tpu.memory_space<hbm>> -> memref<40960x128xf32, #tpu.memory_space<hbm>>
      tpu.enqueue_indirect_dma source(%dma_start3A_244 : memref<40960x128xf32, #tpu.memory_space<hbm>>) target(%arg10 : memref<128x128xf32, #tpu.memory_space<vmem>>) offsets(%dma_start3A_241 : memref<128xi32, #tpu.memory_space<vmem>>) semaphore(%arg14 : memref<!tpu.dma_semaphore, #tpu.memory_space<semaphore_mem>>)
      %not3A = arith.constant true
      %not3A_245 = arith.xori %eq3A_134, %not3A : i1
      %convert_element_type3A = arith.extui %not3A_245 : i1 to i32
      %cond3A = arith.constant 0 : i32
      %cond3A_246 = arith.cmpi ne, %convert_element_type3A, %cond3A : i32
      scf.if %cond3A_246 {
        %add3A_348 = arith.constant 1 : i32
        %add3A_349 = arith.addi %scan3A_132, %add3A_348 : i32
        %mul3A_350 = arith.constant 16 : i32
        %mul3A_351 = arith.muli %add3A_66, %mul3A_350 : i32
        %add3A_352 = arith.addi %mul3A_351, %arg1 : i32
        %mul3A_353 = arith.constant 320 : i32
        %mul3A_354 = arith.muli %add3A_352, %mul3A_353 : i32
        %mul3A_355 = arith.constant 16 : i32
        %mul3A_356 = arith.muli %add3A_349, %mul3A_355 : i32
        %add3A_357 = arith.addi %mul3A_354, %mul3A_356 : i32
        %add3A_358 = arith.constant 0 : i32
        %add3A_359 = arith.addi %add3A_357, %add3A_358 : i32
        %dma_start3A_360 = arith.constant 0 : i32
        %dma_start3A_361 = tpu.memref_slice %arg2[%add3A_359, %dma_start3A_360] : memref<20480x128xi32, #tpu.memory_space<hbm>> -> memref<8x128xi32, #tpu.memory_space<hbm>>
        %dma_start3A_362 = arith.constant 0 : i32
        %dma_start3A_363 = tpu.memref_slice %arg2[%add3A_359, %dma_start3A_362] : memref<20480x128xi32, #tpu.memory_space<hbm>> -> memref<8x128xi32, #tpu.memory_space<hbm>>
        tpu.enqueue_dma source(%dma_start3A_363 : memref<8x128xi32, #tpu.memory_space<hbm>>) target(%arg7 : memref<8x128xi32, #tpu.memory_space<vmem>>) target_semaphore(%arg11 : memref<!tpu.dma_semaphore, #tpu.memory_space<semaphore_mem>>)
      } else {
      }
      %dma_wait3A_247 = arith.constant 0 : i32
      %dma_wait3A_248 = arith.constant 0 : i32
      %dma_wait3A_249 = tpu.memref_slice %arg3[%dma_wait3A_247, %dma_wait3A_248] : memref<40960x128xf32, #tpu.memory_space<hbm>> -> memref<128x128xf32, #tpu.memory_space<hbm>>
      %dma_wait3A_250 = arith.constant 0 : i32
      %dma_wait3A_251 = arith.constant 0 : i32
      %dma_wait3A_252 = tpu.memref_slice %arg3[%dma_wait3A_250, %dma_wait3A_251] : memref<40960x128xf32, #tpu.memory_space<hbm>> -> memref<128x128xf32, #tpu.memory_space<hbm>>
      tpu.wait_dma2 semaphore(%arg13 : memref<!tpu.dma_semaphore, #tpu.memory_space<semaphore_mem>>) src(%dma_wait3A_252 : memref<128x128xf32, #tpu.memory_space<hbm>>) dst(%arg9 : memref<128x128xf32, #tpu.memory_space<vmem>>)
      %dma_start3A_253 = arith.constant 1 : i32
      %dma_start3A_254 = arith.constant 0 : i32
      %dma_start3A_255 = tpu.memref_slice %arg8[%dma_start3A_253, %dma_start3A_254] : memref<8x128xi32, #tpu.memory_space<vmem>> -> memref<1x128xi32, #tpu.memory_space<vmem>>
      %dma_start3A_256 = tpu.memref_squeeze %dma_start3A_255 : memref<1x128xi32, #tpu.memory_space<vmem>> -> memref<128xi32, #tpu.memory_space<vmem>>
      %dma_start3A_257 = arith.constant 0 : i32
      %dma_start3A_258 = arith.constant 0 : i32
      %dma_start3A_259 = tpu.memref_slice %arg6[%dma_start3A_257, %dma_start3A_258] : memref<10240x128xf32, #tpu.memory_space<vmem_shared>> -> memref<10240x128xf32, #tpu.memory_space<vmem_shared>>
      tpu.enqueue_indirect_dma source(%arg9 : memref<128x128xf32, #tpu.memory_space<vmem>>) target(%dma_start3A_259 : memref<10240x128xf32, #tpu.memory_space<vmem_shared>>) offsets(%dma_start3A_256 : memref<128xi32, #tpu.memory_space<vmem>>) semaphore(%arg15 : memref<!tpu.dma_semaphore, #tpu.memory_space<semaphore_mem>>) {add = true}
      %dma_wait3A_260 = arith.constant 0 : i32
      %dma_wait3A_261 = arith.constant 0 : i32
      %dma_wait3A_262 = tpu.memref_slice %arg3[%dma_wait3A_260, %dma_wait3A_261] : memref<40960x128xf32, #tpu.memory_space<hbm>> -> memref<128x128xf32, #tpu.memory_space<hbm>>
      %dma_wait3A_263 = arith.constant 0 : i32
      %dma_wait3A_264 = arith.constant 0 : i32
      %dma_wait3A_265 = tpu.memref_slice %arg3[%dma_wait3A_263, %dma_wait3A_264] : memref<40960x128xf32, #tpu.memory_space<hbm>> -> memref<128x128xf32, #tpu.memory_space<hbm>>
      tpu.wait_dma2 semaphore(%arg14 : memref<!tpu.dma_semaphore, #tpu.memory_space<semaphore_mem>>) src(%dma_wait3A_265 : memref<128x128xf32, #tpu.memory_space<hbm>>) dst(%arg10 : memref<128x128xf32, #tpu.memory_space<vmem>>)
      %dma_start3A_266 = arith.constant 3 : i32
      %dma_start3A_267 = arith.constant 0 : i32
      %dma_start3A_268 = tpu.memref_slice %arg8[%dma_start3A_266, %dma_start3A_267] : memref<8x128xi32, #tpu.memory_space<vmem>> -> memref<1x128xi32, #tpu.memory_space<vmem>>
      %dma_start3A_269 = tpu.memref_squeeze %dma_start3A_268 : memref<1x128xi32, #tpu.memory_space<vmem>> -> memref<128xi32, #tpu.memory_space<vmem>>
      %dma_start3A_270 = arith.constant 0 : i32
      %dma_start3A_271 = arith.constant 0 : i32
      %dma_start3A_272 = tpu.memref_slice %arg6[%dma_start3A_270, %dma_start3A_271] : memref<10240x128xf32, #tpu.memory_space<vmem_shared>> -> memref<10240x128xf32, #tpu.memory_space<vmem_shared>>
      tpu.enqueue_indirect_dma source(%arg10 : memref<128x128xf32, #tpu.memory_space<vmem>>) target(%dma_start3A_272 : memref<10240x128xf32, #tpu.memory_space<vmem_shared>>) offsets(%dma_start3A_269 : memref<128xi32, #tpu.memory_space<vmem>>) semaphore(%arg16 : memref<!tpu.dma_semaphore, #tpu.memory_space<semaphore_mem>>) {add = true}
      %dma_wait3A_273 = arith.constant 0 : i32
      %dma_wait3A_274 = arith.constant 0 : i32
      %dma_wait3A_275 = tpu.memref_slice %arg3[%dma_wait3A_273, %dma_wait3A_274] : memref<40960x128xf32, #tpu.memory_space<hbm>> -> memref<128x128xf32, #tpu.memory_space<hbm>>
      %dma_wait3A_276 = arith.constant 0 : i32
      %dma_wait3A_277 = arith.constant 0 : i32
      %dma_wait3A_278 = tpu.memref_slice %arg3[%dma_wait3A_276, %dma_wait3A_277] : memref<40960x128xf32, #tpu.memory_space<hbm>> -> memref<128x128xf32, #tpu.memory_space<hbm>>
      tpu.wait_dma2 semaphore(%arg15 : memref<!tpu.dma_semaphore, #tpu.memory_space<semaphore_mem>>) src(%dma_wait3A_278 : memref<128x128xf32, #tpu.memory_space<hbm>>) dst(%arg9 : memref<128x128xf32, #tpu.memory_space<vmem>>)
      %dma_start3A_279 = arith.constant 4 : i32
      %dma_start3A_280 = arith.constant 0 : i32
      %dma_start3A_281 = tpu.memref_slice %arg8[%dma_start3A_279, %dma_start3A_280] : memref<8x128xi32, #tpu.memory_space<vmem>> -> memref<1x128xi32, #tpu.memory_space<vmem>>
      %dma_start3A_282 = tpu.memref_squeeze %dma_start3A_281 : memref<1x128xi32, #tpu.memory_space<vmem>> -> memref<128xi32, #tpu.memory_space<vmem>>
      %dma_start3A_283 = arith.constant 0 : i32
      %dma_start3A_284 = arith.constant 0 : i32
      %dma_start3A_285 = tpu.memref_slice %arg3[%dma_start3A_283, %dma_start3A_284] : memref<40960x128xf32, #tpu.memory_space<hbm>> -> memref<40960x128xf32, #tpu.memory_space<hbm>>
      tpu.enqueue_indirect_dma source(%dma_start3A_285 : memref<40960x128xf32, #tpu.memory_space<hbm>>) target(%arg9 : memref<128x128xf32, #tpu.memory_space<vmem>>) offsets(%dma_start3A_282 : memref<128xi32, #tpu.memory_space<vmem>>) semaphore(%arg13 : memref<!tpu.dma_semaphore, #tpu.memory_space<semaphore_mem>>)
      %dma_wait3A_286 = arith.constant 0 : i32
      %dma_wait3A_287 = arith.constant 0 : i32
      %dma_wait3A_288 = tpu.memref_slice %arg3[%dma_wait3A_286, %dma_wait3A_287] : memref<40960x128xf32, #tpu.memory_space<hbm>> -> memref<128x128xf32, #tpu.memory_space<hbm>>
      %dma_wait3A_289 = arith.constant 0 : i32
      %dma_wait3A_290 = arith.constant 0 : i32
      %dma_wait3A_291 = tpu.memref_slice %arg3[%dma_wait3A_289, %dma_wait3A_290] : memref<40960x128xf32, #tpu.memory_space<hbm>> -> memref<128x128xf32, #tpu.memory_space<hbm>>
      tpu.wait_dma2 semaphore(%arg16 : memref<!tpu.dma_semaphore, #tpu.memory_space<semaphore_mem>>) src(%dma_wait3A_291 : memref<128x128xf32, #tpu.memory_space<hbm>>) dst(%arg10 : memref<128x128xf32, #tpu.memory_space<vmem>>)
      %dma_start3A_292 = arith.constant 6 : i32
      %dma_start3A_293 = arith.constant 0 : i32
      %dma_start3A_294 = tpu.memref_slice %arg8[%dma_start3A_292, %dma_start3A_293] : memref<8x128xi32, #tpu.memory_space<vmem>> -> memref<1x128xi32, #tpu.memory_space<vmem>>
      %dma_start3A_295 = tpu.memref_squeeze %dma_start3A_294 : memref<1x128xi32, #tpu.memory_space<vmem>> -> memref<128xi32, #tpu.memory_space<vmem>>
      %dma_start3A_296 = arith.constant 0 : i32
      %dma_start3A_297 = arith.constant 0 : i32
      %dma_start3A_298 = tpu.memref_slice %arg3[%dma_start3A_296, %dma_start3A_297] : memref<40960x128xf32, #tpu.memory_space<hbm>> -> memref<40960x128xf32, #tpu.memory_space<hbm>>
      tpu.enqueue_indirect_dma source(%dma_start3A_298 : memref<40960x128xf32, #tpu.memory_space<hbm>>) target(%arg10 : memref<128x128xf32, #tpu.memory_space<vmem>>) offsets(%dma_start3A_295 : memref<128xi32, #tpu.memory_space<vmem>>) semaphore(%arg14 : memref<!tpu.dma_semaphore, #tpu.memory_space<semaphore_mem>>)
      %dma_wait3A_299 = arith.constant 0 : i32
      %dma_wait3A_300 = arith.constant 0 : i32
      %dma_wait3A_301 = tpu.memref_slice %arg3[%dma_wait3A_299, %dma_wait3A_300] : memref<40960x128xf32, #tpu.memory_space<hbm>> -> memref<128x128xf32, #tpu.memory_space<hbm>>
      %dma_wait3A_302 = arith.constant 0 : i32
      %dma_wait3A_303 = arith.constant 0 : i32
      %dma_wait3A_304 = tpu.memref_slice %arg3[%dma_wait3A_302, %dma_wait3A_303] : memref<40960x128xf32, #tpu.memory_space<hbm>> -> memref<128x128xf32, #tpu.memory_space<hbm>>
      tpu.wait_dma2 semaphore(%arg13 : memref<!tpu.dma_semaphore, #tpu.memory_space<semaphore_mem>>) src(%dma_wait3A_304 : memref<128x128xf32, #tpu.memory_space<hbm>>) dst(%arg9 : memref<128x128xf32, #tpu.memory_space<vmem>>)
      %dma_start3A_305 = arith.constant 5 : i32
      %dma_start3A_306 = arith.constant 0 : i32
      %dma_start3A_307 = tpu.memref_slice %arg8[%dma_start3A_305, %dma_start3A_306] : memref<8x128xi32, #tpu.memory_space<vmem>> -> memref<1x128xi32, #tpu.memory_space<vmem>>
      %dma_start3A_308 = tpu.memref_squeeze %dma_start3A_307 : memref<1x128xi32, #tpu.memory_space<vmem>> -> memref<128xi32, #tpu.memory_space<vmem>>
      %dma_start3A_309 = arith.constant 0 : i32
      %dma_start3A_310 = arith.constant 0 : i32
      %dma_start3A_311 = tpu.memref_slice %arg6[%dma_start3A_309, %dma_start3A_310] : memref<10240x128xf32, #tpu.memory_space<vmem_shared>> -> memref<10240x128xf32, #tpu.memory_space<vmem_shared>>
      tpu.enqueue_indirect_dma source(%arg9 : memref<128x128xf32, #tpu.memory_space<vmem>>) target(%dma_start3A_311 : memref<10240x128xf32, #tpu.memory_space<vmem_shared>>) offsets(%dma_start3A_308 : memref<128xi32, #tpu.memory_space<vmem>>) semaphore(%arg15 : memref<!tpu.dma_semaphore, #tpu.memory_space<semaphore_mem>>) {add = true}
      %dma_wait3A_312 = arith.constant 0 : i32
      %dma_wait3A_313 = arith.constant 0 : i32
      %dma_wait3A_314 = tpu.memref_slice %arg3[%dma_wait3A_312, %dma_wait3A_313] : memref<40960x128xf32, #tpu.memory_space<hbm>> -> memref<128x128xf32, #tpu.memory_space<hbm>>
      %dma_wait3A_315 = arith.constant 0 : i32
      %dma_wait3A_316 = arith.constant 0 : i32
      %dma_wait3A_317 = tpu.memref_slice %arg3[%dma_wait3A_315, %dma_wait3A_316] : memref<40960x128xf32, #tpu.memory_space<hbm>> -> memref<128x128xf32, #tpu.memory_space<hbm>>
      tpu.wait_dma2 semaphore(%arg14 : memref<!tpu.dma_semaphore, #tpu.memory_space<semaphore_mem>>) src(%dma_wait3A_317 : memref<128x128xf32, #tpu.memory_space<hbm>>) dst(%arg10 : memref<128x128xf32, #tpu.memory_space<vmem>>)
      %dma_start3A_318 = arith.constant 7 : i32
      %dma_start3A_319 = arith.constant 0 : i32
      %dma_start3A_320 = tpu.memref_slice %arg8[%dma_start3A_318, %dma_start3A_319] : memref<8x128xi32, #tpu.memory_space<vmem>> -> memref<1x128xi32, #tpu.memory_space<vmem>>
      %dma_start3A_321 = tpu.memref_squeeze %dma_start3A_320 : memref<1x128xi32, #tpu.memory_space<vmem>> -> memref<128xi32, #tpu.memory_space<vmem>>
      %dma_start3A_322 = arith.constant 0 : i32
      %dma_start3A_323 = arith.constant 0 : i32
      %dma_start3A_324 = tpu.memref_slice %arg6[%dma_start3A_322, %dma_start3A_323] : memref<10240x128xf32, #tpu.memory_space<vmem_shared>> -> memref<10240x128xf32, #tpu.memory_space<vmem_shared>>
      tpu.enqueue_indirect_dma source(%arg10 : memref<128x128xf32, #tpu.memory_space<vmem>>) target(%dma_start3A_324 : memref<10240x128xf32, #tpu.memory_space<vmem_shared>>) offsets(%dma_start3A_321 : memref<128xi32, #tpu.memory_space<vmem>>) semaphore(%arg16 : memref<!tpu.dma_semaphore, #tpu.memory_space<semaphore_mem>>) {add = true}
      %dma_wait3A_325 = arith.constant 0 : i32
      %dma_wait3A_326 = arith.constant 0 : i32
      %dma_wait3A_327 = tpu.memref_slice %arg3[%dma_wait3A_325, %dma_wait3A_326] : memref<40960x128xf32, #tpu.memory_space<hbm>> -> memref<128x128xf32, #tpu.memory_space<hbm>>
      %dma_wait3A_328 = arith.constant 0 : i32
      %dma_wait3A_329 = arith.constant 0 : i32
      %dma_wait3A_330 = tpu.memref_slice %arg3[%dma_wait3A_328, %dma_wait3A_329] : memref<40960x128xf32, #tpu.memory_space<hbm>> -> memref<128x128xf32, #tpu.memory_space<hbm>>
      tpu.wait_dma2 semaphore(%arg15 : memref<!tpu.dma_semaphore, #tpu.memory_space<semaphore_mem>>) src(%dma_wait3A_330 : memref<128x128xf32, #tpu.memory_space<hbm>>) dst(%arg9 : memref<128x128xf32, #tpu.memory_space<vmem>>)
      %not3A_331 = arith.constant true
      %not3A_332 = arith.xori %eq3A_134, %not3A_331 : i1
      %convert_element_type3A_333 = arith.extui %not3A_332 : i1 to i32
      %cond3A_334 = arith.constant 0 : i32
      %cond3A_335 = arith.cmpi ne, %convert_element_type3A_333, %cond3A_334 : i32
      scf.if %cond3A_335 {
        %dma_wait3A_348 = arith.constant 0 : i32
        %dma_wait3A_349 = arith.constant 0 : i32
        %dma_wait3A_350 = tpu.memref_slice %arg2[%dma_wait3A_348, %dma_wait3A_349] : memref<20480x128xi32, #tpu.memory_space<hbm>> -> memref<8x128xi32, #tpu.memory_space<hbm>>
        %dma_wait3A_351 = arith.constant 0 : i32
        %dma_wait3A_352 = arith.constant 0 : i32
        %dma_wait3A_353 = tpu.memref_slice %arg2[%dma_wait3A_351, %dma_wait3A_352] : memref<20480x128xi32, #tpu.memory_space<hbm>> -> memref<8x128xi32, #tpu.memory_space<hbm>>
        tpu.wait_dma2 semaphore(%arg11 : memref<!tpu.dma_semaphore, #tpu.memory_space<semaphore_mem>>) src(%dma_wait3A_353 : memref<8x128xi32, #tpu.memory_space<hbm>>) dst(%arg7 : memref<8x128xi32, #tpu.memory_space<vmem>>)
        %dma_start3A_354 = arith.constant 0 : i32
        %dma_start3A_355 = arith.constant 0 : i32
        %dma_start3A_356 = tpu.memref_slice %arg7[%dma_start3A_354, %dma_start3A_355] : memref<8x128xi32, #tpu.memory_space<vmem>> -> memref<1x128xi32, #tpu.memory_space<vmem>>
        %dma_start3A_357 = tpu.memref_squeeze %dma_start3A_356 : memref<1x128xi32, #tpu.memory_space<vmem>> -> memref<128xi32, #tpu.memory_space<vmem>>
        %dma_start3A_358 = arith.constant 0 : i32
        %dma_start3A_359 = arith.constant 0 : i32
        %dma_start3A_360 = tpu.memref_slice %arg3[%dma_start3A_358, %dma_start3A_359] : memref<40960x128xf32, #tpu.memory_space<hbm>> -> memref<40960x128xf32, #tpu.memory_space<hbm>>
        tpu.enqueue_indirect_dma source(%dma_start3A_360 : memref<40960x128xf32, #tpu.memory_space<hbm>>) target(%arg9 : memref<128x128xf32, #tpu.memory_space<vmem>>) offsets(%dma_start3A_357 : memref<128xi32, #tpu.memory_space<vmem>>) semaphore(%arg13 : memref<!tpu.dma_semaphore, #tpu.memory_space<semaphore_mem>>)
      } else {
      }
      %dma_wait3A_336 = arith.constant 0 : i32
      %dma_wait3A_337 = arith.constant 0 : i32
      %dma_wait3A_338 = tpu.memref_slice %arg3[%dma_wait3A_336, %dma_wait3A_337] : memref<40960x128xf32, #tpu.memory_space<hbm>> -> memref<128x128xf32, #tpu.memory_space<hbm>>
      %dma_wait3A_339 = arith.constant 0 : i32
      %dma_wait3A_340 = arith.constant 0 : i32
      %dma_wait3A_341 = tpu.memref_slice %arg3[%dma_wait3A_339, %dma_wait3A_340] : memref<40960x128xf32, #tpu.memory_space<hbm>> -> memref<128x128xf32, #tpu.memory_space<hbm>>
      tpu.wait_dma2 semaphore(%arg16 : memref<!tpu.dma_semaphore, #tpu.memory_space<semaphore_mem>>) src(%dma_wait3A_341 : memref<128x128xf32, #tpu.memory_space<hbm>>) dst(%arg10 : memref<128x128xf32, #tpu.memory_space<vmem>>)
      %not3A_342 = arith.constant true
      %not3A_343 = arith.xori %eq3A_134, %not3A_342 : i1
      %convert_element_type3A_344 = arith.extui %not3A_343 : i1 to i32
      %cond3A_345 = arith.constant 0 : i32
      %cond3A_346 = arith.cmpi ne, %convert_element_type3A_344, %cond3A_345 : i32
      scf.if %cond3A_346 {
        %dma_start3A_348 = arith.constant 2 : i32
        %dma_start3A_349 = arith.constant 0 : i32
        %dma_start3A_350 = tpu.memref_slice %arg7[%dma_start3A_348, %dma_start3A_349] : memref<8x128xi32, #tpu.memory_space<vmem>> -> memref<1x128xi32, #tpu.memory_space<vmem>>
        %dma_start3A_351 = tpu.memref_squeeze %dma_start3A_350 : memref<1x128xi32, #tpu.memory_space<vmem>> -> memref<128xi32, #tpu.memory_space<vmem>>
        %dma_start3A_352 = arith.constant 0 : i32
        %dma_start3A_353 = arith.constant 0 : i32
        %dma_start3A_354 = tpu.memref_slice %arg3[%dma_start3A_352, %dma_start3A_353] : memref<40960x128xf32, #tpu.memory_space<hbm>> -> memref<40960x128xf32, #tpu.memory_space<hbm>>
        tpu.enqueue_indirect_dma source(%dma_start3A_354 : memref<40960x128xf32, #tpu.memory_space<hbm>>) target(%arg10 : memref<128x128xf32, #tpu.memory_space<vmem>>) offsets(%dma_start3A_351 : memref<128xi32, #tpu.memory_space<vmem>>) semaphore(%arg14 : memref<!tpu.dma_semaphore, #tpu.memory_space<semaphore_mem>>)
        %add3A_355 = arith.constant 1 : i32
        %add3A_356 = arith.addi %scan3A_132, %add3A_355 : i32
        %mul3A_357 = arith.constant 16 : i32
        %mul3A_358 = arith.muli %add3A_66, %mul3A_357 : i32
        %add3A_359 = arith.addi %mul3A_358, %arg1 : i32
        %mul3A_360 = arith.constant 320 : i32
        %mul3A_361 = arith.muli %add3A_359, %mul3A_360 : i32
        %mul3A_362 = arith.constant 16 : i32
        %mul3A_363 = arith.muli %add3A_356, %mul3A_362 : i32
        %add3A_364 = arith.addi %mul3A_361, %mul3A_363 : i32
        %add3A_365 = arith.constant 8 : i32
        %add3A_366 = arith.addi %add3A_364, %add3A_365 : i32
        %dma_start3A_367 = arith.constant 0 : i32
        %dma_start3A_368 = tpu.memref_slice %arg2[%add3A_366, %dma_start3A_367] : memref<20480x128xi32, #tpu.memory_space<hbm>> -> memref<8x128xi32, #tpu.memory_space<hbm>>
        %dma_start3A_369 = arith.constant 0 : i32
        %dma_start3A_370 = tpu.memref_slice %arg2[%add3A_366, %dma_start3A_369] : memref<20480x128xi32, #tpu.memory_space<hbm>> -> memref<8x128xi32, #tpu.memory_space<hbm>>
        tpu.enqueue_dma source(%dma_start3A_370 : memref<8x128xi32, #tpu.memory_space<hbm>>) target(%arg8 : memref<8x128xi32, #tpu.memory_space<vmem>>) target_semaphore(%arg12 : memref<!tpu.dma_semaphore, #tpu.memory_space<semaphore_mem>>)
      } else {
      }
      %scan3A_347 = arith.constant 0 : i32
      scf.yield %scan3A_347 : i32
    }
    %scan3A_122 = arith.constant 20 : i32
    %barrier3A_123 = arith.constant 0 : index
    tpu.barrier barrier_id(%barrier3A_123)
    %mul3A_124 = arith.constant 10240 : i32
    %mul3A_125 = arith.muli %add3A_66, %mul3A_124 : i32
    %mul3A_126 = arith.constant 640 : i32
    %mul3A_127 = arith.muli %arg1, %mul3A_126 : i32
    %add3A_128 = arith.addi %mul3A_125, %mul3A_127 : i32
    %mul3A_129 = arith.constant 640 : i32
    %mul3A_130 = arith.muli %arg1, %mul3A_129 : i32
    "tpu.region"() ({
      %run_scoped3A = tpu.sem_alloc : memref<!tpu.dma_semaphore, #tpu.memory_space<semaphore_mem>>
      %dma_start3A_132 = arith.constant 0 : i32
      %dma_start3A_133 = tpu.memref_slice %arg5[%add3A_128, %dma_start3A_132] : memref<40960x128xf32, #tpu.memory_space<hbm>> -> memref<640x128xf32, #tpu.memory_space<hbm>>
      %dma_start3A_134 = arith.constant 0 : i32
      %dma_start3A_135 = tpu.memref_slice %arg6[%mul3A_130, %dma_start3A_134] : memref<10240x128xf32, #tpu.memory_space<vmem_shared>> -> memref<640x128xf32, #tpu.memory_space<vmem_shared>>
      tpu.enqueue_dma source(%dma_start3A_135 : memref<640x128xf32, #tpu.memory_space<vmem_shared>>) target(%dma_start3A_133 : memref<640x128xf32, #tpu.memory_space<hbm>>) target_semaphore(%run_scoped3A : memref<!tpu.dma_semaphore, #tpu.memory_space<semaphore_mem>>)
      %dma_wait3A_136 = arith.constant 0 : i32
      %dma_wait3A_137 = tpu.memref_slice %arg5[%add3A_128, %dma_wait3A_136] : memref<40960x128xf32, #tpu.memory_space<hbm>> -> memref<640x128xf32, #tpu.memory_space<hbm>>
      %dma_wait3A_138 = arith.constant 0 : i32
      %dma_wait3A_139 = tpu.memref_slice %arg6[%mul3A_130, %dma_wait3A_138] : memref<10240x128xf32, #tpu.memory_space<vmem_shared>> -> memref<640x128xf32, #tpu.memory_space<vmem_shared>>
      tpu.wait_dma2 semaphore(%run_scoped3A : memref<!tpu.dma_semaphore, #tpu.memory_space<semaphore_mem>>) src(%dma_wait3A_139 : memref<640x128xf32, #tpu.memory_space<vmem_shared>>) dst(%dma_wait3A_137 : memref<640x128xf32, #tpu.memory_space<hbm>>)
      tpu.yield
    }) : () -> ()
    %barrier3A_131 = arith.constant 0 : index
    tpu.barrier barrier_id(%barrier3A_131)
    return
  }
}

module attributes {stable_mosaic.version = 14 : i64} {
  func.func @_scale_table_kernel(%arg0: i32, %arg1: i32, %arg2: memref<1024x4xf32, #tpu.memory_space<vmem>>, %arg3: memref<1024x128xf32, #tpu.memory_space<vmem>>, %arg4: memref<1024x128xf32, #tpu.memory_space<vmem>>) attributes {dimension_semantics = [#tpu.dimension_semantics<arbitrary>, #tpu.dimension_semantics<arbitrary>], iteration_bounds = array<i64: 4, 10>, scalar_prefetch = 0 : i64, scratch_operands = 0 : i64, tpu.core_type = #tpu.core_type<tc>, window_params = [{transform_indices = @transform_0, window_bounds = array<i64: 1024, 4>}, {transform_indices = @transform_1, window_bounds = array<i64: 1024, 128>}, {transform_indices = @transform_2, window_bounds = array<i64: 1024, 128>}]} {
    %get3A = arith.constant 0 : index
    %get3A_0 = arith.constant 0 : index
    %get3A_1 = vector.load %arg2[%get3A, %get3A_0] : memref<1024x4xf32, #tpu.memory_space<vmem>>, vector<1024x4xf32>
    %broadcast_in_dim3A = arith.constant 0.000000e+00 : f32
    %broadcast_in_dim3A_2 = vector.broadcast %broadcast_in_dim3A : f32 to vector<1024x1xf32>
    %eq3A = arith.constant 0 : i32
    %eq3A_3 = arith.cmpi eq, %arg0, %eq3A : i32
    %slice3A = vector.extract_strided_slice %get3A_1 {offsets = [0, 0], sizes = [1024, 1], strides = [1, 1]} : vector<1024x4xf32> to vector<1024x1xf32>
    %jit3A = arith.constant 0.000000e+00 : f32
    %broadcast_in_dim3A_4 = vector.broadcast %jit3A : f32 to vector<1024x1xf32>
    %select_n3A = arith.select %eq3A_3, %slice3A, %broadcast_in_dim3A_4 : vector<1024x1xf32>
    %add3A = arith.addf %broadcast_in_dim3A_2, %select_n3A : vector<1024x1xf32>
    %eq3A_5 = arith.constant 1 : i32
    %eq3A_6 = arith.cmpi eq, %arg0, %eq3A_5 : i32
    %slice3A_7 = vector.extract_strided_slice %get3A_1 {offsets = [0, 1], sizes = [1024, 1], strides = [1, 1]} : vector<1024x4xf32> to vector<1024x1xf32>
    %jit3A_8 = arith.constant 0.000000e+00 : f32
    %broadcast_in_dim3A_9 = vector.broadcast %jit3A_8 : f32 to vector<1024x1xf32>
    %select_n3A_10 = arith.select %eq3A_6, %slice3A_7, %broadcast_in_dim3A_9 : vector<1024x1xf32>
    %add3A_11 = arith.addf %add3A, %select_n3A_10 : vector<1024x1xf32>
    %eq3A_12 = arith.constant 2 : i32
    %eq3A_13 = arith.cmpi eq, %arg0, %eq3A_12 : i32
    %slice3A_14 = vector.extract_strided_slice %get3A_1 {offsets = [0, 2], sizes = [1024, 1], strides = [1, 1]} : vector<1024x4xf32> to vector<1024x1xf32>
    %jit3A_15 = arith.constant 0.000000e+00 : f32
    %broadcast_in_dim3A_16 = vector.broadcast %jit3A_15 : f32 to vector<1024x1xf32>
    %select_n3A_17 = arith.select %eq3A_13, %slice3A_14, %broadcast_in_dim3A_16 : vector<1024x1xf32>
    %add3A_18 = arith.addf %add3A_11, %select_n3A_17 : vector<1024x1xf32>
    %eq3A_19 = arith.constant 3 : i32
    %eq3A_20 = arith.cmpi eq, %arg0, %eq3A_19 : i32
    %slice3A_21 = vector.extract_strided_slice %get3A_1 {offsets = [0, 3], sizes = [1024, 1], strides = [1, 1]} : vector<1024x4xf32> to vector<1024x1xf32>
    %jit3A_22 = arith.constant 0.000000e+00 : f32
    %broadcast_in_dim3A_23 = vector.broadcast %jit3A_22 : f32 to vector<1024x1xf32>
    %select_n3A_24 = arith.select %eq3A_20, %slice3A_21, %broadcast_in_dim3A_23 : vector<1024x1xf32>
    %add3A_25 = arith.addf %add3A_18, %select_n3A_24 : vector<1024x1xf32>
    %gt3A = arith.constant 0.000000e+00 : f32
    %gt3A_26 = vector.broadcast %gt3A : f32 to vector<1024x1xf32>
    %gt3A_27 = arith.cmpf ogt, %add3A_25, %gt3A_26 : vector<1024x1xf32>
    %max3A = arith.constant 1.000000e-30 : f32
    %max3A_28 = vector.broadcast %max3A : f32 to vector<1024x1xf32>
    %max3A_29 = arith.maximumf %add3A_25, %max3A_28 : vector<1024x1xf32>
    %rsqrt3A = math.rsqrt %max3A_29 : vector<1024x1xf32>
    %jit3A_30 = arith.constant 0.000000e+00 : f32
    %broadcast_in_dim3A_31 = vector.broadcast %jit3A_30 : f32 to vector<1024x1xf32>
    %select_n3A_32 = arith.select %gt3A_27, %rsqrt3A, %broadcast_in_dim3A_31 : vector<1024x1xi1>, vector<1024x1xf32>
    %get3A_33 = arith.constant 0 : index
    %get3A_34 = arith.constant 0 : index
    %get3A_35 = vector.load %arg3[%get3A_33, %get3A_34] : memref<1024x128xf32, #tpu.memory_space<vmem>>, vector<1024x128xf32>
    %mul3A = vector.broadcast %select_n3A_32 : vector<1024x1xf32> to vector<1024x128xf32>
    %mul3A_36 = arith.mulf %mul3A, %get3A_35 : vector<1024x128xf32>
    %swap3A = arith.constant 0 : index
    %swap3A_37 = arith.constant 0 : index
    %swap3A_38 = vector.load %arg4[%swap3A, %swap3A_37] : memref<1024x128xf32, #tpu.memory_space<vmem>>, vector<1024x128xf32>
    tpu.vector_store %arg4[%swap3A, %swap3A_37], %mul3A_36 {strides = array<i32>} : memref<1024x128xf32, #tpu.memory_space<vmem>>, vector<1024x128xf32>,
    return
  }
  func.func @transform_0(%arg0: i32, %arg1: i32) -> (i32, i32) {
    %c0_i32 = arith.constant 0 : i32
    %c0_i32_0 = arith.constant 0 : i32
    return %arg1, %c0_i32 : i32, i32
  }
  func.func @transform_1(%arg0: i32, %arg1: i32) -> (i32, i32) {
    %c0_i32 = arith.constant 0 : i32
    %c0_i32_0 = arith.constant 0 : i32
    return %arg1, %c0_i32 : i32, i32
  }
  func.func @transform_2(%arg0: i32, %arg1: i32) -> (i32, i32) {
    %mul3A = arith.constant 10 : i32
    %mul3A_0 = arith.muli %arg0, %mul3A : i32
    %add3A = arith.addi %mul3A_0, %arg1 : i32
    %c0_i32 = arith.constant 0 : i32
    %c0_i32_1 = arith.constant 0 : i32
    return %add3A, %c0_i32 : i32, i32
  }
}

module attributes {stable_mosaic.version = 14 : i64} {
  func.func @_scale_table_kernel(%arg0: i32, %arg1: i32, %arg2: memref<1024x4xf32, #tpu.memory_space<vmem>>, %arg3: memref<1024x128xf32, #tpu.memory_space<vmem>>, %arg4: memref<1024x128xf32, #tpu.memory_space<vmem>>) attributes {dimension_semantics = [#tpu.dimension_semantics<arbitrary>, #tpu.dimension_semantics<arbitrary>], iteration_bounds = array<i64: 4, 10>, scalar_prefetch = 0 : i64, scratch_operands = 0 : i64, tpu.core_type = #tpu.core_type<tc>, window_params = [{transform_indices = @transform_0, window_bounds = array<i64: 1024, 4>}, {transform_indices = @transform_1, window_bounds = array<i64: 1024, 128>}, {transform_indices = @transform_2, window_bounds = array<i64: 1024, 128>}]} {
    %get3A = arith.constant 0 : index
    %get3A_0 = arith.constant 0 : index
    %get3A_1 = vector.load %arg2[%get3A, %get3A_0] : memref<1024x4xf32, #tpu.memory_space<vmem>>, vector<1024x4xf32>
    %broadcast_in_dim3A = arith.constant 0.000000e+00 : f32
    %broadcast_in_dim3A_2 = vector.broadcast %broadcast_in_dim3A : f32 to vector<1024x1xf32>
    %eq3A = arith.constant 0 : i32
    %eq3A_3 = arith.cmpi eq, %arg0, %eq3A : i32
    %slice3A = vector.extract_strided_slice %get3A_1 {offsets = [0, 0], sizes = [1024, 1], strides = [1, 1]} : vector<1024x4xf32> to vector<1024x1xf32>
    %jit3A = arith.constant 0.000000e+00 : f32
    %broadcast_in_dim3A_4 = vector.broadcast %jit3A : f32 to vector<1024x1xf32>
    %select_n3A = arith.select %eq3A_3, %slice3A, %broadcast_in_dim3A_4 : vector<1024x1xf32>
    %add3A = arith.addf %broadcast_in_dim3A_2, %select_n3A : vector<1024x1xf32>
    %eq3A_5 = arith.constant 1 : i32
    %eq3A_6 = arith.cmpi eq, %arg0, %eq3A_5 : i32
    %slice3A_7 = vector.extract_strided_slice %get3A_1 {offsets = [0, 1], sizes = [1024, 1], strides = [1, 1]} : vector<1024x4xf32> to vector<1024x1xf32>
    %jit3A_8 = arith.constant 0.000000e+00 : f32
    %broadcast_in_dim3A_9 = vector.broadcast %jit3A_8 : f32 to vector<1024x1xf32>
    %select_n3A_10 = arith.select %eq3A_6, %slice3A_7, %broadcast_in_dim3A_9 : vector<1024x1xf32>
    %add3A_11 = arith.addf %add3A, %select_n3A_10 : vector<1024x1xf32>
    %eq3A_12 = arith.constant 2 : i32
    %eq3A_13 = arith.cmpi eq, %arg0, %eq3A_12 : i32
    %slice3A_14 = vector.extract_strided_slice %get3A_1 {offsets = [0, 2], sizes = [1024, 1], strides = [1, 1]} : vector<1024x4xf32> to vector<1024x1xf32>
    %jit3A_15 = arith.constant 0.000000e+00 : f32
    %broadcast_in_dim3A_16 = vector.broadcast %jit3A_15 : f32 to vector<1024x1xf32>
    %select_n3A_17 = arith.select %eq3A_13, %slice3A_14, %broadcast_in_dim3A_16 : vector<1024x1xf32>
    %add3A_18 = arith.addf %add3A_11, %select_n3A_17 : vector<1024x1xf32>
    %eq3A_19 = arith.constant 3 : i32
    %eq3A_20 = arith.cmpi eq, %arg0, %eq3A_19 : i32
    %slice3A_21 = vector.extract_strided_slice %get3A_1 {offsets = [0, 3], sizes = [1024, 1], strides = [1, 1]} : vector<1024x4xf32> to vector<1024x1xf32>
    %jit3A_22 = arith.constant 0.000000e+00 : f32
    %broadcast_in_dim3A_23 = vector.broadcast %jit3A_22 : f32 to vector<1024x1xf32>
    %select_n3A_24 = arith.select %eq3A_20, %slice3A_21, %broadcast_in_dim3A_23 : vector<1024x1xf32>
    %add3A_25 = arith.addf %add3A_18, %select_n3A_24 : vector<1024x1xf32>
    %gt3A = arith.constant 0.000000e+00 : f32
    %gt3A_26 = vector.broadcast %gt3A : f32 to vector<1024x1xf32>
    %gt3A_27 = arith.cmpf ogt, %add3A_25, %gt3A_26 : vector<1024x1xf32>
    %max3A = arith.constant 1.000000e-30 : f32
    %max3A_28 = vector.broadcast %max3A : f32 to vector<1024x1xf32>
    %max3A_29 = arith.maximumf %add3A_25, %max3A_28 : vector<1024x1xf32>
    %rsqrt3A = math.rsqrt %max3A_29 : vector<1024x1xf32>
    %jit3A_30 = arith.constant 0.000000e+00 : f32
    %broadcast_in_dim3A_31 = vector.broadcast %jit3A_30 : f32 to vector<1024x1xf32>
    %select_n3A_32 = arith.select %gt3A_27, %rsqrt3A, %broadcast_in_dim3A_31 : vector<1024x1xi1>, vector<1024x1xf32>
    %mul3A = arith.mulf %select_n3A_32, %select_n3A_32 : vector<1024x1xf32>
    %get3A_33 = arith.constant 0 : index
    %get3A_34 = arith.constant 0 : index
    %get3A_35 = vector.load %arg3[%get3A_33, %get3A_34] : memref<1024x128xf32, #tpu.memory_space<vmem>>, vector<1024x128xf32>
    %mul3A_36 = vector.broadcast %mul3A : vector<1024x1xf32> to vector<1024x128xf32>
    %mul3A_37 = arith.mulf %mul3A_36, %get3A_35 : vector<1024x128xf32>
    %swap3A = arith.constant 0 : index
    %swap3A_38 = arith.constant 0 : index
    %swap3A_39 = vector.load %arg4[%swap3A, %swap3A_38] : memref<1024x128xf32, #tpu.memory_space<vmem>>, vector<1024x128xf32>
    tpu.vector_store %arg4[%swap3A, %swap3A_38], %mul3A_37 {strides = array<i32>} : memref<1024x128xf32, #tpu.memory_space<vmem>>, vector<1024x128xf32>,
    return
  }
  func.func @transform_0(%arg0: i32, %arg1: i32) -> (i32, i32) {
    %c0_i32 = arith.constant 0 : i32
    %c0_i32_0 = arith.constant 0 : i32
    return %arg1, %c0_i32 : i32, i32
  }
  func.func @transform_1(%arg0: i32, %arg1: i32) -> (i32, i32) {
    %mul3A = arith.constant 10 : i32
    %mul3A_0 = arith.muli %arg0, %mul3A : i32
    %add3A = arith.addi %mul3A_0, %arg1 : i32
    %c0_i32 = arith.constant 0 : i32
    %c0_i32_1 = arith.constant 0 : i32
    return %add3A, %c0_i32 : i32, i32
  }
  func.func @transform_2(%arg0: i32, %arg1: i32) -> (i32, i32) {
    %mul3A = arith.constant 10 : i32
    %mul3A_0 = arith.muli %arg0, %mul3A : i32
    %add3A = arith.addi %mul3A_0, %arg1 : i32
    %c0_i32 = arith.constant 0 : i32
    %c0_i32_1 = arith.constant 0 : i32
    return %add3A, %c0_i32 : i32, i32
  }
}

module attributes {stable_mosaic.version = 14 : i64} {
  func.func @_main_kernel(%arg0: i32, %arg1: memref<1000x128xf32, #tpu.memory_space<vmem>>, %arg2: memref<4x1000x128xf32, #tpu.memory_space<vmem>>, %arg3: memref<4x1000x128xf32, #tpu.memory_space<vmem>>, %arg4: memref<1000x4xf32, #tpu.memory_space<vmem>>, %arg5: memref<1000x128xf32, #tpu.memory_space<vmem>>, %arg6: memref<1000x128xf32, #tpu.memory_space<vmem>>, %arg7: memref<1000x1xf32, #tpu.memory_space<vmem>>, %arg8: memref<1000x1xf32, #tpu.memory_space<vmem>>, %arg9: memref<1000x10xf32, #tpu.memory_space<vmem>>, %arg10: memref<10x10xf32, #tpu.memory_space<vmem>>, %arg11: memref<1x10xf32, #tpu.memory_space<vmem>>, %arg12: memref<128x128xf32, #tpu.memory_space<vmem>>, %arg13: memref<10x128xf32, #tpu.memory_space<vmem>>, %arg14: memref<1x128xf32, #tpu.memory_space<vmem>>, %arg15: memref<128x128xf32, #tpu.memory_space<vmem>>, %arg16: memref<1x128xf32, #tpu.memory_space<vmem>>, %arg17: memref<10x10xf32, #tpu.memory_space<vmem>>, %arg18: memref<1x10xf32, #tpu.memory_space<vmem>>, %arg19: memref<128x128xf32, #tpu.memory_space<vmem>>, %arg20: memref<10x128xf32, #tpu.memory_space<vmem>>, %arg21: memref<1x128xf32, #tpu.memory_space<vmem>>, %arg22: memref<128x128xf32, #tpu.memory_space<vmem>>, %arg23: memref<1x128xf32, #tpu.memory_space<vmem>>, %arg24: memref<1000x128xf32, #tpu.memory_space<vmem>>, %arg25: memref<1000x128xf32, #tpu.memory_space<vmem>>, %arg26: memref<1000x128xf32, #tpu.memory_space<vmem>>, %arg27: memref<1000x128xf32, #tpu.memory_space<vmem>>, %arg28: memref<1x1xf32, #tpu.memory_space<vmem>>) attributes {dimension_semantics = [#tpu.dimension_semantics<arbitrary>], iteration_bounds = array<i64: 10>, scalar_prefetch = 0 : i64, scratch_operands = 0 : i64, tpu.core_type = #tpu.core_type<tc>, window_params = [{transform_indices = @transform_0, window_bounds = array<i64: 1000, 128>}, {transform_indices = @transform_1, window_bounds = array<i64: 4, 1000, 128>}, {transform_indices = @transform_2, window_bounds = array<i64: 4, 1000, 128>}, {transform_indices = @transform_3, window_bounds = array<i64: 1000, 4>}, {transform_indices = @transform_4, window_bounds = array<i64: 1000, 128>}, {transform_indices = @transform_5, window_bounds = array<i64: 1000, 128>}, {transform_indices = @transform_6, window_bounds = array<i64: 1000, 1>}, {transform_indices = @transform_7, window_bounds = array<i64: 1000, 1>}, {transform_indices = @transform_8, window_bounds = array<i64: 1000, 10>}, {pipeline_mode = #tpu.pipeline_mode<synchronous>, transform_indices = @transform_9, window_bounds = array<i64: 10, 10>}, {pipeline_mode = #tpu.pipeline_mode<synchronous>, transform_indices = @transform_10, window_bounds = array<i64: 1, 10>}, {pipeline_mode = #tpu.pipeline_mode<synchronous>, transform_indices = @transform_11, window_bounds = array<i64: 128, 128>}, {pipeline_mode = #tpu.pipeline_mode<synchronous>, transform_indices = @transform_12, window_bounds = array<i64: 10, 128>}, {pipeline_mode = #tpu.pipeline_mode<synchronous>, transform_indices = @transform_13, window_bounds = array<i64: 1, 128>}, {pipeline_mode = #tpu.pipeline_mode<synchronous>, transform_indices = @transform_14, window_bounds = array<i64: 128, 128>}, {pipeline_mode = #tpu.pipeline_mode<synchronous>, transform_indices = @transform_15, window_bounds = array<i64: 1, 128>}, {pipeline_mode = #tpu.pipeline_mode<synchronous>, transform_indices = @transform_16, window_bounds = array<i64: 10, 10>}, {pipeline_mode = #tpu.pipeline_mode<synchronous>, transform_indices = @transform_17, window_bounds = array<i64: 1, 10>}, {pipeline_mode = #tpu.pipeline_mode<synchronous>, transform_indices = @transform_18, window_bounds = array<i64: 128, 128>}, {pipeline_mode = #tpu.pipeline_mode<synchronous>, transform_indices = @transform_19, window_bounds = array<i64: 10, 128>}, {pipeline_mode = #tpu.pipeline_mode<synchronous>, transform_indices = @transform_20, window_bounds = array<i64: 1, 128>}, {pipeline_mode = #tpu.pipeline_mode<synchronous>, transform_indices = @transform_21, window_bounds = array<i64: 128, 128>}, {pipeline_mode = #tpu.pipeline_mode<synchronous>, transform_indices = @transform_22, window_bounds = array<i64: 1, 128>}, {transform_indices = @transform_23, window_bounds = array<i64: 1000, 128>}, {transform_indices = @transform_24, window_bounds = array<i64: 1000, 128>}, {transform_indices = @transform_25, window_bounds = array<i64: 1000, 128>}, {transform_indices = @transform_26, window_bounds = array<i64: 1000, 128>}, {pipeline_mode = #tpu.pipeline_mode<synchronous>, transform_indices = @transform_27, window_bounds = array<i64: 1, 1>}]} {
    %get3A = arith.constant 0 : index
    %get3A_0 = arith.constant 0 : index
    %get3A_1 = vector.load %arg4[%get3A, %get3A_0] : memref<1000x4xf32, #tpu.memory_space<vmem>>, vector<1000x4xf32>
    %get3A_2 = arith.constant 0 : index
    %get3A_3 = arith.constant 0 : index
    %get3A_4 = vector.load %arg1[%get3A_2, %get3A_3] : memref<1000x128xf32, #tpu.memory_space<vmem>>, vector<1000x128xf32>
    %slice3A = vector.extract_strided_slice %get3A_1 {offsets = [0, 0], sizes = [1000, 1], strides = [1, 1]} : vector<1000x4xf32> to vector<1000x1xf32>
    %gt3A = arith.constant 0.000000e+00 : f32
    %gt3A_5 = vector.broadcast %gt3A : f32 to vector<1000x1xf32>
    %gt3A_6 = arith.cmpf ogt, %slice3A, %gt3A_5 : vector<1000x1xf32>
    %max3A = arith.constant 1.000000e-30 : f32
    %max3A_7 = vector.broadcast %max3A : f32 to vector<1000x1xf32>
    %max3A_8 = arith.maximumf %slice3A, %max3A_7 : vector<1000x1xf32>
    %rsqrt3A = math.rsqrt %max3A_8 : vector<1000x1xf32>
    %jit3A = arith.constant 0.000000e+00 : f32
    %broadcast_in_dim3A = vector.broadcast %jit3A : f32 to vector<1000x1xf32>
    %select_n3A = arith.select %gt3A_6, %rsqrt3A, %broadcast_in_dim3A : vector<1000x1xi1>, vector<1000x1xf32>
    %get3A_9 = arith.constant 0 : index
    %get3A_10 = arith.constant 0 : index
    %get3A_11 = arith.constant 0 : index
    %get3A_12 = vector.load %arg2[%get3A_9, %get3A_10, %get3A_11] : memref<4x1000x128xf32, #tpu.memory_space<vmem>>, vector<1x1000x128xf32>
    %get3A_13 = vector.shape_cast %get3A_12 : vector<1x1000x128xf32> to vector<1000x128xf32>
    %get3A_14 = arith.constant 0 : index
    %get3A_15 = arith.constant 0 : index
    %get3A_16 = arith.constant 0 : index
    %get3A_17 = vector.load %arg3[%get3A_14, %get3A_15, %get3A_16] : memref<4x1000x128xf32, #tpu.memory_space<vmem>>, vector<1x1000x128xf32>
    %get3A_18 = vector.shape_cast %get3A_17 : vector<1x1000x128xf32> to vector<1000x128xf32>
    %add3A = arith.addf %get3A_13, %get3A_18 : vector<1000x128xf32>
    %mul3A = vector.broadcast %select_n3A : vector<1000x1xf32> to vector<1000x128xf32>
    %mul3A_19 = arith.mulf %mul3A, %add3A : vector<1000x128xf32>
    %add3A_20 = arith.addf %get3A_4, %mul3A_19 : vector<1000x128xf32>
    %mul3A_21 = arith.constant 0.333333343 : f32
    %mul3A_22 = vector.broadcast %mul3A_21 : f32 to vector<1000x128xf32>
    %mul3A_23 = arith.mulf %add3A_20, %mul3A_22 : vector<1000x128xf32>
    %slice3A_24 = vector.extract_strided_slice %get3A_1 {offsets = [0, 1], sizes = [1000, 1], strides = [1, 1]} : vector<1000x4xf32> to vector<1000x1xf32>
    %gt3A_25 = arith.constant 0.000000e+00 : f32
    %gt3A_26 = vector.broadcast %gt3A_25 : f32 to vector<1000x1xf32>
    %gt3A_27 = arith.cmpf ogt, %slice3A_24, %gt3A_26 : vector<1000x1xf32>
    %max3A_28 = arith.constant 1.000000e-30 : f32
    %max3A_29 = vector.broadcast %max3A_28 : f32 to vector<1000x1xf32>
    %max3A_30 = arith.maximumf %slice3A_24, %max3A_29 : vector<1000x1xf32>
    %rsqrt3A_31 = math.rsqrt %max3A_30 : vector<1000x1xf32>
    %jit3A_32 = arith.constant 0.000000e+00 : f32
    %broadcast_in_dim3A_33 = vector.broadcast %jit3A_32 : f32 to vector<1000x1xf32>
    %select_n3A_34 = arith.select %gt3A_27, %rsqrt3A_31, %broadcast_in_dim3A_33 : vector<1000x1xi1>, vector<1000x1xf32>
    %get3A_35 = arith.constant 1 : index
    %get3A_36 = arith.constant 0 : index
    %get3A_37 = arith.constant 0 : index
    %get3A_38 = vector.load %arg2[%get3A_35, %get3A_36, %get3A_37] : memref<4x1000x128xf32, #tpu.memory_space<vmem>>, vector<1x1000x128xf32>
    %get3A_39 = vector.shape_cast %get3A_38 : vector<1x1000x128xf32> to vector<1000x128xf32>
    %get3A_40 = arith.constant 1 : index
    %get3A_41 = arith.constant 0 : index
    %get3A_42 = arith.constant 0 : index
    %get3A_43 = vector.load %arg3[%get3A_40, %get3A_41, %get3A_42] : memref<4x1000x128xf32, #tpu.memory_space<vmem>>, vector<1x1000x128xf32>
    %get3A_44 = vector.shape_cast %get3A_43 : vector<1x1000x128xf32> to vector<1000x128xf32>
    %add3A_45 = arith.addf %get3A_39, %get3A_44 : vector<1000x128xf32>
    %mul3A_46 = vector.broadcast %select_n3A_34 : vector<1000x1xf32> to vector<1000x128xf32>
    %mul3A_47 = arith.mulf %mul3A_46, %add3A_45 : vector<1000x128xf32>
    %add3A_48 = arith.addf %get3A_4, %mul3A_47 : vector<1000x128xf32>
    %mul3A_49 = arith.constant 0.333333343 : f32
    %mul3A_50 = vector.broadcast %mul3A_49 : f32 to vector<1000x128xf32>
    %mul3A_51 = arith.mulf %add3A_48, %mul3A_50 : vector<1000x128xf32>
    %slice3A_52 = vector.extract_strided_slice %get3A_1 {offsets = [0, 2], sizes = [1000, 1], strides = [1, 1]} : vector<1000x4xf32> to vector<1000x1xf32>
    %gt3A_53 = arith.constant 0.000000e+00 : f32
    %gt3A_54 = vector.broadcast %gt3A_53 : f32 to vector<1000x1xf32>
    %gt3A_55 = arith.cmpf ogt, %slice3A_52, %gt3A_54 : vector<1000x1xf32>
    %max3A_56 = arith.constant 1.000000e-30 : f32
    %max3A_57 = vector.broadcast %max3A_56 : f32 to vector<1000x1xf32>
    %max3A_58 = arith.maximumf %slice3A_52, %max3A_57 : vector<1000x1xf32>
    %rsqrt3A_59 = math.rsqrt %max3A_58 : vector<1000x1xf32>
    %jit3A_60 = arith.constant 0.000000e+00 : f32
    %broadcast_in_dim3A_61 = vector.broadcast %jit3A_60 : f32 to vector<1000x1xf32>
    %select_n3A_62 = arith.select %gt3A_55, %rsqrt3A_59, %broadcast_in_dim3A_61 : vector<1000x1xi1>, vector<1000x1xf32>
    %get3A_63 = arith.constant 2 : index
    %get3A_64 = arith.constant 0 : index
    %get3A_65 = arith.constant 0 : index
    %get3A_66 = vector.load %arg2[%get3A_63, %get3A_64, %get3A_65] : memref<4x1000x128xf32, #tpu.memory_space<vmem>>, vector<1x1000x128xf32>
    %get3A_67 = vector.shape_cast %get3A_66 : vector<1x1000x128xf32> to vector<1000x128xf32>
    %get3A_68 = arith.constant 2 : index
    %get3A_69 = arith.constant 0 : index
    %get3A_70 = arith.constant 0 : index
    %get3A_71 = vector.load %arg3[%get3A_68, %get3A_69, %get3A_70] : memref<4x1000x128xf32, #tpu.memory_space<vmem>>, vector<1x1000x128xf32>
    %get3A_72 = vector.shape_cast %get3A_71 : vector<1x1000x128xf32> to vector<1000x128xf32>
    %add3A_73 = arith.addf %get3A_67, %get3A_72 : vector<1000x128xf32>
    %mul3A_74 = vector.broadcast %select_n3A_62 : vector<1000x1xf32> to vector<1000x128xf32>
    %mul3A_75 = arith.mulf %mul3A_74, %add3A_73 : vector<1000x128xf32>
    %add3A_76 = arith.addf %get3A_4, %mul3A_75 : vector<1000x128xf32>
    %mul3A_77 = arith.constant 0.333333343 : f32
    %mul3A_78 = vector.broadcast %mul3A_77 : f32 to vector<1000x128xf32>
    %mul3A_79 = arith.mulf %add3A_76, %mul3A_78 : vector<1000x128xf32>
    %slice3A_80 = vector.extract_strided_slice %get3A_1 {offsets = [0, 3], sizes = [1000, 1], strides = [1, 1]} : vector<1000x4xf32> to vector<1000x1xf32>
    %gt3A_81 = arith.constant 0.000000e+00 : f32
    %gt3A_82 = vector.broadcast %gt3A_81 : f32 to vector<1000x1xf32>
    %gt3A_83 = arith.cmpf ogt, %slice3A_80, %gt3A_82 : vector<1000x1xf32>
    %max3A_84 = arith.constant 1.000000e-30 : f32
    %max3A_85 = vector.broadcast %max3A_84 : f32 to vector<1000x1xf32>
    %max3A_86 = arith.maximumf %slice3A_80, %max3A_85 : vector<1000x1xf32>
    %rsqrt3A_87 = math.rsqrt %max3A_86 : vector<1000x1xf32>
    %jit3A_88 = arith.constant 0.000000e+00 : f32
    %broadcast_in_dim3A_89 = vector.broadcast %jit3A_88 : f32 to vector<1000x1xf32>
    %select_n3A_90 = arith.select %gt3A_83, %rsqrt3A_87, %broadcast_in_dim3A_89 : vector<1000x1xi1>, vector<1000x1xf32>
    %get3A_91 = arith.constant 3 : index
    %get3A_92 = arith.constant 0 : index
    %get3A_93 = arith.constant 0 : index
    %get3A_94 = vector.load %arg2[%get3A_91, %get3A_92, %get3A_93] : memref<4x1000x128xf32, #tpu.memory_space<vmem>>, vector<1x1000x128xf32>
    %get3A_95 = vector.shape_cast %get3A_94 : vector<1x1000x128xf32> to vector<1000x128xf32>
    %get3A_96 = arith.constant 3 : index
    %get3A_97 = arith.constant 0 : index
    %get3A_98 = arith.constant 0 : index
    %get3A_99 = vector.load %arg3[%get3A_96, %get3A_97, %get3A_98] : memref<4x1000x128xf32, #tpu.memory_space<vmem>>, vector<1x1000x128xf32>
    %get3A_100 = vector.shape_cast %get3A_99 : vector<1x1000x128xf32> to vector<1000x128xf32>
    %add3A_101 = arith.addf %get3A_95, %get3A_100 : vector<1000x128xf32>
    %mul3A_102 = vector.broadcast %select_n3A_90 : vector<1000x1xf32> to vector<1000x128xf32>
    %mul3A_103 = arith.mulf %mul3A_102, %add3A_101 : vector<1000x128xf32>
    %add3A_104 = arith.addf %get3A_4, %mul3A_103 : vector<1000x128xf32>
    %mul3A_105 = arith.constant 0.333333343 : f32
    %mul3A_106 = vector.broadcast %mul3A_105 : f32 to vector<1000x128xf32>
    %mul3A_107 = arith.mulf %add3A_104, %mul3A_106 : vector<1000x128xf32>
    %mul3A_108 = arith.mulf %mul3A_107, %mul3A_107 : vector<1000x128xf32>
    %reduce_sum3A = arith.constant dense<0.000000e+00> : vector<1000xf32>
    %reduce_sum3A_109 = vector.multi_reduction <add>, %mul3A_108, %reduce_sum3A [1] : vector<1000x128xf32> to vector<1000xf32>
    %broadcast_in_dim3A_110 = vector.shape_cast %reduce_sum3A_109 : vector<1000xf32> to vector<1000x1xf32>
    %sqrt3A = math.sqrt %broadcast_in_dim3A_110 : vector<1000x1xf32>
    %max3A_111 = arith.constant 9.99999996E-13 : f32
    %max3A_112 = vector.broadcast %max3A_111 : f32 to vector<1000x1xf32>
    %max3A_113 = arith.maximumf %sqrt3A, %max3A_112 : vector<1000x1xf32>
    %div3A = vector.broadcast %max3A_113 : vector<1000x1xf32> to vector<1000x128xf32>
    %div3A_114 = arith.divf %mul3A_107, %div3A : vector<1000x128xf32>
    %get3A_115 = arith.constant 0 : index
    %get3A_116 = arith.constant 0 : index
    %get3A_117 = vector.load %arg7[%get3A_115, %get3A_116] : memref<1000x1xf32, #tpu.memory_space<vmem>>, vector<1000x1xf32>
    %get3A_118 = arith.constant 0 : index
    %get3A_119 = arith.constant 0 : index
    %get3A_120 = vector.load %arg8[%get3A_118, %get3A_119] : memref<1000x1xf32, #tpu.memory_space<vmem>>, vector<1000x1xf32>
    %mul3A_121 = vector.broadcast %get3A_117 : vector<1000x1xf32> to vector<1000x128xf32>
    %mul3A_122 = arith.mulf %mul3A_121, %mul3A_51 : vector<1000x128xf32>
    %get3A_123 = arith.constant 0 : index
    %get3A_124 = arith.constant 0 : index
    %get3A_125 = vector.load %arg5[%get3A_123, %get3A_124] : memref<1000x128xf32, #tpu.memory_space<vmem>>, vector<1000x128xf32>
    %mul3A_126 = vector.broadcast %get3A_120 : vector<1000x1xf32> to vector<1000x128xf32>
    %mul3A_127 = arith.mulf %mul3A_126, %get3A_125 : vector<1000x128xf32>
    %add3A_128 = arith.addf %mul3A_122, %mul3A_127 : vector<1000x128xf32>
    %mul3A_129 = vector.broadcast %get3A_117 : vector<1000x1xf32> to vector<1000x128xf32>
    %mul3A_130 = arith.mulf %mul3A_129, %mul3A_79 : vector<1000x128xf32>
    %get3A_131 = arith.constant 0 : index
    %get3A_132 = arith.constant 0 : index
    %get3A_133 = vector.load %arg6[%get3A_131, %get3A_132] : memref<1000x128xf32, #tpu.memory_space<vmem>>, vector<1000x128xf32>
    %mul3A_134 = vector.broadcast %get3A_120 : vector<1000x1xf32> to vector<1000x128xf32>
    %mul3A_135 = arith.mulf %mul3A_134, %get3A_133 : vector<1000x128xf32>
    %add3A_136 = arith.addf %mul3A_130, %mul3A_135 : vector<1000x128xf32>
    %get3A_137 = arith.constant 0 : index
    %get3A_138 = arith.constant 0 : index
    %get3A_139 = vector.load %arg9[%get3A_137, %get3A_138] : memref<1000x10xf32, #tpu.memory_space<vmem>>, vector<1000x10xf32>
    %get3A_140 = arith.constant 0 : index
    %get3A_141 = arith.constant 0 : index
    %get3A_142 = vector.load %arg10[%get3A_140, %get3A_141] : memref<10x10xf32, #tpu.memory_space<vmem>>, vector<10x10xf32>
    %dot_general3A = arith.constant dense<0.000000e+00> : vector<1000x10xf32>
    %dot_general3A_143 = tpu.matmul %get3A_139, %get3A_142, %dot_general3A {dimension_numbers = #tpu.dot_dimension_numbers<[1], [0], [0], [1], [0, 0, 1, 1], [], []>, transpose_lhs_hint = false} : vector<1000x10xf32>, vector<10x10xf32>, vector<1000x10xf32> -> vector<1000x10xf32>
    %get3A_144 = arith.constant 0 : index
    %get3A_145 = arith.constant 0 : index
    %get3A_146 = vector.load %arg11[%get3A_144, %get3A_145] : memref<1x10xf32, #tpu.memory_space<vmem>>, vector<1x10xf32>
    %add3A_147 = vector.broadcast %get3A_146 : vector<1x10xf32> to vector<1000x10xf32>
    %add3A_148 = arith.addf %dot_general3A_143, %add3A_147 : vector<1000x10xf32>
    %get3A_149 = arith.constant 0 : index
    %get3A_150 = arith.constant 0 : index
    %get3A_151 = vector.load %arg12[%get3A_149, %get3A_150] : memref<128x128xf32, #tpu.memory_space<vmem>>, vector<128x128xf32>
    %dot_general3A_152 = arith.constant dense<0.000000e+00> : vector<1000x128xf32>
    %dot_general3A_153 = tpu.matmul %add3A_128, %get3A_151, %dot_general3A_152 {dimension_numbers = #tpu.dot_dimension_numbers<[1], [0], [0], [1], [0, 0, 1, 1], [], []>, transpose_lhs_hint = false} : vector<1000x128xf32>, vector<128x128xf32>, vector<1000x128xf32> -> vector<1000x128xf32>
    %get3A_154 = arith.constant 0 : index
    %get3A_155 = arith.constant 0 : index
    %get3A_156 = vector.load %arg13[%get3A_154, %get3A_155] : memref<10x128xf32, #tpu.memory_space<vmem>>, vector<10x128xf32>
    %dot_general3A_157 = arith.constant dense<0.000000e+00> : vector<1000x128xf32>
    %dot_general3A_158 = tpu.matmul %add3A_148, %get3A_156, %dot_general3A_157 {dimension_numbers = #tpu.dot_dimension_numbers<[1], [0], [0], [1], [0, 0, 1, 1], [], []>, transpose_lhs_hint = false} : vector<1000x10xf32>, vector<10x128xf32>, vector<1000x128xf32> -> vector<1000x128xf32>
    %add3A_159 = arith.addf %dot_general3A_153, %dot_general3A_158 : vector<1000x128xf32>
    %get3A_160 = arith.constant 0 : index
    %get3A_161 = arith.constant 0 : index
    %get3A_162 = vector.load %arg14[%get3A_160, %get3A_161] : memref<1x128xf32, #tpu.memory_space<vmem>>, vector<1x128xf32>
    %add3A_163 = vector.broadcast %get3A_162 : vector<1x128xf32> to vector<1000x128xf32>
    %add3A_164 = arith.addf %add3A_159, %add3A_163 : vector<1000x128xf32>
    %tanh3A = math.tanh %add3A_164 : vector<1000x128xf32>
    %get3A_165 = arith.constant 0 : index
    %get3A_166 = arith.constant 0 : index
    %get3A_167 = vector.load %arg15[%get3A_165, %get3A_166] : memref<128x128xf32, #tpu.memory_space<vmem>>, vector<128x128xf32>
    %dot_general3A_168 = arith.constant dense<0.000000e+00> : vector<1000x128xf32>
    %dot_general3A_169 = tpu.matmul %tanh3A, %get3A_167, %dot_general3A_168 {dimension_numbers = #tpu.dot_dimension_numbers<[1], [0], [0], [1], [0, 0, 1, 1], [], []>, transpose_lhs_hint = false} : vector<1000x128xf32>, vector<128x128xf32>, vector<1000x128xf32> -> vector<1000x128xf32>
    %get3A_170 = arith.constant 0 : index
    %get3A_171 = arith.constant 0 : index
    %get3A_172 = vector.load %arg16[%get3A_170, %get3A_171] : memref<1x128xf32, #tpu.memory_space<vmem>>, vector<1x128xf32>
    %add3A_173 = vector.broadcast %get3A_172 : vector<1x128xf32> to vector<1000x128xf32>
    %add3A_174 = arith.addf %dot_general3A_169, %add3A_173 : vector<1000x128xf32>
    %get3A_175 = arith.constant 0 : index
    %get3A_176 = arith.constant 0 : index
    %get3A_177 = vector.load %arg9[%get3A_175, %get3A_176] : memref<1000x10xf32, #tpu.memory_space<vmem>>, vector<1000x10xf32>
    %get3A_178 = arith.constant 0 : index
    %get3A_179 = arith.constant 0 : index
    %get3A_180 = vector.load %arg17[%get3A_178, %get3A_179] : memref<10x10xf32, #tpu.memory_space<vmem>>, vector<10x10xf32>
    %dot_general3A_181 = arith.constant dense<0.000000e+00> : vector<1000x10xf32>
    %dot_general3A_182 = tpu.matmul %get3A_177, %get3A_180, %dot_general3A_181 {dimension_numbers = #tpu.dot_dimension_numbers<[1], [0], [0], [1], [0, 0, 1, 1], [], []>, transpose_lhs_hint = false} : vector<1000x10xf32>, vector<10x10xf32>, vector<1000x10xf32> -> vector<1000x10xf32>
    %get3A_183 = arith.constant 0 : index
    %get3A_184 = arith.constant 0 : index
    %get3A_185 = vector.load %arg18[%get3A_183, %get3A_184] : memref<1x10xf32, #tpu.memory_space<vmem>>, vector<1x10xf32>
    %add3A_186 = vector.broadcast %get3A_185 : vector<1x10xf32> to vector<1000x10xf32>
    %add3A_187 = arith.addf %dot_general3A_182, %add3A_186 : vector<1000x10xf32>
    %get3A_188 = arith.constant 0 : index
    %get3A_189 = arith.constant 0 : index
    %get3A_190 = vector.load %arg19[%get3A_188, %get3A_189] : memref<128x128xf32, #tpu.memory_space<vmem>>, vector<128x128xf32>
    %dot_general3A_191 = arith.constant dense<0.000000e+00> : vector<1000x128xf32>
    %dot_general3A_192 = tpu.matmul %add3A_136, %get3A_190, %dot_general3A_191 {dimension_numbers = #tpu.dot_dimension_numbers<[1], [0], [0], [1], [0, 0, 1, 1], [], []>, transpose_lhs_hint = false} : vector<1000x128xf32>, vector<128x128xf32>, vector<1000x128xf32> -> vector<1000x128xf32>
    %get3A_193 = arith.constant 0 : index
    %get3A_194 = arith.constant 0 : index
    %get3A_195 = vector.load %arg20[%get3A_193, %get3A_194] : memref<10x128xf32, #tpu.memory_space<vmem>>, vector<10x128xf32>
    %dot_general3A_196 = arith.constant dense<0.000000e+00> : vector<1000x128xf32>
    %dot_general3A_197 = tpu.matmul %add3A_187, %get3A_195, %dot_general3A_196 {dimension_numbers = #tpu.dot_dimension_numbers<[1], [0], [0], [1], [0, 0, 1, 1], [], []>, transpose_lhs_hint = false} : vector<1000x10xf32>, vector<10x128xf32>, vector<1000x128xf32> -> vector<1000x128xf32>
    %add3A_198 = arith.addf %dot_general3A_192, %dot_general3A_197 : vector<1000x128xf32>
    %get3A_199 = arith.constant 0 : index
    %get3A_200 = arith.constant 0 : index
    %get3A_201 = vector.load %arg21[%get3A_199, %get3A_200] : memref<1x128xf32, #tpu.memory_space<vmem>>, vector<1x128xf32>
    %add3A_202 = vector.broadcast %get3A_201 : vector<1x128xf32> to vector<1000x128xf32>
    %add3A_203 = arith.addf %add3A_198, %add3A_202 : vector<1000x128xf32>
    %tanh3A_204 = math.tanh %add3A_203 : vector<1000x128xf32>
    %get3A_205 = arith.constant 0 : index
    %get3A_206 = arith.constant 0 : index
    %get3A_207 = vector.load %arg22[%get3A_205, %get3A_206] : memref<128x128xf32, #tpu.memory_space<vmem>>, vector<128x128xf32>
    %dot_general3A_208 = arith.constant dense<0.000000e+00> : vector<1000x128xf32>
    %dot_general3A_209 = tpu.matmul %tanh3A_204, %get3A_207, %dot_general3A_208 {dimension_numbers = #tpu.dot_dimension_numbers<[1], [0], [0], [1], [0, 0, 1, 1], [], []>, transpose_lhs_hint = false} : vector<1000x128xf32>, vector<128x128xf32>, vector<1000x128xf32> -> vector<1000x128xf32>
    %get3A_210 = arith.constant 0 : index
    %get3A_211 = arith.constant 0 : index
    %get3A_212 = vector.load %arg23[%get3A_210, %get3A_211] : memref<1x128xf32, #tpu.memory_space<vmem>>, vector<1x128xf32>
    %add3A_213 = vector.broadcast %get3A_212 : vector<1x128xf32> to vector<1000x128xf32>
    %add3A_214 = arith.addf %dot_general3A_209, %add3A_213 : vector<1000x128xf32>
    %sub3A = arith.subf %div3A_114, %add3A_174 : vector<1000x128xf32>
    %integer_pow3A = arith.mulf %sub3A, %sub3A : vector<1000x128xf32>
    %reduce_sum3A_215 = vector.shape_cast %integer_pow3A : vector<1000x128xf32> to vector<1x1000x128xf32>
    %reduce_sum3A_216 = arith.constant dense<0.000000e+00> : vector<1xf32>
    %reduce_sum3A_217 = vector.multi_reduction <add>, %reduce_sum3A_215, %reduce_sum3A_216 [1, 2] : vector<1x1000x128xf32> to vector<1xf32>
    %reduce_sum3A_218 = vector.shape_cast %reduce_sum3A_217 : vector<1xf32> to vector<1x1x1xf32>
    %reduce_sum3A_219 = vector.extract %reduce_sum3A_218[0, 0, 0] : f32 from vector<1x1x1xf32>
    %sub3A_220 = arith.subf %div3A_114, %add3A_214 : vector<1000x128xf32>
    %integer_pow3A_221 = arith.mulf %sub3A_220, %sub3A_220 : vector<1000x128xf32>
    %reduce_sum3A_222 = vector.shape_cast %integer_pow3A_221 : vector<1000x128xf32> to vector<1x1000x128xf32>
    %reduce_sum3A_223 = arith.constant dense<0.000000e+00> : vector<1xf32>
    %reduce_sum3A_224 = vector.multi_reduction <add>, %reduce_sum3A_222, %reduce_sum3A_223 [1, 2] : vector<1x1000x128xf32> to vector<1xf32>
    %reduce_sum3A_225 = vector.shape_cast %reduce_sum3A_224 : vector<1xf32> to vector<1x1x1xf32>
    %reduce_sum3A_226 = vector.extract %reduce_sum3A_225[0, 0, 0] : f32 from vector<1x1x1xf32>
    %add3A_227 = arith.addf %reduce_sum3A_219, %reduce_sum3A_226 : f32
    %mul3A_228 = arith.constant 7.812500e-03 : f32
    %mul3A_229 = arith.mulf %add3A_227, %mul3A_228 : f32
    %swap3A = arith.constant 0 : index
    %swap3A_230 = arith.constant 0 : index
    %swap3A_231 = vector.load %arg24[%swap3A, %swap3A_230] : memref<1000x128xf32, #tpu.memory_space<vmem>>, vector<1000x128xf32>
    tpu.vector_store %arg24[%swap3A, %swap3A_230], %mul3A_23 {strides = array<i32>} : memref<1000x128xf32, #tpu.memory_space<vmem>>, vector<1000x128xf32>,
    %mul3A_232 = arith.mulf %mul3A_23, %mul3A_23 : vector<1000x128xf32>
    %reduce_sum3A_233 = arith.constant dense<0.000000e+00> : vector<1000xf32>
    %reduce_sum3A_234 = vector.multi_reduction <add>, %mul3A_232, %reduce_sum3A_233 [1] : vector<1000x128xf32> to vector<1000xf32>
    %broadcast_in_dim3A_235 = vector.shape_cast %reduce_sum3A_234 : vector<1000xf32> to vector<1000x1xf32>
    %sqrt3A_236 = math.sqrt %broadcast_in_dim3A_235 : vector<1000x1xf32>
    %max3A_237 = arith.constant 9.99999996E-13 : f32
    %max3A_238 = vector.broadcast %max3A_237 : f32 to vector<1000x1xf32>
    %max3A_239 = arith.maximumf %sqrt3A_236, %max3A_238 : vector<1000x1xf32>
    %div3A_240 = vector.broadcast %max3A_239 : vector<1000x1xf32> to vector<1000x128xf32>
    %div3A_241 = arith.divf %mul3A_23, %div3A_240 : vector<1000x128xf32>
    %swap3A_242 = arith.constant 0 : index
    %swap3A_243 = arith.constant 0 : index
    %swap3A_244 = vector.load %arg25[%swap3A_242, %swap3A_243] : memref<1000x128xf32, #tpu.memory_space<vmem>>, vector<1000x128xf32>
    tpu.vector_store %arg25[%swap3A_242, %swap3A_243], %div3A_241 {strides = array<i32>} : memref<1000x128xf32, #tpu.memory_space<vmem>>, vector<1000x128xf32>,
    %add3A_245 = arith.addf %mul3A_51, %add3A_174 : vector<1000x128xf32>
    %mul3A_246 = arith.mulf %add3A_245, %add3A_245 : vector<1000x128xf32>
    %reduce_sum3A_247 = arith.constant dense<0.000000e+00> : vector<1000xf32>
    %reduce_sum3A_248 = vector.multi_reduction <add>, %mul3A_246, %reduce_sum3A_247 [1] : vector<1000x128xf32> to vector<1000xf32>
    %broadcast_in_dim3A_249 = vector.shape_cast %reduce_sum3A_248 : vector<1000xf32> to vector<1000x1xf32>
    %sqrt3A_250 = math.sqrt %broadcast_in_dim3A_249 : vector<1000x1xf32>
    %max3A_251 = arith.constant 9.99999996E-13 : f32
    %max3A_252 = vector.broadcast %max3A_251 : f32 to vector<1000x1xf32>
    %max3A_253 = arith.maximumf %sqrt3A_250, %max3A_252 : vector<1000x1xf32>
    %div3A_254 = vector.broadcast %max3A_253 : vector<1000x1xf32> to vector<1000x128xf32>
    %div3A_255 = arith.divf %add3A_245, %div3A_254 : vector<1000x128xf32>
    %swap3A_256 = arith.constant 0 : index
    %swap3A_257 = arith.constant 0 : index
    %swap3A_258 = vector.load %arg26[%swap3A_256, %swap3A_257] : memref<1000x128xf32, #tpu.memory_space<vmem>>, vector<1000x128xf32>
    tpu.vector_store %arg26[%swap3A_256, %swap3A_257], %div3A_255 {strides = array<i32>} : memref<1000x128xf32, #tpu.memory_space<vmem>>, vector<1000x128xf32>,
    %add3A_259 = arith.addf %mul3A_79, %add3A_214 : vector<1000x128xf32>
    %mul3A_260 = arith.mulf %add3A_259, %add3A_259 : vector<1000x128xf32>
    %reduce_sum3A_261 = arith.constant dense<0.000000e+00> : vector<1000xf32>
    %reduce_sum3A_262 = vector.multi_reduction <add>, %mul3A_260, %reduce_sum3A_261 [1] : vector<1000x128xf32> to vector<1000xf32>
    %broadcast_in_dim3A_263 = vector.shape_cast %reduce_sum3A_262 : vector<1000xf32> to vector<1000x1xf32>
    %sqrt3A_264 = math.sqrt %broadcast_in_dim3A_263 : vector<1000x1xf32>
    %max3A_265 = arith.constant 9.99999996E-13 : f32
    %max3A_266 = vector.broadcast %max3A_265 : f32 to vector<1000x1xf32>
    %max3A_267 = arith.maximumf %sqrt3A_264, %max3A_266 : vector<1000x1xf32>
    %div3A_268 = vector.broadcast %max3A_267 : vector<1000x1xf32> to vector<1000x128xf32>
    %div3A_269 = arith.divf %add3A_259, %div3A_268 : vector<1000x128xf32>
    %swap3A_270 = arith.constant 0 : index
    %swap3A_271 = arith.constant 0 : index
    %swap3A_272 = vector.load %arg27[%swap3A_270, %swap3A_271] : memref<1000x128xf32, #tpu.memory_space<vmem>>, vector<1000x128xf32>
    tpu.vector_store %arg27[%swap3A_270, %swap3A_271], %div3A_269 {strides = array<i32>} : memref<1000x128xf32, #tpu.memory_space<vmem>>, vector<1000x128xf32>,
    %eq3A = arith.constant 0 : i32
    %eq3A_273 = arith.cmpi eq, %arg0, %eq3A : i32
    %convert_element_type3A = arith.extui %eq3A_273 : i1 to i32
    %cond3A = arith.constant 0 : i32
    %cond3A_274 = arith.cmpi ne, %convert_element_type3A, %cond3A : i32
    scf.if %cond3A_274 {
      %broadcast_in_dim3A_282 = arith.constant 0.000000e+00 : f32
      %broadcast_in_dim3A_283 = vector.broadcast %broadcast_in_dim3A_282 : f32 to vector<1x1xf32>
      %swap3A_284 = arith.constant 0 : index
      %swap3A_285 = arith.constant 0 : index
      %swap3A_286 = vector.load %arg28[%swap3A_284, %swap3A_285] : memref<1x1xf32, #tpu.memory_space<vmem>>, vector<1x1xf32>
      tpu.vector_store %arg28[%swap3A_284, %swap3A_285], %broadcast_in_dim3A_283 {strides = array<i32>} : memref<1x1xf32, #tpu.memory_space<vmem>>, vector<1x1xf32>,
    } else {
    }
    %get3A_275 = arith.constant 0 : index
    %get3A_276 = arith.constant 0 : index
    %get3A_277 = vector.load %arg28[%get3A_275, %get3A_276] : memref<1x1xf32, #tpu.memory_space<vmem>>, vector<1x1xf32>
    %reshape3A = vector.broadcast %mul3A_229 : f32 to vector<1x1xf32>
    %add3A_278 = arith.addf %get3A_277, %reshape3A : vector<1x1xf32>
    %swap3A_279 = arith.constant 0 : index
    %swap3A_280 = arith.constant 0 : index
    %swap3A_281 = vector.load %arg28[%swap3A_279, %swap3A_280] : memref<1x1xf32, #tpu.memory_space<vmem>>, vector<1x1xf32>
    tpu.vector_store %arg28[%swap3A_279, %swap3A_280], %add3A_278 {strides = array<i32>} : memref<1x1xf32, #tpu.memory_space<vmem>>, vector<1x1xf32>,
    return
  }
  func.func @transform_0(%arg0: i32) -> (i32, i32) {
    %c0_i32 = arith.constant 0 : i32
    %c0_i32_0 = arith.constant 0 : i32
    return %arg0, %c0_i32 : i32, i32
  }
  func.func @transform_1(%arg0: i32) -> (i32, i32, i32) {
    %c0_i32 = arith.constant 0 : i32
    %c0_i32_0 = arith.constant 0 : i32
    %c0_i32_1 = arith.constant 0 : i32
    return %c0_i32, %arg0, %c0_i32_0 : i32, i32, i32
  }
  func.func @transform_2(%arg0: i32) -> (i32, i32, i32) {
    %c0_i32 = arith.constant 0 : i32
    %c0_i32_0 = arith.constant 0 : i32
    %c0_i32_1 = arith.constant 0 : i32
    return %c0_i32, %arg0, %c0_i32_0 : i32, i32, i32
  }
  func.func @transform_3(%arg0: i32) -> (i32, i32) {
    %c0_i32 = arith.constant 0 : i32
    %c0_i32_0 = arith.constant 0 : i32
    return %arg0, %c0_i32 : i32, i32
  }
  func.func @transform_4(%arg0: i32) -> (i32, i32) {
    %c0_i32 = arith.constant 0 : i32
    %c0_i32_0 = arith.constant 0 : i32
    return %arg0, %c0_i32 : i32, i32
  }
  func.func @transform_5(%arg0: i32) -> (i32, i32) {
    %c0_i32 = arith.constant 0 : i32
    %c0_i32_0 = arith.constant 0 : i32
    return %arg0, %c0_i32 : i32, i32
  }
  func.func @transform_6(%arg0: i32) -> (i32, i32) {
    %c0_i32 = arith.constant 0 : i32
    %c0_i32_0 = arith.constant 0 : i32
    return %arg0, %c0_i32 : i32, i32
  }
  func.func @transform_7(%arg0: i32) -> (i32, i32) {
    %c0_i32 = arith.constant 0 : i32
    %c0_i32_0 = arith.constant 0 : i32
    return %arg0, %c0_i32 : i32, i32
  }
  func.func @transform_8(%arg0: i32) -> (i32, i32) {
    %c0_i32 = arith.constant 0 : i32
    %c0_i32_0 = arith.constant 0 : i32
    return %arg0, %c0_i32 : i32, i32
  }
  func.func @transform_9(%arg0: i32) -> (i32, i32) {
    %c0_i32 = arith.constant 0 : i32
    %c0_i32_0 = arith.constant 0 : i32
    %c0_i32_1 = arith.constant 0 : i32
    return %c0_i32, %c0_i32_0 : i32, i32
  }
  func.func @transform_10(%arg0: i32) -> (i32, i32) {
    %c0_i32 = arith.constant 0 : i32
    %c0_i32_0 = arith.constant 0 : i32
    %c0_i32_1 = arith.constant 0 : i32
    return %c0_i32, %c0_i32_0 : i32, i32
  }
  func.func @transform_11(%arg0: i32) -> (i32, i32) {
    %c0_i32 = arith.constant 0 : i32
    %c0_i32_0 = arith.constant 0 : i32
    %c0_i32_1 = arith.constant 0 : i32
    return %c0_i32, %c0_i32_0 : i32, i32
  }
  func.func @transform_12(%arg0: i32) -> (i32, i32) {
    %c0_i32 = arith.constant 0 : i32
    %c0_i32_0 = arith.constant 0 : i32
    %c0_i32_1 = arith.constant 0 : i32
    return %c0_i32, %c0_i32_0 : i32, i32
  }
  func.func @transform_13(%arg0: i32) -> (i32, i32) {
    %c0_i32 = arith.constant 0 : i32
    %c0_i32_0 = arith.constant 0 : i32
    %c0_i32_1 = arith.constant 0 : i32
    return %c0_i32, %c0_i32_0 : i32, i32
  }
  func.func @transform_14(%arg0: i32) -> (i32, i32) {
    %c0_i32 = arith.constant 0 : i32
    %c0_i32_0 = arith.constant 0 : i32
    %c0_i32_1 = arith.constant 0 : i32
    return %c0_i32, %c0_i32_0 : i32, i32
  }
  func.func @transform_15(%arg0: i32) -> (i32, i32) {
    %c0_i32 = arith.constant 0 : i32
    %c0_i32_0 = arith.constant 0 : i32
    %c0_i32_1 = arith.constant 0 : i32
    return %c0_i32, %c0_i32_0 : i32, i32
  }
  func.func @transform_16(%arg0: i32) -> (i32, i32) {
    %c0_i32 = arith.constant 0 : i32
    %c0_i32_0 = arith.constant 0 : i32
    %c0_i32_1 = arith.constant 0 : i32
    return %c0_i32, %c0_i32_0 : i32, i32
  }
  func.func @transform_17(%arg0: i32) -> (i32, i32) {
    %c0_i32 = arith.constant 0 : i32
    %c0_i32_0 = arith.constant 0 : i32
    %c0_i32_1 = arith.constant 0 : i32
    return %c0_i32, %c0_i32_0 : i32, i32
  }
  func.func @transform_18(%arg0: i32) -> (i32, i32) {
    %c0_i32 = arith.constant 0 : i32
    %c0_i32_0 = arith.constant 0 : i32
    %c0_i32_1 = arith.constant 0 : i32
    return %c0_i32, %c0_i32_0 : i32, i32
  }
  func.func @transform_19(%arg0: i32) -> (i32, i32) {
    %c0_i32 = arith.constant 0 : i32
    %c0_i32_0 = arith.constant 0 : i32
    %c0_i32_1 = arith.constant 0 : i32
    return %c0_i32, %c0_i32_0 : i32, i32
  }
  func.func @transform_20(%arg0: i32) -> (i32, i32) {
    %c0_i32 = arith.constant 0 : i32
    %c0_i32_0 = arith.constant 0 : i32
    %c0_i32_1 = arith.constant 0 : i32
    return %c0_i32, %c0_i32_0 : i32, i32
  }
  func.func @transform_21(%arg0: i32) -> (i32, i32) {
    %c0_i32 = arith.constant 0 : i32
    %c0_i32_0 = arith.constant 0 : i32
    %c0_i32_1 = arith.constant 0 : i32
    return %c0_i32, %c0_i32_0 : i32, i32
  }
  func.func @transform_22(%arg0: i32) -> (i32, i32) {
    %c0_i32 = arith.constant 0 : i32
    %c0_i32_0 = arith.constant 0 : i32
    %c0_i32_1 = arith.constant 0 : i32
    return %c0_i32, %c0_i32_0 : i32, i32
  }
  func.func @transform_23(%arg0: i32) -> (i32, i32) {
    %c0_i32 = arith.constant 0 : i32
    %c0_i32_0 = arith.constant 0 : i32
    return %arg0, %c0_i32 : i32, i32
  }
  func.func @transform_24(%arg0: i32) -> (i32, i32) {
    %c0_i32 = arith.constant 0 : i32
    %c0_i32_0 = arith.constant 0 : i32
    return %arg0, %c0_i32 : i32, i32
  }
  func.func @transform_25(%arg0: i32) -> (i32, i32) {
    %c0_i32 = arith.constant 0 : i32
    %c0_i32_0 = arith.constant 0 : i32
    return %arg0, %c0_i32 : i32, i32
  }
  func.func @transform_26(%arg0: i32) -> (i32, i32) {
    %c0_i32 = arith.constant 0 : i32
    %c0_i32_0 = arith.constant 0 : i32
    return %arg0, %c0_i32 : i32, i32
  }
  func.func @transform_27(%arg0: i32) -> (i32, i32) {
    %c0_i32 = arith.constant 0 : i32
    %c0_i32_0 = arith.constant 0 : i32
    %c0_i32_1 = arith.constant 0 : i32
    return %c0_i32, %c0_i32_0 : i32, i32
  }
}

module attributes {stable_mosaic.version = 14 : i64} {
  func.func @_infonce_kernel(%arg0: i32, %arg1: i32, %arg2: memref<1000x128xf32, #tpu.memory_space<vmem>>, %arg3: memref<2000x128xf32, #tpu.memory_space<vmem>>, %arg4: memref<2000x128xf32, #tpu.memory_space<vmem>>, %arg5: memref<1x1xf32, #tpu.memory_space<vmem>>, %arg6: memref<1000x1xf32, #tpu.memory_space<vmem>>, %arg7: memref<1000x1xf32, #tpu.memory_space<vmem>>, %arg8: memref<1000x1xf32, #tpu.memory_space<vmem>>, %arg9: memref<1000x1xf32, #tpu.memory_space<vmem>>) attributes {dimension_semantics = [#tpu.dimension_semantics<arbitrary>, #tpu.dimension_semantics<arbitrary>], iteration_bounds = array<i64: 10, 5>, scalar_prefetch = 0 : i64, scratch_operands = 4 : i64, tpu.core_type = #tpu.core_type<tc>, window_params = [{transform_indices = @transform_0, window_bounds = array<i64: 1000, 128>}, {transform_indices = @transform_1, window_bounds = array<i64: 2000, 128>}, {transform_indices = @transform_2, window_bounds = array<i64: 2000, 128>}, {pipeline_mode = #tpu.pipeline_mode<synchronous>, transform_indices = @transform_3, window_bounds = array<i64: 1, 1>}]} {
    %get3A = arith.constant 0 : index
    %get3A_0 = arith.constant 0 : index
    %get3A_1 = vector.load %arg2[%get3A, %get3A_0] : memref<1000x128xf32, #tpu.memory_space<vmem>>, vector<1000x128xf32>
    %mul3A = arith.constant 5.000000e+00 : f32
    %mul3A_2 = vector.broadcast %mul3A : f32 to vector<1000x128xf32>
    %mul3A_3 = arith.mulf %get3A_1, %mul3A_2 : vector<1000x128xf32>
    %convert_element_type3A = arith.truncf %mul3A_3 : vector<1000x128xf32> to vector<1000x128xbf16>
    %get3A_4 = arith.constant 0 : index
    %get3A_5 = arith.constant 0 : index
    %get3A_6 = vector.load %arg3[%get3A_4, %get3A_5] : memref<2000x128xf32, #tpu.memory_space<vmem>>, vector<2000x128xf32>
    %convert_element_type3A_7 = arith.truncf %get3A_6 : vector<2000x128xf32> to vector<2000x128xbf16>
    %dot_general3A = arith.constant dense<0.000000e+00> : vector<1000x2000xf32>
    %dot_general3A_8 = tpu.matmul %convert_element_type3A, %convert_element_type3A_7, %dot_general3A {dimension_numbers = #tpu.dot_dimension_numbers<[1], [1], [0], [0], [0, 0, 1, 0], [], []>, transpose_lhs_hint = false} : vector<1000x128xbf16>, vector<2000x128xbf16>, vector<1000x2000xf32> -> vector<1000x2000xf32>
    %get3A_9 = arith.constant 0 : index
    %get3A_10 = arith.constant 0 : index
    %get3A_11 = vector.load %arg4[%get3A_9, %get3A_10] : memref<2000x128xf32, #tpu.memory_space<vmem>>, vector<2000x128xf32>
    %convert_element_type3A_12 = arith.truncf %get3A_11 : vector<2000x128xf32> to vector<2000x128xbf16>
    %dot_general3A_13 = arith.constant dense<0.000000e+00> : vector<1000x2000xf32>
    %dot_general3A_14 = tpu.matmul %convert_element_type3A, %convert_element_type3A_12, %dot_general3A_13 {dimension_numbers = #tpu.dot_dimension_numbers<[1], [1], [0], [0], [0, 0, 1, 0], [], []>, transpose_lhs_hint = false} : vector<1000x128xbf16>, vector<2000x128xbf16>, vector<1000x2000xf32> -> vector<1000x2000xf32>
    %exp3A = math.exp %dot_general3A_8 : vector<1000x2000xf32>
    %reduce_sum3A = arith.constant dense<0.000000e+00> : vector<1000xf32>
    %reduce_sum3A_15 = vector.multi_reduction <add>, %exp3A, %reduce_sum3A [1] : vector<1000x2000xf32> to vector<1000xf32>
    %broadcast_in_dim3A = vector.shape_cast %reduce_sum3A_15 : vector<1000xf32> to vector<1000x1xf32>
    %eq3A = arith.constant 0 : i32
    %eq3A_16 = arith.cmpi eq, %arg1, %eq3A : i32
    %convert_element_type3A_17 = arith.extui %eq3A_16 : i1 to i32
    %cond3A = arith.constant 0 : i32
    %cond3A_18 = arith.cmpi ne, %convert_element_type3A_17, %cond3A : i32
    scf.if %cond3A_18 {
      %swap3A = arith.constant 0 : index
      %swap3A_228 = arith.constant 0 : index
      %swap3A_229 = vector.load %arg6[%swap3A, %swap3A_228] : memref<1000x1xf32, #tpu.memory_space<vmem>>, vector<1000x1xf32>
      tpu.vector_store %arg6[%swap3A, %swap3A_228], %broadcast_in_dim3A {strides = array<i32>} : memref<1000x1xf32, #tpu.memory_space<vmem>>, vector<1000x1xf32>,
    } else {
    }
    %gt3A = arith.constant 0 : i32
    %gt3A_19 = arith.cmpi sgt, %arg1, %gt3A : i32
    %convert_element_type3A_20 = arith.extui %gt3A_19 : i1 to i32
    %cond3A_21 = arith.constant 0 : i32
    %cond3A_22 = arith.cmpi ne, %convert_element_type3A_20, %cond3A_21 : i32
    scf.if %cond3A_22 {
      %get3A_228 = arith.constant 0 : index
      %get3A_229 = arith.constant 0 : index
      %get3A_230 = vector.load %arg6[%get3A_228, %get3A_229] : memref<1000x1xf32, #tpu.memory_space<vmem>>, vector<1000x1xf32>
      %add3A_231 = arith.addf %get3A_230, %broadcast_in_dim3A : vector<1000x1xf32>
      %swap3A = arith.constant 0 : index
      %swap3A_232 = arith.constant 0 : index
      %swap3A_233 = vector.load %arg6[%swap3A, %swap3A_232] : memref<1000x1xf32, #tpu.memory_space<vmem>>, vector<1000x1xf32>
      tpu.vector_store %arg6[%swap3A, %swap3A_232], %add3A_231 {strides = array<i32>} : memref<1000x1xf32, #tpu.memory_space<vmem>>, vector<1000x1xf32>,
    } else {
    }
    %jit3A = arith.constant 2 : i32
    %div3A = arith.divsi %arg0, %jit3A : i32
    %sign3A = arith.constant 0 : i32
    %sign3A_23 = arith.cmpi sgt, %arg0, %sign3A : i32
    %sign3A_24 = arith.extui %sign3A_23 : i1 to i32
    %sign3A_25 = arith.constant 0 : i32
    %sign3A_26 = arith.cmpi slt, %arg0, %sign3A_25 : i32
    %sign3A_27 = arith.extui %sign3A_26 : i1 to i32
    %sign3A_28 = arith.subi %sign3A_24, %sign3A_27 : i32
    %sign3A_29 = arith.constant 0 : i32
    %sign3A_30 = arith.cmpi sgt, %jit3A, %sign3A_29 : i32
    %sign3A_31 = arith.extui %sign3A_30 : i1 to i32
    %sign3A_32 = arith.constant 0 : i32
    %sign3A_33 = arith.cmpi slt, %jit3A, %sign3A_32 : i32
    %sign3A_34 = arith.extui %sign3A_33 : i1 to i32
    %sign3A_35 = arith.subi %sign3A_31, %sign3A_34 : i32
    %ne3A = arith.cmpi ne, %sign3A_28, %sign3A_35 : i32
    %rem3A = arith.remsi %arg0, %jit3A : i32
    %ne3A_36 = arith.constant 0 : i32
    %ne3A_37 = arith.cmpi ne, %rem3A, %ne3A_36 : i32
    %and3A = arith.andi %ne3A, %ne3A_37 : i1
    %sub3A = arith.constant 1 : i32
    %sub3A_38 = arith.subi %div3A, %sub3A : i32
    %select_n3A = arith.select %and3A, %sub3A_38, %div3A : i32
    %eq3A_39 = arith.cmpi eq, %arg1, %select_n3A : i32
    %jit3A_40 = arith.constant 2 : i32
    %eq3A_41 = arith.constant 0 : i32
    %eq3A_42 = arith.cmpi eq, %jit3A_40, %eq3A_41 : i32
    %jit3A_43 = arith.constant 1 : i32
    %select_n3A_44 = arith.select %eq3A_42, %jit3A_43, %jit3A_40 : i32
    %rem3A_45 = arith.remsi %arg0, %select_n3A_44 : i32
    %ne3A_46 = arith.constant 0 : i32
    %ne3A_47 = arith.cmpi ne, %rem3A_45, %ne3A_46 : i32
    %lt3A = arith.constant 0 : i32
    %lt3A_48 = arith.cmpi slt, %rem3A_45, %lt3A : i32
    %lt3A_49 = arith.constant 0 : i32
    %lt3A_50 = arith.cmpi slt, %select_n3A_44, %lt3A_49 : i32
    %ne3A_51 = arith.xori %lt3A_48, %lt3A_50 : i1
    %and3A_52 = arith.andi %ne3A_51, %ne3A_47 : i1
    %add3A = arith.addi %rem3A_45, %select_n3A_44 : i32
    %select_n3A_53 = arith.select %and3A_52, %add3A, %rem3A_45 : i32
    %eq3A_54 = arith.constant 0 : i32
    %eq3A_55 = arith.cmpi eq, %select_n3A_53, %eq3A_54 : i32
    %and3A_56 = arith.andi %eq3A_39, %eq3A_55 : i1
    %convert_element_type3A_57 = arith.extui %and3A_56 : i1 to i32
    %cond3A_58 = arith.constant 0 : i32
    %cond3A_59 = arith.cmpi ne, %convert_element_type3A_57, %cond3A_58 : i32
    scf.if %cond3A_59 {
      %get3A_228 = arith.constant 0 : index
      %get3A_229 = arith.constant 0 : index
      %get3A_230 = vector.load %arg3[%get3A_228, %get3A_229] : memref<2000x128xf32, #tpu.memory_space<vmem>>, vector<1000x128xf32>
      %mul3A_231 = arith.mulf %mul3A_3, %get3A_230 : vector<1000x128xf32>
      %reduce_sum3A_232 = arith.constant dense<0.000000e+00> : vector<1000xf32>
      %reduce_sum3A_233 = vector.multi_reduction <add>, %mul3A_231, %reduce_sum3A_232 [1] : vector<1000x128xf32> to vector<1000xf32>
      %broadcast_in_dim3A_234 = vector.shape_cast %reduce_sum3A_233 : vector<1000xf32> to vector<1000x1xf32>
      %swap3A = arith.constant 0 : index
      %swap3A_235 = arith.constant 0 : index
      %swap3A_236 = vector.load %arg7[%swap3A, %swap3A_235] : memref<1000x1xf32, #tpu.memory_space<vmem>>, vector<1000x1xf32>
      tpu.vector_store %arg7[%swap3A, %swap3A_235], %broadcast_in_dim3A_234 {strides = array<i32>} : memref<1000x1xf32, #tpu.memory_space<vmem>>, vector<1000x1xf32>,
    } else {
    }
    %jit3A_60 = arith.constant 2 : i32
    %div3A_61 = arith.divsi %arg0, %jit3A_60 : i32
    %sign3A_62 = arith.constant 0 : i32
    %sign3A_63 = arith.cmpi sgt, %arg0, %sign3A_62 : i32
    %sign3A_64 = arith.extui %sign3A_63 : i1 to i32
    %sign3A_65 = arith.constant 0 : i32
    %sign3A_66 = arith.cmpi slt, %arg0, %sign3A_65 : i32
    %sign3A_67 = arith.extui %sign3A_66 : i1 to i32
    %sign3A_68 = arith.subi %sign3A_64, %sign3A_67 : i32
    %sign3A_69 = arith.constant 0 : i32
    %sign3A_70 = arith.cmpi sgt, %jit3A_60, %sign3A_69 : i32
    %sign3A_71 = arith.extui %sign3A_70 : i1 to i32
    %sign3A_72 = arith.constant 0 : i32
    %sign3A_73 = arith.cmpi slt, %jit3A_60, %sign3A_72 : i32
    %sign3A_74 = arith.extui %sign3A_73 : i1 to i32
    %sign3A_75 = arith.subi %sign3A_71, %sign3A_74 : i32
    %ne3A_76 = arith.cmpi ne, %sign3A_68, %sign3A_75 : i32
    %rem3A_77 = arith.remsi %arg0, %jit3A_60 : i32
    %ne3A_78 = arith.constant 0 : i32
    %ne3A_79 = arith.cmpi ne, %rem3A_77, %ne3A_78 : i32
    %and3A_80 = arith.andi %ne3A_76, %ne3A_79 : i1
    %sub3A_81 = arith.constant 1 : i32
    %sub3A_82 = arith.subi %div3A_61, %sub3A_81 : i32
    %select_n3A_83 = arith.select %and3A_80, %sub3A_82, %div3A_61 : i32
    %eq3A_84 = arith.cmpi eq, %arg1, %select_n3A_83 : i32
    %jit3A_85 = arith.constant 2 : i32
    %eq3A_86 = arith.constant 0 : i32
    %eq3A_87 = arith.cmpi eq, %jit3A_85, %eq3A_86 : i32
    %jit3A_88 = arith.constant 1 : i32
    %select_n3A_89 = arith.select %eq3A_87, %jit3A_88, %jit3A_85 : i32
    %rem3A_90 = arith.remsi %arg0, %select_n3A_89 : i32
    %ne3A_91 = arith.constant 0 : i32
    %ne3A_92 = arith.cmpi ne, %rem3A_90, %ne3A_91 : i32
    %lt3A_93 = arith.constant 0 : i32
    %lt3A_94 = arith.cmpi slt, %rem3A_90, %lt3A_93 : i32
    %lt3A_95 = arith.constant 0 : i32
    %lt3A_96 = arith.cmpi slt, %select_n3A_89, %lt3A_95 : i32
    %ne3A_97 = arith.xori %lt3A_94, %lt3A_96 : i1
    %and3A_98 = arith.andi %ne3A_97, %ne3A_92 : i1
    %add3A_99 = arith.addi %rem3A_90, %select_n3A_89 : i32
    %select_n3A_100 = arith.select %and3A_98, %add3A_99, %rem3A_90 : i32
    %eq3A_101 = arith.constant 1 : i32
    %eq3A_102 = arith.cmpi eq, %select_n3A_100, %eq3A_101 : i32
    %and3A_103 = arith.andi %eq3A_84, %eq3A_102 : i1
    %convert_element_type3A_104 = arith.extui %and3A_103 : i1 to i32
    %cond3A_105 = arith.constant 0 : i32
    %cond3A_106 = arith.cmpi ne, %convert_element_type3A_104, %cond3A_105 : i32
    scf.if %cond3A_106 {
      %get3A_228 = arith.constant 1000 : index
      %get3A_229 = arith.constant 0 : index
      %get3A_230 = vector.load %arg3[%get3A_228, %get3A_229] : memref<2000x128xf32, #tpu.memory_space<vmem>>, vector<1000x128xf32>
      %mul3A_231 = arith.mulf %mul3A_3, %get3A_230 : vector<1000x128xf32>
      %reduce_sum3A_232 = arith.constant dense<0.000000e+00> : vector<1000xf32>
      %reduce_sum3A_233 = vector.multi_reduction <add>, %mul3A_231, %reduce_sum3A_232 [1] : vector<1000x128xf32> to vector<1000xf32>
      %broadcast_in_dim3A_234 = vector.shape_cast %reduce_sum3A_233 : vector<1000xf32> to vector<1000x1xf32>
      %swap3A = arith.constant 0 : index
      %swap3A_235 = arith.constant 0 : index
      %swap3A_236 = vector.load %arg7[%swap3A, %swap3A_235] : memref<1000x1xf32, #tpu.memory_space<vmem>>, vector<1000x1xf32>
      tpu.vector_store %arg7[%swap3A, %swap3A_235], %broadcast_in_dim3A_234 {strides = array<i32>} : memref<1000x1xf32, #tpu.memory_space<vmem>>, vector<1000x1xf32>,
    } else {
    }
    %exp3A_107 = math.exp %dot_general3A_14 : vector<1000x2000xf32>
    %reduce_sum3A_108 = arith.constant dense<0.000000e+00> : vector<1000xf32>
    %reduce_sum3A_109 = vector.multi_reduction <add>, %exp3A_107, %reduce_sum3A_108 [1] : vector<1000x2000xf32> to vector<1000xf32>
    %broadcast_in_dim3A_110 = vector.shape_cast %reduce_sum3A_109 : vector<1000xf32> to vector<1000x1xf32>
    %eq3A_111 = arith.constant 0 : i32
    %eq3A_112 = arith.cmpi eq, %arg1, %eq3A_111 : i32
    %convert_element_type3A_113 = arith.extui %eq3A_112 : i1 to i32
    %cond3A_114 = arith.constant 0 : i32
    %cond3A_115 = arith.cmpi ne, %convert_element_type3A_113, %cond3A_114 : i32
    scf.if %cond3A_115 {
      %swap3A = arith.constant 0 : index
      %swap3A_228 = arith.constant 0 : index
      %swap3A_229 = vector.load %arg8[%swap3A, %swap3A_228] : memref<1000x1xf32, #tpu.memory_space<vmem>>, vector<1000x1xf32>
      tpu.vector_store %arg8[%swap3A, %swap3A_228], %broadcast_in_dim3A_110 {strides = array<i32>} : memref<1000x1xf32, #tpu.memory_space<vmem>>, vector<1000x1xf32>,
    } else {
    }
    %gt3A_116 = arith.constant 0 : i32
    %gt3A_117 = arith.cmpi sgt, %arg1, %gt3A_116 : i32
    %convert_element_type3A_118 = arith.extui %gt3A_117 : i1 to i32
    %cond3A_119 = arith.constant 0 : i32
    %cond3A_120 = arith.cmpi ne, %convert_element_type3A_118, %cond3A_119 : i32
    scf.if %cond3A_120 {
      %get3A_228 = arith.constant 0 : index
      %get3A_229 = arith.constant 0 : index
      %get3A_230 = vector.load %arg8[%get3A_228, %get3A_229] : memref<1000x1xf32, #tpu.memory_space<vmem>>, vector<1000x1xf32>
      %add3A_231 = arith.addf %get3A_230, %broadcast_in_dim3A_110 : vector<1000x1xf32>
      %swap3A = arith.constant 0 : index
      %swap3A_232 = arith.constant 0 : index
      %swap3A_233 = vector.load %arg8[%swap3A, %swap3A_232] : memref<1000x1xf32, #tpu.memory_space<vmem>>, vector<1000x1xf32>
      tpu.vector_store %arg8[%swap3A, %swap3A_232], %add3A_231 {strides = array<i32>} : memref<1000x1xf32, #tpu.memory_space<vmem>>, vector<1000x1xf32>,
    } else {
    }
    %jit3A_121 = arith.constant 2 : i32
    %div3A_122 = arith.divsi %arg0, %jit3A_121 : i32
    %sign3A_123 = arith.constant 0 : i32
    %sign3A_124 = arith.cmpi sgt, %arg0, %sign3A_123 : i32
    %sign3A_125 = arith.extui %sign3A_124 : i1 to i32
    %sign3A_126 = arith.constant 0 : i32
    %sign3A_127 = arith.cmpi slt, %arg0, %sign3A_126 : i32
    %sign3A_128 = arith.extui %sign3A_127 : i1 to i32
    %sign3A_129 = arith.subi %sign3A_125, %sign3A_128 : i32
    %sign3A_130 = arith.constant 0 : i32
    %sign3A_131 = arith.cmpi sgt, %jit3A_121, %sign3A_130 : i32
    %sign3A_132 = arith.extui %sign3A_131 : i1 to i32
    %sign3A_133 = arith.constant 0 : i32
    %sign3A_134 = arith.cmpi slt, %jit3A_121, %sign3A_133 : i32
    %sign3A_135 = arith.extui %sign3A_134 : i1 to i32
    %sign3A_136 = arith.subi %sign3A_132, %sign3A_135 : i32
    %ne3A_137 = arith.cmpi ne, %sign3A_129, %sign3A_136 : i32
    %rem3A_138 = arith.remsi %arg0, %jit3A_121 : i32
    %ne3A_139 = arith.constant 0 : i32
    %ne3A_140 = arith.cmpi ne, %rem3A_138, %ne3A_139 : i32
    %and3A_141 = arith.andi %ne3A_137, %ne3A_140 : i1
    %sub3A_142 = arith.constant 1 : i32
    %sub3A_143 = arith.subi %div3A_122, %sub3A_142 : i32
    %select_n3A_144 = arith.select %and3A_141, %sub3A_143, %div3A_122 : i32
    %eq3A_145 = arith.cmpi eq, %arg1, %select_n3A_144 : i32
    %jit3A_146 = arith.constant 2 : i32
    %eq3A_147 = arith.constant 0 : i32
    %eq3A_148 = arith.cmpi eq, %jit3A_146, %eq3A_147 : i32
    %jit3A_149 = arith.constant 1 : i32
    %select_n3A_150 = arith.select %eq3A_148, %jit3A_149, %jit3A_146 : i32
    %rem3A_151 = arith.remsi %arg0, %select_n3A_150 : i32
    %ne3A_152 = arith.constant 0 : i32
    %ne3A_153 = arith.cmpi ne, %rem3A_151, %ne3A_152 : i32
    %lt3A_154 = arith.constant 0 : i32
    %lt3A_155 = arith.cmpi slt, %rem3A_151, %lt3A_154 : i32
    %lt3A_156 = arith.constant 0 : i32
    %lt3A_157 = arith.cmpi slt, %select_n3A_150, %lt3A_156 : i32
    %ne3A_158 = arith.xori %lt3A_155, %lt3A_157 : i1
    %and3A_159 = arith.andi %ne3A_158, %ne3A_153 : i1
    %add3A_160 = arith.addi %rem3A_151, %select_n3A_150 : i32
    %select_n3A_161 = arith.select %and3A_159, %add3A_160, %rem3A_151 : i32
    %eq3A_162 = arith.constant 0 : i32
    %eq3A_163 = arith.cmpi eq, %select_n3A_161, %eq3A_162 : i32
    %and3A_164 = arith.andi %eq3A_145, %eq3A_163 : i1
    %convert_element_type3A_165 = arith.extui %and3A_164 : i1 to i32
    %cond3A_166 = arith.constant 0 : i32
    %cond3A_167 = arith.cmpi ne, %convert_element_type3A_165, %cond3A_166 : i32
    scf.if %cond3A_167 {
      %get3A_228 = arith.constant 0 : index
      %get3A_229 = arith.constant 0 : index
      %get3A_230 = vector.load %arg4[%get3A_228, %get3A_229] : memref<2000x128xf32, #tpu.memory_space<vmem>>, vector<1000x128xf32>
      %mul3A_231 = arith.mulf %mul3A_3, %get3A_230 : vector<1000x128xf32>
      %reduce_sum3A_232 = arith.constant dense<0.000000e+00> : vector<1000xf32>
      %reduce_sum3A_233 = vector.multi_reduction <add>, %mul3A_231, %reduce_sum3A_232 [1] : vector<1000x128xf32> to vector<1000xf32>
      %broadcast_in_dim3A_234 = vector.shape_cast %reduce_sum3A_233 : vector<1000xf32> to vector<1000x1xf32>
      %swap3A = arith.constant 0 : index
      %swap3A_235 = arith.constant 0 : index
      %swap3A_236 = vector.load %arg9[%swap3A, %swap3A_235] : memref<1000x1xf32, #tpu.memory_space<vmem>>, vector<1000x1xf32>
      tpu.vector_store %arg9[%swap3A, %swap3A_235], %broadcast_in_dim3A_234 {strides = array<i32>} : memref<1000x1xf32, #tpu.memory_space<vmem>>, vector<1000x1xf32>,
    } else {
    }
    %jit3A_168 = arith.constant 2 : i32
    %div3A_169 = arith.divsi %arg0, %jit3A_168 : i32
    %sign3A_170 = arith.constant 0 : i32
    %sign3A_171 = arith.cmpi sgt, %arg0, %sign3A_170 : i32
    %sign3A_172 = arith.extui %sign3A_171 : i1 to i32
    %sign3A_173 = arith.constant 0 : i32
    %sign3A_174 = arith.cmpi slt, %arg0, %sign3A_173 : i32
    %sign3A_175 = arith.extui %sign3A_174 : i1 to i32
    %sign3A_176 = arith.subi %sign3A_172, %sign3A_175 : i32
    %sign3A_177 = arith.constant 0 : i32
    %sign3A_178 = arith.cmpi sgt, %jit3A_168, %sign3A_177 : i32
    %sign3A_179 = arith.extui %sign3A_178 : i1 to i32
    %sign3A_180 = arith.constant 0 : i32
    %sign3A_181 = arith.cmpi slt, %jit3A_168, %sign3A_180 : i32
    %sign3A_182 = arith.extui %sign3A_181 : i1 to i32
    %sign3A_183 = arith.subi %sign3A_179, %sign3A_182 : i32
    %ne3A_184 = arith.cmpi ne, %sign3A_176, %sign3A_183 : i32
    %rem3A_185 = arith.remsi %arg0, %jit3A_168 : i32
    %ne3A_186 = arith.constant 0 : i32
    %ne3A_187 = arith.cmpi ne, %rem3A_185, %ne3A_186 : i32
    %and3A_188 = arith.andi %ne3A_184, %ne3A_187 : i1
    %sub3A_189 = arith.constant 1 : i32
    %sub3A_190 = arith.subi %div3A_169, %sub3A_189 : i32
    %select_n3A_191 = arith.select %and3A_188, %sub3A_190, %div3A_169 : i32
    %eq3A_192 = arith.cmpi eq, %arg1, %select_n3A_191 : i32
    %jit3A_193 = arith.constant 2 : i32
    %eq3A_194 = arith.constant 0 : i32
    %eq3A_195 = arith.cmpi eq, %jit3A_193, %eq3A_194 : i32
    %jit3A_196 = arith.constant 1 : i32
    %select_n3A_197 = arith.select %eq3A_195, %jit3A_196, %jit3A_193 : i32
    %rem3A_198 = arith.remsi %arg0, %select_n3A_197 : i32
    %ne3A_199 = arith.constant 0 : i32
    %ne3A_200 = arith.cmpi ne, %rem3A_198, %ne3A_199 : i32
    %lt3A_201 = arith.constant 0 : i32
    %lt3A_202 = arith.cmpi slt, %rem3A_198, %lt3A_201 : i32
    %lt3A_203 = arith.constant 0 : i32
    %lt3A_204 = arith.cmpi slt, %select_n3A_197, %lt3A_203 : i32
    %ne3A_205 = arith.xori %lt3A_202, %lt3A_204 : i1
    %and3A_206 = arith.andi %ne3A_205, %ne3A_200 : i1
    %add3A_207 = arith.addi %rem3A_198, %select_n3A_197 : i32
    %select_n3A_208 = arith.select %and3A_206, %add3A_207, %rem3A_198 : i32
    %eq3A_209 = arith.constant 1 : i32
    %eq3A_210 = arith.cmpi eq, %select_n3A_208, %eq3A_209 : i32
    %and3A_211 = arith.andi %eq3A_192, %eq3A_210 : i1
    %convert_element_type3A_212 = arith.extui %and3A_211 : i1 to i32
    %cond3A_213 = arith.constant 0 : i32
    %cond3A_214 = arith.cmpi ne, %convert_element_type3A_212, %cond3A_213 : i32
    scf.if %cond3A_214 {
      %get3A_228 = arith.constant 1000 : index
      %get3A_229 = arith.constant 0 : index
      %get3A_230 = vector.load %arg4[%get3A_228, %get3A_229] : memref<2000x128xf32, #tpu.memory_space<vmem>>, vector<1000x128xf32>
      %mul3A_231 = arith.mulf %mul3A_3, %get3A_230 : vector<1000x128xf32>
      %reduce_sum3A_232 = arith.constant dense<0.000000e+00> : vector<1000xf32>
      %reduce_sum3A_233 = vector.multi_reduction <add>, %mul3A_231, %reduce_sum3A_232 [1] : vector<1000x128xf32> to vector<1000xf32>
      %broadcast_in_dim3A_234 = vector.shape_cast %reduce_sum3A_233 : vector<1000xf32> to vector<1000x1xf32>
      %swap3A = arith.constant 0 : index
      %swap3A_235 = arith.constant 0 : index
      %swap3A_236 = vector.load %arg9[%swap3A, %swap3A_235] : memref<1000x1xf32, #tpu.memory_space<vmem>>, vector<1000x1xf32>
      tpu.vector_store %arg9[%swap3A, %swap3A_235], %broadcast_in_dim3A_234 {strides = array<i32>} : memref<1000x1xf32, #tpu.memory_space<vmem>>, vector<1000x1xf32>,
    } else {
    }
    %eq3A_215 = arith.constant 0 : i32
    %eq3A_216 = arith.cmpi eq, %arg0, %eq3A_215 : i32
    %eq3A_217 = arith.constant 0 : i32
    %eq3A_218 = arith.cmpi eq, %arg1, %eq3A_217 : i32
    %and3A_219 = arith.andi %eq3A_216, %eq3A_218 : i1
    %convert_element_type3A_220 = arith.extui %and3A_219 : i1 to i32
    %cond3A_221 = arith.constant 0 : i32
    %cond3A_222 = arith.cmpi ne, %convert_element_type3A_220, %cond3A_221 : i32
    scf.if %cond3A_222 {
      %broadcast_in_dim3A_228 = arith.constant 0.000000e+00 : f32
      %broadcast_in_dim3A_229 = vector.broadcast %broadcast_in_dim3A_228 : f32 to vector<1x1xf32>
      %swap3A = arith.constant 0 : index
      %swap3A_230 = arith.constant 0 : index
      %swap3A_231 = vector.load %arg5[%swap3A, %swap3A_230] : memref<1x1xf32, #tpu.memory_space<vmem>>, vector<1x1xf32>
      tpu.vector_store %arg5[%swap3A, %swap3A_230], %broadcast_in_dim3A_229 {strides = array<i32>} : memref<1x1xf32, #tpu.memory_space<vmem>>, vector<1x1xf32>,
    } else {
    }
    %eq3A_223 = arith.constant 4 : i32
    %eq3A_224 = arith.cmpi eq, %arg1, %eq3A_223 : i32
    %convert_element_type3A_225 = arith.extui %eq3A_224 : i1 to i32
    %cond3A_226 = arith.constant 0 : i32
    %cond3A_227 = arith.cmpi ne, %convert_element_type3A_225, %cond3A_226 : i32
    scf.if %cond3A_227 {
      %get3A_228 = arith.constant 0 : index
      %get3A_229 = arith.constant 0 : index
      %get3A_230 = vector.load %arg6[%get3A_228, %get3A_229] : memref<1000x1xf32, #tpu.memory_space<vmem>>, vector<1000x1xf32>
      %log3A = math.log %get3A_230 : vector<1000x1xf32>
      %get3A_231 = arith.constant 0 : index
      %get3A_232 = arith.constant 0 : index
      %get3A_233 = vector.load %arg7[%get3A_231, %get3A_232] : memref<1000x1xf32, #tpu.memory_space<vmem>>, vector<1000x1xf32>
      %sub3A_234 = arith.subf %log3A, %get3A_233 : vector<1000x1xf32>
      %reduce_sum3A_235 = vector.shape_cast %sub3A_234 : vector<1000x1xf32> to vector<1x1000x1xf32>
      %reduce_sum3A_236 = arith.constant dense<0.000000e+00> : vector<1xf32>
      %reduce_sum3A_237 = vector.multi_reduction <add>, %reduce_sum3A_235, %reduce_sum3A_236 [1, 2] : vector<1x1000x1xf32> to vector<1xf32>
      %reduce_sum3A_238 = vector.shape_cast %reduce_sum3A_237 : vector<1xf32> to vector<1x1x1xf32>
      %reduce_sum3A_239 = vector.extract %reduce_sum3A_238[0, 0, 0] : f32 from vector<1x1x1xf32>
      %get3A_240 = arith.constant 0 : index
      %get3A_241 = arith.constant 0 : index
      %get3A_242 = vector.load %arg8[%get3A_240, %get3A_241] : memref<1000x1xf32, #tpu.memory_space<vmem>>, vector<1000x1xf32>
      %log3A_243 = math.log %get3A_242 : vector<1000x1xf32>
      %get3A_244 = arith.constant 0 : index
      %get3A_245 = arith.constant 0 : index
      %get3A_246 = vector.load %arg9[%get3A_244, %get3A_245] : memref<1000x1xf32, #tpu.memory_space<vmem>>, vector<1000x1xf32>
      %sub3A_247 = arith.subf %log3A_243, %get3A_246 : vector<1000x1xf32>
      %reduce_sum3A_248 = vector.shape_cast %sub3A_247 : vector<1000x1xf32> to vector<1x1000x1xf32>
      %reduce_sum3A_249 = arith.constant dense<0.000000e+00> : vector<1xf32>
      %reduce_sum3A_250 = vector.multi_reduction <add>, %reduce_sum3A_248, %reduce_sum3A_249 [1, 2] : vector<1x1000x1xf32> to vector<1xf32>
      %reduce_sum3A_251 = vector.shape_cast %reduce_sum3A_250 : vector<1xf32> to vector<1x1x1xf32>
      %reduce_sum3A_252 = vector.extract %reduce_sum3A_251[0, 0, 0] : f32 from vector<1x1x1xf32>
      %add3A_253 = arith.addf %reduce_sum3A_239, %reduce_sum3A_252 : f32
      %get3A_254 = arith.constant 0 : index
      %get3A_255 = arith.constant 0 : index
      %get3A_256 = vector.load %arg5[%get3A_254, %get3A_255] : memref<1x1xf32, #tpu.memory_space<vmem>>, vector<1x1xf32>
      %reshape3A = vector.broadcast %add3A_253 : f32 to vector<1x1xf32>
      %add3A_257 = arith.addf %get3A_256, %reshape3A : vector<1x1xf32>
      %swap3A = arith.constant 0 : index
      %swap3A_258 = arith.constant 0 : index
      %swap3A_259 = vector.load %arg5[%swap3A, %swap3A_258] : memref<1x1xf32, #tpu.memory_space<vmem>>, vector<1x1xf32>
      tpu.vector_store %arg5[%swap3A, %swap3A_258], %add3A_257 {strides = array<i32>} : memref<1x1xf32, #tpu.memory_space<vmem>>, vector<1x1xf32>,
    } else {
    }
    return
  }
  func.func @transform_0(%arg0: i32, %arg1: i32) -> (i32, i32) {
    %c0_i32 = arith.constant 0 : i32
    %c0_i32_0 = arith.constant 0 : i32
    return %arg0, %c0_i32 : i32, i32
  }
  func.func @transform_1(%arg0: i32, %arg1: i32) -> (i32, i32) {
    %c0_i32 = arith.constant 0 : i32
    %c0_i32_0 = arith.constant 0 : i32
    return %arg1, %c0_i32 : i32, i32
  }
  func.func @transform_2(%arg0: i32, %arg1: i32) -> (i32, i32) {
    %c0_i32 = arith.constant 0 : i32
    %c0_i32_0 = arith.constant 0 : i32
    return %arg1, %c0_i32 : i32, i32
  }
  func.func @transform_3(%arg0: i32, %arg1: i32) -> (i32, i32) {
    %c0_i32 = arith.constant 0 : i32
    %c0_i32_0 = arith.constant 0 : i32
    %c0_i32_1 = arith.constant 0 : i32
    return %c0_i32, %c0_i32_0 : i32, i32
  }
}

module attributes {stable_mosaic.version = 14 : i64} {
  func.func @_bpr_kernel(%arg0: memref<6x4096x128xf32, #tpu.memory_space<vmem>>, %arg1: memref<1x1xf32, #tpu.memory_space<vmem>>) attributes {dimension_semantics = [], scalar_prefetch = 0 : i64, scratch_operands = 0 : i64, tpu.core_type = #tpu.core_type<tc>} {
    %get3A = arith.constant 0 : index
    %get3A_0 = arith.constant 0 : index
    %get3A_1 = arith.constant 0 : index
    %get3A_2 = vector.load %arg0[%get3A, %get3A_0, %get3A_1] : memref<6x4096x128xf32, #tpu.memory_space<vmem>>, vector<1x4096x128xf32>
    %get3A_3 = vector.shape_cast %get3A_2 : vector<1x4096x128xf32> to vector<4096x128xf32>
    %get3A_4 = arith.constant 1 : index
    %get3A_5 = arith.constant 0 : index
    %get3A_6 = arith.constant 0 : index
    %get3A_7 = vector.load %arg0[%get3A_4, %get3A_5, %get3A_6] : memref<6x4096x128xf32, #tpu.memory_space<vmem>>, vector<1x4096x128xf32>
    %get3A_8 = vector.shape_cast %get3A_7 : vector<1x4096x128xf32> to vector<4096x128xf32>
    %get3A_9 = arith.constant 2 : index
    %get3A_10 = arith.constant 0 : index
    %get3A_11 = arith.constant 0 : index
    %get3A_12 = vector.load %arg0[%get3A_9, %get3A_10, %get3A_11] : memref<6x4096x128xf32, #tpu.memory_space<vmem>>, vector<1x4096x128xf32>
    %get3A_13 = vector.shape_cast %get3A_12 : vector<1x4096x128xf32> to vector<4096x128xf32>
    %get3A_14 = arith.constant 3 : index
    %get3A_15 = arith.constant 0 : index
    %get3A_16 = arith.constant 0 : index
    %get3A_17 = vector.load %arg0[%get3A_14, %get3A_15, %get3A_16] : memref<6x4096x128xf32, #tpu.memory_space<vmem>>, vector<1x4096x128xf32>
    %get3A_18 = vector.shape_cast %get3A_17 : vector<1x4096x128xf32> to vector<4096x128xf32>
    %get3A_19 = arith.constant 4 : index
    %get3A_20 = arith.constant 0 : index
    %get3A_21 = arith.constant 0 : index
    %get3A_22 = vector.load %arg0[%get3A_19, %get3A_20, %get3A_21] : memref<6x4096x128xf32, #tpu.memory_space<vmem>>, vector<1x4096x128xf32>
    %get3A_23 = vector.shape_cast %get3A_22 : vector<1x4096x128xf32> to vector<4096x128xf32>
    %get3A_24 = arith.constant 5 : index
    %get3A_25 = arith.constant 0 : index
    %get3A_26 = arith.constant 0 : index
    %get3A_27 = vector.load %arg0[%get3A_24, %get3A_25, %get3A_26] : memref<6x4096x128xf32, #tpu.memory_space<vmem>>, vector<1x4096x128xf32>
    %get3A_28 = vector.shape_cast %get3A_27 : vector<1x4096x128xf32> to vector<4096x128xf32>
    %mul3A = arith.mulf %get3A_3, %get3A_8 : vector<4096x128xf32>
    %reduce_sum3A = arith.constant dense<0.000000e+00> : vector<4096xf32>
    %reduce_sum3A_29 = vector.multi_reduction <add>, %mul3A, %reduce_sum3A [1] : vector<4096x128xf32> to vector<4096xf32>
    %mul3A_30 = arith.mulf %get3A_3, %get3A_13 : vector<4096x128xf32>
    %reduce_sum3A_31 = arith.constant dense<0.000000e+00> : vector<4096xf32>
    %reduce_sum3A_32 = vector.multi_reduction <add>, %mul3A_30, %reduce_sum3A_31 [1] : vector<4096x128xf32> to vector<4096xf32>
    %sub3A = arith.subf %reduce_sum3A_29, %reduce_sum3A_32 : vector<4096xf32>
    %min3A = arith.constant 0.000000e+00 : f32
    %min3A_33 = vector.broadcast %min3A : f32 to vector<4096xf32>
    %min3A_34 = arith.minimumf %sub3A, %min3A_33 : vector<4096xf32>
    %abs3A = math.absf %sub3A : vector<4096xf32>
    %neg3A = arith.constant 0.000000e+00 : f32
    %neg3A_35 = vector.broadcast %neg3A : f32 to vector<4096xf32>
    %neg3A_36 = arith.subf %neg3A_35, %abs3A : vector<4096xf32>
    %exp3A = math.exp %neg3A_36 : vector<4096xf32>
    %log1p3A = math.log1p %exp3A : vector<4096xf32>
    %sub3A_37 = arith.subf %min3A_34, %log1p3A : vector<4096xf32>
    %reduce_sum3A_38 = vector.shape_cast %sub3A_37 : vector<4096xf32> to vector<1x4096xf32>
    %reduce_sum3A_39 = arith.constant dense<0.000000e+00> : vector<1xf32>
    %reduce_sum3A_40 = vector.multi_reduction <add>, %reduce_sum3A_38, %reduce_sum3A_39 [1] : vector<1x4096xf32> to vector<1xf32>
    %reduce_sum3A_41 = vector.shape_cast %reduce_sum3A_40 : vector<1xf32> to vector<1x1xf32>
    %reduce_sum3A_42 = vector.extract %reduce_sum3A_41[0, 0] : f32 from vector<1x1xf32>
    %neg3A_43 = arith.constant 0.000000e+00 : f32
    %neg3A_44 = arith.subf %neg3A_43, %reduce_sum3A_42 : f32
    %mul3A_45 = arith.constant 2.44140625E-4 : f32
    %mul3A_46 = arith.mulf %neg3A_44, %mul3A_45 : f32
    %mul3A_47 = arith.mulf %get3A_18, %get3A_18 : vector<4096x128xf32>
    %reduce_sum3A_48 = vector.shape_cast %mul3A_47 : vector<4096x128xf32> to vector<1x4096x128xf32>
    %reduce_sum3A_49 = arith.constant dense<0.000000e+00> : vector<1xf32>
    %reduce_sum3A_50 = vector.multi_reduction <add>, %reduce_sum3A_48, %reduce_sum3A_49 [1, 2] : vector<1x4096x128xf32> to vector<1xf32>
    %reduce_sum3A_51 = vector.shape_cast %reduce_sum3A_50 : vector<1xf32> to vector<1x1x1xf32>
    %reduce_sum3A_52 = vector.extract %reduce_sum3A_51[0, 0, 0] : f32 from vector<1x1x1xf32>
    %mul3A_53 = arith.mulf %get3A_23, %get3A_23 : vector<4096x128xf32>
    %reduce_sum3A_54 = vector.shape_cast %mul3A_53 : vector<4096x128xf32> to vector<1x4096x128xf32>
    %reduce_sum3A_55 = arith.constant dense<0.000000e+00> : vector<1xf32>
    %reduce_sum3A_56 = vector.multi_reduction <add>, %reduce_sum3A_54, %reduce_sum3A_55 [1, 2] : vector<1x4096x128xf32> to vector<1xf32>
    %reduce_sum3A_57 = vector.shape_cast %reduce_sum3A_56 : vector<1xf32> to vector<1x1x1xf32>
    %reduce_sum3A_58 = vector.extract %reduce_sum3A_57[0, 0, 0] : f32 from vector<1x1x1xf32>
    %add3A = arith.addf %reduce_sum3A_52, %reduce_sum3A_58 : f32
    %mul3A_59 = arith.mulf %get3A_28, %get3A_28 : vector<4096x128xf32>
    %reduce_sum3A_60 = vector.shape_cast %mul3A_59 : vector<4096x128xf32> to vector<1x4096x128xf32>
    %reduce_sum3A_61 = arith.constant dense<0.000000e+00> : vector<1xf32>
    %reduce_sum3A_62 = vector.multi_reduction <add>, %reduce_sum3A_60, %reduce_sum3A_61 [1, 2] : vector<1x4096x128xf32> to vector<1xf32>
    %reduce_sum3A_63 = vector.shape_cast %reduce_sum3A_62 : vector<1xf32> to vector<1x1x1xf32>
    %reduce_sum3A_64 = vector.extract %reduce_sum3A_63[0, 0, 0] : f32 from vector<1x1x1xf32>
    %add3A_65 = arith.addf %add3A, %reduce_sum3A_64 : f32
    %mul3A_66 = arith.constant 5.000000e-01 : f32
    %mul3A_67 = arith.mulf %mul3A_66, %add3A_65 : f32
    %div3A = arith.constant 4.096000e+03 : f32
    %div3A_68 = arith.divf %mul3A_67, %div3A : f32
    %mul3A_69 = arith.constant 1.000000e+00 : f32
    %mul3A_70 = arith.mulf %mul3A_69, %mul3A_46 : f32
    %mul3A_71 = arith.constant 9.99999974E-5 : f32
    %mul3A_72 = arith.mulf %mul3A_71, %div3A_68 : f32
    %add3A_73 = arith.addf %mul3A_70, %mul3A_72 : f32
    %reshape3A = vector.broadcast %add3A_73 : f32 to vector<1x1xf32>
    %swap3A = arith.constant 0 : index
    %swap3A_74 = arith.constant 0 : index
    %swap3A_75 = vector.load %arg1[%swap3A, %swap3A_74] : memref<1x1xf32, #tpu.memory_space<vmem>>, vector<1x1xf32>
    tpu.vector_store %arg1[%swap3A, %swap3A_74], %reshape3A {strides = array<i32>} : memref<1x1xf32, #tpu.memory_space<vmem>>, vector<1x1xf32>,
    return
  }
}

</mosaic_0001>

<sc_bundles>
// kernel: kernel.11.cloned.1.call-start
scs
__scs_entry_jumppad:
0x0: {  	(pc) =	sbr.rel $0x88, $3  }
0x1: {  	(tag) =	ssettag $0x0;
	lr =	simm.s32 $0x1  }
0x2: {  	[smem:$0x3F8D] =	sst lr;
	_ =	strace $0xD0000000  }
0x3: {  	_ = 	snop  }
0x4: {  	_ = 	snop  }
0x5: {  	_ = 	snop  }
0x6: {  	_ = 	snop  }
0x7: {  	_ = 	snop  }
__scs_overlays_trampoline_lowered:
0x8: {  	[smem:$0x3F9C] =	sst s0  }
0x9: {  	[smem:$0x3F9D] =	sst s1  }
0xa: {  	[smem:$0x3F9E] =	sst s2  }
0xb: {  	[smem:$0x3F9F] =	sst s3  }
0xc: {  	[smem:$0x3FA0] =	sst s4  }
0xd: {  	[smem:$0x3FA1] =	sst s5  }
0xe: {  	[smem:$0x3FA2] =	sst s6  }
0xf: {  	[smem:$0x3FA3] =	sst s7  }
0x10: {  	[smem:$0x3FA4] =	sst s8  }
0x11: {  	[smem:$0x3FA5] =	sst s9;
	s0 =	simm.s32 @!p0 $0x0  }
0x12: {  	s1 =	sld [smem:$0x3F8B];
	s0 =	simm.s32 @p0 $0x1  }
0x13: {  	[smem:$0x3FA6] =	sst s0;
	s0 =	simm.s32 @!p1 $0x0  }
0x14: {  	s2 =	sld [smem:$0x3F8A];
	s0 =	simm.s32 @p1 $0x1  }
0x15: {  	[smem:$0x3FA7] =	sst s0;
	s0 =	simm.s32 @!p2 $0x0  }
0x16: {  	s3 =	sld [smem:$0x3FDB];
	s0 =	simm.s32 @p2 $0x1  }
0x17: {  	s4 =	simm.s32 $0x1BF5;
	[smem:$0x3FA9] =	sst s0  }
0x18: {  	s0 =	sld [smem:$0x3F8C];
	_ =	swait.ge [sflag:s4], $0x0  }
0x19: {  	s7 =	sld [smem:$0x3F8D]  }
0x1a: {  	s8 =	sadd.s32 $0xFFFFE003, lr  }
0x1b: {  	s9 =	sadd.s32 $0xFFFFFEF7, lr;
	s5 =	simm.s32 $0xFFFFFFFF;
	p2 =	slt.u32 s8, $0xFFFFF086  }
0x1c: {  	p1 =	slt.u32 s9, $0xF7A;
	s5 =	simm.s32 @!p2 $0x0  }
0x1d: {  	s5 =	simm.s32 @p1 $0x1;
	p0 =	seq.s32 s7, s2  }
0x1e: {  	s7 =	smul.u32 @!p0 $0xF7A, s2;
	p2 =	seq.s32 @!p0 s5, $0x0  }
0x1f: {  	s9 =	smul.u32 $0xF7A, s1;
	s8 =	simm.s32 @!p0 $0x1BF5;
	p2 =	por !p2, p0  }
0x20: {  	[sflag:s8] =	ssyncset.s32 @!p0 $0xFFFFF086;
	s6 =	sadd.s32 @!p0 s3, s7;
	s7 =	simm.s32 @!p0 $0x108  }
0x21: {  	s3 =	sadd.s32 s3, s9;
	s6 =	sadd.s32 @!p0 $0x88, s6;
	s7 =	simm.s32 @p2 $0x1082  }
0x22: {  	[simem:s7], [sflag:s8] =	dma.local @!p0 [hbm:s6], $0xF7A  }
0x23: {  	s9 =	sor.u32 $0xD0000000, s2;
	s6 =	simm.s32 $0x108;
	_ =	swait.ge @!p0 [sflag:s8], $0x0  }
0x24: {  	s3 =	sadd.s32 $0x88, s3;
	s6 =	simm.s32 @!p1 $0x1082;
	[sflag:s4] =	ssyncset.s32 $0xFFFFF086  }
0x25: {  	[simem:s6], [sflag:s4] =	dma.local [hbm:s3], $0xF7A  }
0x26: {  	[smem:$0x3F8D] =	sst s1;
	(tag) =	ssettag s2;
	_ =	strace s9  }
0x27: {  	s1 =	sld [smem:$0x3F9D]  }
0x28: {  	s2 =	sld [smem:$0x3F9E]  }
0x29: {  	s4 =	sld [smem:$0x3FA0]  }
0x2a: {  	p0 =	seq.s32 s5, $0x0;
	s5 =	sld [smem:$0x3FA1]  }
0x2b: {  	s6 =	sld [smem:$0x3FA2]  }
0x2c: {  	s7 =	sld [smem:$0x3FA3]  }
0x2d: {  	s3 =	simm.s32 $0x108;
	s8 =	sld [smem:$0x3FA4]  }
0x2e: {  	s3 =	simm.s32 @!p0 $0x1082;
	s9 =	sld [smem:$0x3FA5]  }
0x2f: {  	lr =	sadd.s32 s0, s3;
	s0 =	sld [smem:$0x3F9C]  }
0x30: {  	s3 =	sld [smem:$0x3F9F]  }
0x31: {  	[smem:$0x3FA8] =	sst s10  }
0x32: {  	s10 =	sld [smem:$0x3FA6];
	_ =	sdelay $0x3  }
0x33: {  	p0 =	seq.s32 s10, $0x1;
	s10 =	sld [smem:$0x3FA8];
	_ =	sdelay $0x3  }
0x34: {  	[smem:$0x3FA8] =	sst s10  }
0x35: {  	s10 =	sld [smem:$0x3FA7];
	_ =	sdelay $0x3  }
0x36: {  	p1 =	seq.s32 s10, $0x1;
	s10 =	sld [smem:$0x3FA8];
	_ =	sdelay $0x3  }
0x37: {  	[smem:$0x3FA8] =	sst s10  }
0x38: {  	s10 =	sld [smem:$0x3FA9]  }
0x39: {  	_ = 	snop;
	(pc) =	sbr.ind lr, $3  }
0x3a: {  	_ = 	snop  }
0x3b: {  	_ = 	snop  }
0x3c: {  	p2 =	seq.s32 s10, $0x1;
	s10 =	sld [smem:$0x3FA8]  }
0x3d: {  	_ =	shalt  }
0x3e: {  	_ =	shalt  }
0x3f: {  	_ =	shalt  }
0x40: {  	_ =	shalt  }
0x41: {  	_ =	shalt  }
0x42: {  	_ =	shalt  }
0x43: {  	_ =	shalt  }
0x44: {  	_ =	shalt  }
0x45: {  	_ =	shalt  }
0x46: {  	_ =	shalt  }
0x47: {  	_ =	shalt  }
0x48: {  	_ =	shalt  }
0x49: {  	_ =	shalt  }
0x4a: {  	_ =	shalt  }
0x4b: {  	_ =	shalt  }
0x4c: {  	_ =	shalt  }
0x4d: {  	_ =	shalt  }
0x4e: {  	_ =	shalt  }
0x4f: {  	_ =	shalt  }
0x50: {  	_ =	shalt  }
0x51: {  	_ =	shalt  }
0x52: {  	_ =	shalt  }
0x53: {  	_ =	shalt  }
0x54: {  	_ =	shalt  }
0x55: {  	_ =	shalt  }
0x56: {  	_ =	shalt  }
0x57: {  	_ =	shalt  }
0x58: {  	_ =	shalt  }
0x59: {  	_ =	shalt  }
0x5a: {  	_ =	shalt  }
0x5b: {  	_ =	shalt  }
0x5c: {  	_ =	shalt  }
0x5d: {  	_ =	shalt  }
0x5e: {  	_ =	shalt  }
0x5f: {  	_ =	shalt  }
0x60: {  	_ =	shalt  }
0x61: {  	_ =	shalt  }
0x62: {  	_ =	shalt  }
0x63: {  	_ =	shalt  }
0x64: {  	_ =	shalt  }
0x65: {  	_ =	shalt  }
0x66: {  	_ =	shalt  }
0x67: {  	_ =	shalt  }
0x68: {  	_ =	shalt  }
0x69: {  	_ =	shalt  }
0x6a: {  	_ =	shalt  }
0x6b: {  	_ =	shalt  }
0x6c: {  	_ =	shalt  }
0x6d: {  	_ =	shalt  }
0x6e: {  	_ =	shalt  }
0x6f: {  	_ =	shalt  }
0x70: {  	_ =	shalt  }
0x71: {  	_ =	shalt  }
0x72: {  	_ =	shalt  }
0x73: {  	_ =	shalt  }
0x74: {  	_ =	shalt  }
0x75: {  	_ =	shalt  }
0x76: {  	_ =	shalt  }
0x77: {  	_ =	shalt  }
0x78: {  	_ =	shalt  }
0x79: {  	_ =	shalt  }
0x7a: {  	_ =	shalt  }
0x7b: {  	_ =	shalt  }
0x7c: {  	_ =	shalt  }
0x7d: {  	_ =	shalt  }
0x7e: {  	_ =	shalt  }
0x7f: {  	_ =	shalt  }
0x80: {  	_ =	shalt  }
0x81: {  	_ =	shalt  }
0x82: {  	_ =	shalt  }
0x83: {  	_ =	shalt  }
0x84: {  	_ =	shalt  }
0x85: {  	_ =	shalt  }
0x86: {  	_ =	shalt  }
0x87: {  	_ =	shalt  }
.Lfunc_end0:
.L_simem_size_0:
called_computation_lowered:
.L_overlay_start_0:
0x88: {  	s2 =	sld [smem:$0x3FD9]  }
0x89: {  	s3 =	sld [smem:$0x3FFE];
	_ =	sdelay $0x1  }
0x8a: {  	s1 =	srdreg.scid  }
0x8b: {  	s0 =	sand.u32 $0x1, s1  }
0x8c: {  	s16 =	sshll.u32 s0, $0xA;
	s2 =	sadd.s32 s3, s2  }
0x8d: {  	s2 =	sadd.s32 s2, s16  }
0x8e: {  	[smem:$0x3FB4] =	sst s2  }
0x8f: {  	_ = 	snop  }
0x90: {  	(tm) =	ssettm $0x1  }
0x91: {  	s17 =	sld [smem:$0x3FFB];
	_ =	sdelay $0x3  }
0x92: {  	_ =	strace s17  }
0x93: {  	s2 =	sld [smem:$0x3FFC];
	_ =	sdelay $0x3  }
0x94: {  	_ =	strace s2  }
0x95: {  	s2 =	sld [smem:$0x3FFD];
	_ =	sdelay $0x3  }
0x96: {  	_ =	strace s2  }
0x97: {  	_ =	strace $0x8FFFFFFF  }
0x98: {  	s18 =	sld [smem:$0x3FDB];
	_ =	sdelay $0x1  }
0x99: {  	s19 =	simm.s32 $_scs_section_size  }
0x9a: {  	s4 =	simm.s32 $_size__tile_overlayer_lowered;
	s5 =	simm.s32 $_tile_overlayer_lowered  }
0x9b: {  	s22 =	simm.s32 $0x1BFF;
	s21 =	sshll.u32 s5, $0x1;
	s2 =	sadd.s32 s19, s18  }
0x9c: {  	s6 =	simm.s32 $0x0;
	s20 =	sshll.u32 s4, $0x1;
	s4 =	sadd.s32 s21, s2  }
0x9d: {  	[timem:s6], [sflag:s22] =	dma.local [hbm:s4], s20  }
0x9e: {  	_ =	swait.ge [sflag:s22], s20  }
0x9f: {  	s3 =	ssub.s32 $0x0, s20;
	[sflag:s22] =	ssyncset.done $0x0  }
0xa0: {  	[sflag:s22] =	ssyncadd.s32 s3;
	_ =	sdelay $0x1  }
0xa1: {  	s23 =	simm.s32 $0x1B8B  }
0xa2: {  	_ =	swait.ge [sflag:s23], $0x1  }
0xa3: {  	[sflag:s23] =	ssyncset.done $0x0  }
0xa4: {  	s25 =	simm.s32 $0x1B8E;
	s24 =	sld [smem:$0x3FFE];
	[sflag:s23] =	ssyncadd.s32 $0xFFFFFFFF  }
0xa5: {  	s26 =	simm.s32 $execute0_lowered;
	[smem:$0x3FD2] =	sst s25  }
0xa6: {  	s4 =	sshll.u32 s26, $0x1;
	_ =	strace $0x80000046;
	[dreg:$0x1] =	wrdreg $0xFFFFFFFF  }
0xa7: {  	s28 =	simm.s32 $_size_execute0_lowered;
	s2 =	sadd.s32 s2, s4;
	[dreg:$0x0] =	wrdreg $0x0  }
0xa8: {  	s4 =	sshll.u32 s28, $0x1;
	[dreg:$0x2] =	wrdreg s2  }
0xa9: {  	[dreg:$0x3] =	wrdreg s4  }
0xaa: {  	[dreg:$0x4] =	wrdreg $0xC0  }
0xab: {  	_ =	task [dreg:s6], $0x5FFFF  }
0xac: {  	[dreg:$0x1] =	wrdreg $0xFFFFFFFF  }
0xad: {  	[dreg:$0x0] =	wrdreg $0x60  }
0xae: {  	[dreg:$0x2] =	wrdreg s24  }
0xaf: {  	[dreg:$0x3] =	wrdreg $0x0  }
0xb0: {  	[dreg:$0x4] =	wrdreg $0x2800  }
0xb1: {  	[dreg:$0x5] =	wrdreg $0x9  }
0xb2: {  	_ =	task.clear_ibuf [dreg:s6], $0x6FFFF;
	_ =	strace $0x90000046  }
0xb3: {  	s29 =	simm.s32 $0x9;
	_ =	strace $0x80000048  }
0xb4: {  	_ =	swait.ge [sflag:s29], $0x1  }
0xb5: {  	[sflag:s29] =	ssyncadd.s32 $0xFFFFFFFF  }
0xb6: {  	_ =	strace $0x90000048  }
0xb7: {  	_ =	sfence  }
0xb8: {  	s30 =	sld [smem:$0x0];
	_ =	sdelay $0x2  }
0xb9: {  	s31 =	sshll.u32 s1, $0xD;
	s1 =	sshrl.u32 s1, $0x2  }
0xba: {  	s3 =	sand.u32 $0x4000, s31;
	s1 =	sadd.s32 s1, s30  }
0xbb: {  	s0 =	sor.u32 s3, s0;
	s1 =	sshll.u32 s1, $0x11  }
0xbc: {  	s0 =	sor.u32 s1, s0  }
0xbd: {  	s0 =	sadd.s32 $0x8F2B, s0  }
0xbe: {  	[sflag:s0] =	ssyncadd.remote.s32 $0x1  }
0xbf: {  	_ =	sfence.sel $0xFFFF  }
0xc0: {  	[dreg:$0x0] =	wrdreg $0xFFFFFFFF;
	(pc) =	sbr.abs _section_cstart, $3  }
0xc1: {  	[dreg:$0x1] =	wrdreg $0xFFFFFFFF  }
0xc2: {  	_ =	task.clear_ibuf [dreg:s6], $0x2FFFF;
	_ =	strace $0x9FFFFFFF  }
0xc3: {  	(tm) =	ssettm $0x7FFFFFFF  }
tec
execute0_lowered:
.L_overlay_start_1:
0x0: {  	(tag) =	ssettag $0x1  }
0x1: {  	s19 =	stileid.u32  }
0x2: {  	s1 =	srdreg.scid;
	s6 =	rddreg [dreg:$0x0]  }
0x3: {  	s28 =	simm.s32 $0xA;
	s29 =	simm.s32 $0xB;
	s30 =	simm.s32 $0xC  }
0x4: {  	s31 =	simm.s32 $0xD;
	s0 =	smul.u32 $0x280, s19;
	s4 =	sand.u32 $0x1, s1  }
0x5: {  	s1 =	simm.s32 $0x0;
	s8 =	smul.u32 $0x5000, s19;
	s7 =	sadd.s32 $0x5800, s6  }
0x6: {  	s10 =	sadd.s32 $0x2DE00, s6;
	s26 =	sadd.s32 $0x5810, s6;
	s21 =	sadd.s32 $0x5830, s6  }
0x7: {  	s22 =	sadd.s32 $0x5840, s6;
	s23 =	sadd.s32 $0x5850, s6;
	s3 =	smul.u32 $0xA0000, s4  }
0x8: {  	s18 =	sadd.s32 $0x5860, s6;
	[smem:$0x7FF] =	sst s1;
	s9 =	ssub.s32 $0x2, s4  }
0x9: {  	s14 =	sshllo.u32 s4, $0x1;
	s4 =	smul.u32 $0x5000, s4;
	s5 =	sadd.s32 s8, s3  }
0xa: {  	s2 =	sshrl.u32 s0, $0x3;
	s11 =	sshrl.u32 s9, $0x1;
	s25 =	sshrl.u32 s5, $0x3  }
0xb: {  	s16 =	smul.u32 $0x50000, s14;
	s2 =	sadd.s32 s2, s6;
	s12 =	sadd.s32 s7, s25  }
0xc: {  	s3 =	ssub.s32 s9, s11;
	s20 =	sadd.s32 s25, s26;
	[dreg:$0x4] =	wrdreg s12  }
0xd: {  	s4 =	sadd.s32 s0, s4;
	s15 =	sadd.s32 s25, s21;
	[dreg:$0x5] =	wrdreg s20  }
0xe: {  	s8 =	sadd.s32 s8, s16;
	s17 =	sadd.s32 s25, s22;
	[dreg:$0x7] =	wrdreg s15  }
0xf: {  	s4 =	sshrl.u32 s4, $0x3;
	s24 =	sadd.s32 s25, s18;
	[dreg:$0x8] =	wrdreg s17  }
0x10: {  	s2 =	sadd.s32 $0x2D800, s2;
	s4 =	sadd.s32 s10, s4;
	[dreg:$0xa] =	wrdreg s24  }
0x11: {  	s8 =	sshrl.u32 s8, $0x3;
	s20 =	sadd.s32 s25, s23;
	[dreg:$0x12] =	wrdreg s4  }
0x12: {  	s12 =	sadd.s32 $0x5820, s6;
	s16 =	sadd.s32 s8, s21;
	[dreg:$0x9] =	wrdreg s20  }
0x13: {  	s6 =	sadd.s32 $0x5870, s6;
	s21 =	sadd.s32 s8, s23;
	[dreg:$0xe] =	wrdreg s16  }
0x14: {  	s24 =	sor.u32 $0x700, s5;
	s13 =	sadd.s32 s25, s12;
	[dreg:$0x10] =	wrdreg s21  }
0x15: {  	s17 =	sadd.s32 $0x50700, s5;
	s9 =	sadd.s32 s25, s6;
	[dreg:$0x6] =	wrdreg s13  }
0x16: {  	s25 =	sadd.s32 s8, s26;
	s26 =	smul.u32 $0x2800, s14;
	[dreg:$0xb] =	wrdreg s9  }
0x17: {  	s14 =	sadd.s32 s8, s12;
	s20 =	sadd.s32 s8, s22;
	[dreg:$0xc] =	wrdreg s25  }
0x18: {  	s22 =	sadd.s32 s8, s18;
	s6 =	sadd.s32 s8, s6;
	[dreg:$0xd] =	wrdreg s14  }
0x19: {  	s4 =	sshrl.u32 s24, $0x3;
	s8 =	sadd.s32 s7, s8;
	[dreg:$0xf] =	wrdreg s20  }
0x1a: {  	s12 =	sor.u32 $0x580, s5;
	s18 =	sadd.s32 $0x50780, s5;
	[dreg:$0x11] =	wrdreg s22  }
0x1b: {  	s24 =	sadd.s32 $0x50500, s5;
	[dreg:$0x14] =	wrdreg s6;
	s25 =	sor.u32 $0x780, s5  }
0x1c: {  	[dreg:$0x15] =	wrdreg s8;
	s4 =	sadd.s32 s4, s7;
	s6 =	sor.u32 $0x600, s5  }
0x1d: {  	s8 =	sor.u32 $0x680, s5;
	s13 =	sor.u32 $0x480, s5;
	s14 =	sor.u32 $0x400, s5  }
0x1e: {  	s20 =	sadd.s32 $0x50600, s5;
	s9 =	sadd.s32 s0, s26;
	[dreg:$0x16] =	wrdreg s4  }
0x1f: {  	s26 =	sshrl.u32 s25, $0x3;
	s16 =	sshrl.u32 s14, $0x3;
	s22 =	sshrl.u32 s20, $0x3  }
0x20: {  	s25 =	sadd.s32 $0x50580, s5;
	s14 =	smax.u32 s3, $0x1;
	s20 =	simm.s32 $0x3  }
0x21: {  	s3 =	simm.s32 $0x10;
	s9 =	sshrl.u32 s9, $0x3;
	s4 =	sadd.s32 s26, s7  }
0x22: {  	s23 =	sadd.s32 s10, s9;
	[dreg:$0x17] =	wrdreg s4;
	s4 =	sshrl.u32 s6, $0x3  }
0x23: {  	s6 =	sshrl.u32 s8, $0x3;
	s9 =	sor.u32 $0x500, s5;
	s8 =	sadd.s32 $0x50480, s5  }
0x24: {  	[dreg:$0x13] =	wrdreg s23;
	s4 =	sadd.s32 s4, s7;
	s11 =	sshrl.u32 s9, $0x3  }
0x25: {  	s23 =	sadd.s32 $0x50680, s5;
	s9 =	sadd.s32 $0x50400, s5;
	s5 =	rddreg [dreg:$0x2]  }
0x26: {  	s10 =	sadd.s32 s6, s7;
	s6 =	sshrl.u32 s13, $0x3;
	[dreg:$0x18] =	wrdreg s4  }
0x27: {  	[dreg:$0x19] =	wrdreg s10;
	s4 =	sadd.s32 s11, s7;
	s15 =	sadd.s32 s6, s7  }
0x28: {  	s6 =	sshrl.u32 s18, $0x3;
	s10 =	sshrl.u32 s9, $0x3;
	s11 =	sshll.u32 s19, $0x6  }
0x29: {  	s18 =	simm.s32 $0x780;
	[dreg:$0x1a] =	wrdreg s4;
	s4 =	sshrl.u32 s12, $0x3  }
0x2a: {  	s19 =	simm.s32 $0x800;
	[dreg:$0x1c] =	wrdreg s15;
	s4 =	sadd.s32 s4, s7  }
0x2b: {  	s9 =	simm.s32 $0x500;
	[dreg:$0x1b] =	wrdreg s4;
	s4 =	sadd.s32 s16, s7  }
0x2c: {  	s21 =	sadd.s32 s6, s7;
	[dreg:$0x1d] =	wrdreg s4;
	s4 =	sshrl.u32 s17, $0x3  }
0x2d: {  	s6 =	sshrl.u32 s24, $0x3;
	[dreg:$0x1f] =	wrdreg s21;
	s4 =	sadd.s32 s4, s7  }
0x2e: {  	s12 =	sor.u32 $0x1C11, s11;
	[dreg:$0x1e] =	wrdreg s4;
	s4 =	sadd.s32 s22, s7  }
0x2f: {  	s26 =	sadd.s32 s6, s7;
	[smem:$0x7F2] =	sst s4;
	s4 =	sshrl.u32 s23, $0x3  }
0x30: {  	s6 =	sshrl.u32 s25, $0x3;
	[smem:$0x7F4] =	sst s26;
	s4 =	sadd.s32 s4, s7  }
0x31: {  	s11 =	simm.s32 $0x900;
	[smem:$0x7F3] =	sst s4;
	s4 =	sadd.s32 s6, s7  }
0x32: {  	s24 =	simm.s32 $0x7;
	s6 =	sshrl.u32 s8, $0x3;
	[smem:$0x7F5] =	sst s4  }
0x33: {  	s15 =	simm.s32 $0x0;
	s4 =	rddreg [dreg:$0x1];
	s6 =	sadd.s32 s6, s7  }
0x34: {  	s21 =	simm.s32 $0x4;
	[smem:$0x7F6] =	sst s6;
	s6 =	sadd.s32 s10, s7  }
0x35: {  	s25 =	simm.s32 $0x8;
	s16 =	simm.s32 $0x680;
	[smem:$0x7F7] =	sst s6  }
0x36: {  	s26 =	simm.s32 $0x9;
	_ =	strace $0x80000047;
	[smem:$0x7F8] =	sst s2  }
0x37: {  	s17 =	simm.s32 $0x700;
	s13 =	sadd.s32 s0, s4;
	[smem:$0x7F9] =	sst s12  }
.Ltmp0:
0x38: {  	s0 =	sadd.s32 s0, s5;
	[smem:$0x7FA] =	sst s13;
	(pc) =	sbr.rel .LBB2_1-.Ltmp0, $4  }
0x39: {  	s22 =	simm.s32 $0x5;
	s23 =	simm.s32 $0x6;
	[smem:$0x7FB] =	sst s0  }
0x3a: {  	s8 =	simm.s32 $0x80;
	s10 =	simm.s32 $0x880;
	[smem:$0x7FC] =	sst s14  }
0x3b: {  	s14 =	simm.s32 $0x580;
	s12 =	simm.s32 $0x1;
	s13 =	simm.s32 $0x2  }
0x3c: {  	v0 =	vimm.f32 $1.000000000e+00;
	s0 =	simm.s32 $0xE;
	s2 =	simm.s32 $0xF;
	[smem:$0x7FD] =	sst s15  }
.LBB2_7:
0x3d: {  	_ =	swait.ge [sflag:s28], $0x80  }
0x3e: {  	[sflag:s28] =	ssyncset.done $0x0  }
0x3f: {  	[sflag:s28] =	ssyncadd.s32 $0xFFFFFF80  }
0x40: {  	_ =	swait.ge [sflag:s29], $0x80  }
0x41: {  	[sflag:s29] =	ssyncset.done $0x0  }
0x42: {  	[sflag:s29] =	ssyncadd.s32 $0xFFFFFF80  }
0x43: {  	_ =	swait.ge [sflag:s30], $0x80  }
0x44: {  	[sflag:s30] =	ssyncset.done $0x0  }
0x45: {  	[sflag:s30] =	ssyncadd.s32 $0xFFFFFF80  }
0x46: {  	_ =	swait.ge [sflag:s31], $0x80  }
0x47: {  	[sflag:s31] =	ssyncset.done $0x0  }
0x48: {  	[sflag:s31] =	ssyncadd.s32 $0xFFFFFF80  }
0x49: {  	_ =	swait.ge [sflag:s0], $0x80  }
0x4a: {  	[sflag:s0] =	ssyncset.done $0x0  }
0x4b: {  	[sflag:s0] =	ssyncadd.s32 $0xFFFFFF80  }
0x4c: {  	_ =	swait.ge [sflag:s2], $0x80  }
0x4d: {  	[sflag:s2] =	ssyncset.done $0x0  }
0x4e: {  	[sflag:s2] =	ssyncadd.s32 $0xFFFFFF80  }
0x4f: {  	_ =	swait.ge [sflag:s3], $0x80  }
0x50: {  	[sflag:s3] =	ssyncset.done $0x0  }
0x51: {  	[sflag:s3] =	ssyncadd.s32 $0xFFFFFF80  }
0x52: {  	[bflag:$0x0] =	sbarrier.arrive $0xFFFF  }
0x53: {  	s7 =	sld [smem:$0x7F0]  }
0x54: {  	s14 =	sld [smem:$0x7F9];
	_ =	sdelay $0x1  }
0x55: {  	s15 =	simm.s32 $0x11;
	s6 =	rddreg [dreg:$0x12]  }
0x56: {  	[hbm:s6], [sflag:s14] =	dma.local [spmem:s7], $0x50  }
0x57: {  	_ =	swait.ge [sflag:s15], $0x50  }
0x58: {  	[sflag:s15] =	ssyncset.done $0x0;
	s14 =	sld [smem:$0x7F1]  }
0x59: {  	[sflag:s15] =	ssyncadd.s32 $0xFFFFFFB0;
	s15 =	sld [smem:$0x7F9];
	_ =	sdelay $0x1  }
0x5a: {  	s6 =	simm.s32 $0x11;
	s7 =	rddreg [dreg:$0x13]  }
0x5b: {  	[hbm:s7], [sflag:s15] =	dma.local [spmem:s14], $0x50  }
0x5c: {  	_ =	swait.ge [sflag:s6], $0x50  }
0x5d: {  	s15 =	sld [smem:$0x7FD];
	_ =	sdelay $0x2  }
0x5e: {  	s7 =	sadd.s32 $0x1, s15;
	s15 =	sld [smem:$0x7FC];
	_ =	sdelay $0x2  }
0x5f: {  	p0 =	sne.s32 s7, s15  }
.Ltmp1:
0x60: {  	_ = 	snop;
	(pc) =	sbr.rel @!p0 .LBB2_8-.Ltmp1, $3  }
0x61: {  	_ =	sdelay $0x1  }
0x62: {  	[sflag:s6] =	ssyncset.done $0x0;
	s15 =	simm.s32 $0x11  }
0x63: {  	s14 =	simm.s32 $0x580;
	[smem:$0x7FD] =	sst s7;
	[sflag:s15] =	ssyncadd.s32 $0xFFFFFFB0  }
.LBB2_1:
0x64: {  	[tilespmem:$0x500] =	vst v0  }
0x65: {  	[tilespmem:$0x510] =	vst v0  }
0x66: {  	[tilespmem:$0x520] =	vst v0;
	s6 =	sld [smem:$0x7FA]  }
0x67: {  	[tilespmem:$0x530] =	vst v0  }
0x68: {  	[tilespmem:$0x540] =	vst v0;
	s7 =	sld [smem:$0x7F8]  }
0x69: {  	[tilespmem:$0x550] =	vst v0;
	s15 =	sshrl.u32 s6, $0x3;
	s6 =	sld [smem:$0x7F9]  }
0x6a: {  	[tilespmem:$0x560] =	vst v0  }
0x6b: {  	[tilespmem:$0x570] =	vst v0;
	[smem:$0x7F0] =	sst s15  }
0x6c: {  	[spmem:s15], [sflag:s6] =	dma.local [hbm:s7], $0x50  }
0x6d: {  	s15 =	simm.s32 $0x11  }
0x6e: {  	_ =	swait.ge [sflag:s15], $0x50  }
0x6f: {  	s6 =	sld [smem:$0x7FB];
	_ =	sdelay $0x1  }
0x70: {  	[sflag:s15] =	ssyncset.done $0x0  }
0x71: {  	[sflag:s15] =	ssyncadd.s32 $0xFFFFFFB0;
	s15 =	sld [smem:$0x7F9];
	s7 =	sshrl.u32 s6, $0x3  }
0x72: {  	[smem:$0x7F1] =	sst s7  }
0x73: {  	s7 =	sld [smem:$0x7F8]  }
0x74: {  	s6 =	sld [smem:$0x7F1];
	_ =	sdelay $0x2  }
0x75: {  	[spmem:s6], [sflag:s15] =	dma.local [hbm:s7], $0x50  }
0x76: {  	s7 =	simm.s32 $0x11  }
0x77: {  	_ =	swait.ge [sflag:s7], $0x50  }
0x78: {  	[sflag:s7] =	ssyncset.done $0x0  }
0x79: {  	[sflag:s7] =	ssyncadd.s32 $0xFFFFFFB0  }
0x7a: {  	[bflag:$0x0] =	sbarrier.arrive $0xFFFF  }
0x7b: {  	s7 =	rddreg [dreg:$0x4]  }
0x7c: {  	[tilespmem:s14], [sflag:$0x1] =	stream.linear.gather [hbm4b:s7+s1], $0x80, $0x38;
	[tilespmem:$0x980] =	vst v63  }
0x7d: {  	s15 =	simm.s32 $0x600;
	s7 =	rddreg [dreg:$0x5]  }
0x7e: {  	[tilespmem:s15], [sflag:$0x2] =	stream.linear.gather [hbm4b:s7+s1], $0x80, $0x38;
	[tilespmem:$0x980] =	vst v63  }
0x7f: {  	s7 =	rddreg [dreg:$0x6]  }
0x80: {  	[tilespmem:s16], [sflag:$0x3] =	stream.linear.gather [hbm4b:s7+s1], $0x80, $0x38;
	[tilespmem:$0x980] =	vst v63  }
0x81: {  	s7 =	rddreg [dreg:$0x7]  }
0x82: {  	[tilespmem:s17], [sflag:$0x4] =	stream.linear.gather [hbm4b:s7+s1], $0x80, $0x38;
	[tilespmem:$0x980] =	vst v63  }
0x83: {  	s7 =	rddreg [dreg:$0x8]  }
0x84: {  	[tilespmem:s18], [sflag:$0x5] =	stream.linear.gather [hbm4b:s7+s1], $0x80, $0x38;
	[tilespmem:$0x980] =	vst v63  }
0x85: {  	s7 =	rddreg [dreg:$0x9]  }
0x86: {  	[tilespmem:s19], [sflag:$0x6] =	stream.linear.gather [hbm4b:s7+s1], $0x80, $0x38;
	[tilespmem:$0x980] =	vst v63  }
0x87: {  	s7 =	rddreg [dreg:$0xa]  }
0x88: {  	[tilespmem:s10], [sflag:$0x7] =	stream.linear.gather [hbm4b:s7+s1], $0x80, $0x38;
	[tilespmem:$0x980] =	vst v63  }
0x89: {  	s6 =	simm.s32 $0x0;
	s7 =	rddreg [dreg:$0xb]  }
0x8a: {  	[tilespmem:s11], [sflag:$0x8] =	stream.linear.gather [hbm4b:s7+s1], $0x80, $0x38;
	[tilespmem:$0x980] =	vst v63  }
.LBB2_2:
0x8b: {  	_ =	swait.ge [sflag:s12], $0x80  }
0x8c: {  	[sflag:s12] =	ssyncset.done $0x0  }
0x8d: {  	[sflag:s12] =	ssyncadd.s32 $0xFFFFFF80  }
0x8e: {  	[spmem:s4] =	stream.indirect.scatter.add.f32 [tilespmem:s9], [sflag:$0x9], $0x1, s14, s8, $0xb8;
	[tilespmem:$0x980] =	vst v63  }
0x8f: {  	_ =	swait.ge [sflag:s13], $0x80  }
0x90: {  	[sflag:s13] =	ssyncset.done $0x0  }
0x91: {  	[sflag:s13] =	ssyncadd.s32 $0xFFFFFF80  }
0x92: {  	[spmem:s4] =	stream.indirect.scatter.add.f32 [tilespmem:s9], [sflag:$0xA], $0x1, s15, s8, $0xb8;
	[tilespmem:$0x980] =	vst v63  }
0x93: {  	_ =	swait.ge [sflag:s20], $0x80  }
0x94: {  	[sflag:s20] =	ssyncset.done $0x0  }
0x95: {  	[sflag:s20] =	ssyncadd.s32 $0xFFFFFF80  }
0x96: {  	[spmem:s4] =	stream.indirect.scatter.add.f32 [tilespmem:s9], [sflag:$0xB], $0x1, s16, s8, $0xb8;
	[tilespmem:$0x980] =	vst v63  }
0x97: {  	_ =	swait.ge [sflag:s21], $0x80  }
0x98: {  	[sflag:s21] =	ssyncset.done $0x0  }
0x99: {  	[sflag:s21] =	ssyncadd.s32 $0xFFFFFF80  }
0x9a: {  	[spmem:s4] =	stream.indirect.scatter.add.f32 [tilespmem:s9], [sflag:$0xC], $0x1, s17, s8, $0xb8;
	[tilespmem:$0x980] =	vst v63  }
0x9b: {  	_ =	swait.ge [sflag:s22], $0x80  }
0x9c: {  	[sflag:s22] =	ssyncset.done $0x0  }
0x9d: {  	[sflag:s22] =	ssyncadd.s32 $0xFFFFFF80  }
0x9e: {  	[spmem:s4] =	stream.indirect.scatter.add.f32 [tilespmem:s9], [sflag:$0xD], $0x1, s18, s8, $0xb8;
	[tilespmem:$0x980] =	vst v63  }
0x9f: {  	_ =	swait.ge [sflag:s23], $0x80  }
0xa0: {  	[sflag:s23] =	ssyncset.done $0x0  }
0xa1: {  	[sflag:s23] =	ssyncadd.s32 $0xFFFFFF80  }
0xa2: {  	[spmem:s4] =	stream.indirect.scatter.add.f32 [tilespmem:s9], [sflag:$0xE], $0x1, s19, s8, $0xb8;
	[tilespmem:$0x980] =	vst v63  }
0xa3: {  	_ =	swait.ge [sflag:s24], $0x80  }
0xa4: {  	[sflag:s24] =	ssyncset.done $0x0  }
0xa5: {  	[sflag:s24] =	ssyncadd.s32 $0xFFFFFF80  }
0xa6: {  	[spmem:s4] =	stream.indirect.scatter.add.f32 [tilespmem:s9], [sflag:$0xF], $0x1, s10, s8, $0xb8;
	[tilespmem:$0x980] =	vst v63  }
0xa7: {  	_ =	swait.ge [sflag:s25], $0x80  }
0xa8: {  	p0 =	seq.s32 s6, $0x980;
	[sflag:s25] =	ssyncset.done $0x0  }
.Ltmp2:
0xa9: {  	[sflag:s25] =	ssyncadd.s32 $0xFFFFFF80;
	(pc) =	sbr.rel @p0 .LBB2_4-.Ltmp2, $4  }
0xaa: {  	[spmem:s4] =	stream.indirect.scatter.add.f32 [tilespmem:s9], [sflag:$0x10], $0x1, s11, s8, $0xb8;
	[tilespmem:$0x980] =	vst v63  }
0xab: {  	_ =	swait.ge [sflag:s26], $0x80  }
0xac: {  	[sflag:s26] =	ssyncset.done $0x0  }
0xad: {  	[sflag:s26] =	ssyncadd.s32 $0xFFFFFF80  }
0xae: {  	s7 =	rddreg [dreg:$0x1d]  }
0xaf: {  	s7 =	sadd.s32 s6, s7  }
0xb0: {  	[tilespmem:s14], [sflag:$0x1] =	stream.linear.gather [hbm4b:s7+s1], $0x80, $0x38;
	[tilespmem:$0x980] =	vst v63  }
0xb1: {  	_ =	swait.ge [sflag:s28], $0x80  }
0xb2: {  	[sflag:s28] =	ssyncset.done $0x0;
	s7 =	rddreg [dreg:$0x1c]  }
0xb3: {  	[sflag:s28] =	ssyncadd.s32 $0xFFFFFF80;
	s7 =	sadd.s32 s6, s7  }
0xb4: {  	[tilespmem:s15], [sflag:$0x2] =	stream.linear.gather [hbm4b:s7+s1], $0x80, $0x38;
	[tilespmem:$0x980] =	vst v63  }
0xb5: {  	_ =	swait.ge [sflag:s29], $0x80  }
0xb6: {  	[sflag:s29] =	ssyncset.done $0x0;
	s7 =	rddreg [dreg:$0x1a]  }
0xb7: {  	[sflag:s29] =	ssyncadd.s32 $0xFFFFFF80;
	s7 =	sadd.s32 s6, s7  }
0xb8: {  	[tilespmem:s16], [sflag:$0x3] =	stream.linear.gather [hbm4b:s7+s1], $0x80, $0x38;
	[tilespmem:$0x980] =	vst v63  }
0xb9: {  	_ =	swait.ge [sflag:s30], $0x80  }
0xba: {  	[sflag:s30] =	ssyncset.done $0x0;
	s7 =	rddreg [dreg:$0x1b]  }
0xbb: {  	[sflag:s30] =	ssyncadd.s32 $0xFFFFFF80;
	s7 =	sadd.s32 s6, s7  }
0xbc: {  	[tilespmem:s17], [sflag:$0x4] =	stream.linear.gather [hbm4b:s7+s1], $0x80, $0x38;
	[tilespmem:$0x980] =	vst v63  }
0xbd: {  	_ =	swait.ge [sflag:s31], $0x80  }
0xbe: {  	[sflag:s31] =	ssyncset.done $0x0;
	s7 =	rddreg [dreg:$0x18]  }
0xbf: {  	[sflag:s31] =	ssyncadd.s32 $0xFFFFFF80;
	s7 =	sadd.s32 s6, s7  }
0xc0: {  	[tilespmem:s18], [sflag:$0x5] =	stream.linear.gather [hbm4b:s7+s1], $0x80, $0x38;
	[tilespmem:$0x980] =	vst v63  }
0xc1: {  	_ =	swait.ge [sflag:s0], $0x80  }
0xc2: {  	[sflag:s0] =	ssyncset.done $0x0;
	s7 =	rddreg [dreg:$0x19]  }
0xc3: {  	[sflag:s0] =	ssyncadd.s32 $0xFFFFFF80;
	s7 =	sadd.s32 s6, s7  }
0xc4: {  	[tilespmem:s19], [sflag:$0x6] =	stream.linear.gather [hbm4b:s7+s1], $0x80, $0x38;
	[tilespmem:$0x980] =	vst v63  }
0xc5: {  	_ =	swait.ge [sflag:s2], $0x80  }
0xc6: {  	[sflag:s2] =	ssyncset.done $0x0;
	s7 =	rddreg [dreg:$0x16]  }
0xc7: {  	[sflag:s2] =	ssyncadd.s32 $0xFFFFFF80;
	s7 =	sadd.s32 s6, s7  }
0xc8: {  	[tilespmem:s10], [sflag:$0x7] =	stream.linear.gather [hbm4b:s7+s1], $0x80, $0x38;
	[tilespmem:$0x980] =	vst v63  }
.Ltmp3:
0xc9: {  	_ = 	snop;
	(pc) =	sbr.rel .LBB2_2-.Ltmp3, $4  }
0xca: {  	_ =	swait.ge [sflag:s3], $0x80  }
0xcb: {  	[sflag:s3] =	ssyncset.done $0x0;
	s7 =	rddreg [dreg:$0x17]  }
0xcc: {  	[sflag:s3] =	ssyncadd.s32 $0xFFFFFF80;
	s7 =	sadd.s32 s6, s7;
	s6 =	sadd.s32 $0x80, s6  }
0xcd: {  	[tilespmem:s11], [sflag:$0x8] =	stream.linear.gather [hbm4b:s7+s1], $0x80, $0x38;
	[tilespmem:$0x980] =	vst v63  }
.LBB2_4:
0xce: {  	_ =	swait.ge [sflag:s28], $0x80  }
0xcf: {  	[sflag:s28] =	ssyncset.done $0x0  }
0xd0: {  	[sflag:s28] =	ssyncadd.s32 $0xFFFFFF80  }
0xd1: {  	_ =	swait.ge [sflag:s29], $0x80  }
0xd2: {  	[sflag:s29] =	ssyncset.done $0x0  }
0xd3: {  	[sflag:s29] =	ssyncadd.s32 $0xFFFFFF80  }
0xd4: {  	_ =	swait.ge [sflag:s30], $0x80  }
0xd5: {  	[sflag:s30] =	ssyncset.done $0x0  }
0xd6: {  	[sflag:s30] =	ssyncadd.s32 $0xFFFFFF80  }
0xd7: {  	_ =	swait.ge [sflag:s31], $0x80  }
0xd8: {  	[sflag:s31] =	ssyncset.done $0x0  }
0xd9: {  	[sflag:s31] =	ssyncadd.s32 $0xFFFFFF80  }
0xda: {  	_ =	swait.ge [sflag:s0], $0x80  }
0xdb: {  	[sflag:s0] =	ssyncset.done $0x0  }
0xdc: {  	[sflag:s0] =	ssyncadd.s32 $0xFFFFFF80  }
0xdd: {  	_ =	swait.ge [sflag:s2], $0x80  }
0xde: {  	[sflag:s2] =	ssyncset.done $0x0  }
0xdf: {  	[sflag:s2] =	ssyncadd.s32 $0xFFFFFF80  }
0xe0: {  	_ =	swait.ge [sflag:s3], $0x80  }
0xe1: {  	[sflag:s3] =	ssyncset.done $0x0  }
0xe2: {  	s6 =	simm.s32 $0x0;
	s7 =	rddreg [dreg:$0x15];
	[sflag:s3] =	ssyncadd.s32 $0xFFFFFF80  }
0xe3: {  	[tilespmem:s14], [sflag:$0x1] =	stream.linear.gather [hbm4b:s7+s6], $0x80, $0x38;
	[tilespmem:$0x980] =	vst v63  }
0xe4: {  	s7 =	rddreg [dreg:$0xc]  }
0xe5: {  	[tilespmem:s15], [sflag:$0x2] =	stream.linear.gather [hbm4b:s7+s6], $0x80, $0x38;
	[tilespmem:$0x980] =	vst v63  }
0xe6: {  	s7 =	rddreg [dreg:$0xd]  }
0xe7: {  	[tilespmem:s16], [sflag:$0x3] =	stream.linear.gather [hbm4b:s7+s6], $0x80, $0x38;
	[tilespmem:$0x980] =	vst v63  }
0xe8: {  	s7 =	rddreg [dreg:$0xe]  }
0xe9: {  	[tilespmem:s17], [sflag:$0x4] =	stream.linear.gather [hbm4b:s7+s6], $0x80, $0x38;
	[tilespmem:$0x980] =	vst v63  }
0xea: {  	s7 =	rddreg [dreg:$0xf]  }
0xeb: {  	[tilespmem:s18], [sflag:$0x5] =	stream.linear.gather [hbm4b:s7+s6], $0x80, $0x38;
	[tilespmem:$0x980] =	vst v63  }
0xec: {  	s7 =	rddreg [dreg:$0x10]  }
0xed: {  	[tilespmem:s19], [sflag:$0x6] =	stream.linear.gather [hbm4b:s7+s6], $0x80, $0x38;
	[tilespmem:$0x980] =	vst v63  }
0xee: {  	s7 =	rddreg [dreg:$0x11]  }
0xef: {  	[tilespmem:s10], [sflag:$0x7] =	stream.linear.gather [hbm4b:s7+s6], $0x80, $0x38;
	[tilespmem:$0x980] =	vst v63  }
0xf0: {  	s7 =	rddreg [dreg:$0x14]  }
0xf1: {  	[tilespmem:s11], [sflag:$0x8] =	stream.linear.gather [hbm4b:s7+s6], $0x80, $0x38;
	[tilespmem:$0x980] =	vst v63  }
.LBB2_5:
0xf2: {  	_ =	swait.ge [sflag:s12], $0x80  }
0xf3: {  	[sflag:s12] =	ssyncset.done $0x0  }
0xf4: {  	[sflag:s12] =	ssyncadd.s32 $0xFFFFFF80  }
0xf5: {  	[spmem:s5] =	stream.indirect.scatter.add.f32 [tilespmem:s9], [sflag:$0x9], $0x1, s14, s8, $0xb8;
	[tilespmem:$0x980] =	vst v63  }
0xf6: {  	_ =	swait.ge [sflag:s13], $0x80  }
0xf7: {  	[sflag:s13] =	ssyncset.done $0x0  }
0xf8: {  	[sflag:s13] =	ssyncadd.s32 $0xFFFFFF80  }
0xf9: {  	[spmem:s5] =	stream.indirect.scatter.add.f32 [tilespmem:s9], [sflag:$0xA], $0x1, s15, s8, $0xb8;
	[tilespmem:$0x980] =	vst v63  }
0xfa: {  	_ =	swait.ge [sflag:s20], $0x80  }
0xfb: {  	[sflag:s20] =	ssyncset.done $0x0  }
0xfc: {  	[sflag:s20] =	ssyncadd.s32 $0xFFFFFF80  }
0xfd: {  	[spmem:s5] =	stream.indirect.scatter.add.f32 [tilespmem:s9], [sflag:$0xB], $0x1, s16, s8, $0xb8;
	[tilespmem:$0x980] =	vst v63  }
0xfe: {  	_ =	swait.ge [sflag:s21], $0x80  }
0xff: {  	[sflag:s21] =	ssyncset.done $0x0  }
0x100: {  	[sflag:s21] =	ssyncadd.s32 $0xFFFFFF80  }
0x101: {  	[spmem:s5] =	stream.indirect.scatter.add.f32 [tilespmem:s9], [sflag:$0xC], $0x1, s17, s8, $0xb8;
	[tilespmem:$0x980] =	vst v63  }
0x102: {  	_ =	swait.ge [sflag:s22], $0x80  }
0x103: {  	[sflag:s22] =	ssyncset.done $0x0  }
0x104: {  	[sflag:s22] =	ssyncadd.s32 $0xFFFFFF80  }
0x105: {  	[spmem:s5] =	stream.indirect.scatter.add.f32 [tilespmem:s9], [sflag:$0xD], $0x1, s18, s8, $0xb8;
	[tilespmem:$0x980] =	vst v63  }
0x106: {  	_ =	swait.ge [sflag:s23], $0x80  }
0x107: {  	[sflag:s23] =	ssyncset.done $0x0  }
0x108: {  	[sflag:s23] =	ssyncadd.s32 $0xFFFFFF80  }
0x109: {  	[spmem:s5] =	stream.indirect.scatter.add.f32 [tilespmem:s9], [sflag:$0xE], $0x1, s19, s8, $0xb8;
	[tilespmem:$0x980] =	vst v63  }
0x10a: {  	_ =	swait.ge [sflag:s24], $0x80  }
0x10b: {  	[sflag:s24] =	ssyncset.done $0x0  }
0x10c: {  	[sflag:s24] =	ssyncadd.s32 $0xFFFFFF80  }
0x10d: {  	[spmem:s5] =	stream.indirect.scatter.add.f32 [tilespmem:s9], [sflag:$0xF], $0x1, s10, s8, $0xb8;
	[tilespmem:$0x980] =	vst v63  }
0x10e: {  	_ =	swait.ge [sflag:s25], $0x80  }
0x10f: {  	p0 =	seq.s32 s6, $0x980;
	[sflag:s25] =	ssyncset.done $0x0  }
.Ltmp4:
0x110: {  	[sflag:s25] =	ssyncadd.s32 $0xFFFFFF80;
	(pc) =	sbr.rel @p0 .LBB2_7-.Ltmp4, $4  }
0x111: {  	[spmem:s5] =	stream.indirect.scatter.add.f32 [tilespmem:s9], [sflag:$0x10], $0x1, s11, s8, $0xb8;
	[tilespmem:$0x980] =	vst v63  }
0x112: {  	_ =	swait.ge [sflag:s26], $0x80  }
0x113: {  	[sflag:s26] =	ssyncset.done $0x0  }
0x114: {  	[sflag:s26] =	ssyncadd.s32 $0xFFFFFF80  }
0x115: {  	s7 =	sld [smem:$0x7F7];
	_ =	sdelay $0x2  }
0x116: {  	s7 =	sadd.s32 s6, s7  }
0x117: {  	[tilespmem:s14], [sflag:$0x1] =	stream.linear.gather [hbm4b:s7+s1], $0x80, $0x38;
	[tilespmem:$0x980] =	vst v63  }
0x118: {  	_ =	swait.ge [sflag:s28], $0x80  }
0x119: {  	s7 =	sld [smem:$0x7F6];
	_ =	sdelay $0x1  }
0x11a: {  	[sflag:s28] =	ssyncset.done $0x0  }
0x11b: {  	[sflag:s28] =	ssyncadd.s32 $0xFFFFFF80;
	s7 =	sadd.s32 s6, s7  }
0x11c: {  	[tilespmem:s15], [sflag:$0x2] =	stream.linear.gather [hbm4b:s7+s1], $0x80, $0x38;
	[tilespmem:$0x980] =	vst v63  }
0x11d: {  	_ =	swait.ge [sflag:s29], $0x80  }
0x11e: {  	s7 =	sld [smem:$0x7F4];
	_ =	sdelay $0x1  }
0x11f: {  	[sflag:s29] =	ssyncset.done $0x0  }
0x120: {  	[sflag:s29] =	ssyncadd.s32 $0xFFFFFF80;
	s7 =	sadd.s32 s6, s7  }
0x121: {  	[tilespmem:s16], [sflag:$0x3] =	stream.linear.gather [hbm4b:s7+s1], $0x80, $0x38;
	[tilespmem:$0x980] =	vst v63  }
0x122: {  	_ =	swait.ge [sflag:s30], $0x80  }
0x123: {  	s7 =	sld [smem:$0x7F5];
	_ =	sdelay $0x1  }
0x124: {  	[sflag:s30] =	ssyncset.done $0x0  }
0x125: {  	[sflag:s30] =	ssyncadd.s32 $0xFFFFFF80;
	s7 =	sadd.s32 s6, s7  }
0x126: {  	[tilespmem:s17], [sflag:$0x4] =	stream.linear.gather [hbm4b:s7+s1], $0x80, $0x38;
	[tilespmem:$0x980] =	vst v63  }
0x127: {  	_ =	swait.ge [sflag:s31], $0x80  }
0x128: {  	s7 =	sld [smem:$0x7F2];
	_ =	sdelay $0x1  }
0x129: {  	[sflag:s31] =	ssyncset.done $0x0  }
0x12a: {  	[sflag:s31] =	ssyncadd.s32 $0xFFFFFF80;
	s7 =	sadd.s32 s6, s7  }
0x12b: {  	[tilespmem:s18], [sflag:$0x5] =	stream.linear.gather [hbm4b:s7+s1], $0x80, $0x38;
	[tilespmem:$0x980] =	vst v63  }
0x12c: {  	_ =	swait.ge [sflag:s0], $0x80  }
0x12d: {  	s7 =	sld [smem:$0x7F3];
	_ =	sdelay $0x1  }
0x12e: {  	[sflag:s0] =	ssyncset.done $0x0  }
0x12f: {  	[sflag:s0] =	ssyncadd.s32 $0xFFFFFF80;
	s7 =	sadd.s32 s6, s7  }
0x130: {  	[tilespmem:s19], [sflag:$0x6] =	stream.linear.gather [hbm4b:s7+s1], $0x80, $0x38;
	[tilespmem:$0x980] =	vst v63  }
0x131: {  	_ =	swait.ge [sflag:s2], $0x80  }
0x132: {  	[sflag:s2] =	ssyncset.done $0x0;
	s7 =	rddreg [dreg:$0x1e]  }
0x133: {  	[sflag:s2] =	ssyncadd.s32 $0xFFFFFF80;
	s7 =	sadd.s32 s6, s7  }
0x134: {  	[tilespmem:s10], [sflag:$0x7] =	stream.linear.gather [hbm4b:s7+s1], $0x80, $0x38;
	[tilespmem:$0x980] =	vst v63  }
.Ltmp5:
0x135: {  	_ = 	snop;
	(pc) =	sbr.rel .LBB2_5-.Ltmp5, $4  }
0x136: {  	_ =	swait.ge [sflag:s3], $0x80  }
0x137: {  	[sflag:s3] =	ssyncset.done $0x0;
	s7 =	rddreg [dreg:$0x1f]  }
0x138: {  	[sflag:s3] =	ssyncadd.s32 $0xFFFFFF80;
	s7 =	sadd.s32 s6, s7;
	s6 =	sadd.s32 $0x80, s6  }
0x139: {  	[tilespmem:s11], [sflag:$0x8] =	stream.linear.gather [hbm4b:s7+s1], $0x80, $0x38;
	[tilespmem:$0x980] =	vst v63  }
.LBB2_8:
0x13a: {  	_ =	sfence.sel $0x180000  }
0x13b: {  	[bflag:$0x0] =	sbarrier.arrive $0xFFFF  }
0x13c: {  	_ =	strace $0x90000047  }
0x13d: {  	s0 =	stileid.u32;
	[bflag:$0x2] =	sbarrier.arrive $0xFFFF  }
0x13e: {  	p0 =	sne.s32 s0, $0x0;
	s0 =	rddreg [dreg:$0x3]  }
0x13f: {  	s0 =	sadd.s32 @!p0 $0x100000, s0  }
0x140: {  	[sflag:s0] =	ssyncadd.tile.s32 @!p0 $0x1;
	_ =	shalt  }
.Lfunc_end2:
_tile_overlayer_lowered:
.L_overlay_start_2:
0x141: {  	(tag) =	ssettag $0x2  }
0x142: {  	s0 =	rddreg [dreg:$0x0];
	s2 =	stileid.u32  }
0x143: {  	s1 =	rddreg [dreg:$0x1];
	p0 =	sne.s32 s2, $0x0  }
0x144: {  	s3 =	rddreg [dreg:$0x2];
	[bflag:$0x3] =	sbarrier.arrive $0xFFFF;
	s2 =	simm.s32 @!p0 $0x1C11  }
0x145: {  	[timem:s3], [sflag:s2] =	dma.local @!p0 [hbm:s0], s1  }
0x146: {  	s0 =	simm.s32 @!p0 $0x11  }
0x147: {  	_ =	swait.ge @!p0 [sflag:s0], s1  }
0x148: {  	s1 =	ssub.s32 @!p0 $0x0, s1;
	[sflag:s0] =	ssyncset.done @!p0 $0x0  }
0x149: {  	[sflag:s0] =	ssyncadd.s32 @!p0 s1  }
0x14a: {  	[bflag:$0x3] =	sbarrier.arrive $0xFFFF  }
0x14b: {  	_ =	shalt  }

// kernel: kernel.14.cloned.1.call-start
scs
__scs_entry_jumppad:
0x0: {  	(pc) =	sbr.rel $0x88, $3  }
0x1: {  	(tag) =	ssettag $0x0;
	lr =	simm.s32 $0x1  }
0x2: {  	[smem:$0x3F8D] =	sst lr;
	_ =	strace $0xD0000000  }
0x3: {  	_ = 	snop  }
0x4: {  	_ = 	snop  }
0x5: {  	_ = 	snop  }
0x6: {  	_ = 	snop  }
0x7: {  	_ = 	snop  }
__scs_overlays_trampoline_lowered:
0x8: {  	[smem:$0x3F9C] =	sst s0  }
0x9: {  	[smem:$0x3F9D] =	sst s1  }
0xa: {  	[smem:$0x3F9E] =	sst s2  }
0xb: {  	[smem:$0x3F9F] =	sst s3  }
0xc: {  	[smem:$0x3FA0] =	sst s4  }
0xd: {  	[smem:$0x3FA1] =	sst s5  }
0xe: {  	[smem:$0x3FA2] =	sst s6  }
0xf: {  	[smem:$0x3FA3] =	sst s7  }
0x10: {  	[smem:$0x3FA4] =	sst s8  }
0x11: {  	[smem:$0x3FA5] =	sst s9;
	s0 =	simm.s32 @!p0 $0x0  }
0x12: {  	s1 =	sld [smem:$0x3F8B];
	s0 =	simm.s32 @p0 $0x1  }
0x13: {  	[smem:$0x3FA6] =	sst s0;
	s0 =	simm.s32 @!p1 $0x0  }
0x14: {  	s2 =	sld [smem:$0x3F8A];
	s0 =	simm.s32 @p1 $0x1  }
0x15: {  	[smem:$0x3FA7] =	sst s0;
	s0 =	simm.s32 @!p2 $0x0  }
0x16: {  	s3 =	sld [smem:$0x3FDB];
	s0 =	simm.s32 @p2 $0x1  }
0x17: {  	s4 =	simm.s32 $0x1BF5;
	[smem:$0x3FA9] =	sst s0  }
0x18: {  	s0 =	sld [smem:$0x3F8C];
	_ =	swait.ge [sflag:s4], $0x0  }
0x19: {  	s7 =	sld [smem:$0x3F8D]  }
0x1a: {  	s8 =	sadd.s32 $0xFFFFE003, lr  }
0x1b: {  	s9 =	sadd.s32 $0xFFFFFEF7, lr;
	s5 =	simm.s32 $0xFFFFFFFF;
	p2 =	slt.u32 s8, $0xFFFFF086  }
0x1c: {  	p1 =	slt.u32 s9, $0xF7A;
	s5 =	simm.s32 @!p2 $0x0  }
0x1d: {  	s5 =	simm.s32 @p1 $0x1;
	p0 =	seq.s32 s7, s2  }
0x1e: {  	s7 =	smul.u32 @!p0 $0xF7A, s2;
	p2 =	seq.s32 @!p0 s5, $0x0  }
0x1f: {  	s9 =	smul.u32 $0xF7A, s1;
	s8 =	simm.s32 @!p0 $0x1BF5;
	p2 =	por !p2, p0  }
0x20: {  	[sflag:s8] =	ssyncset.s32 @!p0 $0xFFFFF086;
	s6 =	sadd.s32 @!p0 s3, s7;
	s7 =	simm.s32 @!p0 $0x108  }
0x21: {  	s3 =	sadd.s32 s3, s9;
	s6 =	sadd.s32 @!p0 $0x88, s6;
	s7 =	simm.s32 @p2 $0x1082  }
0x22: {  	[simem:s7], [sflag:s8] =	dma.local @!p0 [hbm:s6], $0xF7A  }
0x23: {  	s9 =	sor.u32 $0xD0000000, s2;
	s6 =	simm.s32 $0x108;
	_ =	swait.ge @!p0 [sflag:s8], $0x0  }
0x24: {  	s3 =	sadd.s32 $0x88, s3;
	s6 =	simm.s32 @!p1 $0x1082;
	[sflag:s4] =	ssyncset.s32 $0xFFFFF086  }
0x25: {  	[simem:s6], [sflag:s4] =	dma.local [hbm:s3], $0xF7A  }
0x26: {  	[smem:$0x3F8D] =	sst s1;
	(tag) =	ssettag s2;
	_ =	strace s9  }
0x27: {  	s1 =	sld [smem:$0x3F9D]  }
0x28: {  	s2 =	sld [smem:$0x3F9E]  }
0x29: {  	s4 =	sld [smem:$0x3FA0]  }
0x2a: {  	p0 =	seq.s32 s5, $0x0;
	s5 =	sld [smem:$0x3FA1]  }
0x2b: {  	s6 =	sld [smem:$0x3FA2]  }
0x2c: {  	s7 =	sld [smem:$0x3FA3]  }
0x2d: {  	s3 =	simm.s32 $0x108;
	s8 =	sld [smem:$0x3FA4]  }
0x2e: {  	s3 =	simm.s32 @!p0 $0x1082;
	s9 =	sld [smem:$0x3FA5]  }
0x2f: {  	lr =	sadd.s32 s0, s3;
	s0 =	sld [smem:$0x3F9C]  }
0x30: {  	s3 =	sld [smem:$0x3F9F]  }
0x31: {  	[smem:$0x3FA8] =	sst s10  }
0x32: {  	s10 =	sld [smem:$0x3FA6];
	_ =	sdelay $0x3  }
0x33: {  	p0 =	seq.s32 s10, $0x1;
	s10 =	sld [smem:$0x3FA8];
	_ =	sdelay $0x3  }
0x34: {  	[smem:$0x3FA8] =	sst s10  }
0x35: {  	s10 =	sld [smem:$0x3FA7];
	_ =	sdelay $0x3  }
0x36: {  	p1 =	seq.s32 s10, $0x1;
	s10 =	sld [smem:$0x3FA8];
	_ =	sdelay $0x3  }
0x37: {  	[smem:$0x3FA8] =	sst s10  }
0x38: {  	s10 =	sld [smem:$0x3FA9]  }
0x39: {  	_ = 	snop;
	(pc) =	sbr.ind lr, $3  }
0x3a: {  	_ = 	snop  }
0x3b: {  	_ = 	snop  }
0x3c: {  	p2 =	seq.s32 s10, $0x1;
	s10 =	sld [smem:$0x3FA8]  }
0x3d: {  	_ =	shalt  }
0x3e: {  	_ =	shalt  }
0x3f: {  	_ =	shalt  }
0x40: {  	_ =	shalt  }
0x41: {  	_ =	shalt  }
0x42: {  	_ =	shalt  }
0x43: {  	_ =	shalt  }
0x44: {  	_ =	shalt  }
0x45: {  	_ =	shalt  }
0x46: {  	_ =	shalt  }
0x47: {  	_ =	shalt  }
0x48: {  	_ =	shalt  }
0x49: {  	_ =	shalt  }
0x4a: {  	_ =	shalt  }
0x4b: {  	_ =	shalt  }
0x4c: {  	_ =	shalt  }
0x4d: {  	_ =	shalt  }
0x4e: {  	_ =	shalt  }
0x4f: {  	_ =	shalt  }
0x50: {  	_ =	shalt  }
0x51: {  	_ =	shalt  }
0x52: {  	_ =	shalt  }
0x53: {  	_ =	shalt  }
0x54: {  	_ =	shalt  }
0x55: {  	_ =	shalt  }
0x56: {  	_ =	shalt  }
0x57: {  	_ =	shalt  }
0x58: {  	_ =	shalt  }
0x59: {  	_ =	shalt  }
0x5a: {  	_ =	shalt  }
0x5b: {  	_ =	shalt  }
0x5c: {  	_ =	shalt  }
0x5d: {  	_ =	shalt  }
0x5e: {  	_ =	shalt  }
0x5f: {  	_ =	shalt  }
0x60: {  	_ =	shalt  }
0x61: {  	_ =	shalt  }
0x62: {  	_ =	shalt  }
0x63: {  	_ =	shalt  }
0x64: {  	_ =	shalt  }
0x65: {  	_ =	shalt  }
0x66: {  	_ =	shalt  }
0x67: {  	_ =	shalt  }
0x68: {  	_ =	shalt  }
0x69: {  	_ =	shalt  }
0x6a: {  	_ =	shalt  }
0x6b: {  	_ =	shalt  }
0x6c: {  	_ =	shalt  }
0x6d: {  	_ =	shalt  }
0x6e: {  	_ =	shalt  }
0x6f: {  	_ =	shalt  }
0x70: {  	_ =	shalt  }
0x71: {  	_ =	shalt  }
0x72: {  	_ =	shalt  }
0x73: {  	_ =	shalt  }
0x74: {  	_ =	shalt  }
0x75: {  	_ =	shalt  }
0x76: {  	_ =	shalt  }
0x77: {  	_ =	shalt  }
0x78: {  	_ =	shalt  }
0x79: {  	_ =	shalt  }
0x7a: {  	_ =	shalt  }
0x7b: {  	_ =	shalt  }
0x7c: {  	_ =	shalt  }
0x7d: {  	_ =	shalt  }
0x7e: {  	_ =	shalt  }
0x7f: {  	_ =	shalt  }
0x80: {  	_ =	shalt  }
0x81: {  	_ =	shalt  }
0x82: {  	_ =	shalt  }
0x83: {  	_ =	shalt  }
0x84: {  	_ =	shalt  }
0x85: {  	_ =	shalt  }
0x86: {  	_ =	shalt  }
0x87: {  	_ =	shalt  }
.Lfunc_end0:
.L_simem_size_0:
called_computation.1_lowered:
.L_overlay_start_0:
0x88: {  	s2 =	sld [smem:$0x3FD9]  }
0x89: {  	s3 =	sld [smem:$0x3FFE];
	_ =	sdelay $0x1  }
0x8a: {  	s1 =	srdreg.scid  }
0x8b: {  	s0 =	sand.u32 $0x1, s1  }
0x8c: {  	s16 =	sshll.u32 s0, $0xA;
	s2 =	sadd.s32 s3, s2  }
0x8d: {  	s2 =	sadd.s32 s2, s16  }
0x8e: {  	[smem:$0x3FB4] =	sst s2  }
0x8f: {  	_ = 	snop  }
0x90: {  	(tm) =	ssettm $0x1  }
0x91: {  	s17 =	sld [smem:$0x3FFB];
	_ =	sdelay $0x3  }
0x92: {  	_ =	strace s17  }
0x93: {  	s2 =	sld [smem:$0x3FFC];
	_ =	sdelay $0x3  }
0x94: {  	_ =	strace s2  }
0x95: {  	s2 =	sld [smem:$0x3FFD];
	_ =	sdelay $0x3  }
0x96: {  	_ =	strace s2  }
0x97: {  	_ =	strace $0x8FFFFFFF  }
0x98: {  	s18 =	sld [smem:$0x3FDB];
	_ =	sdelay $0x1  }
0x99: {  	s19 =	simm.s32 $_scs_section_size  }
0x9a: {  	s4 =	simm.s32 $_size__tile_overlayer_lowered;
	s5 =	simm.s32 $_tile_overlayer_lowered  }
0x9b: {  	s22 =	simm.s32 $0x1BFF;
	s21 =	sshll.u32 s5, $0x1;
	s2 =	sadd.s32 s19, s18  }
0x9c: {  	s6 =	simm.s32 $0x0;
	s20 =	sshll.u32 s4, $0x1;
	s4 =	sadd.s32 s21, s2  }
0x9d: {  	[timem:s6], [sflag:s22] =	dma.local [hbm:s4], s20  }
0x9e: {  	_ =	swait.ge [sflag:s22], s20  }
0x9f: {  	s3 =	ssub.s32 $0x0, s20;
	[sflag:s22] =	ssyncset.done $0x0  }
0xa0: {  	[sflag:s22] =	ssyncadd.s32 s3;
	_ =	sdelay $0x1  }
0xa1: {  	s23 =	simm.s32 $0x1B8B  }
0xa2: {  	_ =	swait.ge [sflag:s23], $0x1  }
0xa3: {  	[sflag:s23] =	ssyncset.done $0x0  }
0xa4: {  	s25 =	simm.s32 $0x1B8E;
	s24 =	sld [smem:$0x3FFE];
	[sflag:s23] =	ssyncadd.s32 $0xFFFFFFFF  }
0xa5: {  	s26 =	simm.s32 $execute0_lowered;
	[smem:$0x3FD2] =	sst s25  }
0xa6: {  	s4 =	sshll.u32 s26, $0x1;
	_ =	strace $0x80000049;
	[dreg:$0x1] =	wrdreg $0xFFFFFFFF  }
0xa7: {  	s28 =	simm.s32 $_size_execute0_lowered;
	s2 =	sadd.s32 s2, s4;
	[dreg:$0x0] =	wrdreg $0x0  }
0xa8: {  	s4 =	sshll.u32 s28, $0x1;
	[dreg:$0x2] =	wrdreg s2  }
0xa9: {  	[dreg:$0x3] =	wrdreg s4  }
0xaa: {  	[dreg:$0x4] =	wrdreg $0xC0  }
0xab: {  	_ =	task [dreg:s6], $0x5FFFF  }
0xac: {  	[dreg:$0x1] =	wrdreg $0xFFFFFFFF  }
0xad: {  	[dreg:$0x0] =	wrdreg $0x60  }
0xae: {  	[dreg:$0x2] =	wrdreg s24  }
0xaf: {  	[dreg:$0x3] =	wrdreg $0x0  }
0xb0: {  	[dreg:$0x4] =	wrdreg $0x9  }
0xb1: {  	_ =	task.clear_ibuf [dreg:s6], $0x5FFFF;
	_ =	strace $0x90000049  }
0xb2: {  	s29 =	simm.s32 $0x9;
	_ =	strace $0x8000004B  }
0xb3: {  	_ =	swait.ge [sflag:s29], $0x1  }
0xb4: {  	[sflag:s29] =	ssyncadd.s32 $0xFFFFFFFF  }
0xb5: {  	_ =	strace $0x9000004B  }
0xb6: {  	_ =	sfence  }
0xb7: {  	s30 =	sld [smem:$0x0];
	_ =	sdelay $0x2  }
0xb8: {  	s31 =	sshll.u32 s1, $0xD;
	s1 =	sshrl.u32 s1, $0x2  }
0xb9: {  	s3 =	sand.u32 $0x4000, s31;
	s1 =	sadd.s32 s1, s30  }
0xba: {  	s0 =	sor.u32 s3, s0;
	s1 =	sshll.u32 s1, $0x11  }
0xbb: {  	s0 =	sor.u32 s1, s0  }
0xbc: {  	s0 =	sadd.s32 $0x8F2B, s0  }
0xbd: {  	[sflag:s0] =	ssyncadd.remote.s32 $0x1  }
0xbe: {  	_ =	sfence.sel $0xFFFF  }
0xbf: {  	[dreg:$0x0] =	wrdreg $0xFFFFFFFF;
	(pc) =	sbr.abs _section_cstart, $3  }
0xc0: {  	[dreg:$0x1] =	wrdreg $0xFFFFFFFF  }
0xc1: {  	_ =	task.clear_ibuf [dreg:s6], $0x2FFFF;
	_ =	strace $0x9FFFFFFF  }
0xc2: {  	(tm) =	ssettm $0x7FFFFFFF  }
0xc3: {  	_ =	shalt  }
tec
execute0_lowered:
.L_overlay_start_1:
0x0: {  	(tag) =	ssettag $0x1  }
0x1: {  	s0 =	rddreg [dreg:$0x0]  }
0x2: {  	s1 =	rddreg [dreg:$0x1];
	s2 =	simm.s32 $0x0;
	s3 =	stileid.u32  }
0x3: {  	s15 =	srdreg.scid;
	s28 =	simm.s32 $0x14180;
	s29 =	simm.s32 $0x5  }
0x4: {  	s30 =	simm.s32 $0x14200;
	s31 =	simm.s32 $0x6;
	s6 =	smul.u32 $0x2800, s3  }
0x5: {  	[smem:$0x7FF] =	sst s2;
	s5 =	sadd.s32 $0x2F200, s0;
	s8 =	smul.u32 $0x50000, s3  }
0x6: {  	s2 =	sand.u32 $0x1, s15;
	s4 =	sadd.s32 $0x7F200, s0;
	s11 =	smul.u32 $0x280, s3  }
0x7: {  	s9 =	sadd.s32 $0x11F200, s0;
	s17 =	sshll.u32 s3, $0x6;
	s23 =	smul.u32 $0x1400, s3  }
0x8: {  	_ =	strace $0x8000004A;
	s7 =	ssub.s32 $0x2, s2;
	s16 =	sshll.u32 s2, $0x5  }
0x9: {  	s15 =	sor.u32 $0x1C07, s17;
	s18 =	smul.u32 $0x5000, s2;
	s12 =	sshllo.u32 s2, $0x1  }
0xa: {  	s2 =	smul.u32 $0x28000, s2;
	s17 =	simm.s32 $0x14000;
	s6 =	sadd.s32 s6, s0  }
0xb: {  	s10 =	sshrl.u32 s7, $0x1;
	s8 =	sshrl.u32 s8, $0x2;
	s0 =	sadd.s32 $0x2F280, s0  }
0xc: {  	s19 =	sshll.u32 s12, $0x4;
	s12 =	smul.u32 $0x2800, s12;
	[dreg:$0x4] =	wrdreg s15  }
0xd: {  	s7 =	ssub.s32 s7, s10;
	s8 =	sadd.s32 s8, s1;
	s10 =	sor.u32 s3, s16  }
0xe: {  	s6 =	sadd.s32 $0x5800, s6;
	s25 =	sadd.s32 s2, s5;
	s2 =	simm.s32 $0x2  }
0xf: {  	[dreg:$0x3] =	wrdreg s6;
	s10 =	smul.u32 $0x1400, s10;
	s6 =	sadd.s32 s11, s18  }
0x10: {  	s21 =	sadd.s32 s11, s12;
	s26 =	smax.u32 s7, $0x1;
	s14 =	sadd.s32 s23, s25  }
0x11: {  	s16 =	sshrl.u32 s8, $0x3;
	s18 =	simm.s32 $0x1;
	s23 =	simm.s32 $0x18800  }
0x12: {  	s7 =	simm.s32 $0x14280;
	s8 =	simm.s32 $0x14380;
	s11 =	simm.s32 $0x14580  }
0x13: {  	s12 =	simm.s32 $0x14600;
	s25 =	simm.s32 $0x0;
	[dreg:$0xb] =	wrdreg s26  }
0x14: {  	s6 =	sshll.u32 s6, $0x4;
	[dreg:$0xc] =	wrdreg s16;
	s13 =	sadd.s32 s5, s10  }
0x15: {  	s26 =	simm.s32 $0x4;
	s10 =	sadd.s32 s10, s0;
	[dreg:$0x5] =	wrdreg s13  }
0x16: {  	s6 =	sadd.s32 s9, s6;
	s13 =	sor.u32 s3, s19;
	[dreg:$0x6] =	wrdreg s10  }
0x17: {  	[dreg:$0x7] =	wrdreg s6;
	s6 =	sshll.u32 s21, $0x4;
	s19 =	simm.s32 $0x14400  }
0x18: {  	s21 =	simm.s32 $0x14800;
	s10 =	simm.s32 $0x14480;
	s20 =	smul.u32 $0x1400, s13  }
.Ltmp0:
0x19: {  	s24 =	sadd.s32 s9, s6;
	s9 =	simm.s32 $0x14500;
	(pc) =	sbr.rel .LBB2_1-.Ltmp0, $4  }
0x1a: {  	s13 =	simm.s32 $0x14700;
	s6 =	simm.s32 $0x14780;
	[dreg:$0xa] =	wrdreg s24  }
0x1b: {  	s24 =	simm.s32 $0x3;
	s22 =	sadd.s32 s5, s20;
	s0 =	sadd.s32 s20, s0  }
0x1c: {  	s20 =	simm.s32 $0x80;
	s5 =	simm.s32 $0x14680;
	[dreg:$0x8] =	wrdreg s22  }
0x1d: {  	[dreg:$0x9] =	wrdreg s0;
	s22 =	simm.s32 $0x7;
	s0 =	simm.s32 $0x14300  }
.LBB2_7:
0x1e: {  	_ =	swait.ge [sflag:s31], $0x4000  }
0x1f: {  	[sflag:s31] =	ssyncset.done $0x0  }
0x20: {  	[sflag:s31] =	ssyncadd.s32 $0xFFFFC000  }
0x21: {  	[bflag:$0x0] =	sbarrier.arrive $0xFFFF  }
0x22: {  	s15 =	rddreg [dreg:$0x4]  }
0x23: {  	s3 =	rddreg [dreg:$0xa]  }
0x24: {  	s22 =	simm.s32 $0x7;
	s16 =	rddreg [dreg:$0xc]  }
0x25: {  	[hbm:s3], [sflag:s15] =	dma.local [spmem:s16], $0x2800  }
0x26: {  	_ =	swait.ge [sflag:s22], $0x2800  }
0x27: {  	s25 =	rddreg [dreg:$0xd]  }
0x28: {  	s3 =	rddreg [dreg:$0xb];
	s25 =	sadd.s32 $0x1, s25  }
0x29: {  	p0 =	sne.s32 s25, s3  }
.Ltmp1:
0x2a: {  	_ = 	snop;
	(pc) =	sbr.rel @!p0 .LBB2_8-.Ltmp1, $3  }
0x2b: {  	[sflag:s22] =	ssyncset.done $0x0  }
0x2c: {  	[sflag:s22] =	ssyncadd.s32 $0xFFFFD800  }
0x2d: {  	[bflag:$0x0] =	sbarrier.arrive $0xFFFF;
	_ =	sdelay $0x1  }
.LBB2_1:
0x2e: {  	[dreg:$0xd] =	wrdreg s25  }
0x2f: {  	s3 =	rddreg [dreg:$0x3]  }
0x30: {  	[spmem:s16], [sflag:s15] =	dma.local [hbm:s3], $0x2800  }
0x31: {  	_ =	swait.ge [sflag:s22], $0x2800  }
0x32: {  	[sflag:s22] =	ssyncset.done $0x0  }
0x33: {  	[sflag:s22] =	ssyncadd.s32 $0xFFFFD800  }
0x34: {  	[bflag:$0x0] =	sbarrier.arrive $0xFFFF  }
0x35: {  	s22 =	simm.s32 $0x0;
	s25 =	rddreg [dreg:$0x5]  }
0x36: {  	[tilespmem:s17], [sflag:$0x1] =	stream.linear.gather [hbm4b:s25+s22], $0x400, $0x38;
	[tilespmem:$0x1C800] =	vst v63  }
0x37: {  	_ =	swait.ge [sflag:s18], $0x400  }
0x38: {  	[sflag:s18] =	ssyncset.done $0x0  }
0x39: {  	s16 =	rddreg [dreg:$0x6];
	[sflag:s18] =	ssyncadd.s32 $0xFFFFFC00  }
0x3a: {  	[tilespmem:s19], [sflag:$0x2] =	stream.linear.gather [hbm4b:s16+s22], $0x400, $0x38;
	[tilespmem:$0x1C800] =	vst v63  }
0x3b: {  	_ = 	snop  }
0x3c: {  	[tilespmem:s21], [sflag:$0x3] =	stream.indirect.gather [hbm4b:s4+s20], $0x80, s17, s20, $0xb8;
	[tilespmem:$0x1C800] =	vst v63  }
0x3d: {  	s25 =	simm.s32 $0x0;
	s22 =	simm.s32 $0x14100;
	s16 =	simm.s32 $0xFFFFED00  }
0x3e: {  	[tilespmem:s23], [sflag:$0x4] =	stream.indirect.gather [hbm4b:s4+s20], $0x80, s22, s20, $0xb8;
	[tilespmem:$0x1C800] =	vst v63  }
.LBB2_2:
0x3f: {  	_ =	swait.ge [sflag:s24], $0x4000  }
0x40: {  	[sflag:s24] =	ssyncset.done $0x0  }
0x41: {  	s3 =	simm.s32 $0x14080;
	[sflag:s24] =	ssyncadd.s32 $0xFFFFC000  }
0x42: {  	[spmem:s1] =	stream.indirect.scatter.add.f32 [tilespmem:s21], [sflag:$0x5], $0x80, s3, s20, $0xb8;
	[tilespmem:$0x1C800] =	vst v63  }
0x43: {  	_ =	swait.ge [sflag:s26], $0x4000  }
0x44: {  	[sflag:s26] =	ssyncset.done $0x0  }
0x45: {  	[sflag:s26] =	ssyncadd.s32 $0xFFFFC000  }
0x46: {  	[spmem:s1] =	stream.indirect.scatter.add.f32 [tilespmem:s23], [sflag:$0x6], $0x80, s28, s20, $0xb8;
	[tilespmem:$0x1C800] =	vst v63  }
0x47: {  	_ =	swait.ge [sflag:s29], $0x4000  }
0x48: {  	[sflag:s29] =	ssyncset.done $0x0  }
0x49: {  	[sflag:s29] =	ssyncadd.s32 $0xFFFFC000  }
0x4a: {  	[tilespmem:s21], [sflag:$0x3] =	stream.indirect.gather [hbm4b:s4+s20], $0x80, s30, s20, $0xb8;
	[tilespmem:$0x1C800] =	vst v63  }
0x4b: {  	_ =	swait.ge [sflag:s31], $0x4000  }
0x4c: {  	[sflag:s31] =	ssyncset.done $0x0  }
0x4d: {  	[sflag:s31] =	ssyncadd.s32 $0xFFFFC000  }
0x4e: {  	[tilespmem:s23], [sflag:$0x4] =	stream.indirect.gather [hbm4b:s4+s20], $0x80, s0, s20, $0xb8;
	[tilespmem:$0x1C800] =	vst v63  }
0x4f: {  	_ =	swait.ge [sflag:s2], $0x400  }
0x50: {  	[sflag:s2] =	ssyncset.done $0x0  }
0x51: {  	[sflag:s2] =	ssyncadd.s32 $0xFFFFFC00  }
0x52: {  	_ =	swait.ge [sflag:s24], $0x4000  }
0x53: {  	[sflag:s24] =	ssyncset.done $0x0  }
0x54: {  	[sflag:s24] =	ssyncadd.s32 $0xFFFFC000  }
0x55: {  	[spmem:s1] =	stream.indirect.scatter.add.f32 [tilespmem:s21], [sflag:$0x5], $0x80, s7, s20, $0xb8;
	[tilespmem:$0x1C800] =	vst v63  }
0x56: {  	_ =	swait.ge [sflag:s26], $0x4000  }
0x57: {  	[sflag:s26] =	ssyncset.done $0x0  }
0x58: {  	[sflag:s26] =	ssyncadd.s32 $0xFFFFC000  }
0x59: {  	[spmem:s1] =	stream.indirect.scatter.add.f32 [tilespmem:s23], [sflag:$0x6], $0x80, s8, s20, $0xb8;
	[tilespmem:$0x1C800] =	vst v63  }
0x5a: {  	_ =	swait.ge [sflag:s29], $0x4000  }
0x5b: {  	[sflag:s29] =	ssyncset.done $0x0  }
0x5c: {  	[sflag:s29] =	ssyncadd.s32 $0xFFFFC000  }
0x5d: {  	[tilespmem:s21], [sflag:$0x3] =	stream.indirect.gather [hbm4b:s4+s20], $0x80, s19, s20, $0xb8;
	[tilespmem:$0x1C800] =	vst v63  }
0x5e: {  	_ =	swait.ge [sflag:s31], $0x4000  }
0x5f: {  	p0 =	seq.s32 s16, $0x0;
	[sflag:s31] =	ssyncset.done $0x0  }
0x60: {  	s15 =	sadd.s32 @!p0 s16, s14;
	[sflag:s31] =	ssyncadd.s32 $0xFFFFC000  }
0x61: {  	[tilespmem:s23], [sflag:$0x4] =	stream.indirect.gather [hbm4b:s4+s20], $0x80, s9, s20, $0xb8;
	[tilespmem:$0x1C800] =	vst v63  }
0x62: {  	s22 =	simm.s32 @!p0 $0x14000;
	s15 =	sadd.s32 @!p0 $0x1400, s15;
	s3 =	simm.s32 @!p0 $0x0  }
0x63: {  	[tilespmem:s22], [sflag:$0x1] =	stream.linear.gather @!p0 [hbm4b:s15+s3], $0x400, $0x38;
	[tilespmem:$0x1C800] =	vst v63  }
0x64: {  	_ =	swait.ge [sflag:s24], $0x4000  }
0x65: {  	[sflag:s24] =	ssyncset.done $0x0  }
0x66: {  	[sflag:s24] =	ssyncadd.s32 $0xFFFFC000  }
0x67: {  	[spmem:s1] =	stream.indirect.scatter.add.f32 [tilespmem:s21], [sflag:$0x5], $0x80, s10, s20, $0xb8;
	[tilespmem:$0x1C800] =	vst v63  }
0x68: {  	_ =	swait.ge [sflag:s26], $0x4000  }
0x69: {  	[sflag:s26] =	ssyncset.done $0x0  }
0x6a: {  	[sflag:s26] =	ssyncadd.s32 $0xFFFFC000  }
0x6b: {  	[spmem:s1] =	stream.indirect.scatter.add.f32 [tilespmem:s23], [sflag:$0x6], $0x80, s11, s20, $0xb8;
	[tilespmem:$0x1C800] =	vst v63  }
0x6c: {  	_ =	swait.ge [sflag:s29], $0x4000  }
0x6d: {  	[sflag:s29] =	ssyncset.done $0x0  }
0x6e: {  	[sflag:s29] =	ssyncadd.s32 $0xFFFFC000  }
0x6f: {  	[tilespmem:s21], [sflag:$0x3] =	stream.indirect.gather [hbm4b:s4+s20], $0x80, s12, s20, $0xb8;
	[tilespmem:$0x1C800] =	vst v63  }
0x70: {  	_ =	swait.ge [sflag:s31], $0x4000  }
0x71: {  	[sflag:s31] =	ssyncset.done $0x0  }
0x72: {  	[sflag:s31] =	ssyncadd.s32 $0xFFFFC000  }
0x73: {  	[tilespmem:s23], [sflag:$0x4] =	stream.indirect.gather [hbm4b:s4+s20], $0x80, s13, s20, $0xb8;
	[tilespmem:$0x1C800] =	vst v63  }
0x74: {  	_ =	swait.ge [sflag:s24], $0x4000  }
0x75: {  	[sflag:s24] =	ssyncset.done $0x0  }
0x76: {  	[sflag:s24] =	ssyncadd.s32 $0xFFFFC000  }
0x77: {  	[spmem:s1] =	stream.indirect.scatter.add.f32 [tilespmem:s21], [sflag:$0x5], $0x80, s5, s20, $0xb8;
	[tilespmem:$0x1C800] =	vst v63  }
0x78: {  	_ =	swait.ge [sflag:s26], $0x4000  }
0x79: {  	[sflag:s26] =	ssyncset.done $0x0  }
.Ltmp2:
0x7a: {  	[sflag:s26] =	ssyncadd.s32 $0xFFFFC000;
	(pc) =	sbr.rel @p0 .LBB2_4-.Ltmp2, $4  }
0x7b: {  	[spmem:s1] =	stream.indirect.scatter.add.f32 [tilespmem:s23], [sflag:$0x6], $0x80, s6, s20, $0xb8;
	[tilespmem:$0x1C800] =	vst v63  }
0x7c: {  	_ =	swait.ge [sflag:s29], $0x4000  }
0x7d: {  	[sflag:s29] =	ssyncset.done $0x0  }
0x7e: {  	[sflag:s29] =	ssyncadd.s32 $0xFFFFC000  }
0x7f: {  	_ =	swait.ge [sflag:s18], $0x400  }
0x80: {  	[sflag:s18] =	ssyncset.done $0x0  }
0x81: {  	[sflag:s18] =	ssyncadd.s32 $0xFFFFFC00  }
0x82: {  	[tilespmem:s21], [sflag:$0x3] =	stream.indirect.gather [hbm4b:s4+s20], $0x80, s17, s20, $0xb8;
	[tilespmem:$0x1C800] =	vst v63  }
0x83: {  	_ =	swait.ge [sflag:s31], $0x4000  }
.Ltmp3:
0x84: {  	[sflag:s31] =	ssyncset.done $0x0;
	(pc) =	sbr.rel .LBB2_2-.Ltmp3, $4  }
0x85: {  	s3 =	simm.s32 $0x14100;
	s22 =	sadd.s32 s16, s14;
	[sflag:s31] =	ssyncadd.s32 $0xFFFFC000  }
0x86: {  	[tilespmem:s23], [sflag:$0x4] =	stream.indirect.gather [hbm4b:s4+s20], $0x80, s3, s20, $0xb8;
	[tilespmem:$0x1C800] =	vst v63  }
0x87: {  	s16 =	sadd.s32 $0x100, s16;
	s3 =	sadd.s32 $0x1480, s22  }
0x88: {  	[tilespmem:s19], [sflag:$0x2] =	stream.linear.gather [hbm4b:s3+s25], $0x400, $0x38;
	[tilespmem:$0x1C800] =	vst v63  }
.LBB2_4:
0x89: {  	_ =	swait.ge [sflag:s31], $0x4000  }
0x8a: {  	[sflag:s31] =	ssyncset.done $0x0  }
0x8b: {  	[sflag:s31] =	ssyncadd.s32 $0xFFFFC000  }
0x8c: {  	[bflag:$0x0] =	sbarrier.arrive $0xFFFF  }
0x8d: {  	s15 =	rddreg [dreg:$0x4]  }
0x8e: {  	s3 =	rddreg [dreg:$0x7]  }
0x8f: {  	s22 =	simm.s32 $0x7;
	s16 =	rddreg [dreg:$0xc]  }
0x90: {  	[hbm:s3], [sflag:s15] =	dma.local [spmem:s16], $0x2800  }
0x91: {  	_ =	swait.ge [sflag:s22], $0x2800  }
0x92: {  	[sflag:s22] =	ssyncset.done $0x0  }
0x93: {  	[sflag:s22] =	ssyncadd.s32 $0xFFFFD800  }
0x94: {  	[bflag:$0x0] =	sbarrier.arrive $0xFFFF  }
0x95: {  	s25 =	rddreg [dreg:$0x3]  }
0x96: {  	[spmem:s16], [sflag:s15] =	dma.local [hbm:s25], $0x2800  }
0x97: {  	_ =	swait.ge [sflag:s22], $0x2800  }
0x98: {  	[sflag:s22] =	ssyncset.done $0x0  }
0x99: {  	[sflag:s22] =	ssyncadd.s32 $0xFFFFD800  }
0x9a: {  	[bflag:$0x0] =	sbarrier.arrive $0xFFFF  }
0x9b: {  	s22 =	simm.s32 $0x0;
	s25 =	rddreg [dreg:$0x8]  }
0x9c: {  	[tilespmem:s17], [sflag:$0x1] =	stream.linear.gather [hbm4b:s25+s22], $0x400, $0x38;
	[tilespmem:$0x1C800] =	vst v63  }
0x9d: {  	_ =	swait.ge [sflag:s18], $0x400  }
0x9e: {  	[sflag:s18] =	ssyncset.done $0x0  }
0x9f: {  	s16 =	rddreg [dreg:$0x9];
	[sflag:s18] =	ssyncadd.s32 $0xFFFFFC00  }
0xa0: {  	[tilespmem:s19], [sflag:$0x2] =	stream.linear.gather [hbm4b:s16+s22], $0x400, $0x38;
	[tilespmem:$0x1C800] =	vst v63  }
0xa1: {  	_ = 	snop  }
0xa2: {  	[tilespmem:s21], [sflag:$0x3] =	stream.indirect.gather [hbm4b:s4+s20], $0x80, s17, s20, $0xb8;
	[tilespmem:$0x1C800] =	vst v63  }
0xa3: {  	s25 =	simm.s32 $0x0;
	s22 =	simm.s32 $0x14100;
	s16 =	simm.s32 $0xFFFFED00  }
0xa4: {  	[tilespmem:s23], [sflag:$0x4] =	stream.indirect.gather [hbm4b:s4+s20], $0x80, s22, s20, $0xb8;
	[tilespmem:$0x1C800] =	vst v63  }
.LBB2_5:
0xa5: {  	_ =	swait.ge [sflag:s24], $0x4000  }
0xa6: {  	[sflag:s24] =	ssyncset.done $0x0  }
0xa7: {  	s3 =	simm.s32 $0x14080;
	[sflag:s24] =	ssyncadd.s32 $0xFFFFC000  }
0xa8: {  	[spmem:s1] =	stream.indirect.scatter.add.f32 [tilespmem:s21], [sflag:$0x5], $0x80, s3, s20, $0xb8;
	[tilespmem:$0x1C800] =	vst v63  }
0xa9: {  	_ =	swait.ge [sflag:s26], $0x4000  }
0xaa: {  	[sflag:s26] =	ssyncset.done $0x0  }
0xab: {  	[sflag:s26] =	ssyncadd.s32 $0xFFFFC000  }
0xac: {  	[spmem:s1] =	stream.indirect.scatter.add.f32 [tilespmem:s23], [sflag:$0x6], $0x80, s28, s20, $0xb8;
	[tilespmem:$0x1C800] =	vst v63  }
0xad: {  	_ =	swait.ge [sflag:s29], $0x4000  }
0xae: {  	[sflag:s29] =	ssyncset.done $0x0  }
0xaf: {  	[sflag:s29] =	ssyncadd.s32 $0xFFFFC000  }
0xb0: {  	[tilespmem:s21], [sflag:$0x3] =	stream.indirect.gather [hbm4b:s4+s20], $0x80, s30, s20, $0xb8;
	[tilespmem:$0x1C800] =	vst v63  }
0xb1: {  	_ =	swait.ge [sflag:s31], $0x4000  }
0xb2: {  	[sflag:s31] =	ssyncset.done $0x0  }
0xb3: {  	[sflag:s31] =	ssyncadd.s32 $0xFFFFC000  }
0xb4: {  	[tilespmem:s23], [sflag:$0x4] =	stream.indirect.gather [hbm4b:s4+s20], $0x80, s0, s20, $0xb8;
	[tilespmem:$0x1C800] =	vst v63  }
0xb5: {  	_ =	swait.ge [sflag:s2], $0x400  }
0xb6: {  	[sflag:s2] =	ssyncset.done $0x0  }
0xb7: {  	[sflag:s2] =	ssyncadd.s32 $0xFFFFFC00  }
0xb8: {  	_ =	swait.ge [sflag:s24], $0x4000  }
0xb9: {  	[sflag:s24] =	ssyncset.done $0x0  }
0xba: {  	[sflag:s24] =	ssyncadd.s32 $0xFFFFC000  }
0xbb: {  	[spmem:s1] =	stream.indirect.scatter.add.f32 [tilespmem:s21], [sflag:$0x5], $0x80, s7, s20, $0xb8;
	[tilespmem:$0x1C800] =	vst v63  }
0xbc: {  	_ =	swait.ge [sflag:s26], $0x4000  }
0xbd: {  	[sflag:s26] =	ssyncset.done $0x0  }
0xbe: {  	[sflag:s26] =	ssyncadd.s32 $0xFFFFC000  }
0xbf: {  	[spmem:s1] =	stream.indirect.scatter.add.f32 [tilespmem:s23], [sflag:$0x6], $0x80, s8, s20, $0xb8;
	[tilespmem:$0x1C800] =	vst v63  }
0xc0: {  	_ =	swait.ge [sflag:s29], $0x4000  }
0xc1: {  	[sflag:s29] =	ssyncset.done $0x0  }
0xc2: {  	[sflag:s29] =	ssyncadd.s32 $0xFFFFC000  }
0xc3: {  	[tilespmem:s21], [sflag:$0x3] =	stream.indirect.gather [hbm4b:s4+s20], $0x80, s19, s20, $0xb8;
	[tilespmem:$0x1C800] =	vst v63  }
0xc4: {  	_ =	swait.ge [sflag:s31], $0x4000  }
0xc5: {  	p0 =	seq.s32 s16, $0x0;
	[sflag:s31] =	ssyncset.done $0x0  }
0xc6: {  	s3 =	sadd.s32 @!p0 s16, s14;
	[sflag:s31] =	ssyncadd.s32 $0xFFFFC000  }
0xc7: {  	[tilespmem:s23], [sflag:$0x4] =	stream.indirect.gather [hbm4b:s4+s20], $0x80, s9, s20, $0xb8;
	[tilespmem:$0x1C800] =	vst v63  }
0xc8: {  	s15 =	simm.s32 @!p0 $0x0;
	s22 =	simm.s32 @!p0 $0x14000;
	s3 =	sadd.s32 @!p0 $0x15400, s3  }
0xc9: {  	[tilespmem:s22], [sflag:$0x1] =	stream.linear.gather @!p0 [hbm4b:s3+s15], $0x400, $0x38;
	[tilespmem:$0x1C800] =	vst v63  }
0xca: {  	_ =	swait.ge [sflag:s24], $0x4000  }
0xcb: {  	[sflag:s24] =	ssyncset.done $0x0  }
0xcc: {  	[sflag:s24] =	ssyncadd.s32 $0xFFFFC000  }
0xcd: {  	[spmem:s1] =	stream.indirect.scatter.add.f32 [tilespmem:s21], [sflag:$0x5], $0x80, s10, s20, $0xb8;
	[tilespmem:$0x1C800] =	vst v63  }
0xce: {  	_ =	swait.ge [sflag:s26], $0x4000  }
0xcf: {  	[sflag:s26] =	ssyncset.done $0x0  }
0xd0: {  	[sflag:s26] =	ssyncadd.s32 $0xFFFFC000  }
0xd1: {  	[spmem:s1] =	stream.indirect.scatter.add.f32 [tilespmem:s23], [sflag:$0x6], $0x80, s11, s20, $0xb8;
	[tilespmem:$0x1C800] =	vst v63  }
0xd2: {  	_ =	swait.ge [sflag:s29], $0x4000  }
0xd3: {  	[sflag:s29] =	ssyncset.done $0x0  }
0xd4: {  	[sflag:s29] =	ssyncadd.s32 $0xFFFFC000  }
0xd5: {  	[tilespmem:s21], [sflag:$0x3] =	stream.indirect.gather [hbm4b:s4+s20], $0x80, s12, s20, $0xb8;
	[tilespmem:$0x1C800] =	vst v63  }
0xd6: {  	_ =	swait.ge [sflag:s31], $0x4000  }
0xd7: {  	[sflag:s31] =	ssyncset.done $0x0  }
0xd8: {  	[sflag:s31] =	ssyncadd.s32 $0xFFFFC000  }
0xd9: {  	[tilespmem:s23], [sflag:$0x4] =	stream.indirect.gather [hbm4b:s4+s20], $0x80, s13, s20, $0xb8;
	[tilespmem:$0x1C800] =	vst v63  }
0xda: {  	_ =	swait.ge [sflag:s24], $0x4000  }
0xdb: {  	[sflag:s24] =	ssyncset.done $0x0  }
0xdc: {  	[sflag:s24] =	ssyncadd.s32 $0xFFFFC000  }
0xdd: {  	[spmem:s1] =	stream.indirect.scatter.add.f32 [tilespmem:s21], [sflag:$0x5], $0x80, s5, s20, $0xb8;
	[tilespmem:$0x1C800] =	vst v63  }
0xde: {  	_ =	swait.ge [sflag:s26], $0x4000  }
0xdf: {  	[sflag:s26] =	ssyncset.done $0x0  }
.Ltmp4:
0xe0: {  	[sflag:s26] =	ssyncadd.s32 $0xFFFFC000;
	(pc) =	sbr.rel @p0 .LBB2_7-.Ltmp4, $4  }
0xe1: {  	[spmem:s1] =	stream.indirect.scatter.add.f32 [tilespmem:s23], [sflag:$0x6], $0x80, s6, s20, $0xb8;
	[tilespmem:$0x1C800] =	vst v63  }
0xe2: {  	_ =	swait.ge [sflag:s29], $0x4000  }
0xe3: {  	[sflag:s29] =	ssyncset.done $0x0  }
0xe4: {  	[sflag:s29] =	ssyncadd.s32 $0xFFFFC000  }
0xe5: {  	_ =	swait.ge [sflag:s18], $0x400  }
0xe6: {  	[sflag:s18] =	ssyncset.done $0x0  }
0xe7: {  	[sflag:s18] =	ssyncadd.s32 $0xFFFFFC00  }
0xe8: {  	[tilespmem:s21], [sflag:$0x3] =	stream.indirect.gather [hbm4b:s4+s20], $0x80, s17, s20, $0xb8;
	[tilespmem:$0x1C800] =	vst v63  }
0xe9: {  	_ =	swait.ge [sflag:s31], $0x4000  }
.Ltmp5:
0xea: {  	[sflag:s31] =	ssyncset.done $0x0;
	(pc) =	sbr.rel .LBB2_5-.Ltmp5, $4  }
0xeb: {  	s3 =	simm.s32 $0x14100;
	s22 =	sadd.s32 s16, s14;
	[sflag:s31] =	ssyncadd.s32 $0xFFFFC000  }
0xec: {  	[tilespmem:s23], [sflag:$0x4] =	stream.indirect.gather [hbm4b:s4+s20], $0x80, s3, s20, $0xb8;
	[tilespmem:$0x1C800] =	vst v63  }
0xed: {  	s16 =	sadd.s32 $0x100, s16;
	s3 =	sadd.s32 $0x15480, s22  }
0xee: {  	[tilespmem:s19], [sflag:$0x2] =	stream.linear.gather [hbm4b:s3+s25], $0x400, $0x38;
	[tilespmem:$0x1C800] =	vst v63  }
.LBB2_8:
0xef: {  	_ =	sfence.sel $0x180000  }
0xf0: {  	[bflag:$0x0] =	sbarrier.arrive $0xFFFF  }
0xf1: {  	_ =	strace $0x9000004A  }
0xf2: {  	s0 =	stileid.u32;
	[bflag:$0x2] =	sbarrier.arrive $0xFFFF  }
0xf3: {  	p0 =	sne.s32 s0, $0x0;
	s0 =	rddreg [dreg:$0x2]  }
0xf4: {  	s0 =	sadd.s32 @!p0 $0x100000, s0  }
0xf5: {  	[sflag:s0] =	ssyncadd.tile.s32 @!p0 $0x1;
	_ =	shalt  }
.Lfunc_end2:
_tile_overlayer_lowered:
.L_overlay_start_2:
0xf6: {  	(tag) =	ssettag $0x2  }
0xf7: {  	s0 =	rddreg [dreg:$0x0];
	s2 =	stileid.u32  }
0xf8: {  	s1 =	rddreg [dreg:$0x1];
	p0 =	sne.s32 s2, $0x0  }
0xf9: {  	s3 =	rddreg [dreg:$0x2];
	[bflag:$0x3] =	sbarrier.arrive $0xFFFF;
	s2 =	simm.s32 @!p0 $0x1C07  }
0xfa: {  	[timem:s3], [sflag:s2] =	dma.local @!p0 [hbm:s0], s1  }
0xfb: {  	s0 =	simm.s32 @!p0 $0x7  }
0xfc: {  	_ =	swait.ge @!p0 [sflag:s0], s1  }
0xfd: {  	s1 =	ssub.s32 @!p0 $0x0, s1;
	[sflag:s0] =	ssyncset.done @!p0 $0x0  }
0xfe: {  	[sflag:s0] =	ssyncadd.s32 @!p0 s1  }
0xff: {  	[bflag:$0x3] =	sbarrier.arrive $0xFFFF  }
0x100: {  	_ =	shalt  }

// kernel: kernel.17.cloned.1.call-start
scs
__scs_entry_jumppad:
0x0: {  	(pc) =	sbr.rel $0x88, $3  }
0x1: {  	(tag) =	ssettag $0x0;
	lr =	simm.s32 $0x1  }
0x2: {  	[smem:$0x3F8D] =	sst lr;
	_ =	strace $0xD0000000  }
0x3: {  	_ = 	snop  }
0x4: {  	_ = 	snop  }
0x5: {  	_ = 	snop  }
0x6: {  	_ = 	snop  }
0x7: {  	_ = 	snop  }
__scs_overlays_trampoline_lowered:
0x8: {  	[smem:$0x3F9C] =	sst s0  }
0x9: {  	[smem:$0x3F9D] =	sst s1  }
0xa: {  	[smem:$0x3F9E] =	sst s2  }
0xb: {  	[smem:$0x3F9F] =	sst s3  }
0xc: {  	[smem:$0x3FA0] =	sst s4  }
0xd: {  	[smem:$0x3FA1] =	sst s5  }
0xe: {  	[smem:$0x3FA2] =	sst s6  }
0xf: {  	[smem:$0x3FA3] =	sst s7  }
0x10: {  	[smem:$0x3FA4] =	sst s8  }
0x11: {  	[smem:$0x3FA5] =	sst s9;
	s0 =	simm.s32 @!p0 $0x0  }
0x12: {  	s1 =	sld [smem:$0x3F8B];
	s0 =	simm.s32 @p0 $0x1  }
0x13: {  	[smem:$0x3FA6] =	sst s0;
	s0 =	simm.s32 @!p1 $0x0  }
0x14: {  	s2 =	sld [smem:$0x3F8A];
	s0 =	simm.s32 @p1 $0x1  }
0x15: {  	[smem:$0x3FA7] =	sst s0;
	s0 =	simm.s32 @!p2 $0x0  }
0x16: {  	s3 =	sld [smem:$0x3FDB];
	s0 =	simm.s32 @p2 $0x1  }
0x17: {  	s4 =	simm.s32 $0x1BF5;
	[smem:$0x3FA9] =	sst s0  }
0x18: {  	s0 =	sld [smem:$0x3F8C];
	_ =	swait.ge [sflag:s4], $0x0  }
0x19: {  	s7 =	sld [smem:$0x3F8D]  }
0x1a: {  	s8 =	sadd.s32 $0xFFFFE003, lr  }
0x1b: {  	s9 =	sadd.s32 $0xFFFFFEF7, lr;
	s5 =	simm.s32 $0xFFFFFFFF;
	p2 =	slt.u32 s8, $0xFFFFF086  }
0x1c: {  	p1 =	slt.u32 s9, $0xF7A;
	s5 =	simm.s32 @!p2 $0x0  }
0x1d: {  	s5 =	simm.s32 @p1 $0x1;
	p0 =	seq.s32 s7, s2  }
0x1e: {  	s7 =	smul.u32 @!p0 $0xF7A, s2;
	p2 =	seq.s32 @!p0 s5, $0x0  }
0x1f: {  	s9 =	smul.u32 $0xF7A, s1;
	s8 =	simm.s32 @!p0 $0x1BF5;
	p2 =	por !p2, p0  }
0x20: {  	[sflag:s8] =	ssyncset.s32 @!p0 $0xFFFFF086;
	s6 =	sadd.s32 @!p0 s3, s7;
	s7 =	simm.s32 @!p0 $0x108  }
0x21: {  	s3 =	sadd.s32 s3, s9;
	s6 =	sadd.s32 @!p0 $0x88, s6;
	s7 =	simm.s32 @p2 $0x1082  }
0x22: {  	[simem:s7], [sflag:s8] =	dma.local @!p0 [hbm:s6], $0xF7A  }
0x23: {  	s9 =	sor.u32 $0xD0000000, s2;
	s6 =	simm.s32 $0x108;
	_ =	swait.ge @!p0 [sflag:s8], $0x0  }
0x24: {  	s3 =	sadd.s32 $0x88, s3;
	s6 =	simm.s32 @!p1 $0x1082;
	[sflag:s4] =	ssyncset.s32 $0xFFFFF086  }
0x25: {  	[simem:s6], [sflag:s4] =	dma.local [hbm:s3], $0xF7A  }
0x26: {  	[smem:$0x3F8D] =	sst s1;
	(tag) =	ssettag s2;
	_ =	strace s9  }
0x27: {  	s1 =	sld [smem:$0x3F9D]  }
0x28: {  	s2 =	sld [smem:$0x3F9E]  }
0x29: {  	s4 =	sld [smem:$0x3FA0]  }
0x2a: {  	p0 =	seq.s32 s5, $0x0;
	s5 =	sld [smem:$0x3FA1]  }
0x2b: {  	s6 =	sld [smem:$0x3FA2]  }
0x2c: {  	s7 =	sld [smem:$0x3FA3]  }
0x2d: {  	s3 =	simm.s32 $0x108;
	s8 =	sld [smem:$0x3FA4]  }
0x2e: {  	s3 =	simm.s32 @!p0 $0x1082;
	s9 =	sld [smem:$0x3FA5]  }
0x2f: {  	lr =	sadd.s32 s0, s3;
	s0 =	sld [smem:$0x3F9C]  }
0x30: {  	s3 =	sld [smem:$0x3F9F]  }
0x31: {  	[smem:$0x3FA8] =	sst s10  }
0x32: {  	s10 =	sld [smem:$0x3FA6];
	_ =	sdelay $0x3  }
0x33: {  	p0 =	seq.s32 s10, $0x1;
	s10 =	sld [smem:$0x3FA8];
	_ =	sdelay $0x3  }
0x34: {  	[smem:$0x3FA8] =	sst s10  }
0x35: {  	s10 =	sld [smem:$0x3FA7];
	_ =	sdelay $0x3  }
0x36: {  	p1 =	seq.s32 s10, $0x1;
	s10 =	sld [smem:$0x3FA8];
	_ =	sdelay $0x3  }
0x37: {  	[smem:$0x3FA8] =	sst s10  }
0x38: {  	s10 =	sld [smem:$0x3FA9]  }
0x39: {  	_ = 	snop;
	(pc) =	sbr.ind lr, $3  }
0x3a: {  	_ = 	snop  }
0x3b: {  	_ = 	snop  }
0x3c: {  	p2 =	seq.s32 s10, $0x1;
	s10 =	sld [smem:$0x3FA8]  }
0x3d: {  	_ =	shalt  }
0x3e: {  	_ =	shalt  }
0x3f: {  	_ =	shalt  }
0x40: {  	_ =	shalt  }
0x41: {  	_ =	shalt  }
0x42: {  	_ =	shalt  }
0x43: {  	_ =	shalt  }
0x44: {  	_ =	shalt  }
0x45: {  	_ =	shalt  }
0x46: {  	_ =	shalt  }
0x47: {  	_ =	shalt  }
0x48: {  	_ =	shalt  }
0x49: {  	_ =	shalt  }
0x4a: {  	_ =	shalt  }
0x4b: {  	_ =	shalt  }
0x4c: {  	_ =	shalt  }
0x4d: {  	_ =	shalt  }
0x4e: {  	_ =	shalt  }
0x4f: {  	_ =	shalt  }
0x50: {  	_ =	shalt  }
0x51: {  	_ =	shalt  }
0x52: {  	_ =	shalt  }
0x53: {  	_ =	shalt  }
0x54: {  	_ =	shalt  }
0x55: {  	_ =	shalt  }
0x56: {  	_ =	shalt  }
0x57: {  	_ =	shalt  }
0x58: {  	_ =	shalt  }
0x59: {  	_ =	shalt  }
0x5a: {  	_ =	shalt  }
0x5b: {  	_ =	shalt  }
0x5c: {  	_ =	shalt  }
0x5d: {  	_ =	shalt  }
0x5e: {  	_ =	shalt  }
0x5f: {  	_ =	shalt  }
0x60: {  	_ =	shalt  }
0x61: {  	_ =	shalt  }
0x62: {  	_ =	shalt  }
0x63: {  	_ =	shalt  }
0x64: {  	_ =	shalt  }
0x65: {  	_ =	shalt  }
0x66: {  	_ =	shalt  }
0x67: {  	_ =	shalt  }
0x68: {  	_ =	shalt  }
0x69: {  	_ =	shalt  }
0x6a: {  	_ =	shalt  }
0x6b: {  	_ =	shalt  }
0x6c: {  	_ =	shalt  }
0x6d: {  	_ =	shalt  }
0x6e: {  	_ =	shalt  }
0x6f: {  	_ =	shalt  }
0x70: {  	_ =	shalt  }
0x71: {  	_ =	shalt  }
0x72: {  	_ =	shalt  }
0x73: {  	_ =	shalt  }
0x74: {  	_ =	shalt  }
0x75: {  	_ =	shalt  }
0x76: {  	_ =	shalt  }
0x77: {  	_ =	shalt  }
0x78: {  	_ =	shalt  }
0x79: {  	_ =	shalt  }
0x7a: {  	_ =	shalt  }
0x7b: {  	_ =	shalt  }
0x7c: {  	_ =	shalt  }
0x7d: {  	_ =	shalt  }
0x7e: {  	_ =	shalt  }
0x7f: {  	_ =	shalt  }
0x80: {  	_ =	shalt  }
0x81: {  	_ =	shalt  }
0x82: {  	_ =	shalt  }
0x83: {  	_ =	shalt  }
0x84: {  	_ =	shalt  }
0x85: {  	_ =	shalt  }
0x86: {  	_ =	shalt  }
0x87: {  	_ =	shalt  }
.Lfunc_end0:
.L_simem_size_0:
called_computation.2_lowered:
.L_overlay_start_0:
0x88: {  	s2 =	sld [smem:$0x3FD9]  }
0x89: {  	s3 =	sld [smem:$0x3FFE];
	_ =	sdelay $0x1  }
0x8a: {  	s1 =	srdreg.scid  }
0x8b: {  	s0 =	sand.u32 $0x1, s1  }
0x8c: {  	s16 =	sshll.u32 s0, $0xA;
	s2 =	sadd.s32 s3, s2  }
0x8d: {  	s2 =	sadd.s32 s2, s16  }
0x8e: {  	[smem:$0x3FB4] =	sst s2  }
0x8f: {  	_ = 	snop  }
0x90: {  	(tm) =	ssettm $0x1  }
0x91: {  	s17 =	sld [smem:$0x3FFB];
	_ =	sdelay $0x3  }
0x92: {  	_ =	strace s17  }
0x93: {  	s2 =	sld [smem:$0x3FFC];
	_ =	sdelay $0x3  }
0x94: {  	_ =	strace s2  }
0x95: {  	s2 =	sld [smem:$0x3FFD];
	_ =	sdelay $0x3  }
0x96: {  	_ =	strace s2  }
0x97: {  	_ =	strace $0x8FFFFFFF  }
0x98: {  	s18 =	sld [smem:$0x3FDB];
	_ =	sdelay $0x1  }
0x99: {  	s19 =	simm.s32 $_scs_section_size  }
0x9a: {  	s4 =	simm.s32 $_size__tile_overlayer_lowered;
	s5 =	simm.s32 $_tile_overlayer_lowered  }
0x9b: {  	s22 =	simm.s32 $0x1BFF;
	s21 =	sshll.u32 s5, $0x1;
	s2 =	sadd.s32 s19, s18  }
0x9c: {  	s6 =	simm.s32 $0x0;
	s20 =	sshll.u32 s4, $0x1;
	s4 =	sadd.s32 s21, s2  }
0x9d: {  	[timem:s6], [sflag:s22] =	dma.local [hbm:s4], s20  }
0x9e: {  	_ =	swait.ge [sflag:s22], s20  }
0x9f: {  	s3 =	ssub.s32 $0x0, s20;
	[sflag:s22] =	ssyncset.done $0x0  }
0xa0: {  	[sflag:s22] =	ssyncadd.s32 s3;
	_ =	sdelay $0x1  }
0xa1: {  	s23 =	simm.s32 $0x1B8B  }
0xa2: {  	_ =	swait.ge [sflag:s23], $0x1  }
0xa3: {  	[sflag:s23] =	ssyncset.done $0x0  }
0xa4: {  	s25 =	simm.s32 $0x1B8E;
	s24 =	sld [smem:$0x3FFE];
	[sflag:s23] =	ssyncadd.s32 $0xFFFFFFFF  }
0xa5: {  	s26 =	simm.s32 $execute0_lowered;
	[smem:$0x3FD2] =	sst s25  }
0xa6: {  	s4 =	sshll.u32 s26, $0x1;
	_ =	strace $0x8000004C;
	[dreg:$0x1] =	wrdreg $0xFFFFFFFF  }
0xa7: {  	s28 =	simm.s32 $_size_execute0_lowered;
	s2 =	sadd.s32 s2, s4;
	[dreg:$0x0] =	wrdreg $0x0  }
0xa8: {  	s4 =	sshll.u32 s28, $0x1;
	[dreg:$0x2] =	wrdreg s2  }
0xa9: {  	[dreg:$0x3] =	wrdreg s4  }
0xaa: {  	[dreg:$0x4] =	wrdreg $0xC0  }
0xab: {  	_ =	task [dreg:s6], $0x5FFFF  }
0xac: {  	[dreg:$0x1] =	wrdreg $0xFFFFFFFF  }
0xad: {  	[dreg:$0x0] =	wrdreg $0x60  }
0xae: {  	[dreg:$0x2] =	wrdreg s24  }
0xaf: {  	[dreg:$0x3] =	wrdreg $0x0  }
0xb0: {  	[dreg:$0x4] =	wrdreg $0x9  }
0xb1: {  	_ =	task.clear_ibuf [dreg:s6], $0x5FFFF;
	_ =	strace $0x9000004C  }
0xb2: {  	s29 =	simm.s32 $0x9;
	_ =	strace $0x8000004E  }
0xb3: {  	_ =	swait.ge [sflag:s29], $0x1  }
0xb4: {  	[sflag:s29] =	ssyncadd.s32 $0xFFFFFFFF  }
0xb5: {  	_ =	strace $0x9000004E  }
0xb6: {  	_ =	sfence  }
0xb7: {  	s30 =	sld [smem:$0x0];
	_ =	sdelay $0x2  }
0xb8: {  	s31 =	sshll.u32 s1, $0xD;
	s1 =	sshrl.u32 s1, $0x2  }
0xb9: {  	s3 =	sand.u32 $0x4000, s31;
	s1 =	sadd.s32 s1, s30  }
0xba: {  	s0 =	sor.u32 s3, s0;
	s1 =	sshll.u32 s1, $0x11  }
0xbb: {  	s0 =	sor.u32 s1, s0  }
0xbc: {  	s0 =	sadd.s32 $0x8F2B, s0  }
0xbd: {  	[sflag:s0] =	ssyncadd.remote.s32 $0x1  }
0xbe: {  	_ =	sfence.sel $0xFFFF  }
0xbf: {  	[dreg:$0x0] =	wrdreg $0xFFFFFFFF;
	(pc) =	sbr.abs _section_cstart, $3  }
0xc0: {  	[dreg:$0x1] =	wrdreg $0xFFFFFFFF  }
0xc1: {  	_ =	task.clear_ibuf [dreg:s6], $0x2FFFF;
	_ =	strace $0x9FFFFFFF  }
0xc2: {  	(tm) =	ssettm $0x7FFFFFFF  }
0xc3: {  	_ =	shalt  }
tec
execute0_lowered:
.L_overlay_start_1:
0x0: {  	(tag) =	ssettag $0x1  }
0x1: {  	s0 =	rddreg [dreg:$0x0]  }
0x2: {  	s1 =	rddreg [dreg:$0x1];
	s2 =	simm.s32 $0x0;
	s3 =	stileid.u32  }
0x3: {  	s15 =	srdreg.scid;
	s28 =	simm.s32 $0x14180;
	s29 =	simm.s32 $0x5  }
0x4: {  	s30 =	simm.s32 $0x14200;
	s31 =	simm.s32 $0x6;
	s6 =	smul.u32 $0x2800, s3  }
0x5: {  	[smem:$0x7FF] =	sst s2;
	s5 =	sadd.s32 $0x2F200, s0;
	s8 =	smul.u32 $0x50000, s3  }
0x6: {  	s2 =	sand.u32 $0x1, s15;
	s4 =	sadd.s32 $0x7F200, s0;
	s11 =	smul.u32 $0x280, s3  }
0x7: {  	s9 =	sadd.s32 $0x1BF200, s0;
	s17 =	sshll.u32 s3, $0x6;
	s23 =	smul.u32 $0x1400, s3  }
0x8: {  	_ =	strace $0x8000004D;
	s7 =	ssub.s32 $0x2, s2;
	s16 =	sshll.u32 s2, $0x5  }
0x9: {  	s15 =	sor.u32 $0x1C07, s17;
	s18 =	smul.u32 $0x5000, s2;
	s12 =	sshllo.u32 s2, $0x1  }
0xa: {  	s2 =	smul.u32 $0x28000, s2;
	s17 =	simm.s32 $0x14000;
	s6 =	sadd.s32 s6, s0  }
0xb: {  	s10 =	sshrl.u32 s7, $0x1;
	s8 =	sshrl.u32 s8, $0x2;
	s0 =	sadd.s32 $0x2F280, s0  }
0xc: {  	s19 =	sshll.u32 s12, $0x4;
	s12 =	smul.u32 $0x2800, s12;
	[dreg:$0x4] =	wrdreg s15  }
0xd: {  	s7 =	ssub.s32 s7, s10;
	s8 =	sadd.s32 s8, s1;
	s10 =	sor.u32 s3, s16  }
0xe: {  	s6 =	sadd.s32 $0x5800, s6;
	s25 =	sadd.s32 s2, s5;
	s2 =	simm.s32 $0x2  }
0xf: {  	[dreg:$0x3] =	wrdreg s6;
	s10 =	smul.u32 $0x1400, s10;
	s6 =	sadd.s32 s11, s18  }
0x10: {  	s21 =	sadd.s32 s11, s12;
	s26 =	smax.u32 s7, $0x1;
	s14 =	sadd.s32 s23, s25  }
0x11: {  	s16 =	sshrl.u32 s8, $0x3;
	s18 =	simm.s32 $0x1;
	s23 =	simm.s32 $0x18800  }
0x12: {  	s7 =	simm.s32 $0x14280;
	s8 =	simm.s32 $0x14380;
	s11 =	simm.s32 $0x14580  }
0x13: {  	s12 =	simm.s32 $0x14600;
	s25 =	simm.s32 $0x0;
	[dreg:$0xb] =	wrdreg s26  }
0x14: {  	s6 =	sshll.u32 s6, $0x4;
	[dreg:$0xc] =	wrdreg s16;
	s13 =	sadd.s32 s5, s10  }
0x15: {  	s26 =	simm.s32 $0x4;
	s10 =	sadd.s32 s10, s0;
	[dreg:$0x5] =	wrdreg s13  }
0x16: {  	s6 =	sadd.s32 s9, s6;
	s13 =	sor.u32 s3, s19;
	[dreg:$0x6] =	wrdreg s10  }
0x17: {  	[dreg:$0x7] =	wrdreg s6;
	s6 =	sshll.u32 s21, $0x4;
	s19 =	simm.s32 $0x14400  }
0x18: {  	s21 =	simm.s32 $0x14800;
	s10 =	simm.s32 $0x14480;
	s20 =	smul.u32 $0x1400, s13  }
.Ltmp0:
0x19: {  	s24 =	sadd.s32 s9, s6;
	s9 =	simm.s32 $0x14500;
	(pc) =	sbr.rel .LBB2_1-.Ltmp0, $4  }
0x1a: {  	s13 =	simm.s32 $0x14700;
	s6 =	simm.s32 $0x14780;
	[dreg:$0xa] =	wrdreg s24  }
0x1b: {  	s24 =	simm.s32 $0x3;
	s22 =	sadd.s32 s5, s20;
	s0 =	sadd.s32 s20, s0  }
0x1c: {  	s20 =	simm.s32 $0x80;
	s5 =	simm.s32 $0x14680;
	[dreg:$0x8] =	wrdreg s22  }
0x1d: {  	[dreg:$0x9] =	wrdreg s0;
	s22 =	simm.s32 $0x7;
	s0 =	simm.s32 $0x14300  }
.LBB2_7:
0x1e: {  	_ =	swait.ge [sflag:s31], $0x4000  }
0x1f: {  	[sflag:s31] =	ssyncset.done $0x0  }
0x20: {  	[sflag:s31] =	ssyncadd.s32 $0xFFFFC000  }
0x21: {  	[bflag:$0x0] =	sbarrier.arrive $0xFFFF  }
0x22: {  	s15 =	rddreg [dreg:$0x4]  }
0x23: {  	s3 =	rddreg [dreg:$0xa]  }
0x24: {  	s22 =	simm.s32 $0x7;
	s16 =	rddreg [dreg:$0xc]  }
0x25: {  	[hbm:s3], [sflag:s15] =	dma.local [spmem:s16], $0x2800  }
0x26: {  	_ =	swait.ge [sflag:s22], $0x2800  }
0x27: {  	s25 =	rddreg [dreg:$0xd]  }
0x28: {  	s3 =	rddreg [dreg:$0xb];
	s25 =	sadd.s32 $0x1, s25  }
0x29: {  	p0 =	sne.s32 s25, s3  }
.Ltmp1:
0x2a: {  	_ = 	snop;
	(pc) =	sbr.rel @!p0 .LBB2_8-.Ltmp1, $3  }
0x2b: {  	[sflag:s22] =	ssyncset.done $0x0  }
0x2c: {  	[sflag:s22] =	ssyncadd.s32 $0xFFFFD800  }
0x2d: {  	[bflag:$0x0] =	sbarrier.arrive $0xFFFF;
	_ =	sdelay $0x1  }
.LBB2_1:
0x2e: {  	[dreg:$0xd] =	wrdreg s25  }
0x2f: {  	s3 =	rddreg [dreg:$0x3]  }
0x30: {  	[spmem:s16], [sflag:s15] =	dma.local [hbm:s3], $0x2800  }
0x31: {  	_ =	swait.ge [sflag:s22], $0x2800  }
0x32: {  	[sflag:s22] =	ssyncset.done $0x0  }
0x33: {  	[sflag:s22] =	ssyncadd.s32 $0xFFFFD800  }
0x34: {  	[bflag:$0x0] =	sbarrier.arrive $0xFFFF  }
0x35: {  	s22 =	simm.s32 $0x0;
	s25 =	rddreg [dreg:$0x5]  }
0x36: {  	[tilespmem:s17], [sflag:$0x1] =	stream.linear.gather [hbm4b:s25+s22], $0x400, $0x38;
	[tilespmem:$0x1C800] =	vst v63  }
0x37: {  	_ =	swait.ge [sflag:s18], $0x400  }
0x38: {  	[sflag:s18] =	ssyncset.done $0x0  }
0x39: {  	s16 =	rddreg [dreg:$0x6];
	[sflag:s18] =	ssyncadd.s32 $0xFFFFFC00  }
0x3a: {  	[tilespmem:s19], [sflag:$0x2] =	stream.linear.gather [hbm4b:s16+s22], $0x400, $0x38;
	[tilespmem:$0x1C800] =	vst v63  }
0x3b: {  	_ = 	snop  }
0x3c: {  	[tilespmem:s21], [sflag:$0x3] =	stream.indirect.gather [hbm4b:s4+s20], $0x80, s17, s20, $0xb8;
	[tilespmem:$0x1C800] =	vst v63  }
0x3d: {  	s25 =	simm.s32 $0x0;
	s22 =	simm.s32 $0x14100;
	s16 =	simm.s32 $0xFFFFED00  }
0x3e: {  	[tilespmem:s23], [sflag:$0x4] =	stream.indirect.gather [hbm4b:s4+s20], $0x80, s22, s20, $0xb8;
	[tilespmem:$0x1C800] =	vst v63  }
.LBB2_2:
0x3f: {  	_ =	swait.ge [sflag:s24], $0x4000  }
0x40: {  	[sflag:s24] =	ssyncset.done $0x0  }
0x41: {  	s3 =	simm.s32 $0x14080;
	[sflag:s24] =	ssyncadd.s32 $0xFFFFC000  }
0x42: {  	[spmem:s1] =	stream.indirect.scatter.add.f32 [tilespmem:s21], [sflag:$0x5], $0x80, s3, s20, $0xb8;
	[tilespmem:$0x1C800] =	vst v63  }
0x43: {  	_ =	swait.ge [sflag:s26], $0x4000  }
0x44: {  	[sflag:s26] =	ssyncset.done $0x0  }
0x45: {  	[sflag:s26] =	ssyncadd.s32 $0xFFFFC000  }
0x46: {  	[spmem:s1] =	stream.indirect.scatter.add.f32 [tilespmem:s23], [sflag:$0x6], $0x80, s28, s20, $0xb8;
	[tilespmem:$0x1C800] =	vst v63  }
0x47: {  	_ =	swait.ge [sflag:s29], $0x4000  }
0x48: {  	[sflag:s29] =	ssyncset.done $0x0  }
0x49: {  	[sflag:s29] =	ssyncadd.s32 $0xFFFFC000  }
0x4a: {  	[tilespmem:s21], [sflag:$0x3] =	stream.indirect.gather [hbm4b:s4+s20], $0x80, s30, s20, $0xb8;
	[tilespmem:$0x1C800] =	vst v63  }
0x4b: {  	_ =	swait.ge [sflag:s31], $0x4000  }
0x4c: {  	[sflag:s31] =	ssyncset.done $0x0  }
0x4d: {  	[sflag:s31] =	ssyncadd.s32 $0xFFFFC000  }
0x4e: {  	[tilespmem:s23], [sflag:$0x4] =	stream.indirect.gather [hbm4b:s4+s20], $0x80, s0, s20, $0xb8;
	[tilespmem:$0x1C800] =	vst v63  }
0x4f: {  	_ =	swait.ge [sflag:s2], $0x400  }
0x50: {  	[sflag:s2] =	ssyncset.done $0x0  }
0x51: {  	[sflag:s2] =	ssyncadd.s32 $0xFFFFFC00  }
0x52: {  	_ =	swait.ge [sflag:s24], $0x4000  }
0x53: {  	[sflag:s24] =	ssyncset.done $0x0  }
0x54: {  	[sflag:s24] =	ssyncadd.s32 $0xFFFFC000  }
0x55: {  	[spmem:s1] =	stream.indirect.scatter.add.f32 [tilespmem:s21], [sflag:$0x5], $0x80, s7, s20, $0xb8;
	[tilespmem:$0x1C800] =	vst v63  }
0x56: {  	_ =	swait.ge [sflag:s26], $0x4000  }
0x57: {  	[sflag:s26] =	ssyncset.done $0x0  }
0x58: {  	[sflag:s26] =	ssyncadd.s32 $0xFFFFC000  }
0x59: {  	[spmem:s1] =	stream.indirect.scatter.add.f32 [tilespmem:s23], [sflag:$0x6], $0x80, s8, s20, $0xb8;
	[tilespmem:$0x1C800] =	vst v63  }
0x5a: {  	_ =	swait.ge [sflag:s29], $0x4000  }
0x5b: {  	[sflag:s29] =	ssyncset.done $0x0  }
0x5c: {  	[sflag:s29] =	ssyncadd.s32 $0xFFFFC000  }
0x5d: {  	[tilespmem:s21], [sflag:$0x3] =	stream.indirect.gather [hbm4b:s4+s20], $0x80, s19, s20, $0xb8;
	[tilespmem:$0x1C800] =	vst v63  }
0x5e: {  	_ =	swait.ge [sflag:s31], $0x4000  }
0x5f: {  	p0 =	seq.s32 s16, $0x0;
	[sflag:s31] =	ssyncset.done $0x0  }
0x60: {  	s15 =	sadd.s32 @!p0 s16, s14;
	[sflag:s31] =	ssyncadd.s32 $0xFFFFC000  }
0x61: {  	[tilespmem:s23], [sflag:$0x4] =	stream.indirect.gather [hbm4b:s4+s20], $0x80, s9, s20, $0xb8;
	[tilespmem:$0x1C800] =	vst v63  }
0x62: {  	s22 =	simm.s32 @!p0 $0x14000;
	s15 =	sadd.s32 @!p0 $0x1400, s15;
	s3 =	simm.s32 @!p0 $0x0  }
0x63: {  	[tilespmem:s22], [sflag:$0x1] =	stream.linear.gather @!p0 [hbm4b:s15+s3], $0x400, $0x38;
	[tilespmem:$0x1C800] =	vst v63  }
0x64: {  	_ =	swait.ge [sflag:s24], $0x4000  }
0x65: {  	[sflag:s24] =	ssyncset.done $0x0  }
0x66: {  	[sflag:s24] =	ssyncadd.s32 $0xFFFFC000  }
0x67: {  	[spmem:s1] =	stream.indirect.scatter.add.f32 [tilespmem:s21], [sflag:$0x5], $0x80, s10, s20, $0xb8;
	[tilespmem:$0x1C800] =	vst v63  }
0x68: {  	_ =	swait.ge [sflag:s26], $0x4000  }
0x69: {  	[sflag:s26] =	ssyncset.done $0x0  }
0x6a: {  	[sflag:s26] =	ssyncadd.s32 $0xFFFFC000  }
0x6b: {  	[spmem:s1] =	stream.indirect.scatter.add.f32 [tilespmem:s23], [sflag:$0x6], $0x80, s11, s20, $0xb8;
	[tilespmem:$0x1C800] =	vst v63  }
0x6c: {  	_ =	swait.ge [sflag:s29], $0x4000  }
0x6d: {  	[sflag:s29] =	ssyncset.done $0x0  }
0x6e: {  	[sflag:s29] =	ssyncadd.s32 $0xFFFFC000  }
0x6f: {  	[tilespmem:s21], [sflag:$0x3] =	stream.indirect.gather [hbm4b:s4+s20], $0x80, s12, s20, $0xb8;
	[tilespmem:$0x1C800] =	vst v63  }
0x70: {  	_ =	swait.ge [sflag:s31], $0x4000  }
0x71: {  	[sflag:s31] =	ssyncset.done $0x0  }
0x72: {  	[sflag:s31] =	ssyncadd.s32 $0xFFFFC000  }
0x73: {  	[tilespmem:s23], [sflag:$0x4] =	stream.indirect.gather [hbm4b:s4+s20], $0x80, s13, s20, $0xb8;
	[tilespmem:$0x1C800] =	vst v63  }
0x74: {  	_ =	swait.ge [sflag:s24], $0x4000  }
0x75: {  	[sflag:s24] =	ssyncset.done $0x0  }
0x76: {  	[sflag:s24] =	ssyncadd.s32 $0xFFFFC000  }
0x77: {  	[spmem:s1] =	stream.indirect.scatter.add.f32 [tilespmem:s21], [sflag:$0x5], $0x80, s5, s20, $0xb8;
	[tilespmem:$0x1C800] =	vst v63  }
0x78: {  	_ =	swait.ge [sflag:s26], $0x4000  }
0x79: {  	[sflag:s26] =	ssyncset.done $0x0  }
.Ltmp2:
0x7a: {  	[sflag:s26] =	ssyncadd.s32 $0xFFFFC000;
	(pc) =	sbr.rel @p0 .LBB2_4-.Ltmp2, $4  }
0x7b: {  	[spmem:s1] =	stream.indirect.scatter.add.f32 [tilespmem:s23], [sflag:$0x6], $0x80, s6, s20, $0xb8;
	[tilespmem:$0x1C800] =	vst v63  }
0x7c: {  	_ =	swait.ge [sflag:s29], $0x4000  }
0x7d: {  	[sflag:s29] =	ssyncset.done $0x0  }
0x7e: {  	[sflag:s29] =	ssyncadd.s32 $0xFFFFC000  }
0x7f: {  	_ =	swait.ge [sflag:s18], $0x400  }
0x80: {  	[sflag:s18] =	ssyncset.done $0x0  }
0x81: {  	[sflag:s18] =	ssyncadd.s32 $0xFFFFFC00  }
0x82: {  	[tilespmem:s21], [sflag:$0x3] =	stream.indirect.gather [hbm4b:s4+s20], $0x80, s17, s20, $0xb8;
	[tilespmem:$0x1C800] =	vst v63  }
0x83: {  	_ =	swait.ge [sflag:s31], $0x4000  }
.Ltmp3:
0x84: {  	[sflag:s31] =	ssyncset.done $0x0;
	(pc) =	sbr.rel .LBB2_2-.Ltmp3, $4  }
0x85: {  	s3 =	simm.s32 $0x14100;
	s22 =	sadd.s32 s16, s14;
	[sflag:s31] =	ssyncadd.s32 $0xFFFFC000  }
0x86: {  	[tilespmem:s23], [sflag:$0x4] =	stream.indirect.gather [hbm4b:s4+s20], $0x80, s3, s20, $0xb8;
	[tilespmem:$0x1C800] =	vst v63  }
0x87: {  	s16 =	sadd.s32 $0x100, s16;
	s3 =	sadd.s32 $0x1480, s22  }
0x88: {  	[tilespmem:s19], [sflag:$0x2] =	stream.linear.gather [hbm4b:s3+s25], $0x400, $0x38;
	[tilespmem:$0x1C800] =	vst v63  }
.LBB2_4:
0x89: {  	_ =	swait.ge [sflag:s31], $0x4000  }
0x8a: {  	[sflag:s31] =	ssyncset.done $0x0  }
0x8b: {  	[sflag:s31] =	ssyncadd.s32 $0xFFFFC000  }
0x8c: {  	[bflag:$0x0] =	sbarrier.arrive $0xFFFF  }
0x8d: {  	s15 =	rddreg [dreg:$0x4]  }
0x8e: {  	s3 =	rddreg [dreg:$0x7]  }
0x8f: {  	s22 =	simm.s32 $0x7;
	s16 =	rddreg [dreg:$0xc]  }
0x90: {  	[hbm:s3], [sflag:s15] =	dma.local [spmem:s16], $0x2800  }
0x91: {  	_ =	swait.ge [sflag:s22], $0x2800  }
0x92: {  	[sflag:s22] =	ssyncset.done $0x0  }
0x93: {  	[sflag:s22] =	ssyncadd.s32 $0xFFFFD800  }
0x94: {  	[bflag:$0x0] =	sbarrier.arrive $0xFFFF  }
0x95: {  	s25 =	rddreg [dreg:$0x3]  }
0x96: {  	[spmem:s16], [sflag:s15] =	dma.local [hbm:s25], $0x2800  }
0x97: {  	_ =	swait.ge [sflag:s22], $0x2800  }
0x98: {  	[sflag:s22] =	ssyncset.done $0x0  }
0x99: {  	[sflag:s22] =	ssyncadd.s32 $0xFFFFD800  }
0x9a: {  	[bflag:$0x0] =	sbarrier.arrive $0xFFFF  }
0x9b: {  	s22 =	simm.s32 $0x0;
	s25 =	rddreg [dreg:$0x8]  }
0x9c: {  	[tilespmem:s17], [sflag:$0x1] =	stream.linear.gather [hbm4b:s25+s22], $0x400, $0x38;
	[tilespmem:$0x1C800] =	vst v63  }
0x9d: {  	_ =	swait.ge [sflag:s18], $0x400  }
0x9e: {  	[sflag:s18] =	ssyncset.done $0x0  }
0x9f: {  	s16 =	rddreg [dreg:$0x9];
	[sflag:s18] =	ssyncadd.s32 $0xFFFFFC00  }
0xa0: {  	[tilespmem:s19], [sflag:$0x2] =	stream.linear.gather [hbm4b:s16+s22], $0x400, $0x38;
	[tilespmem:$0x1C800] =	vst v63  }
0xa1: {  	_ = 	snop  }
0xa2: {  	[tilespmem:s21], [sflag:$0x3] =	stream.indirect.gather [hbm4b:s4+s20], $0x80, s17, s20, $0xb8;
	[tilespmem:$0x1C800] =	vst v63  }
0xa3: {  	s25 =	simm.s32 $0x0;
	s22 =	simm.s32 $0x14100;
	s16 =	simm.s32 $0xFFFFED00  }
0xa4: {  	[tilespmem:s23], [sflag:$0x4] =	stream.indirect.gather [hbm4b:s4+s20], $0x80, s22, s20, $0xb8;
	[tilespmem:$0x1C800] =	vst v63  }
.LBB2_5:
0xa5: {  	_ =	swait.ge [sflag:s24], $0x4000  }
0xa6: {  	[sflag:s24] =	ssyncset.done $0x0  }
0xa7: {  	s3 =	simm.s32 $0x14080;
	[sflag:s24] =	ssyncadd.s32 $0xFFFFC000  }
0xa8: {  	[spmem:s1] =	stream.indirect.scatter.add.f32 [tilespmem:s21], [sflag:$0x5], $0x80, s3, s20, $0xb8;
	[tilespmem:$0x1C800] =	vst v63  }
0xa9: {  	_ =	swait.ge [sflag:s26], $0x4000  }
0xaa: {  	[sflag:s26] =	ssyncset.done $0x0  }
0xab: {  	[sflag:s26] =	ssyncadd.s32 $0xFFFFC000  }
0xac: {  	[spmem:s1] =	stream.indirect.scatter.add.f32 [tilespmem:s23], [sflag:$0x6], $0x80, s28, s20, $0xb8;
	[tilespmem:$0x1C800] =	vst v63  }
0xad: {  	_ =	swait.ge [sflag:s29], $0x4000  }
0xae: {  	[sflag:s29] =	ssyncset.done $0x0  }
0xaf: {  	[sflag:s29] =	ssyncadd.s32 $0xFFFFC000  }
0xb0: {  	[tilespmem:s21], [sflag:$0x3] =	stream.indirect.gather [hbm4b:s4+s20], $0x80, s30, s20, $0xb8;
	[tilespmem:$0x1C800] =	vst v63  }
0xb1: {  	_ =	swait.ge [sflag:s31], $0x4000  }
0xb2: {  	[sflag:s31] =	ssyncset.done $0x0  }
0xb3: {  	[sflag:s31] =	ssyncadd.s32 $0xFFFFC000  }
0xb4: {  	[tilespmem:s23], [sflag:$0x4] =	stream.indirect.gather [hbm4b:s4+s20], $0x80, s0, s20, $0xb8;
	[tilespmem:$0x1C800] =	vst v63  }
0xb5: {  	_ =	swait.ge [sflag:s2], $0x400  }
0xb6: {  	[sflag:s2] =	ssyncset.done $0x0  }
0xb7: {  	[sflag:s2] =	ssyncadd.s32 $0xFFFFFC00  }
0xb8: {  	_ =	swait.ge [sflag:s24], $0x4000  }
0xb9: {  	[sflag:s24] =	ssyncset.done $0x0  }
0xba: {  	[sflag:s24] =	ssyncadd.s32 $0xFFFFC000  }
0xbb: {  	[spmem:s1] =	stream.indirect.scatter.add.f32 [tilespmem:s21], [sflag:$0x5], $0x80, s7, s20, $0xb8;
	[tilespmem:$0x1C800] =	vst v63  }
0xbc: {  	_ =	swait.ge [sflag:s26], $0x4000  }
0xbd: {  	[sflag:s26] =	ssyncset.done $0x0  }
0xbe: {  	[sflag:s26] =	ssyncadd.s32 $0xFFFFC000  }
0xbf: {  	[spmem:s1] =	stream.indirect.scatter.add.f32 [tilespmem:s23], [sflag:$0x6], $0x80, s8, s20, $0xb8;
	[tilespmem:$0x1C800] =	vst v63  }
0xc0: {  	_ =	swait.ge [sflag:s29], $0x4000  }
0xc1: {  	[sflag:s29] =	ssyncset.done $0x0  }
0xc2: {  	[sflag:s29] =	ssyncadd.s32 $0xFFFFC000  }
0xc3: {  	[tilespmem:s21], [sflag:$0x3] =	stream.indirect.gather [hbm4b:s4+s20], $0x80, s19, s20, $0xb8;
	[tilespmem:$0x1C800] =	vst v63  }
0xc4: {  	_ =	swait.ge [sflag:s31], $0x4000  }
0xc5: {  	p0 =	seq.s32 s16, $0x0;
	[sflag:s31] =	ssyncset.done $0x0  }
0xc6: {  	s3 =	sadd.s32 @!p0 s16, s14;
	[sflag:s31] =	ssyncadd.s32 $0xFFFFC000  }
0xc7: {  	[tilespmem:s23], [sflag:$0x4] =	stream.indirect.gather [hbm4b:s4+s20], $0x80, s9, s20, $0xb8;
	[tilespmem:$0x1C800] =	vst v63  }
0xc8: {  	s15 =	simm.s32 @!p0 $0x0;
	s22 =	simm.s32 @!p0 $0x14000;
	s3 =	sadd.s32 @!p0 $0x15400, s3  }
0xc9: {  	[tilespmem:s22], [sflag:$0x1] =	stream.linear.gather @!p0 [hbm4b:s3+s15], $0x400, $0x38;
	[tilespmem:$0x1C800] =	vst v63  }
0xca: {  	_ =	swait.ge [sflag:s24], $0x4000  }
0xcb: {  	[sflag:s24] =	ssyncset.done $0x0  }
0xcc: {  	[sflag:s24] =	ssyncadd.s32 $0xFFFFC000  }
0xcd: {  	[spmem:s1] =	stream.indirect.scatter.add.f32 [tilespmem:s21], [sflag:$0x5], $0x80, s10, s20, $0xb8;
	[tilespmem:$0x1C800] =	vst v63  }
0xce: {  	_ =	swait.ge [sflag:s26], $0x4000  }
0xcf: {  	[sflag:s26] =	ssyncset.done $0x0  }
0xd0: {  	[sflag:s26] =	ssyncadd.s32 $0xFFFFC000  }
0xd1: {  	[spmem:s1] =	stream.indirect.scatter.add.f32 [tilespmem:s23], [sflag:$0x6], $0x80, s11, s20, $0xb8;
	[tilespmem:$0x1C800] =	vst v63  }
0xd2: {  	_ =	swait.ge [sflag:s29], $0x4000  }
0xd3: {  	[sflag:s29] =	ssyncset.done $0x0  }
0xd4: {  	[sflag:s29] =	ssyncadd.s32 $0xFFFFC000  }
0xd5: {  	[tilespmem:s21], [sflag:$0x3] =	stream.indirect.gather [hbm4b:s4+s20], $0x80, s12, s20, $0xb8;
	[tilespmem:$0x1C800] =	vst v63  }
0xd6: {  	_ =	swait.ge [sflag:s31], $0x4000  }
0xd7: {  	[sflag:s31] =	ssyncset.done $0x0  }
0xd8: {  	[sflag:s31] =	ssyncadd.s32 $0xFFFFC000  }
0xd9: {  	[tilespmem:s23], [sflag:$0x4] =	stream.indirect.gather [hbm4b:s4+s20], $0x80, s13, s20, $0xb8;
	[tilespmem:$0x1C800] =	vst v63  }
0xda: {  	_ =	swait.ge [sflag:s24], $0x4000  }
0xdb: {  	[sflag:s24] =	ssyncset.done $0x0  }
0xdc: {  	[sflag:s24] =	ssyncadd.s32 $0xFFFFC000  }
0xdd: {  	[spmem:s1] =	stream.indirect.scatter.add.f32 [tilespmem:s21], [sflag:$0x5], $0x80, s5, s20, $0xb8;
	[tilespmem:$0x1C800] =	vst v63  }
0xde: {  	_ =	swait.ge [sflag:s26], $0x4000  }
0xdf: {  	[sflag:s26] =	ssyncset.done $0x0  }
.Ltmp4:
0xe0: {  	[sflag:s26] =	ssyncadd.s32 $0xFFFFC000;
	(pc) =	sbr.rel @p0 .LBB2_7-.Ltmp4, $4  }
0xe1: {  	[spmem:s1] =	stream.indirect.scatter.add.f32 [tilespmem:s23], [sflag:$0x6], $0x80, s6, s20, $0xb8;
	[tilespmem:$0x1C800] =	vst v63  }
0xe2: {  	_ =	swait.ge [sflag:s29], $0x4000  }
0xe3: {  	[sflag:s29] =	ssyncset.done $0x0  }
0xe4: {  	[sflag:s29] =	ssyncadd.s32 $0xFFFFC000  }
0xe5: {  	_ =	swait.ge [sflag:s18], $0x400  }
0xe6: {  	[sflag:s18] =	ssyncset.done $0x0  }
0xe7: {  	[sflag:s18] =	ssyncadd.s32 $0xFFFFFC00  }
0xe8: {  	[tilespmem:s21], [sflag:$0x3] =	stream.indirect.gather [hbm4b:s4+s20], $0x80, s17, s20, $0xb8;
	[tilespmem:$0x1C800] =	vst v63  }
0xe9: {  	_ =	swait.ge [sflag:s31], $0x4000  }
.Ltmp5:
0xea: {  	[sflag:s31] =	ssyncset.done $0x0;
	(pc) =	sbr.rel .LBB2_5-.Ltmp5, $4  }
0xeb: {  	s3 =	simm.s32 $0x14100;
	s22 =	sadd.s32 s16, s14;
	[sflag:s31] =	ssyncadd.s32 $0xFFFFC000  }
0xec: {  	[tilespmem:s23], [sflag:$0x4] =	stream.indirect.gather [hbm4b:s4+s20], $0x80, s3, s20, $0xb8;
	[tilespmem:$0x1C800] =	vst v63  }
0xed: {  	s16 =	sadd.s32 $0x100, s16;
	s3 =	sadd.s32 $0x15480, s22  }
0xee: {  	[tilespmem:s19], [sflag:$0x2] =	stream.linear.gather [hbm4b:s3+s25], $0x400, $0x38;
	[tilespmem:$0x1C800] =	vst v63  }
.LBB2_8:
0xef: {  	_ =	sfence.sel $0x180000  }
0xf0: {  	[bflag:$0x0] =	sbarrier.arrive $0xFFFF  }
0xf1: {  	_ =	strace $0x9000004D  }
0xf2: {  	s0 =	stileid.u32;
	[bflag:$0x2] =	sbarrier.arrive $0xFFFF  }
0xf3: {  	p0 =	sne.s32 s0, $0x0;
	s0 =	rddreg [dreg:$0x2]  }
0xf4: {  	s0 =	sadd.s32 @!p0 $0x100000, s0  }
0xf5: {  	[sflag:s0] =	ssyncadd.tile.s32 @!p0 $0x1;
	_ =	shalt  }
.Lfunc_end2:
_tile_overlayer_lowered:
.L_overlay_start_2:
0xf6: {  	(tag) =	ssettag $0x2  }
0xf7: {  	s0 =	rddreg [dreg:$0x0];
	s2 =	stileid.u32  }
0xf8: {  	s1 =	rddreg [dreg:$0x1];
	p0 =	sne.s32 s2, $0x0  }
0xf9: {  	s3 =	rddreg [dreg:$0x2];
	[bflag:$0x3] =	sbarrier.arrive $0xFFFF;
	s2 =	simm.s32 @!p0 $0x1C07  }
0xfa: {  	[timem:s3], [sflag:s2] =	dma.local @!p0 [hbm:s0], s1  }
0xfb: {  	s0 =	simm.s32 @!p0 $0x7  }
0xfc: {  	_ =	swait.ge @!p0 [sflag:s0], s1  }
0xfd: {  	s1 =	ssub.s32 @!p0 $0x0, s1;
	[sflag:s0] =	ssyncset.done @!p0 $0x0  }
0xfe: {  	[sflag:s0] =	ssyncadd.s32 @!p0 s1  }
0xff: {  	[bflag:$0x3] =	sbarrier.arrive $0xFFFF  }
0x100: {  	_ =	shalt  }

// kernel: kernel.20.cloned.1.call-start
scs
__scs_entry_jumppad:
0x0: {  	(pc) =	sbr.rel $0x88, $3  }
0x1: {  	(tag) =	ssettag $0x0;
	lr =	simm.s32 $0x1  }
0x2: {  	[smem:$0x3F8D] =	sst lr;
	_ =	strace $0xD0000000  }
0x3: {  	_ = 	snop  }
0x4: {  	_ = 	snop  }
0x5: {  	_ = 	snop  }
0x6: {  	_ = 	snop  }
0x7: {  	_ = 	snop  }
__scs_overlays_trampoline_lowered:
0x8: {  	[smem:$0x3F9C] =	sst s0  }
0x9: {  	[smem:$0x3F9D] =	sst s1  }
0xa: {  	[smem:$0x3F9E] =	sst s2  }
0xb: {  	[smem:$0x3F9F] =	sst s3  }
0xc: {  	[smem:$0x3FA0] =	sst s4  }
0xd: {  	[smem:$0x3FA1] =	sst s5  }
0xe: {  	[smem:$0x3FA2] =	sst s6  }
0xf: {  	[smem:$0x3FA3] =	sst s7  }
0x10: {  	[smem:$0x3FA4] =	sst s8  }
0x11: {  	[smem:$0x3FA5] =	sst s9;
	s0 =	simm.s32 @!p0 $0x0  }
0x12: {  	s1 =	sld [smem:$0x3F8B];
	s0 =	simm.s32 @p0 $0x1  }
0x13: {  	[smem:$0x3FA6] =	sst s0;
	s0 =	simm.s32 @!p1 $0x0  }
0x14: {  	s2 =	sld [smem:$0x3F8A];
	s0 =	simm.s32 @p1 $0x1  }
0x15: {  	[smem:$0x3FA7] =	sst s0;
	s0 =	simm.s32 @!p2 $0x0  }
0x16: {  	s3 =	sld [smem:$0x3FDB];
	s0 =	simm.s32 @p2 $0x1  }
0x17: {  	s4 =	simm.s32 $0x1BF5;
	[smem:$0x3FA9] =	sst s0  }
0x18: {  	s0 =	sld [smem:$0x3F8C];
	_ =	swait.ge [sflag:s4], $0x0  }
0x19: {  	s7 =	sld [smem:$0x3F8D]  }
0x1a: {  	s8 =	sadd.s32 $0xFFFFE003, lr  }
0x1b: {  	s9 =	sadd.s32 $0xFFFFFEF7, lr;
	s5 =	simm.s32 $0xFFFFFFFF;
	p2 =	slt.u32 s8, $0xFFFFF086  }
0x1c: {  	p1 =	slt.u32 s9, $0xF7A;
	s5 =	simm.s32 @!p2 $0x0  }
0x1d: {  	s5 =	simm.s32 @p1 $0x1;
	p0 =	seq.s32 s7, s2  }
0x1e: {  	s7 =	smul.u32 @!p0 $0xF7A, s2;
	p2 =	seq.s32 @!p0 s5, $0x0  }
0x1f: {  	s9 =	smul.u32 $0xF7A, s1;
	s8 =	simm.s32 @!p0 $0x1BF5;
	p2 =	por !p2, p0  }
0x20: {  	[sflag:s8] =	ssyncset.s32 @!p0 $0xFFFFF086;
	s6 =	sadd.s32 @!p0 s3, s7;
	s7 =	simm.s32 @!p0 $0x108  }
0x21: {  	s3 =	sadd.s32 s3, s9;
	s6 =	sadd.s32 @!p0 $0x88, s6;
	s7 =	simm.s32 @p2 $0x1082  }
0x22: {  	[simem:s7], [sflag:s8] =	dma.local @!p0 [hbm:s6], $0xF7A  }
0x23: {  	s9 =	sor.u32 $0xD0000000, s2;
	s6 =	simm.s32 $0x108;
	_ =	swait.ge @!p0 [sflag:s8], $0x0  }
0x24: {  	s3 =	sadd.s32 $0x88, s3;
	s6 =	simm.s32 @!p1 $0x1082;
	[sflag:s4] =	ssyncset.s32 $0xFFFFF086  }
0x25: {  	[simem:s6], [sflag:s4] =	dma.local [hbm:s3], $0xF7A  }
0x26: {  	[smem:$0x3F8D] =	sst s1;
	(tag) =	ssettag s2;
	_ =	strace s9  }
0x27: {  	s1 =	sld [smem:$0x3F9D]  }
0x28: {  	s2 =	sld [smem:$0x3F9E]  }
0x29: {  	s4 =	sld [smem:$0x3FA0]  }
0x2a: {  	p0 =	seq.s32 s5, $0x0;
	s5 =	sld [smem:$0x3FA1]  }
0x2b: {  	s6 =	sld [smem:$0x3FA2]  }
0x2c: {  	s7 =	sld [smem:$0x3FA3]  }
0x2d: {  	s3 =	simm.s32 $0x108;
	s8 =	sld [smem:$0x3FA4]  }
0x2e: {  	s3 =	simm.s32 @!p0 $0x1082;
	s9 =	sld [smem:$0x3FA5]  }
0x2f: {  	lr =	sadd.s32 s0, s3;
	s0 =	sld [smem:$0x3F9C]  }
0x30: {  	s3 =	sld [smem:$0x3F9F]  }
0x31: {  	[smem:$0x3FA8] =	sst s10  }
0x32: {  	s10 =	sld [smem:$0x3FA6];
	_ =	sdelay $0x3  }
0x33: {  	p0 =	seq.s32 s10, $0x1;
	s10 =	sld [smem:$0x3FA8];
	_ =	sdelay $0x3  }
0x34: {  	[smem:$0x3FA8] =	sst s10  }
0x35: {  	s10 =	sld [smem:$0x3FA7];
	_ =	sdelay $0x3  }
0x36: {  	p1 =	seq.s32 s10, $0x1;
	s10 =	sld [smem:$0x3FA8];
	_ =	sdelay $0x3  }
0x37: {  	[smem:$0x3FA8] =	sst s10  }
0x38: {  	s10 =	sld [smem:$0x3FA9]  }
0x39: {  	_ = 	snop;
	(pc) =	sbr.ind lr, $3  }
0x3a: {  	_ = 	snop  }
0x3b: {  	_ = 	snop  }
0x3c: {  	p2 =	seq.s32 s10, $0x1;
	s10 =	sld [smem:$0x3FA8]  }
0x3d: {  	_ =	shalt  }
0x3e: {  	_ =	shalt  }
0x3f: {  	_ =	shalt  }
0x40: {  	_ =	shalt  }
0x41: {  	_ =	shalt  }
0x42: {  	_ =	shalt  }
0x43: {  	_ =	shalt  }
0x44: {  	_ =	shalt  }
0x45: {  	_ =	shalt  }
0x46: {  	_ =	shalt  }
0x47: {  	_ =	shalt  }
0x48: {  	_ =	shalt  }
0x49: {  	_ =	shalt  }
0x4a: {  	_ =	shalt  }
0x4b: {  	_ =	shalt  }
0x4c: {  	_ =	shalt  }
0x4d: {  	_ =	shalt  }
0x4e: {  	_ =	shalt  }
0x4f: {  	_ =	shalt  }
0x50: {  	_ =	shalt  }
0x51: {  	_ =	shalt  }
0x52: {  	_ =	shalt  }
0x53: {  	_ =	shalt  }
0x54: {  	_ =	shalt  }
0x55: {  	_ =	shalt  }
0x56: {  	_ =	shalt  }
0x57: {  	_ =	shalt  }
0x58: {  	_ =	shalt  }
0x59: {  	_ =	shalt  }
0x5a: {  	_ =	shalt  }
0x5b: {  	_ =	shalt  }
0x5c: {  	_ =	shalt  }
0x5d: {  	_ =	shalt  }
0x5e: {  	_ =	shalt  }
0x5f: {  	_ =	shalt  }
0x60: {  	_ =	shalt  }
0x61: {  	_ =	shalt  }
0x62: {  	_ =	shalt  }
0x63: {  	_ =	shalt  }
0x64: {  	_ =	shalt  }
0x65: {  	_ =	shalt  }
0x66: {  	_ =	shalt  }
0x67: {  	_ =	shalt  }
0x68: {  	_ =	shalt  }
0x69: {  	_ =	shalt  }
0x6a: {  	_ =	shalt  }
0x6b: {  	_ =	shalt  }
0x6c: {  	_ =	shalt  }
0x6d: {  	_ =	shalt  }
0x6e: {  	_ =	shalt  }
0x6f: {  	_ =	shalt  }
0x70: {  	_ =	shalt  }
0x71: {  	_ =	shalt  }
0x72: {  	_ =	shalt  }
0x73: {  	_ =	shalt  }
0x74: {  	_ =	shalt  }
0x75: {  	_ =	shalt  }
0x76: {  	_ =	shalt  }
0x77: {  	_ =	shalt  }
0x78: {  	_ =	shalt  }
0x79: {  	_ =	shalt  }
0x7a: {  	_ =	shalt  }
0x7b: {  	_ =	shalt  }
0x7c: {  	_ =	shalt  }
0x7d: {  	_ =	shalt  }
0x7e: {  	_ =	shalt  }
0x7f: {  	_ =	shalt  }
0x80: {  	_ =	shalt  }
0x81: {  	_ =	shalt  }
0x82: {  	_ =	shalt  }
0x83: {  	_ =	shalt  }
0x84: {  	_ =	shalt  }
0x85: {  	_ =	shalt  }
0x86: {  	_ =	shalt  }
0x87: {  	_ =	shalt  }
.Lfunc_end0:
.L_simem_size_0:
called_computation.3_lowered:
.L_overlay_start_0:
0x88: {  	s2 =	sld [smem:$0x3FD9]  }
0x89: {  	s3 =	sld [smem:$0x3FFE];
	_ =	sdelay $0x1  }
0x8a: {  	s1 =	srdreg.scid  }
0x8b: {  	s0 =	sand.u32 $0x1, s1  }
0x8c: {  	s16 =	sshll.u32 s0, $0xA;
	s2 =	sadd.s32 s3, s2  }
0x8d: {  	s2 =	sadd.s32 s2, s16  }
0x8e: {  	[smem:$0x3FB4] =	sst s2  }
0x8f: {  	_ = 	snop  }
0x90: {  	(tm) =	ssettm $0x1  }
0x91: {  	s17 =	sld [smem:$0x3FFB];
	_ =	sdelay $0x3  }
0x92: {  	_ =	strace s17  }
0x93: {  	s2 =	sld [smem:$0x3FFC];
	_ =	sdelay $0x3  }
0x94: {  	_ =	strace s2  }
0x95: {  	s2 =	sld [smem:$0x3FFD];
	_ =	sdelay $0x3  }
0x96: {  	_ =	strace s2  }
0x97: {  	_ =	strace $0x8FFFFFFF  }
0x98: {  	s18 =	sld [smem:$0x3FDB];
	_ =	sdelay $0x1  }
0x99: {  	s19 =	simm.s32 $_scs_section_size  }
0x9a: {  	s4 =	simm.s32 $_size__tile_overlayer_lowered;
	s5 =	simm.s32 $_tile_overlayer_lowered  }
0x9b: {  	s22 =	simm.s32 $0x1BFF;
	s21 =	sshll.u32 s5, $0x1;
	s2 =	sadd.s32 s19, s18  }
0x9c: {  	s6 =	simm.s32 $0x0;
	s20 =	sshll.u32 s4, $0x1;
	s4 =	sadd.s32 s21, s2  }
0x9d: {  	[timem:s6], [sflag:s22] =	dma.local [hbm:s4], s20  }
0x9e: {  	_ =	swait.ge [sflag:s22], s20  }
0x9f: {  	s3 =	ssub.s32 $0x0, s20;
	[sflag:s22] =	ssyncset.done $0x0  }
0xa0: {  	[sflag:s22] =	ssyncadd.s32 s3;
	_ =	sdelay $0x1  }
0xa1: {  	s23 =	simm.s32 $0x1B8B  }
0xa2: {  	_ =	swait.ge [sflag:s23], $0x1  }
0xa3: {  	[sflag:s23] =	ssyncset.done $0x0  }
0xa4: {  	s25 =	simm.s32 $0x1B8E;
	s24 =	sld [smem:$0x3FFE];
	[sflag:s23] =	ssyncadd.s32 $0xFFFFFFFF  }
0xa5: {  	s26 =	simm.s32 $execute0_lowered;
	[smem:$0x3FD2] =	sst s25  }
0xa6: {  	s4 =	sshll.u32 s26, $0x1;
	_ =	strace $0x8000004F;
	[dreg:$0x1] =	wrdreg $0xFFFFFFFF  }
0xa7: {  	s28 =	simm.s32 $_size_execute0_lowered;
	s2 =	sadd.s32 s2, s4;
	[dreg:$0x0] =	wrdreg $0x0  }
0xa8: {  	s4 =	sshll.u32 s28, $0x1;
	[dreg:$0x2] =	wrdreg s2  }
0xa9: {  	[dreg:$0x3] =	wrdreg s4  }
0xaa: {  	[dreg:$0x4] =	wrdreg $0xC0  }
0xab: {  	_ =	task [dreg:s6], $0x5FFFF  }
0xac: {  	[dreg:$0x1] =	wrdreg $0xFFFFFFFF  }
0xad: {  	[dreg:$0x0] =	wrdreg $0x60  }
0xae: {  	[dreg:$0x2] =	wrdreg s24  }
0xaf: {  	[dreg:$0x3] =	wrdreg $0x9  }
0xb0: {  	_ =	task.clear_ibuf [dreg:s6], $0x4FFFF;
	_ =	strace $0x9000004F  }
0xb1: {  	s29 =	simm.s32 $0x9;
	_ =	strace $0x80000051  }
0xb2: {  	_ =	swait.ge [sflag:s29], $0x1  }
0xb3: {  	[sflag:s29] =	ssyncadd.s32 $0xFFFFFFFF  }
0xb4: {  	_ =	strace $0x90000051  }
0xb5: {  	_ =	sfence  }
0xb6: {  	s30 =	sld [smem:$0x0];
	_ =	sdelay $0x2  }
0xb7: {  	s31 =	sshll.u32 s1, $0xD;
	s1 =	sshrl.u32 s1, $0x2  }
0xb8: {  	s3 =	sand.u32 $0x4000, s31;
	s1 =	sadd.s32 s1, s30  }
0xb9: {  	s0 =	sor.u32 s3, s0;
	s1 =	sshll.u32 s1, $0x11  }
0xba: {  	s0 =	sor.u32 s1, s0  }
0xbb: {  	s0 =	sadd.s32 $0x8F2B, s0  }
0xbc: {  	[sflag:s0] =	ssyncadd.remote.s32 $0x1  }
0xbd: {  	_ =	sfence.sel $0xFFFF  }
0xbe: {  	[dreg:$0x0] =	wrdreg $0xFFFFFFFF;
	(pc) =	sbr.abs _section_cstart, $3  }
0xbf: {  	[dreg:$0x1] =	wrdreg $0xFFFFFFFF  }
0xc0: {  	_ =	task.clear_ibuf [dreg:s6], $0x2FFFF;
	_ =	strace $0x9FFFFFFF  }
0xc1: {  	(tm) =	ssettm $0x7FFFFFFF  }
tec
execute0_lowered:
.L_overlay_start_1:
0x0: {  	(tag) =	ssettag $0x1  }
0x1: {  	s1 =	srdreg.scid;
	s0 =	stileid.u32  }
0x2: {  	s23 =	sand.u32 $0x1, s1;
	s28 =	sshll.u32 s0, $0x1  }
0x3: {  	s9 =	sor.u32 s23, s28  }
0x4: {  	s24 =	smul.u32 $0x300, s9  }
0x5: {  	s10 =	rddreg [dreg:$0x0];
	s2 =	simm.s32 $0x0;
	s4 =	simm.s32 $0x1  }
0x6: {  	[smem:$0x7FF] =	sst s2;
	s22 =	sadd.s32 $0x2E600, s10;
	s3 =	sshrl.u32 s24, $0x3  }
0x7: {  	s1 =	rddreg [dreg:$0x1];
	_ =	strace $0x80000050;
	s3 =	sadd.s32 s22, s3  }
0x8: {  	[tilespmem:s2], [sflag:$0x1] =	stream.linear.gather [hbm4b:s3+s2], $0x80, $0x38;
	[tilespmem:$0x8100] =	vst v63  }
0x9: {  	_ =	swait.ge [sflag:s4], $0x80  }
0xa: {  	s6 =	simm.s32 $0x80;
	s7 =	simm.s32 $0x100;
	[sflag:s4] =	ssyncset.done $0x0  }
0xb: {  	s8 =	simm.s32 $0x3;
	s5 =	sadd.s32 $0x2F200, s10;
	[sflag:s4] =	ssyncadd.s32 $0xFFFFFF80  }
0xc: {  	[tilespmem:s7], [sflag:$0x3] =	stream.indirect.gather [hbm4b:s5+s6], $0x80, s2, s6, $0xb8;
	[tilespmem:$0x8100] =	vst v63  }
0xd: {  	s9 =	smul.u32 $0x3000, s9;
	_ =	swait.ge [sflag:s8], $0x4000  }
0xe: {  	s25 =	sadd.s32 $0x7D400, s10;
	[sflag:s8] =	ssyncset.done $0x0  }
0xf: {  	s10 =	sadd.s32 s25, s9;
	s9 =	simm.s32 $0x5;
	[sflag:s8] =	ssyncadd.s32 $0xFFFFC000  }
0x10: {  	[hbm4b:s10+s2] =	stream.linear.scatter [tilespmem:s7], [sflag:$0x5], $0x4000, $0x38;
	[tilespmem:$0x8100] =	vst v63  }
0x11: {  	s15 =	sor.u32 $0x80, s24;
	_ =	swait.ge [sflag:s9], $0x4000  }
0x12: {  	s11 =	sshrl.u32 s15, $0x3;
	[sflag:s9] =	ssyncset.done $0x0  }
0x13: {  	s12 =	simm.s32 $0x2;
	s11 =	sadd.s32 s22, s11;
	[sflag:s9] =	ssyncadd.s32 $0xFFFFC000  }
0x14: {  	[tilespmem:s6], [sflag:$0x2] =	stream.linear.gather [hbm4b:s11+s2], $0x80, $0x38;
	[tilespmem:$0x8100] =	vst v63  }
0x15: {  	_ =	swait.ge [sflag:s12], $0x80  }
0x16: {  	[sflag:s12] =	ssyncset.done $0x0  }
0x17: {  	s13 =	simm.s32 $0x4100;
	s14 =	simm.s32 $0x4;
	[sflag:s12] =	ssyncadd.s32 $0xFFFFFF80  }
0x18: {  	[tilespmem:s13], [sflag:$0x4] =	stream.indirect.gather [hbm4b:s5+s6], $0x80, s6, s6, $0xb8;
	[tilespmem:$0x8100] =	vst v63  }
0x19: {  	_ =	swait.ge [sflag:s14], $0x4000  }
0x1a: {  	s15 =	sshll.u32 s15, $0x4;
	[sflag:s14] =	ssyncset.done $0x0  }
0x1b: {  	s15 =	sadd.s32 s25, s15;
	[sflag:s14] =	ssyncadd.s32 $0xFFFFC000  }
0x1c: {  	[hbm4b:s15+s2] =	stream.linear.scatter [tilespmem:s13], [sflag:$0x5], $0x4000, $0x38;
	[tilespmem:$0x8100] =	vst v63  }
0x1d: {  	s17 =	sadd.s32 $0x100, s24;
	_ =	swait.ge [sflag:s9], $0x4000  }
0x1e: {  	s16 =	sshrl.u32 s17, $0x3;
	[sflag:s9] =	ssyncset.done $0x0  }
0x1f: {  	s16 =	sadd.s32 s22, s16;
	[sflag:s9] =	ssyncadd.s32 $0xFFFFC000  }
0x20: {  	[tilespmem:s2], [sflag:$0x1] =	stream.linear.gather [hbm4b:s16+s2], $0x80, $0x38;
	[tilespmem:$0x8100] =	vst v63  }
0x21: {  	_ =	swait.ge [sflag:s4], $0x80  }
0x22: {  	[sflag:s4] =	ssyncset.done $0x0  }
0x23: {  	[sflag:s4] =	ssyncadd.s32 $0xFFFFFF80  }
0x24: {  	[tilespmem:s7], [sflag:$0x3] =	stream.indirect.gather [hbm4b:s5+s6], $0x80, s2, s6, $0xb8;
	[tilespmem:$0x8100] =	vst v63  }
0x25: {  	_ =	swait.ge [sflag:s8], $0x4000  }
0x26: {  	s17 =	sshll.u32 s17, $0x4;
	[sflag:s8] =	ssyncset.done $0x0  }
0x27: {  	s17 =	sadd.s32 s25, s17;
	[sflag:s8] =	ssyncadd.s32 $0xFFFFC000  }
0x28: {  	[hbm4b:s17+s2] =	stream.linear.scatter [tilespmem:s7], [sflag:$0x5], $0x4000, $0x38;
	[tilespmem:$0x8100] =	vst v63  }
0x29: {  	s19 =	sadd.s32 $0x180, s24;
	_ =	swait.ge [sflag:s9], $0x4000  }
0x2a: {  	s18 =	sshrl.u32 s19, $0x3;
	[sflag:s9] =	ssyncset.done $0x0  }
0x2b: {  	s18 =	sadd.s32 s22, s18;
	[sflag:s9] =	ssyncadd.s32 $0xFFFFC000  }
0x2c: {  	[tilespmem:s6], [sflag:$0x2] =	stream.linear.gather [hbm4b:s18+s2], $0x80, $0x38;
	[tilespmem:$0x8100] =	vst v63  }
0x2d: {  	_ =	swait.ge [sflag:s12], $0x80  }
0x2e: {  	[sflag:s12] =	ssyncset.done $0x0  }
0x2f: {  	[sflag:s12] =	ssyncadd.s32 $0xFFFFFF80  }
0x30: {  	[tilespmem:s13], [sflag:$0x4] =	stream.indirect.gather [hbm4b:s5+s6], $0x80, s6, s6, $0xb8;
	[tilespmem:$0x8100] =	vst v63  }
0x31: {  	_ =	swait.ge [sflag:s14], $0x4000  }
0x32: {  	s19 =	sshll.u32 s19, $0x4;
	[sflag:s14] =	ssyncset.done $0x0  }
0x33: {  	s19 =	sadd.s32 s25, s19;
	[sflag:s14] =	ssyncadd.s32 $0xFFFFC000  }
0x34: {  	[hbm4b:s19+s2] =	stream.linear.scatter [tilespmem:s13], [sflag:$0x5], $0x4000, $0x38;
	[tilespmem:$0x8100] =	vst v63  }
0x35: {  	s21 =	sadd.s32 $0x200, s24;
	_ =	swait.ge [sflag:s9], $0x4000  }
0x36: {  	s20 =	sshrl.u32 s21, $0x3;
	[sflag:s9] =	ssyncset.done $0x0  }
0x37: {  	s20 =	sadd.s32 s22, s20;
	[sflag:s9] =	ssyncadd.s32 $0xFFFFC000  }
0x38: {  	[tilespmem:s2], [sflag:$0x1] =	stream.linear.gather [hbm4b:s20+s2], $0x80, $0x38;
	[tilespmem:$0x8100] =	vst v63  }
0x39: {  	_ =	swait.ge [sflag:s4], $0x80  }
0x3a: {  	[sflag:s4] =	ssyncset.done $0x0  }
0x3b: {  	[sflag:s4] =	ssyncadd.s32 $0xFFFFFF80  }
0x3c: {  	[tilespmem:s7], [sflag:$0x3] =	stream.indirect.gather [hbm4b:s5+s6], $0x80, s2, s6, $0xb8;
	[tilespmem:$0x8100] =	vst v63  }
0x3d: {  	_ =	swait.ge [sflag:s8], $0x4000  }
0x3e: {  	s21 =	sshll.u32 s21, $0x4;
	[sflag:s8] =	ssyncset.done $0x0  }
0x3f: {  	s21 =	sadd.s32 s25, s21;
	[sflag:s8] =	ssyncadd.s32 $0xFFFFC000  }
0x40: {  	[hbm4b:s21+s2] =	stream.linear.scatter [tilespmem:s7], [sflag:$0x5], $0x4000, $0x38;
	[tilespmem:$0x8100] =	vst v63  }
0x41: {  	s24 =	sadd.s32 $0x280, s24;
	_ =	swait.ge [sflag:s9], $0x4000  }
0x42: {  	s26 =	sshrl.u32 s24, $0x3;
	[sflag:s9] =	ssyncset.done $0x0  }
0x43: {  	s23 =	ssub.s32 $0x2, s23;
	s22 =	sadd.s32 s22, s26;
	[sflag:s9] =	ssyncadd.s32 $0xFFFFC000  }
0x44: {  	[tilespmem:s6], [sflag:$0x2] =	stream.linear.gather [hbm4b:s22+s2], $0x80, $0x38;
	[tilespmem:$0x8100] =	vst v63  }
0x45: {  	s29 =	sshrl.u32 s23, $0x1;
	_ =	swait.ge [sflag:s12], $0x80  }
0x46: {  	s26 =	ssub.s32 s23, s29;
	[sflag:s12] =	ssyncset.done $0x0  }
0x47: {  	s31 =	smax.u32 s26, $0x1;
	[sflag:s12] =	ssyncadd.s32 $0xFFFFFF80  }
0x48: {  	[tilespmem:s13], [sflag:$0x4] =	stream.indirect.gather [hbm4b:s5+s6], $0x80, s6, s6, $0xb8;
	[tilespmem:$0x8100] =	vst v63  }
0x49: {  	p0 =	sne.s32 s31, $0x1;
	_ =	swait.ge [sflag:s14], $0x4000  }
.Ltmp0:
0x4a: {  	s30 =	sshll.u32 s24, $0x4;
	[sflag:s14] =	ssyncset.done $0x0;
	(pc) =	sbr.rel @!p0 .LBB2_2-.Ltmp0, $4  }
0x4b: {  	s23 =	sadd.s32 s25, s30;
	[sflag:s14] =	ssyncadd.s32 $0xFFFFC000  }
0x4c: {  	[hbm4b:s23+s2] =	stream.linear.scatter [tilespmem:s13], [sflag:$0x5], $0x4000, $0x38;
	[tilespmem:$0x8100] =	vst v63  }
0x4d: {  	_ =	swait.ge [sflag:s9], $0x4000  }
0x4e: {  	s24 =	sadd.s32 $0xFFFFFFFF, s31;
	[sflag:s9] =	ssyncset.done $0x0  }
.LBB2_1:
0x4f: {  	p0 =	sne.s32 s24, $0x1;
	s24 =	sadd.s32 $0xFFFFFFFF, s24;
	[sflag:s9] =	ssyncadd.s32 $0xFFFFC000  }
0x50: {  	[tilespmem:s2], [sflag:$0x1] =	stream.linear.gather [hbm4b:s3+s2], $0x80, $0x38;
	[tilespmem:$0x8100] =	vst v63  }
0x51: {  	_ =	swait.ge [sflag:s4], $0x80  }
0x52: {  	[sflag:s4] =	ssyncset.done $0x0  }
0x53: {  	[sflag:s4] =	ssyncadd.s32 $0xFFFFFF80  }
0x54: {  	[tilespmem:s7], [sflag:$0x3] =	stream.indirect.gather [hbm4b:s5+s6], $0x80, s2, s6, $0xb8;
	[tilespmem:$0x8100] =	vst v63  }
0x55: {  	_ =	swait.ge [sflag:s8], $0x4000  }
0x56: {  	[sflag:s8] =	ssyncset.done $0x0  }
0x57: {  	[sflag:s8] =	ssyncadd.s32 $0xFFFFC000  }
0x58: {  	[hbm4b:s10+s2] =	stream.linear.scatter [tilespmem:s7], [sflag:$0x5], $0x4000, $0x38;
	[tilespmem:$0x8100] =	vst v63  }
0x59: {  	_ =	swait.ge [sflag:s9], $0x4000  }
0x5a: {  	[sflag:s9] =	ssyncset.done $0x0  }
0x5b: {  	[sflag:s9] =	ssyncadd.s32 $0xFFFFC000  }
0x5c: {  	[tilespmem:s6], [sflag:$0x2] =	stream.linear.gather [hbm4b:s11+s2], $0x80, $0x38;
	[tilespmem:$0x8100] =	vst v63  }
0x5d: {  	_ =	swait.ge [sflag:s12], $0x80  }
0x5e: {  	[sflag:s12] =	ssyncset.done $0x0  }
0x5f: {  	[sflag:s12] =	ssyncadd.s32 $0xFFFFFF80  }
0x60: {  	[tilespmem:s13], [sflag:$0x4] =	stream.indirect.gather [hbm4b:s5+s6], $0x80, s6, s6, $0xb8;
	[tilespmem:$0x8100] =	vst v63  }
0x61: {  	_ =	swait.ge [sflag:s14], $0x4000  }
0x62: {  	[sflag:s14] =	ssyncset.done $0x0  }
0x63: {  	[sflag:s14] =	ssyncadd.s32 $0xFFFFC000  }
0x64: {  	[hbm4b:s15+s2] =	stream.linear.scatter [tilespmem:s13], [sflag:$0x5], $0x4000, $0x38;
	[tilespmem:$0x8100] =	vst v63  }
0x65: {  	_ =	swait.ge [sflag:s9], $0x4000  }
0x66: {  	[sflag:s9] =	ssyncset.done $0x0  }
0x67: {  	[sflag:s9] =	ssyncadd.s32 $0xFFFFC000  }
0x68: {  	[tilespmem:s2], [sflag:$0x1] =	stream.linear.gather [hbm4b:s16+s2], $0x80, $0x38;
	[tilespmem:$0x8100] =	vst v63  }
0x69: {  	_ =	swait.ge [sflag:s4], $0x80  }
0x6a: {  	[sflag:s4] =	ssyncset.done $0x0  }
0x6b: {  	[sflag:s4] =	ssyncadd.s32 $0xFFFFFF80  }
0x6c: {  	[tilespmem:s7], [sflag:$0x3] =	stream.indirect.gather [hbm4b:s5+s6], $0x80, s2, s6, $0xb8;
	[tilespmem:$0x8100] =	vst v63  }
0x6d: {  	_ =	swait.ge [sflag:s8], $0x4000  }
0x6e: {  	[sflag:s8] =	ssyncset.done $0x0  }
0x6f: {  	[sflag:s8] =	ssyncadd.s32 $0xFFFFC000  }
0x70: {  	[hbm4b:s17+s2] =	stream.linear.scatter [tilespmem:s7], [sflag:$0x5], $0x4000, $0x38;
	[tilespmem:$0x8100] =	vst v63  }
0x71: {  	_ =	swait.ge [sflag:s9], $0x4000  }
0x72: {  	[sflag:s9] =	ssyncset.done $0x0  }
0x73: {  	[sflag:s9] =	ssyncadd.s32 $0xFFFFC000  }
0x74: {  	[tilespmem:s6], [sflag:$0x2] =	stream.linear.gather [hbm4b:s18+s2], $0x80, $0x38;
	[tilespmem:$0x8100] =	vst v63  }
0x75: {  	_ =	swait.ge [sflag:s12], $0x80  }
0x76: {  	[sflag:s12] =	ssyncset.done $0x0  }
0x77: {  	[sflag:s12] =	ssyncadd.s32 $0xFFFFFF80  }
0x78: {  	[tilespmem:s13], [sflag:$0x4] =	stream.indirect.gather [hbm4b:s5+s6], $0x80, s6, s6, $0xb8;
	[tilespmem:$0x8100] =	vst v63  }
0x79: {  	_ =	swait.ge [sflag:s14], $0x4000  }
0x7a: {  	[sflag:s14] =	ssyncset.done $0x0  }
0x7b: {  	[sflag:s14] =	ssyncadd.s32 $0xFFFFC000  }
0x7c: {  	[hbm4b:s19+s2] =	stream.linear.scatter [tilespmem:s13], [sflag:$0x5], $0x4000, $0x38;
	[tilespmem:$0x8100] =	vst v63  }
0x7d: {  	_ =	swait.ge [sflag:s9], $0x4000  }
0x7e: {  	[sflag:s9] =	ssyncset.done $0x0  }
0x7f: {  	[sflag:s9] =	ssyncadd.s32 $0xFFFFC000  }
0x80: {  	[tilespmem:s2], [sflag:$0x1] =	stream.linear.gather [hbm4b:s20+s2], $0x80, $0x38;
	[tilespmem:$0x8100] =	vst v63  }
0x81: {  	_ =	swait.ge [sflag:s4], $0x80  }
0x82: {  	[sflag:s4] =	ssyncset.done $0x0  }
0x83: {  	[sflag:s4] =	ssyncadd.s32 $0xFFFFFF80  }
0x84: {  	[tilespmem:s7], [sflag:$0x3] =	stream.indirect.gather [hbm4b:s5+s6], $0x80, s2, s6, $0xb8;
	[tilespmem:$0x8100] =	vst v63  }
0x85: {  	_ =	swait.ge [sflag:s8], $0x4000  }
0x86: {  	[sflag:s8] =	ssyncset.done $0x0  }
0x87: {  	[sflag:s8] =	ssyncadd.s32 $0xFFFFC000  }
0x88: {  	[hbm4b:s21+s2] =	stream.linear.scatter [tilespmem:s7], [sflag:$0x5], $0x4000, $0x38;
	[tilespmem:$0x8100] =	vst v63  }
0x89: {  	_ =	swait.ge [sflag:s9], $0x4000  }
0x8a: {  	[sflag:s9] =	ssyncset.done $0x0  }
0x8b: {  	[sflag:s9] =	ssyncadd.s32 $0xFFFFC000  }
0x8c: {  	[tilespmem:s6], [sflag:$0x2] =	stream.linear.gather [hbm4b:s22+s2], $0x80, $0x38;
	[tilespmem:$0x8100] =	vst v63  }
0x8d: {  	_ =	swait.ge [sflag:s12], $0x80  }
0x8e: {  	[sflag:s12] =	ssyncset.done $0x0  }
0x8f: {  	[sflag:s12] =	ssyncadd.s32 $0xFFFFFF80  }
0x90: {  	[tilespmem:s13], [sflag:$0x4] =	stream.indirect.gather [hbm4b:s5+s6], $0x80, s6, s6, $0xb8;
	[tilespmem:$0x8100] =	vst v63  }
0x91: {  	_ =	swait.ge [sflag:s14], $0x4000  }
.Ltmp1:
0x92: {  	[sflag:s14] =	ssyncset.done $0x0;
	(pc) =	sbr.rel @p0 .LBB2_1-.Ltmp1, $4  }
0x93: {  	[sflag:s14] =	ssyncadd.s32 $0xFFFFC000  }
0x94: {  	[hbm4b:s23+s2] =	stream.linear.scatter [tilespmem:s13], [sflag:$0x5], $0x4000, $0x38;
	[tilespmem:$0x8100] =	vst v63  }
0x95: {  	_ =	swait.ge [sflag:s9], $0x4000  }
0x96: {  	[sflag:s9] =	ssyncset.done $0x0  }
.LBB2_2:
0x97: {  	[sflag:s9] =	ssyncadd.s32 $0xFFFFC000  }
0x98: {  	_ =	sfence.sel $0x180000  }
0x99: {  	[bflag:$0x0] =	sbarrier.arrive $0xFFFF  }
0x9a: {  	p0 =	sne.s32 s0, $0x0;
	_ =	strace $0x90000050  }
0x9b: {  	s0 =	sadd.s32 @!p0 $0x100000, s1;
	[bflag:$0x2] =	sbarrier.arrive $0xFFFF  }
0x9c: {  	[sflag:s0] =	ssyncadd.tile.s32 @!p0 $0x1;
	_ =	shalt  }
.Lfunc_end2:
_tile_overlayer_lowered:
.L_overlay_start_2:
0x9d: {  	(tag) =	ssettag $0x2  }
0x9e: {  	s0 =	rddreg [dreg:$0x0];
	s2 =	stileid.u32  }
0x9f: {  	s1 =	rddreg [dreg:$0x1];
	p0 =	sne.s32 s2, $0x0  }
0xa0: {  	s3 =	rddreg [dreg:$0x2];
	[bflag:$0x3] =	sbarrier.arrive $0xFFFF;
	s2 =	simm.s32 @!p0 $0x1C05  }
0xa1: {  	[timem:s3], [sflag:s2] =	dma.local @!p0 [hbm:s0], s1  }
0xa2: {  	s0 =	simm.s32 @!p0 $0x5  }
0xa3: {  	_ =	swait.ge @!p0 [sflag:s0], s1  }
0xa4: {  	s1 =	ssub.s32 @!p0 $0x0, s1;
	[sflag:s0] =	ssyncset.done @!p0 $0x0  }
0xa5: {  	[sflag:s0] =	ssyncadd.s32 @!p0 s1  }
0xa6: {  	[bflag:$0x3] =	sbarrier.arrive $0xFFFF  }
0xa7: {  	_ =	shalt  }

</sc_bundles>
